<compile_context>
chip_gen: v7x
topology: tpu7x:2x2x1
jax: 0.10.2.dev20260603
libtpu: 0.0.44.dev20260713+nightly
codegen_flags: <defaults>
</compile_context>

<pallas_src>
import functools

import jax
import jax.numpy as jnp
from jax import lax
from jax.experimental import pallas as pl
from jax.experimental.pallas import tpu as pltpu
from jax.experimental.pallas import tpu_sc as plsc

NN = 100000
NE = 3200000
LANE = 128
NC, NS = 2, 16
NW = NC * NS
RPT = 784
NROWS = RPT * NW
EP = NROWS * LANE
N_ACC = 102400
ZR = N_ACC // NS


def _seg_sum(width, kg):
    PAIR = 2 * kg
    assert RPT % PAIR == 0
    mesh = plsc.VectorSubcoreMesh(core_axis_name="c", subcore_axis_name="s")

    @functools.partial(
        pl.kernel,
        out_type=jax.ShapeDtypeStruct((NC, N_ACC, width), jnp.float32),
        mesh=mesh,
        scratch_types=[
            pltpu.VMEM_SHARED((N_ACC, width), jnp.float32),
            pltpu.VMEM((PAIR, LANE), jnp.int32),
            pltpu.VMEM((PAIR, LANE), jnp.int32),
            pltpu.VMEM((kg, LANE, width), jnp.float32),
            pltpu.VMEM((kg, LANE, width), jnp.float32),
            pltpu.SemaphoreType.DMA,
            pltpu.SemaphoreType.DMA,
        ],
        compiler_params=pltpu.CompilerParams(use_tc_tiling_on_sc=False),
    )
    def seg(src_hbm, dst_hbm, table_hbm, zeros_hbm, out_hbm,
            accum, sbuf, dbuf, rbufa, rbufb, gsem, ssem):
        c = lax.axis_index("c")
        s = lax.axis_index("s")
        tid = s * NC + c
        pltpu.sync_copy(zeros_hbm.at[pl.ds(s * ZR, ZR)], accum.at[pl.ds(s * ZR, ZR)])
        plsc.subcore_barrier()

        row_base = tid * RPT

        def chunk(m, carry):
            r0 = row_base + m * PAIR
            pltpu.sync_copy(src_hbm.at[pl.ds(r0, PAIR)], sbuf)
            pltpu.sync_copy(dst_hbm.at[pl.ds(r0, PAIR)], dbuf)
            ga = [pltpu.async_copy(table_hbm.at[sbuf.at[j]], rbufa.at[j], gsem)
                  for j in range(kg)]
            gb = [pltpu.async_copy(table_hbm.at[sbuf.at[kg + j]], rbufb.at[j], gsem)
                  for j in range(kg)]
            for g in ga:
                g.wait()
            sa = [pltpu.async_copy(rbufa.at[j], accum.at[dbuf.at[j]], ssem, add=True)
                  for j in range(kg)]
            for g in gb:
                g.wait()
            sb = [pltpu.async_copy(rbufb.at[j], accum.at[dbuf.at[kg + j]], ssem, add=True)
                  for j in range(kg)]
            for t in sa + sb:
                t.wait()
            return carry

        lax.fori_loop(0, RPT // PAIR, chunk, 0)
        plsc.subcore_barrier()
        pltpu.sync_copy(accum.at[pl.ds(s * ZR, ZR)],
                        out_hbm.at[c, pl.ds(s * ZR, ZR)])

    return seg


_seg8 = _seg_sum(8, 7)
_seg16 = _seg_sum(16, 4)


NP = N_ACC
_BN = 25600
_R8 = _BN // 16
_R16 = _BN // 8


def _full(shape):
    return pl.BlockSpec(shape, lambda i: tuple(0 for _ in shape))


def _m8to16(W, half):
    Wp = jnp.pad(W.astype(jnp.float32), ((0, 8 - W.shape[0]), (0, 0)))
    return jnp.kron(jnp.eye(16, 8, -8 * half, dtype=jnp.float32), Wp)


def _bd16(W):
    Wp = jnp.pad(W.astype(jnp.float32), ((0, 0), (0, 16 - W.shape[1])))
    return jnp.kron(jnp.eye(8, dtype=jnp.float32), Wp)


def _deg8():
    u = jnp.broadcast_to((jnp.arange(8) == 3).astype(jnp.float32)[:, None],
                         (8, 8))
    return jnp.kron(jnp.eye(16, dtype=jnp.float32), u)


def _pick16(field):
    W = jnp.broadcast_to((jnp.arange(8) == field).astype(jnp.float32)[:, None],
                         (8, 16))
    return _m8to16(W, 0), _m8to16(W, 1)


def _t16to8():
    v = jnp.eye(16, 8, dtype=jnp.float32)
    t0 = jnp.kron(jnp.eye(8, 16, 0, dtype=jnp.float32), v)
    t1 = jnp.kron(jnp.eye(8, 16, 8, dtype=jnp.float32), v)
    return t0, t1


def _ilv(a, b):
    return jnp.stack([a, b], axis=1).reshape(2 * a.shape[0], 128)


def _inv16(p1s, da, db):
    deg = _ilv(p1s @ da, p1s @ db)
    return 1.0 / jnp.maximum(deg, 1.0)


def _dense1(P1p, xp, d8, ma_l, mb_l, ma_r, mb_r, bt):
    def body(p_ref, x_ref, d8_, mal, mbl, mar, mbr, b, h_ref):
        p1s = p_ref[0] + p_ref[1]
        sm = p1s * (1.0 / jnp.maximum(p1s @ d8_[...], 1.0))
        x8 = x_ref[...]
        ha = sm @ mal[...] + x8 @ mar[...] + b[...]
        hb = sm @ mbl[...] + x8 @ mbr[...] + b[...]
        h_ref[...] = _ilv(jnp.maximum(ha, 0.0), jnp.maximum(hb, 0.0))

    return pl.pallas_call(
        body,
        grid=(NP // _BN,),
        in_specs=[
            pl.BlockSpec((NC, _R8, 128), lambda i: (0, i, 0)),
            pl.BlockSpec((_R8, 128), lambda i: (i, 0)),
        ] + [_full((128, 128))] * 5 + [_full((1, 128))],
        out_specs=pl.BlockSpec((_R16, 128), lambda i: (i, 0)),
        out_shape=jax.ShapeDtypeStruct((NP * 16 // 128, 128), jnp.float32),
    )(P1p, xp, d8, ma_l, mb_l, ma_r, mb_r, bt)


def _dense2(P2p, h1p, P1p, da, db, bw_l, bw_r, bw3, t0, t1, bt):
    def body(p_ref, h1_ref, p1_ref, da_, db_, wl, wr, w3, t0_, t1_, b,
             h_ref, y_ref):
        inv = _inv16(p1_ref[0] + p1_ref[1], da_[...], db_[...])
        s2m = (p_ref[0] + p_ref[1]) * inv
        h = jnp.maximum(s2m @ wl[...] + h1_ref[...] @ wr[...] + b[...], 0.0)
        h_ref[...] = h
        y16 = h @ w3[...]
        ye = y16.reshape(_R8, 2, 128)[:, 0, :]
        yo = y16.reshape(_R8, 2, 128)[:, 1, :]
        y_ref[...] = ye @ t0_[...] + yo @ t1_[...]

    return pl.pallas_call(
        body,
        grid=(NP // _BN,),
        in_specs=[
            pl.BlockSpec((NC, _R16, 128), lambda i: (0, i, 0)),
            pl.BlockSpec((_R16, 128), lambda i: (i, 0)),
            pl.BlockSpec((NC, _R8, 128), lambda i: (0, i, 0)),
        ] + [_full((128, 128))] * 7 + [_full((1, 128))],
        out_specs=[pl.BlockSpec((_R16, 128), lambda i: (i, 0)),
                   pl.BlockSpec((_R8, 128), lambda i: (i, 0))],
        out_shape=[jax.ShapeDtypeStruct((NP * 16 // 128, 128), jnp.float32),
                   jax.ShapeDtypeStruct((NP * 8 // 128, 128), jnp.float32)],
    )(P2p, h1p, P1p, da, db, bw_l, bw_r, bw3, t0, t1, bt)


def _dense3(P3p, h2p, P1p, da, db, fa, fb, bwr, b3):
    def body(p_ref, h2_ref, p1_ref, da_, db_, fa_, fb_, wr, b, o_ref):
        inv = _inv16(p1_ref[0] + p1_ref[1], da_[...], db_[...])
        p3s = p_ref[0] + p_ref[1]
        my = _ilv(p3s @ fa_[...], p3s @ fb_[...]) * inv
        o_ref[...] = jax.nn.sigmoid(my + h2_ref[...] @ wr[...] + b[0, 0])

    return pl.pallas_call(
        body,
        grid=(NP // _BN,),
        in_specs=[
            pl.BlockSpec((NC, _R8, 128), lambda i: (0, i, 0)),
            pl.BlockSpec((_R16, 128), lambda i: (i, 0)),
            pl.BlockSpec((NC, _R8, 128), lambda i: (0, i, 0)),
        ] + [_full((128, 128))] * 5 + [_full((1, 1))],
        out_specs=pl.BlockSpec((_R16, 128), lambda i: (i, 0)),
        out_shape=jax.ShapeDtypeStruct((NP * 16 // 128, 128), jnp.float32),
    )(P3p, h2p, P1p, da, db, fa, fb, bwr, b3)


def kernel(x, edge_index, W1l, b1, W1r, W2l, b2, W2r, W3l, b3, W3r):
    pad = EP - NE
    src = jnp.concatenate([edge_index[0], jnp.zeros((pad,), jnp.int32)])
    dst = jnp.concatenate([edge_index[1], jnp.full((pad,), NN, jnp.int32)])
    src2d = src.reshape(NROWS, LANE)
    dst2d = dst.reshape(NROWS, LANE)

    d8 = _deg8()
    da, db = _pick16(3)
    fa, fb = _pick16(0)
    t0, t1 = _t16to8()
    bt1 = jnp.tile(b1.reshape(1, 16), (1, 8))
    bt2 = jnp.tile(b2.reshape(1, 16), (1, 8))

    xpad = jnp.concatenate(
        [x, jnp.ones((NN, 1), jnp.float32), jnp.zeros((NN, 4), jnp.float32)],
        axis=1)
    xp = jnp.pad(xpad, ((0, NP - NN), (0, 0))).reshape(NP * 8 // 128, 128)
    P1 = _seg8(src2d, dst2d, xp.reshape(NP, 8),
               jnp.zeros((N_ACC, 8), jnp.float32))
    P1p = P1.reshape(NC, N_ACC * 8 // 128, 128)
    h1p = _dense1(P1p, xp, d8, _m8to16(W1l, 0), _m8to16(W1l, 1),
                  _m8to16(W1r, 0), _m8to16(W1r, 1), bt1)

    P2 = _seg16(src2d, dst2d, h1p.reshape(NP, 16),
                jnp.zeros((N_ACC, 16), jnp.float32))
    P2p = P2.reshape(NC, N_ACC * 16 // 128, 128)
    h2p, yp = _dense2(P2p, h1p, P1p, da, db, _bd16(W2l), _bd16(W2r),
                      _bd16(W3l), t0, t1, bt2)

    P3 = _seg8(src2d, dst2d, yp.reshape(NP, 8),
               jnp.zeros((N_ACC, 8), jnp.float32))
    P3p = P3.reshape(NC, N_ACC * 8 // 128, 128)
    op = _dense3(P3p, h2p, P1p, da, db, fa, fb, _bd16(W3r),
                 b3.reshape(1, 1))
    return op[:, ::16].reshape(NP)[:NN].reshape(NN, 1)

# --- scband reference (transcript-rebuilt; emitter-appended) ---
"""Pipeline reference for scband-my-model-31679678775815 (READ-ONLY COPY).

The authoritative reference and input builder live on the scoring server;
editing this copy changes nothing except your own understanding.
"""

import jax, jax.numpy as jnp
import numpy as np

N_NODES = 100000
N_EDGES = 3200000


def _glorot(key, shape):
    fan_in, fan_out = shape[0], shape[1]
    limit = np.sqrt(6.0 / (fan_in + fan_out))
    return jax.random.uniform(key, shape, dtype=jnp.float32, minval=-limit, maxval=limit)


def setup_inputs(seed: int = 0) -> dict:
    key = jax.random.key(seed)
    ks = jax.random.split(key, 12)
    x = jax.random.normal(ks[0], (N_NODES, 3), dtype=jnp.float32)
    edge_index = jax.random.randint(ks[1], (2, N_EDGES), 0, N_NODES, dtype=jnp.int32)
    # SAGEConv params: lin_l (applied to aggregated neighbors, has bias) and lin_r (root weight)
    W1l = _glorot(ks[2], (3, 16)); b1 = jnp.zeros((16,), jnp.float32); W1r = _glorot(ks[3], (3, 16))
    W2l = _glorot(ks[4], (16, 16)); b2 = jnp.zeros((16,), jnp.float32); W2r = _glorot(ks[5], (16, 16))
    W3l = _glorot(ks[6], (16, 1)); b3 = jnp.zeros((1,), jnp.float32); W3r = _glorot(ks[7], (16, 1))
    return {"x": x, "edge_index": edge_index,
            "W1l": W1l, "b1": b1, "W1r": W1r,
            "W2l": W2l, "b2": b2, "W2r": W2r,
            "W3l": W3l, "b3": b3, "W3r": W3r}


def _sage_conv(x, edge_index, Wl, bl, Wr, num_nodes):
    # PyG SAGEConv with aggr='mean': out = lin_l(mean_{j in N(i)} x_j) + lin_r(x_i)
    src = edge_index[0]
    dst = edge_index[1]
    msg = jnp.take(x, src, axis=0)                                  # gather
    summed = jax.ops.segment_sum(msg, dst, num_segments=num_nodes)  # scatter-add
    ones = jnp.ones((dst.shape[0], 1), dtype=x.dtype)
    cnt = jax.ops.segment_sum(ones, dst, num_segments=num_nodes)
    mean = summed / jnp.maximum(cnt, 1.0)
    return mean @ Wl + bl + x @ Wr


def reference(x, edge_index, W1l, b1, W1r, W2l, b2, W2r, W3l, b3, W3r):
    n = x.shape[0]
    h = jax.nn.relu(_sage_conv(x, edge_index, W1l, b1, W1r, n))
    h = jax.nn.relu(_sage_conv(h, edge_index, W2l, b2, W2r, n))
    out = jax.nn.sigmoid(_sage_conv(h, edge_index, W3l, b3, W3r, n))
    return out

if __name__ == "__main__":
    import jax
    _d = setup_inputs()
    print(jax.jit(kernel)(*tuple(_d.values())))

</pallas_src>

<mosaic_0001>
#map = affine_map<(d0, d1) -> (0, 0)>
#map1 = affine_map<(d0, d1) -> (0, 0, 0)>
module attributes {stable_mosaic.version = 14 : i64} {
  func.func @seg(%arg0: i32, %arg1: i32, %arg2: memref<25088x128xi32, #tpu.memory_space<hbm>>, %arg3: memref<25088x128xi32, #tpu.memory_space<hbm>>, %arg4: memref<102400x8xf32, #tpu.memory_space<hbm>>, %arg5: memref<102400x8xf32, #tpu.memory_space<hbm>>, %arg6: memref<2x102400x8xf32, #tpu.memory_space<hbm>>, %arg7: memref<102400x8xf32, #tpu.memory_space<vmem_shared>>, %arg8: memref<14x128xi32, #tpu.memory_space<vmem>>, %arg9: memref<14x128xi32, #tpu.memory_space<vmem>>, %arg10: memref<7x128x8xf32, #tpu.memory_space<vmem>>, %arg11: memref<7x128x8xf32, #tpu.memory_space<vmem>>, %arg12: memref<!tpu.dma_semaphore, #tpu.memory_space<semaphore_mem>>, %arg13: memref<!tpu.dma_semaphore, #tpu.memory_space<semaphore_mem>>) attributes {dimension_semantics = [#tpu.dimension_semantics<core_parallel>, #tpu.dimension_semantics<subcore_parallel>], iteration_bounds = array<i64: 2, 16>, scalar_prefetch = 0 : i64, scratch_operands = 7 : i64, tpu.core_type = #tpu.core_type<sc_vector_subcore>, window_params = [{transform_indices = #map}, {transform_indices = #map}, {transform_indices = #map}, {transform_indices = #map}, {transform_indices = #map1}]} {
    %mul3A = arith.constant 2 : i32
    %mul3A_0 = arith.muli %arg1, %mul3A : i32
    %add3A = arith.addi %mul3A_0, %arg0 : i32
    %mul3A_1 = arith.constant 6400 : i32
    %mul3A_2 = arith.muli %arg1, %mul3A_1 : i32
    %mul3A_3 = arith.constant 6400 : i32
    %mul3A_4 = arith.muli %arg1, %mul3A_3 : i32
    "tpu.region"() ({
      %run_scoped3A = tpu.sem_alloc : memref<!tpu.dma_semaphore, #tpu.memory_space<semaphore_mem>>
      %dma_start3A = arith.constant 0 : i32
      %dma_start3A_17 = tpu.memref_slice %arg7[%mul3A_4, %dma_start3A] : memref<102400x8xf32, #tpu.memory_space<vmem_shared>> -> memref<6400x8xf32, #tpu.memory_space<vmem_shared>>
      %dma_start3A_18 = arith.constant 0 : i32
      %dma_start3A_19 = tpu.memref_slice %arg5[%mul3A_2, %dma_start3A_18] : memref<102400x8xf32, #tpu.memory_space<hbm>> -> memref<6400x8xf32, #tpu.memory_space<hbm>>
      tpu.enqueue_dma source(%dma_start3A_19 : memref<6400x8xf32, #tpu.memory_space<hbm>>) target(%dma_start3A_17 : memref<6400x8xf32, #tpu.memory_space<vmem_shared>>) target_semaphore(%run_scoped3A : memref<!tpu.dma_semaphore, #tpu.memory_space<semaphore_mem>>)
      %dma_wait3A = arith.constant 0 : i32
      %dma_wait3A_20 = tpu.memref_slice %arg7[%mul3A_4, %dma_wait3A] : memref<102400x8xf32, #tpu.memory_space<vmem_shared>> -> memref<6400x8xf32, #tpu.memory_space<vmem_shared>>
      %dma_wait3A_21 = arith.constant 0 : i32
      %dma_wait3A_22 = tpu.memref_slice %arg5[%mul3A_2, %dma_wait3A_21] : memref<102400x8xf32, #tpu.memory_space<hbm>> -> memref<6400x8xf32, #tpu.memory_space<hbm>>
      tpu.wait_dma2 semaphore(%run_scoped3A : memref<!tpu.dma_semaphore, #tpu.memory_space<semaphore_mem>>) src(%dma_wait3A_22 : memref<6400x8xf32, #tpu.memory_space<hbm>>) dst(%dma_wait3A_20 : memref<6400x8xf32, #tpu.memory_space<vmem_shared>>)
      tpu.yield
    }) : () -> ()
    %barrier3A = arith.constant 0 : index
    tpu.barrier barrier_id(%barrier3A)
    %mul3A_5 = arith.constant 784 : i32
    %mul3A_6 = arith.muli %add3A, %mul3A_5 : i32
    %scan3A = arith.constant 0 : i32
    %scan3A_7 = arith.constant 0 : i32
    %scan3A_8 = arith.constant 56 : i32
    %scan3A_9 = arith.addi %scan3A_7, %scan3A_8 : i32
    %scan3A_10 = arith.constant 1 : i32
    scf.for %scan3A_17 = %scan3A_7 to %scan3A_9 step %scan3A_10  : i32 {
      %mul3A_18 = arith.constant 14 : i32
      %mul3A_19 = arith.muli %scan3A_17, %mul3A_18 : i32
      %add3A_20 = arith.addi %mul3A_6, %mul3A_19 : i32
      "tpu.region"() ({
        %run_scoped3A = tpu.sem_alloc : memref<!tpu.dma_semaphore, #tpu.memory_space<semaphore_mem>>
        %dma_start3A_691 = arith.constant 0 : i32
        %dma_start3A_692 = tpu.memref_slice %arg2[%add3A_20, %dma_start3A_691] : memref<25088x128xi32, #tpu.memory_space<hbm>> -> memref<14x128xi32, #tpu.memory_space<hbm>>
        %dma_start3A_693 = arith.constant 0 : i32
        %dma_start3A_694 = tpu.memref_slice %arg2[%add3A_20, %dma_start3A_693] : memref<25088x128xi32, #tpu.memory_space<hbm>> -> memref<14x128xi32, #tpu.memory_space<hbm>>
        tpu.enqueue_dma source(%dma_start3A_694 : memref<14x128xi32, #tpu.memory_space<hbm>>) target(%arg8 : memref<14x128xi32, #tpu.memory_space<vmem>>) target_semaphore(%run_scoped3A : memref<!tpu.dma_semaphore, #tpu.memory_space<semaphore_mem>>)
        %dma_wait3A_695 = arith.constant 0 : i32
        %dma_wait3A_696 = tpu.memref_slice %arg2[%add3A_20, %dma_wait3A_695] : memref<25088x128xi32, #tpu.memory_space<hbm>> -> memref<14x128xi32, #tpu.memory_space<hbm>>
        %dma_wait3A_697 = arith.constant 0 : i32
        %dma_wait3A_698 = tpu.memref_slice %arg2[%add3A_20, %dma_wait3A_697] : memref<25088x128xi32, #tpu.memory_space<hbm>> -> memref<14x128xi32, #tpu.memory_space<hbm>>
        tpu.wait_dma2 semaphore(%run_scoped3A : memref<!tpu.dma_semaphore, #tpu.memory_space<semaphore_mem>>) src(%dma_wait3A_698 : memref<14x128xi32, #tpu.memory_space<hbm>>) dst(%arg8 : memref<14x128xi32, #tpu.memory_space<vmem>>)
        tpu.yield
      }) : () -> ()
      "tpu.region"() ({
        %run_scoped3A = tpu.sem_alloc : memref<!tpu.dma_semaphore, #tpu.memory_space<semaphore_mem>>
        %dma_start3A_691 = arith.constant 0 : i32
        %dma_start3A_692 = tpu.memref_slice %arg3[%add3A_20, %dma_start3A_691] : memref<25088x128xi32, #tpu.memory_space<hbm>> -> memref<14x128xi32, #tpu.memory_space<hbm>>
        %dma_start3A_693 = arith.constant 0 : i32
        %dma_start3A_694 = tpu.memref_slice %arg3[%add3A_20, %dma_start3A_693] : memref<25088x128xi32, #tpu.memory_space<hbm>> -> memref<14x128xi32, #tpu.memory_space<hbm>>
        tpu.enqueue_dma source(%dma_start3A_694 : memref<14x128xi32, #tpu.memory_space<hbm>>) target(%arg9 : memref<14x128xi32, #tpu.memory_space<vmem>>) target_semaphore(%run_scoped3A : memref<!tpu.dma_semaphore, #tpu.memory_space<semaphore_mem>>)
        %dma_wait3A_695 = arith.constant 0 : i32
        %dma_wait3A_696 = tpu.memref_slice %arg3[%add3A_20, %dma_wait3A_695] : memref<25088x128xi32, #tpu.memory_space<hbm>> -> memref<14x128xi32, #tpu.memory_space<hbm>>
        %dma_wait3A_697 = arith.constant 0 : i32
        %dma_wait3A_698 = tpu.memref_slice %arg3[%add3A_20, %dma_wait3A_697] : memref<25088x128xi32, #tpu.memory_space<hbm>> -> memref<14x128xi32, #tpu.memory_space<hbm>>
        tpu.wait_dma2 semaphore(%run_scoped3A : memref<!tpu.dma_semaphore, #tpu.memory_space<semaphore_mem>>) src(%dma_wait3A_698 : memref<14x128xi32, #tpu.memory_space<hbm>>) dst(%arg9 : memref<14x128xi32, #tpu.memory_space<vmem>>)
        tpu.yield
      }) : () -> ()
      %dma_start3A = arith.constant 0 : i32
      %dma_start3A_21 = arith.constant 0 : i32
      %dma_start3A_22 = arith.constant 0 : i32
      %dma_start3A_23 = arith.constant 0 : i32
      %dma_start3A_24 = tpu.memref_slice %arg10[%dma_start3A_21, %dma_start3A_22, %dma_start3A_23] : memref<7x128x8xf32, #tpu.memory_space<vmem>> -> memref<1x128x8xf32, #tpu.memory_space<vmem>>
      %dma_start3A_25 = tpu.memref_squeeze %dma_start3A_24 : memref<1x128x8xf32, #tpu.memory_space<vmem>> -> memref<128x8xf32, #tpu.memory_space<vmem>>
      %dma_start3A_26 = arith.constant 0 : i32
      %dma_start3A_27 = tpu.memref_slice %arg8[%dma_start3A, %dma_start3A_26] : memref<14x128xi32, #tpu.memory_space<vmem>> -> memref<1x128xi32, #tpu.memory_space<vmem>>
      %dma_start3A_28 = tpu.memref_squeeze %dma_start3A_27 : memref<1x128xi32, #tpu.memory_space<vmem>> -> memref<128xi32, #tpu.memory_space<vmem>>
      %dma_start3A_29 = arith.constant 0 : i32
      %dma_start3A_30 = arith.constant 0 : i32
      %dma_start3A_31 = tpu.memref_slice %arg4[%dma_start3A_29, %dma_start3A_30] : memref<102400x8xf32, #tpu.memory_space<hbm>> -> memref<102400x8xf32, #tpu.memory_space<hbm>>
      tpu.enqueue_indirect_dma source(%dma_start3A_31 : memref<102400x8xf32, #tpu.memory_space<hbm>>) target(%dma_start3A_25 : memref<128x8xf32, #tpu.memory_space<vmem>>) offsets(%dma_start3A_28 : memref<128xi32, #tpu.memory_space<vmem>>) semaphore(%arg12 : memref<!tpu.dma_semaphore, #tpu.memory_space<semaphore_mem>>)
      %dma_start3A_32 = arith.constant 1 : i32
      %dma_start3A_33 = arith.constant 1 : i32
      %dma_start3A_34 = arith.constant 0 : i32
      %dma_start3A_35 = arith.constant 0 : i32
      %dma_start3A_36 = tpu.memref_slice %arg10[%dma_start3A_33, %dma_start3A_34, %dma_start3A_35] : memref<7x128x8xf32, #tpu.memory_space<vmem>> -> memref<1x128x8xf32, #tpu.memory_space<vmem>>
      %dma_start3A_37 = tpu.memref_squeeze %dma_start3A_36 : memref<1x128x8xf32, #tpu.memory_space<vmem>> -> memref<128x8xf32, #tpu.memory_space<vmem>>
      %dma_start3A_38 = arith.constant 0 : i32
      %dma_start3A_39 = tpu.memref_slice %arg8[%dma_start3A_32, %dma_start3A_38] : memref<14x128xi32, #tpu.memory_space<vmem>> -> memref<1x128xi32, #tpu.memory_space<vmem>>
      %dma_start3A_40 = tpu.memref_squeeze %dma_start3A_39 : memref<1x128xi32, #tpu.memory_space<vmem>> -> memref<128xi32, #tpu.memory_space<vmem>>
      %dma_start3A_41 = arith.constant 0 : i32
      %dma_start3A_42 = arith.constant 0 : i32
      %dma_start3A_43 = tpu.memref_slice %arg4[%dma_start3A_41, %dma_start3A_42] : memref<102400x8xf32, #tpu.memory_space<hbm>> -> memref<102400x8xf32, #tpu.memory_space<hbm>>
      tpu.enqueue_indirect_dma source(%dma_start3A_43 : memref<102400x8xf32, #tpu.memory_space<hbm>>) target(%dma_start3A_37 : memref<128x8xf32, #tpu.memory_space<vmem>>) offsets(%dma_start3A_40 : memref<128xi32, #tpu.memory_space<vmem>>) semaphore(%arg12 : memref<!tpu.dma_semaphore, #tpu.memory_space<semaphore_mem>>)
      %dma_start3A_44 = arith.constant 2 : i32
      %dma_start3A_45 = arith.constant 2 : i32
      %dma_start3A_46 = arith.constant 0 : i32
      %dma_start3A_47 = arith.constant 0 : i32
      %dma_start3A_48 = tpu.memref_slice %arg10[%dma_start3A_45, %dma_start3A_46, %dma_start3A_47] : memref<7x128x8xf32, #tpu.memory_space<vmem>> -> memref<1x128x8xf32, #tpu.memory_space<vmem>>
      %dma_start3A_49 = tpu.memref_squeeze %dma_start3A_48 : memref<1x128x8xf32, #tpu.memory_space<vmem>> -> memref<128x8xf32, #tpu.memory_space<vmem>>
      %dma_start3A_50 = arith.constant 0 : i32
      %dma_start3A_51 = tpu.memref_slice %arg8[%dma_start3A_44, %dma_start3A_50] : memref<14x128xi32, #tpu.memory_space<vmem>> -> memref<1x128xi32, #tpu.memory_space<vmem>>
      %dma_start3A_52 = tpu.memref_squeeze %dma_start3A_51 : memref<1x128xi32, #tpu.memory_space<vmem>> -> memref<128xi32, #tpu.memory_space<vmem>>
      %dma_start3A_53 = arith.constant 0 : i32
      %dma_start3A_54 = arith.constant 0 : i32
      %dma_start3A_55 = tpu.memref_slice %arg4[%dma_start3A_53, %dma_start3A_54] : memref<102400x8xf32, #tpu.memory_space<hbm>> -> memref<102400x8xf32, #tpu.memory_space<hbm>>
      tpu.enqueue_indirect_dma source(%dma_start3A_55 : memref<102400x8xf32, #tpu.memory_space<hbm>>) target(%dma_start3A_49 : memref<128x8xf32, #tpu.memory_space<vmem>>) offsets(%dma_start3A_52 : memref<128xi32, #tpu.memory_space<vmem>>) semaphore(%arg12 : memref<!tpu.dma_semaphore, #tpu.memory_space<semaphore_mem>>)
      %dma_start3A_56 = arith.constant 3 : i32
      %dma_start3A_57 = arith.constant 3 : i32
      %dma_start3A_58 = arith.constant 0 : i32
      %dma_start3A_59 = arith.constant 0 : i32
      %dma_start3A_60 = tpu.memref_slice %arg10[%dma_start3A_57, %dma_start3A_58, %dma_start3A_59] : memref<7x128x8xf32, #tpu.memory_space<vmem>> -> memref<1x128x8xf32, #tpu.memory_space<vmem>>
      %dma_start3A_61 = tpu.memref_squeeze %dma_start3A_60 : memref<1x128x8xf32, #tpu.memory_space<vmem>> -> memref<128x8xf32, #tpu.memory_space<vmem>>
      %dma_start3A_62 = arith.constant 0 : i32
      %dma_start3A_63 = tpu.memref_slice %arg8[%dma_start3A_56, %dma_start3A_62] : memref<14x128xi32, #tpu.memory_space<vmem>> -> memref<1x128xi32, #tpu.memory_space<vmem>>
      %dma_start3A_64 = tpu.memref_squeeze %dma_start3A_63 : memref<1x128xi32, #tpu.memory_space<vmem>> -> memref<128xi32, #tpu.memory_space<vmem>>
      %dma_start3A_65 = arith.constant 0 : i32
      %dma_start3A_66 = arith.constant 0 : i32
      %dma_start3A_67 = tpu.memref_slice %arg4[%dma_start3A_65, %dma_start3A_66] : memref<102400x8xf32, #tpu.memory_space<hbm>> -> memref<102400x8xf32, #tpu.memory_space<hbm>>
      tpu.enqueue_indirect_dma source(%dma_start3A_67 : memref<102400x8xf32, #tpu.memory_space<hbm>>) target(%dma_start3A_61 : memref<128x8xf32, #tpu.memory_space<vmem>>) offsets(%dma_start3A_64 : memref<128xi32, #tpu.memory_space<vmem>>) semaphore(%arg12 : memref<!tpu.dma_semaphore, #tpu.memory_space<semaphore_mem>>)
      %dma_start3A_68 = arith.constant 4 : i32
      %dma_start3A_69 = arith.constant 4 : i32
      %dma_start3A_70 = arith.constant 0 : i32
      %dma_start3A_71 = arith.constant 0 : i32
      %dma_start3A_72 = tpu.memref_slice %arg10[%dma_start3A_69, %dma_start3A_70, %dma_start3A_71] : memref<7x128x8xf32, #tpu.memory_space<vmem>> -> memref<1x128x8xf32, #tpu.memory_space<vmem>>
      %dma_start3A_73 = tpu.memref_squeeze %dma_start3A_72 : memref<1x128x8xf32, #tpu.memory_space<vmem>> -> memref<128x8xf32, #tpu.memory_space<vmem>>
      %dma_start3A_74 = arith.constant 0 : i32
      %dma_start3A_75 = tpu.memref_slice %arg8[%dma_start3A_68, %dma_start3A_74] : memref<14x128xi32, #tpu.memory_space<vmem>> -> memref<1x128xi32, #tpu.memory_space<vmem>>
      %dma_start3A_76 = tpu.memref_squeeze %dma_start3A_75 : memref<1x128xi32, #tpu.memory_space<vmem>> -> memref<128xi32, #tpu.memory_space<vmem>>
      %dma_start3A_77 = arith.constant 0 : i32
      %dma_start3A_78 = arith.constant 0 : i32
      %dma_start3A_79 = tpu.memref_slice %arg4[%dma_start3A_77, %dma_start3A_78] : memref<102400x8xf32, #tpu.memory_space<hbm>> -> memref<102400x8xf32, #tpu.memory_space<hbm>>
      tpu.enqueue_indirect_dma source(%dma_start3A_79 : memref<102400x8xf32, #tpu.memory_space<hbm>>) target(%dma_start3A_73 : memref<128x8xf32, #tpu.memory_space<vmem>>) offsets(%dma_start3A_76 : memref<128xi32, #tpu.memory_space<vmem>>) semaphore(%arg12 : memref<!tpu.dma_semaphore, #tpu.memory_space<semaphore_mem>>)
      %dma_start3A_80 = arith.constant 5 : i32
      %dma_start3A_81 = arith.constant 5 : i32
      %dma_start3A_82 = arith.constant 0 : i32
      %dma_start3A_83 = arith.constant 0 : i32
      %dma_start3A_84 = tpu.memref_slice %arg10[%dma_start3A_81, %dma_start3A_82, %dma_start3A_83] : memref<7x128x8xf32, #tpu.memory_space<vmem>> -> memref<1x128x8xf32, #tpu.memory_space<vmem>>
      %dma_start3A_85 = tpu.memref_squeeze %dma_start3A_84 : memref<1x128x8xf32, #tpu.memory_space<vmem>> -> memref<128x8xf32, #tpu.memory_space<vmem>>
      %dma_start3A_86 = arith.constant 0 : i32
      %dma_start3A_87 = tpu.memref_slice %arg8[%dma_start3A_80, %dma_start3A_86] : memref<14x128xi32, #tpu.memory_space<vmem>> -> memref<1x128xi32, #tpu.memory_space<vmem>>
      %dma_start3A_88 = tpu.memref_squeeze %dma_start3A_87 : memref<1x128xi32, #tpu.memory_space<vmem>> -> memref<128xi32, #tpu.memory_space<vmem>>
      %dma_start3A_89 = arith.constant 0 : i32
      %dma_start3A_90 = arith.constant 0 : i32
      %dma_start3A_91 = tpu.memref_slice %arg4[%dma_start3A_89, %dma_start3A_90] : memref<102400x8xf32, #tpu.memory_space<hbm>> -> memref<102400x8xf32, #tpu.memory_space<hbm>>
      tpu.enqueue_indirect_dma source(%dma_start3A_91 : memref<102400x8xf32, #tpu.memory_space<hbm>>) target(%dma_start3A_85 : memref<128x8xf32, #tpu.memory_space<vmem>>) offsets(%dma_start3A_88 : memref<128xi32, #tpu.memory_space<vmem>>) semaphore(%arg12 : memref<!tpu.dma_semaphore, #tpu.memory_space<semaphore_mem>>)
      %dma_start3A_92 = arith.constant 6 : i32
      %dma_start3A_93 = arith.constant 6 : i32
      %dma_start3A_94 = arith.constant 0 : i32
      %dma_start3A_95 = arith.constant 0 : i32
      %dma_start3A_96 = tpu.memref_slice %arg10[%dma_start3A_93, %dma_start3A_94, %dma_start3A_95] : memref<7x128x8xf32, #tpu.memory_space<vmem>> -> memref<1x128x8xf32, #tpu.memory_space<vmem>>
      %dma_start3A_97 = tpu.memref_squeeze %dma_start3A_96 : memref<1x128x8xf32, #tpu.memory_space<vmem>> -> memref<128x8xf32, #tpu.memory_space<vmem>>
      %dma_start3A_98 = arith.constant 0 : i32
      %dma_start3A_99 = tpu.memref_slice %arg8[%dma_start3A_92, %dma_start3A_98] : memref<14x128xi32, #tpu.memory_space<vmem>> -> memref<1x128xi32, #tpu.memory_space<vmem>>
      %dma_start3A_100 = tpu.memref_squeeze %dma_start3A_99 : memref<1x128xi32, #tpu.memory_space<vmem>> -> memref<128xi32, #tpu.memory_space<vmem>>
      %dma_start3A_101 = arith.constant 0 : i32
      %dma_start3A_102 = arith.constant 0 : i32
      %dma_start3A_103 = tpu.memref_slice %arg4[%dma_start3A_101, %dma_start3A_102] : memref<102400x8xf32, #tpu.memory_space<hbm>> -> memref<102400x8xf32, #tpu.memory_space<hbm>>
      tpu.enqueue_indirect_dma source(%dma_start3A_103 : memref<102400x8xf32, #tpu.memory_space<hbm>>) target(%dma_start3A_97 : memref<128x8xf32, #tpu.memory_space<vmem>>) offsets(%dma_start3A_100 : memref<128xi32, #tpu.memory_space<vmem>>) semaphore(%arg12 : memref<!tpu.dma_semaphore, #tpu.memory_space<semaphore_mem>>)
      %dma_start3A_104 = arith.constant 7 : i32
      %dma_start3A_105 = arith.constant 0 : i32
      %dma_start3A_106 = arith.constant 0 : i32
      %dma_start3A_107 = arith.constant 0 : i32
      %dma_start3A_108 = tpu.memref_slice %arg11[%dma_start3A_105, %dma_start3A_106, %dma_start3A_107] : memref<7x128x8xf32, #tpu.memory_space<vmem>> -> memref<1x128x8xf32, #tpu.memory_space<vmem>>
      %dma_start3A_109 = tpu.memref_squeeze %dma_start3A_108 : memref<1x128x8xf32, #tpu.memory_space<vmem>> -> memref<128x8xf32, #tpu.memory_space<vmem>>
      %dma_start3A_110 = arith.constant 0 : i32
      %dma_start3A_111 = tpu.memref_slice %arg8[%dma_start3A_104, %dma_start3A_110] : memref<14x128xi32, #tpu.memory_space<vmem>> -> memref<1x128xi32, #tpu.memory_space<vmem>>
      %dma_start3A_112 = tpu.memref_squeeze %dma_start3A_111 : memref<1x128xi32, #tpu.memory_space<vmem>> -> memref<128xi32, #tpu.memory_space<vmem>>
      %dma_start3A_113 = arith.constant 0 : i32
      %dma_start3A_114 = arith.constant 0 : i32
      %dma_start3A_115 = tpu.memref_slice %arg4[%dma_start3A_113, %dma_start3A_114] : memref<102400x8xf32, #tpu.memory_space<hbm>> -> memref<102400x8xf32, #tpu.memory_space<hbm>>
      tpu.enqueue_indirect_dma source(%dma_start3A_115 : memref<102400x8xf32, #tpu.memory_space<hbm>>) target(%dma_start3A_109 : memref<128x8xf32, #tpu.memory_space<vmem>>) offsets(%dma_start3A_112 : memref<128xi32, #tpu.memory_space<vmem>>) semaphore(%arg12 : memref<!tpu.dma_semaphore, #tpu.memory_space<semaphore_mem>>)
      %dma_start3A_116 = arith.constant 8 : i32
      %dma_start3A_117 = arith.constant 1 : i32
      %dma_start3A_118 = arith.constant 0 : i32
      %dma_start3A_119 = arith.constant 0 : i32
      %dma_start3A_120 = tpu.memref_slice %arg11[%dma_start3A_117, %dma_start3A_118, %dma_start3A_119] : memref<7x128x8xf32, #tpu.memory_space<vmem>> -> memref<1x128x8xf32, #tpu.memory_space<vmem>>
      %dma_start3A_121 = tpu.memref_squeeze %dma_start3A_120 : memref<1x128x8xf32, #tpu.memory_space<vmem>> -> memref<128x8xf32, #tpu.memory_space<vmem>>
      %dma_start3A_122 = arith.constant 0 : i32
      %dma_start3A_123 = tpu.memref_slice %arg8[%dma_start3A_116, %dma_start3A_122] : memref<14x128xi32, #tpu.memory_space<vmem>> -> memref<1x128xi32, #tpu.memory_space<vmem>>
      %dma_start3A_124 = tpu.memref_squeeze %dma_start3A_123 : memref<1x128xi32, #tpu.memory_space<vmem>> -> memref<128xi32, #tpu.memory_space<vmem>>
      %dma_start3A_125 = arith.constant 0 : i32
      %dma_start3A_126 = arith.constant 0 : i32
      %dma_start3A_127 = tpu.memref_slice %arg4[%dma_start3A_125, %dma_start3A_126] : memref<102400x8xf32, #tpu.memory_space<hbm>> -> memref<102400x8xf32, #tpu.memory_space<hbm>>
      tpu.enqueue_indirect_dma source(%dma_start3A_127 : memref<102400x8xf32, #tpu.memory_space<hbm>>) target(%dma_start3A_121 : memref<128x8xf32, #tpu.memory_space<vmem>>) offsets(%dma_start3A_124 : memref<128xi32, #tpu.memory_space<vmem>>) semaphore(%arg12 : memref<!tpu.dma_semaphore, #tpu.memory_space<semaphore_mem>>)
      %dma_start3A_128 = arith.constant 9 : i32
      %dma_start3A_129 = arith.constant 2 : i32
      %dma_start3A_130 = arith.constant 0 : i32
      %dma_start3A_131 = arith.constant 0 : i32
      %dma_start3A_132 = tpu.memref_slice %arg11[%dma_start3A_129, %dma_start3A_130, %dma_start3A_131] : memref<7x128x8xf32, #tpu.memory_space<vmem>> -> memref<1x128x8xf32, #tpu.memory_space<vmem>>
      %dma_start3A_133 = tpu.memref_squeeze %dma_start3A_132 : memref<1x128x8xf32, #tpu.memory_space<vmem>> -> memref<128x8xf32, #tpu.memory_space<vmem>>
      %dma_start3A_134 = arith.constant 0 : i32
      %dma_start3A_135 = tpu.memref_slice %arg8[%dma_start3A_128, %dma_start3A_134] : memref<14x128xi32, #tpu.memory_space<vmem>> -> memref<1x128xi32, #tpu.memory_space<vmem>>
      %dma_start3A_136 = tpu.memref_squeeze %dma_start3A_135 : memref<1x128xi32, #tpu.memory_space<vmem>> -> memref<128xi32, #tpu.memory_space<vmem>>
      %dma_start3A_137 = arith.constant 0 : i32
      %dma_start3A_138 = arith.constant 0 : i32
      %dma_start3A_139 = tpu.memref_slice %arg4[%dma_start3A_137, %dma_start3A_138] : memref<102400x8xf32, #tpu.memory_space<hbm>> -> memref<102400x8xf32, #tpu.memory_space<hbm>>
      tpu.enqueue_indirect_dma source(%dma_start3A_139 : memref<102400x8xf32, #tpu.memory_space<hbm>>) target(%dma_start3A_133 : memref<128x8xf32, #tpu.memory_space<vmem>>) offsets(%dma_start3A_136 : memref<128xi32, #tpu.memory_space<vmem>>) semaphore(%arg12 : memref<!tpu.dma_semaphore, #tpu.memory_space<semaphore_mem>>)
      %dma_start3A_140 = arith.constant 10 : i32
      %dma_start3A_141 = arith.constant 3 : i32
      %dma_start3A_142 = arith.constant 0 : i32
      %dma_start3A_143 = arith.constant 0 : i32
      %dma_start3A_144 = tpu.memref_slice %arg11[%dma_start3A_141, %dma_start3A_142, %dma_start3A_143] : memref<7x128x8xf32, #tpu.memory_space<vmem>> -> memref<1x128x8xf32, #tpu.memory_space<vmem>>
      %dma_start3A_145 = tpu.memref_squeeze %dma_start3A_144 : memref<1x128x8xf32, #tpu.memory_space<vmem>> -> memref<128x8xf32, #tpu.memory_space<vmem>>
      %dma_start3A_146 = arith.constant 0 : i32
      %dma_start3A_147 = tpu.memref_slice %arg8[%dma_start3A_140, %dma_start3A_146] : memref<14x128xi32, #tpu.memory_space<vmem>> -> memref<1x128xi32, #tpu.memory_space<vmem>>
      %dma_start3A_148 = tpu.memref_squeeze %dma_start3A_147 : memref<1x128xi32, #tpu.memory_space<vmem>> -> memref<128xi32, #tpu.memory_space<vmem>>
      %dma_start3A_149 = arith.constant 0 : i32
      %dma_start3A_150 = arith.constant 0 : i32
      %dma_start3A_151 = tpu.memref_slice %arg4[%dma_start3A_149, %dma_start3A_150] : memref<102400x8xf32, #tpu.memory_space<hbm>> -> memref<102400x8xf32, #tpu.memory_space<hbm>>
      tpu.enqueue_indirect_dma source(%dma_start3A_151 : memref<102400x8xf32, #tpu.memory_space<hbm>>) target(%dma_start3A_145 : memref<128x8xf32, #tpu.memory_space<vmem>>) offsets(%dma_start3A_148 : memref<128xi32, #tpu.memory_space<vmem>>) semaphore(%arg12 : memref<!tpu.dma_semaphore, #tpu.memory_space<semaphore_mem>>)
      %dma_start3A_152 = arith.constant 11 : i32
      %dma_start3A_153 = arith.constant 4 : i32
      %dma_start3A_154 = arith.constant 0 : i32
      %dma_start3A_155 = arith.constant 0 : i32
      %dma_start3A_156 = tpu.memref_slice %arg11[%dma_start3A_153, %dma_start3A_154, %dma_start3A_155] : memref<7x128x8xf32, #tpu.memory_space<vmem>> -> memref<1x128x8xf32, #tpu.memory_space<vmem>>
      %dma_start3A_157 = tpu.memref_squeeze %dma_start3A_156 : memref<1x128x8xf32, #tpu.memory_space<vmem>> -> memref<128x8xf32, #tpu.memory_space<vmem>>
      %dma_start3A_158 = arith.constant 0 : i32
      %dma_start3A_159 = tpu.memref_slice %arg8[%dma_start3A_152, %dma_start3A_158] : memref<14x128xi32, #tpu.memory_space<vmem>> -> memref<1x128xi32, #tpu.memory_space<vmem>>
      %dma_start3A_160 = tpu.memref_squeeze %dma_start3A_159 : memref<1x128xi32, #tpu.memory_space<vmem>> -> memref<128xi32, #tpu.memory_space<vmem>>
      %dma_start3A_161 = arith.constant 0 : i32
      %dma_start3A_162 = arith.constant 0 : i32
      %dma_start3A_163 = tpu.memref_slice %arg4[%dma_start3A_161, %dma_start3A_162] : memref<102400x8xf32, #tpu.memory_space<hbm>> -> memref<102400x8xf32, #tpu.memory_space<hbm>>
      tpu.enqueue_indirect_dma source(%dma_start3A_163 : memref<102400x8xf32, #tpu.memory_space<hbm>>) target(%dma_start3A_157 : memref<128x8xf32, #tpu.memory_space<vmem>>) offsets(%dma_start3A_160 : memref<128xi32, #tpu.memory_space<vmem>>) semaphore(%arg12 : memref<!tpu.dma_semaphore, #tpu.memory_space<semaphore_mem>>)
      %dma_start3A_164 = arith.constant 12 : i32
      %dma_start3A_165 = arith.constant 5 : i32
      %dma_start3A_166 = arith.constant 0 : i32
      %dma_start3A_167 = arith.constant 0 : i32
      %dma_start3A_168 = tpu.memref_slice %arg11[%dma_start3A_165, %dma_start3A_166, %dma_start3A_167] : memref<7x128x8xf32, #tpu.memory_space<vmem>> -> memref<1x128x8xf32, #tpu.memory_space<vmem>>
      %dma_start3A_169 = tpu.memref_squeeze %dma_start3A_168 : memref<1x128x8xf32, #tpu.memory_space<vmem>> -> memref<128x8xf32, #tpu.memory_space<vmem>>
      %dma_start3A_170 = arith.constant 0 : i32
      %dma_start3A_171 = tpu.memref_slice %arg8[%dma_start3A_164, %dma_start3A_170] : memref<14x128xi32, #tpu.memory_space<vmem>> -> memref<1x128xi32, #tpu.memory_space<vmem>>
      %dma_start3A_172 = tpu.memref_squeeze %dma_start3A_171 : memref<1x128xi32, #tpu.memory_space<vmem>> -> memref<128xi32, #tpu.memory_space<vmem>>
      %dma_start3A_173 = arith.constant 0 : i32
      %dma_start3A_174 = arith.constant 0 : i32
      %dma_start3A_175 = tpu.memref_slice %arg4[%dma_start3A_173, %dma_start3A_174] : memref<102400x8xf32, #tpu.memory_space<hbm>> -> memref<102400x8xf32, #tpu.memory_space<hbm>>
      tpu.enqueue_indirect_dma source(%dma_start3A_175 : memref<102400x8xf32, #tpu.memory_space<hbm>>) target(%dma_start3A_169 : memref<128x8xf32, #tpu.memory_space<vmem>>) offsets(%dma_start3A_172 : memref<128xi32, #tpu.memory_space<vmem>>) semaphore(%arg12 : memref<!tpu.dma_semaphore, #tpu.memory_space<semaphore_mem>>)
      %dma_start3A_176 = arith.constant 13 : i32
      %dma_start3A_177 = arith.constant 6 : i32
      %dma_start3A_178 = arith.constant 0 : i32
      %dma_start3A_179 = arith.constant 0 : i32
      %dma_start3A_180 = tpu.memref_slice %arg11[%dma_start3A_177, %dma_start3A_178, %dma_start3A_179] : memref<7x128x8xf32, #tpu.memory_space<vmem>> -> memref<1x128x8xf32, #tpu.memory_space<vmem>>
      %dma_start3A_181 = tpu.memref_squeeze %dma_start3A_180 : memref<1x128x8xf32, #tpu.memory_space<vmem>> -> memref<128x8xf32, #tpu.memory_space<vmem>>
      %dma_start3A_182 = arith.constant 0 : i32
      %dma_start3A_183 = tpu.memref_slice %arg8[%dma_start3A_176, %dma_start3A_182] : memref<14x128xi32, #tpu.memory_space<vmem>> -> memref<1x128xi32, #tpu.memory_space<vmem>>
      %dma_start3A_184 = tpu.memref_squeeze %dma_start3A_183 : memref<1x128xi32, #tpu.memory_space<vmem>> -> memref<128xi32, #tpu.memory_space<vmem>>
      %dma_start3A_185 = arith.constant 0 : i32
      %dma_start3A_186 = arith.constant 0 : i32
      %dma_start3A_187 = tpu.memref_slice %arg4[%dma_start3A_185, %dma_start3A_186] : memref<102400x8xf32, #tpu.memory_space<hbm>> -> memref<102400x8xf32, #tpu.memory_space<hbm>>
      tpu.enqueue_indirect_dma source(%dma_start3A_187 : memref<102400x8xf32, #tpu.memory_space<hbm>>) target(%dma_start3A_181 : memref<128x8xf32, #tpu.memory_space<vmem>>) offsets(%dma_start3A_184 : memref<128xi32, #tpu.memory_space<vmem>>) semaphore(%arg12 : memref<!tpu.dma_semaphore, #tpu.memory_space<semaphore_mem>>)
      %dma_wait3A = arith.constant 0 : i32
      %dma_wait3A_188 = arith.constant 0 : i32
      %dma_wait3A_189 = arith.constant 0 : i32
      %dma_wait3A_190 = arith.constant 0 : i32
      %dma_wait3A_191 = tpu.memref_slice %arg10[%dma_wait3A_188, %dma_wait3A_189, %dma_wait3A_190] : memref<7x128x8xf32, #tpu.memory_space<vmem>> -> memref<1x128x8xf32, #tpu.memory_space<vmem>>
      %dma_wait3A_192 = tpu.memref_squeeze %dma_wait3A_191 : memref<1x128x8xf32, #tpu.memory_space<vmem>> -> memref<128x8xf32, #tpu.memory_space<vmem>>
      %dma_wait3A_193 = arith.constant 0 : i32
      %dma_wait3A_194 = tpu.memref_slice %arg8[%dma_wait3A, %dma_wait3A_193] : memref<14x128xi32, #tpu.memory_space<vmem>> -> memref<1x128xi32, #tpu.memory_space<vmem>>
      %dma_wait3A_195 = tpu.memref_squeeze %dma_wait3A_194 : memref<1x128xi32, #tpu.memory_space<vmem>> -> memref<128xi32, #tpu.memory_space<vmem>>
      %dma_wait3A_196 = arith.constant 0 : i32
      %dma_wait3A_197 = arith.constant 0 : i32
      %dma_wait3A_198 = tpu.memref_slice %arg4[%dma_wait3A_196, %dma_wait3A_197] : memref<102400x8xf32, #tpu.memory_space<hbm>> -> memref<102400x8xf32, #tpu.memory_space<hbm>>
      tpu.wait_indirect_dma semaphore(%arg12 : memref<!tpu.dma_semaphore, #tpu.memory_space<semaphore_mem>>) src(%dma_wait3A_198 : memref<102400x8xf32, #tpu.memory_space<hbm>>) dst(%dma_wait3A_192 : memref<128x8xf32, #tpu.memory_space<vmem>>)
      %dma_wait3A_199 = arith.constant 1 : i32
      %dma_wait3A_200 = arith.constant 1 : i32
      %dma_wait3A_201 = arith.constant 0 : i32
      %dma_wait3A_202 = arith.constant 0 : i32
      %dma_wait3A_203 = tpu.memref_slice %arg10[%dma_wait3A_200, %dma_wait3A_201, %dma_wait3A_202] : memref<7x128x8xf32, #tpu.memory_space<vmem>> -> memref<1x128x8xf32, #tpu.memory_space<vmem>>
      %dma_wait3A_204 = tpu.memref_squeeze %dma_wait3A_203 : memref<1x128x8xf32, #tpu.memory_space<vmem>> -> memref<128x8xf32, #tpu.memory_space<vmem>>
      %dma_wait3A_205 = arith.constant 0 : i32
      %dma_wait3A_206 = tpu.memref_slice %arg8[%dma_wait3A_199, %dma_wait3A_205] : memref<14x128xi32, #tpu.memory_space<vmem>> -> memref<1x128xi32, #tpu.memory_space<vmem>>
      %dma_wait3A_207 = tpu.memref_squeeze %dma_wait3A_206 : memref<1x128xi32, #tpu.memory_space<vmem>> -> memref<128xi32, #tpu.memory_space<vmem>>
      %dma_wait3A_208 = arith.constant 0 : i32
      %dma_wait3A_209 = arith.constant 0 : i32
      %dma_wait3A_210 = tpu.memref_slice %arg4[%dma_wait3A_208, %dma_wait3A_209] : memref<102400x8xf32, #tpu.memory_space<hbm>> -> memref<102400x8xf32, #tpu.memory_space<hbm>>
      tpu.wait_indirect_dma semaphore(%arg12 : memref<!tpu.dma_semaphore, #tpu.memory_space<semaphore_mem>>) src(%dma_wait3A_210 : memref<102400x8xf32, #tpu.memory_space<hbm>>) dst(%dma_wait3A_204 : memref<128x8xf32, #tpu.memory_space<vmem>>)
      %dma_wait3A_211 = arith.constant 2 : i32
      %dma_wait3A_212 = arith.constant 2 : i32
      %dma_wait3A_213 = arith.constant 0 : i32
      %dma_wait3A_214 = arith.constant 0 : i32
      %dma_wait3A_215 = tpu.memref_slice %arg10[%dma_wait3A_212, %dma_wait3A_213, %dma_wait3A_214] : memref<7x128x8xf32, #tpu.memory_space<vmem>> -> memref<1x128x8xf32, #tpu.memory_space<vmem>>
      %dma_wait3A_216 = tpu.memref_squeeze %dma_wait3A_215 : memref<1x128x8xf32, #tpu.memory_space<vmem>> -> memref<128x8xf32, #tpu.memory_space<vmem>>
      %dma_wait3A_217 = arith.constant 0 : i32
      %dma_wait3A_218 = tpu.memref_slice %arg8[%dma_wait3A_211, %dma_wait3A_217] : memref<14x128xi32, #tpu.memory_space<vmem>> -> memref<1x128xi32, #tpu.memory_space<vmem>>
      %dma_wait3A_219 = tpu.memref_squeeze %dma_wait3A_218 : memref<1x128xi32, #tpu.memory_space<vmem>> -> memref<128xi32, #tpu.memory_space<vmem>>
      %dma_wait3A_220 = arith.constant 0 : i32
      %dma_wait3A_221 = arith.constant 0 : i32
      %dma_wait3A_222 = tpu.memref_slice %arg4[%dma_wait3A_220, %dma_wait3A_221] : memref<102400x8xf32, #tpu.memory_space<hbm>> -> memref<102400x8xf32, #tpu.memory_space<hbm>>
      tpu.wait_indirect_dma semaphore(%arg12 : memref<!tpu.dma_semaphore, #tpu.memory_space<semaphore_mem>>) src(%dma_wait3A_222 : memref<102400x8xf32, #tpu.memory_space<hbm>>) dst(%dma_wait3A_216 : memref<128x8xf32, #tpu.memory_space<vmem>>)
      %dma_wait3A_223 = arith.constant 3 : i32
      %dma_wait3A_224 = arith.constant 3 : i32
      %dma_wait3A_225 = arith.constant 0 : i32
      %dma_wait3A_226 = arith.constant 0 : i32
      %dma_wait3A_227 = tpu.memref_slice %arg10[%dma_wait3A_224, %dma_wait3A_225, %dma_wait3A_226] : memref<7x128x8xf32, #tpu.memory_space<vmem>> -> memref<1x128x8xf32, #tpu.memory_space<vmem>>
      %dma_wait3A_228 = tpu.memref_squeeze %dma_wait3A_227 : memref<1x128x8xf32, #tpu.memory_space<vmem>> -> memref<128x8xf32, #tpu.memory_space<vmem>>
      %dma_wait3A_229 = arith.constant 0 : i32
      %dma_wait3A_230 = tpu.memref_slice %arg8[%dma_wait3A_223, %dma_wait3A_229] : memref<14x128xi32, #tpu.memory_space<vmem>> -> memref<1x128xi32, #tpu.memory_space<vmem>>
      %dma_wait3A_231 = tpu.memref_squeeze %dma_wait3A_230 : memref<1x128xi32, #tpu.memory_space<vmem>> -> memref<128xi32, #tpu.memory_space<vmem>>
      %dma_wait3A_232 = arith.constant 0 : i32
      %dma_wait3A_233 = arith.constant 0 : i32
      %dma_wait3A_234 = tpu.memref_slice %arg4[%dma_wait3A_232, %dma_wait3A_233] : memref<102400x8xf32, #tpu.memory_space<hbm>> -> memref<102400x8xf32, #tpu.memory_space<hbm>>
      tpu.wait_indirect_dma semaphore(%arg12 : memref<!tpu.dma_semaphore, #tpu.memory_space<semaphore_mem>>) src(%dma_wait3A_234 : memref<102400x8xf32, #tpu.memory_space<hbm>>) dst(%dma_wait3A_228 : memref<128x8xf32, #tpu.memory_space<vmem>>)
      %dma_wait3A_235 = arith.constant 4 : i32
      %dma_wait3A_236 = arith.constant 4 : i32
      %dma_wait3A_237 = arith.constant 0 : i32
      %dma_wait3A_238 = arith.constant 0 : i32
      %dma_wait3A_239 = tpu.memref_slice %arg10[%dma_wait3A_236, %dma_wait3A_237, %dma_wait3A_238] : memref<7x128x8xf32, #tpu.memory_space<vmem>> -> memref<1x128x8xf32, #tpu.memory_space<vmem>>
      %dma_wait3A_240 = tpu.memref_squeeze %dma_wait3A_239 : memref<1x128x8xf32, #tpu.memory_space<vmem>> -> memref<128x8xf32, #tpu.memory_space<vmem>>
      %dma_wait3A_241 = arith.constant 0 : i32
      %dma_wait3A_242 = tpu.memref_slice %arg8[%dma_wait3A_235, %dma_wait3A_241] : memref<14x128xi32, #tpu.memory_space<vmem>> -> memref<1x128xi32, #tpu.memory_space<vmem>>
      %dma_wait3A_243 = tpu.memref_squeeze %dma_wait3A_242 : memref<1x128xi32, #tpu.memory_space<vmem>> -> memref<128xi32, #tpu.memory_space<vmem>>
      %dma_wait3A_244 = arith.constant 0 : i32
      %dma_wait3A_245 = arith.constant 0 : i32
      %dma_wait3A_246 = tpu.memref_slice %arg4[%dma_wait3A_244, %dma_wait3A_245] : memref<102400x8xf32, #tpu.memory_space<hbm>> -> memref<102400x8xf32, #tpu.memory_space<hbm>>
      tpu.wait_indirect_dma semaphore(%arg12 : memref<!tpu.dma_semaphore, #tpu.memory_space<semaphore_mem>>) src(%dma_wait3A_246 : memref<102400x8xf32, #tpu.memory_space<hbm>>) dst(%dma_wait3A_240 : memref<128x8xf32, #tpu.memory_space<vmem>>)
      %dma_wait3A_247 = arith.constant 5 : i32
      %dma_wait3A_248 = arith.constant 5 : i32
      %dma_wait3A_249 = arith.constant 0 : i32
      %dma_wait3A_250 = arith.constant 0 : i32
      %dma_wait3A_251 = tpu.memref_slice %arg10[%dma_wait3A_248, %dma_wait3A_249, %dma_wait3A_250] : memref<7x128x8xf32, #tpu.memory_space<vmem>> -> memref<1x128x8xf32, #tpu.memory_space<vmem>>
      %dma_wait3A_252 = tpu.memref_squeeze %dma_wait3A_251 : memref<1x128x8xf32, #tpu.memory_space<vmem>> -> memref<128x8xf32, #tpu.memory_space<vmem>>
      %dma_wait3A_253 = arith.constant 0 : i32
      %dma_wait3A_254 = tpu.memref_slice %arg8[%dma_wait3A_247, %dma_wait3A_253] : memref<14x128xi32, #tpu.memory_space<vmem>> -> memref<1x128xi32, #tpu.memory_space<vmem>>
      %dma_wait3A_255 = tpu.memref_squeeze %dma_wait3A_254 : memref<1x128xi32, #tpu.memory_space<vmem>> -> memref<128xi32, #tpu.memory_space<vmem>>
      %dma_wait3A_256 = arith.constant 0 : i32
      %dma_wait3A_257 = arith.constant 0 : i32
      %dma_wait3A_258 = tpu.memref_slice %arg4[%dma_wait3A_256, %dma_wait3A_257] : memref<102400x8xf32, #tpu.memory_space<hbm>> -> memref<102400x8xf32, #tpu.memory_space<hbm>>
      tpu.wait_indirect_dma semaphore(%arg12 : memref<!tpu.dma_semaphore, #tpu.memory_space<semaphore_mem>>) src(%dma_wait3A_258 : memref<102400x8xf32, #tpu.memory_space<hbm>>) dst(%dma_wait3A_252 : memref<128x8xf32, #tpu.memory_space<vmem>>)
      %dma_wait3A_259 = arith.constant 6 : i32
      %dma_wait3A_260 = arith.constant 6 : i32
      %dma_wait3A_261 = arith.constant 0 : i32
      %dma_wait3A_262 = arith.constant 0 : i32
      %dma_wait3A_263 = tpu.memref_slice %arg10[%dma_wait3A_260, %dma_wait3A_261, %dma_wait3A_262] : memref<7x128x8xf32, #tpu.memory_space<vmem>> -> memref<1x128x8xf32, #tpu.memory_space<vmem>>
      %dma_wait3A_264 = tpu.memref_squeeze %dma_wait3A_263 : memref<1x128x8xf32, #tpu.memory_space<vmem>> -> memref<128x8xf32, #tpu.memory_space<vmem>>
      %dma_wait3A_265 = arith.constant 0 : i32
      %dma_wait3A_266 = tpu.memref_slice %arg8[%dma_wait3A_259, %dma_wait3A_265] : memref<14x128xi32, #tpu.memory_space<vmem>> -> memref<1x128xi32, #tpu.memory_space<vmem>>
      %dma_wait3A_267 = tpu.memref_squeeze %dma_wait3A_266 : memref<1x128xi32, #tpu.memory_space<vmem>> -> memref<128xi32, #tpu.memory_space<vmem>>
      %dma_wait3A_268 = arith.constant 0 : i32
      %dma_wait3A_269 = arith.constant 0 : i32
      %dma_wait3A_270 = tpu.memref_slice %arg4[%dma_wait3A_268, %dma_wait3A_269] : memref<102400x8xf32, #tpu.memory_space<hbm>> -> memref<102400x8xf32, #tpu.memory_space<hbm>>
      tpu.wait_indirect_dma semaphore(%arg12 : memref<!tpu.dma_semaphore, #tpu.memory_space<semaphore_mem>>) src(%dma_wait3A_270 : memref<102400x8xf32, #tpu.memory_space<hbm>>) dst(%dma_wait3A_264 : memref<128x8xf32, #tpu.memory_space<vmem>>)
      %dma_start3A_271 = arith.constant 0 : i32
      %dma_start3A_272 = arith.constant 0 : i32
      %dma_start3A_273 = arith.constant 0 : i32
      %dma_start3A_274 = arith.constant 0 : i32
      %dma_start3A_275 = tpu.memref_slice %arg10[%dma_start3A_271, %dma_start3A_273, %dma_start3A_274] : memref<7x128x8xf32, #tpu.memory_space<vmem>> -> memref<1x128x8xf32, #tpu.memory_space<vmem>>
      %dma_start3A_276 = tpu.memref_squeeze %dma_start3A_275 : memref<1x128x8xf32, #tpu.memory_space<vmem>> -> memref<128x8xf32, #tpu.memory_space<vmem>>
      %dma_start3A_277 = arith.constant 0 : i32
      %dma_start3A_278 = tpu.memref_slice %arg9[%dma_start3A_272, %dma_start3A_277] : memref<14x128xi32, #tpu.memory_space<vmem>> -> memref<1x128xi32, #tpu.memory_space<vmem>>
      %dma_start3A_279 = tpu.memref_squeeze %dma_start3A_278 : memref<1x128xi32, #tpu.memory_space<vmem>> -> memref<128xi32, #tpu.memory_space<vmem>>
      %dma_start3A_280 = arith.constant 0 : i32
      %dma_start3A_281 = arith.constant 0 : i32
      %dma_start3A_282 = tpu.memref_slice %arg7[%dma_start3A_280, %dma_start3A_281] : memref<102400x8xf32, #tpu.memory_space<vmem_shared>> -> memref<102400x8xf32, #tpu.memory_space<vmem_shared>>
      tpu.enqueue_indirect_dma source(%dma_start3A_276 : memref<128x8xf32, #tpu.memory_space<vmem>>) target(%dma_start3A_282 : memref<102400x8xf32, #tpu.memory_space<vmem_shared>>) offsets(%dma_start3A_279 : memref<128xi32, #tpu.memory_space<vmem>>) semaphore(%arg13 : memref<!tpu.dma_semaphore, #tpu.memory_space<semaphore_mem>>) {add = true}
      %dma_start3A_283 = arith.constant 1 : i32
      %dma_start3A_284 = arith.constant 1 : i32
      %dma_start3A_285 = arith.constant 0 : i32
      %dma_start3A_286 = arith.constant 0 : i32
      %dma_start3A_287 = tpu.memref_slice %arg10[%dma_start3A_283, %dma_start3A_285, %dma_start3A_286] : memref<7x128x8xf32, #tpu.memory_space<vmem>> -> memref<1x128x8xf32, #tpu.memory_space<vmem>>
      %dma_start3A_288 = tpu.memref_squeeze %dma_start3A_287 : memref<1x128x8xf32, #tpu.memory_space<vmem>> -> memref<128x8xf32, #tpu.memory_space<vmem>>
      %dma_start3A_289 = arith.constant 0 : i32
      %dma_start3A_290 = tpu.memref_slice %arg9[%dma_start3A_284, %dma_start3A_289] : memref<14x128xi32, #tpu.memory_space<vmem>> -> memref<1x128xi32, #tpu.memory_space<vmem>>
      %dma_start3A_291 = tpu.memref_squeeze %dma_start3A_290 : memref<1x128xi32, #tpu.memory_space<vmem>> -> memref<128xi32, #tpu.memory_space<vmem>>
      %dma_start3A_292 = arith.constant 0 : i32
      %dma_start3A_293 = arith.constant 0 : i32
      %dma_start3A_294 = tpu.memref_slice %arg7[%dma_start3A_292, %dma_start3A_293] : memref<102400x8xf32, #tpu.memory_space<vmem_shared>> -> memref<102400x8xf32, #tpu.memory_space<vmem_shared>>
      tpu.enqueue_indirect_dma source(%dma_start3A_288 : memref<128x8xf32, #tpu.memory_space<vmem>>) target(%dma_start3A_294 : memref<102400x8xf32, #tpu.memory_space<vmem_shared>>) offsets(%dma_start3A_291 : memref<128xi32, #tpu.memory_space<vmem>>) semaphore(%arg13 : memref<!tpu.dma_semaphore, #tpu.memory_space<semaphore_mem>>) {add = true}
      %dma_start3A_295 = arith.constant 2 : i32
      %dma_start3A_296 = arith.constant 2 : i32
      %dma_start3A_297 = arith.constant 0 : i32
      %dma_start3A_298 = arith.constant 0 : i32
      %dma_start3A_299 = tpu.memref_slice %arg10[%dma_start3A_295, %dma_start3A_297, %dma_start3A_298] : memref<7x128x8xf32, #tpu.memory_space<vmem>> -> memref<1x128x8xf32, #tpu.memory_space<vmem>>
      %dma_start3A_300 = tpu.memref_squeeze %dma_start3A_299 : memref<1x128x8xf32, #tpu.memory_space<vmem>> -> memref<128x8xf32, #tpu.memory_space<vmem>>
      %dma_start3A_301 = arith.constant 0 : i32
      %dma_start3A_302 = tpu.memref_slice %arg9[%dma_start3A_296, %dma_start3A_301] : memref<14x128xi32, #tpu.memory_space<vmem>> -> memref<1x128xi32, #tpu.memory_space<vmem>>
      %dma_start3A_303 = tpu.memref_squeeze %dma_start3A_302 : memref<1x128xi32, #tpu.memory_space<vmem>> -> memref<128xi32, #tpu.memory_space<vmem>>
      %dma_start3A_304 = arith.constant 0 : i32
      %dma_start3A_305 = arith.constant 0 : i32
      %dma_start3A_306 = tpu.memref_slice %arg7[%dma_start3A_304, %dma_start3A_305] : memref<102400x8xf32, #tpu.memory_space<vmem_shared>> -> memref<102400x8xf32, #tpu.memory_space<vmem_shared>>
      tpu.enqueue_indirect_dma source(%dma_start3A_300 : memref<128x8xf32, #tpu.memory_space<vmem>>) target(%dma_start3A_306 : memref<102400x8xf32, #tpu.memory_space<vmem_shared>>) offsets(%dma_start3A_303 : memref<128xi32, #tpu.memory_space<vmem>>) semaphore(%arg13 : memref<!tpu.dma_semaphore, #tpu.memory_space<semaphore_mem>>) {add = true}
      %dma_start3A_307 = arith.constant 3 : i32
      %dma_start3A_308 = arith.constant 3 : i32
      %dma_start3A_309 = arith.constant 0 : i32
      %dma_start3A_310 = arith.constant 0 : i32
      %dma_start3A_311 = tpu.memref_slice %arg10[%dma_start3A_307, %dma_start3A_309, %dma_start3A_310] : memref<7x128x8xf32, #tpu.memory_space<vmem>> -> memref<1x128x8xf32, #tpu.memory_space<vmem>>
      %dma_start3A_312 = tpu.memref_squeeze %dma_start3A_311 : memref<1x128x8xf32, #tpu.memory_space<vmem>> -> memref<128x8xf32, #tpu.memory_space<vmem>>
      %dma_start3A_313 = arith.constant 0 : i32
      %dma_start3A_314 = tpu.memref_slice %arg9[%dma_start3A_308, %dma_start3A_313] : memref<14x128xi32, #tpu.memory_space<vmem>> -> memref<1x128xi32, #tpu.memory_space<vmem>>
      %dma_start3A_315 = tpu.memref_squeeze %dma_start3A_314 : memref<1x128xi32, #tpu.memory_space<vmem>> -> memref<128xi32, #tpu.memory_space<vmem>>
      %dma_start3A_316 = arith.constant 0 : i32
      %dma_start3A_317 = arith.constant 0 : i32
      %dma_start3A_318 = tpu.memref_slice %arg7[%dma_start3A_316, %dma_start3A_317] : memref<102400x8xf32, #tpu.memory_space<vmem_shared>> -> memref<102400x8xf32, #tpu.memory_space<vmem_shared>>
      tpu.enqueue_indirect_dma source(%dma_start3A_312 : memref<128x8xf32, #tpu.memory_space<vmem>>) target(%dma_start3A_318 : memref<102400x8xf32, #tpu.memory_space<vmem_shared>>) offsets(%dma_start3A_315 : memref<128xi32, #tpu.memory_space<vmem>>) semaphore(%arg13 : memref<!tpu.dma_semaphore, #tpu.memory_space<semaphore_mem>>) {add = true}
      %dma_start3A_319 = arith.constant 4 : i32
      %dma_start3A_320 = arith.constant 4 : i32
      %dma_start3A_321 = arith.constant 0 : i32
      %dma_start3A_322 = arith.constant 0 : i32
      %dma_start3A_323 = tpu.memref_slice %arg10[%dma_start3A_319, %dma_start3A_321, %dma_start3A_322] : memref<7x128x8xf32, #tpu.memory_space<vmem>> -> memref<1x128x8xf32, #tpu.memory_space<vmem>>
      %dma_start3A_324 = tpu.memref_squeeze %dma_start3A_323 : memref<1x128x8xf32, #tpu.memory_space<vmem>> -> memref<128x8xf32, #tpu.memory_space<vmem>>
      %dma_start3A_325 = arith.constant 0 : i32
      %dma_start3A_326 = tpu.memref_slice %arg9[%dma_start3A_320, %dma_start3A_325] : memref<14x128xi32, #tpu.memory_space<vmem>> -> memref<1x128xi32, #tpu.memory_space<vmem>>
      %dma_start3A_327 = tpu.memref_squeeze %dma_start3A_326 : memref<1x128xi32, #tpu.memory_space<vmem>> -> memref<128xi32, #tpu.memory_space<vmem>>
      %dma_start3A_328 = arith.constant 0 : i32
      %dma_start3A_329 = arith.constant 0 : i32
      %dma_start3A_330 = tpu.memref_slice %arg7[%dma_start3A_328, %dma_start3A_329] : memref<102400x8xf32, #tpu.memory_space<vmem_shared>> -> memref<102400x8xf32, #tpu.memory_space<vmem_shared>>
      tpu.enqueue_indirect_dma source(%dma_start3A_324 : memref<128x8xf32, #tpu.memory_space<vmem>>) target(%dma_start3A_330 : memref<102400x8xf32, #tpu.memory_space<vmem_shared>>) offsets(%dma_start3A_327 : memref<128xi32, #tpu.memory_space<vmem>>) semaphore(%arg13 : memref<!tpu.dma_semaphore, #tpu.memory_space<semaphore_mem>>) {add = true}
      %dma_start3A_331 = arith.constant 5 : i32
      %dma_start3A_332 = arith.constant 5 : i32
      %dma_start3A_333 = arith.constant 0 : i32
      %dma_start3A_334 = arith.constant 0 : i32
      %dma_start3A_335 = tpu.memref_slice %arg10[%dma_start3A_331, %dma_start3A_333, %dma_start3A_334] : memref<7x128x8xf32, #tpu.memory_space<vmem>> -> memref<1x128x8xf32, #tpu.memory_space<vmem>>
      %dma_start3A_336 = tpu.memref_squeeze %dma_start3A_335 : memref<1x128x8xf32, #tpu.memory_space<vmem>> -> memref<128x8xf32, #tpu.memory_space<vmem>>
      %dma_start3A_337 = arith.constant 0 : i32
      %dma_start3A_338 = tpu.memref_slice %arg9[%dma_start3A_332, %dma_start3A_337] : memref<14x128xi32, #tpu.memory_space<vmem>> -> memref<1x128xi32, #tpu.memory_space<vmem>>
      %dma_start3A_339 = tpu.memref_squeeze %dma_start3A_338 : memref<1x128xi32, #tpu.memory_space<vmem>> -> memref<128xi32, #tpu.memory_space<vmem>>
      %dma_start3A_340 = arith.constant 0 : i32
      %dma_start3A_341 = arith.constant 0 : i32
      %dma_start3A_342 = tpu.memref_slice %arg7[%dma_start3A_340, %dma_start3A_341] : memref<102400x8xf32, #tpu.memory_space<vmem_shared>> -> memref<102400x8xf32, #tpu.memory_space<vmem_shared>>
      tpu.enqueue_indirect_dma source(%dma_start3A_336 : memref<128x8xf32, #tpu.memory_space<vmem>>) target(%dma_start3A_342 : memref<102400x8xf32, #tpu.memory_space<vmem_shared>>) offsets(%dma_start3A_339 : memref<128xi32, #tpu.memory_space<vmem>>) semaphore(%arg13 : memref<!tpu.dma_semaphore, #tpu.memory_space<semaphore_mem>>) {add = true}
      %dma_start3A_343 = arith.constant 6 : i32
      %dma_start3A_344 = arith.constant 6 : i32
      %dma_start3A_345 = arith.constant 0 : i32
      %dma_start3A_346 = arith.constant 0 : i32
      %dma_start3A_347 = tpu.memref_slice %arg10[%dma_start3A_343, %dma_start3A_345, %dma_start3A_346] : memref<7x128x8xf32, #tpu.memory_space<vmem>> -> memref<1x128x8xf32, #tpu.memory_space<vmem>>
      %dma_start3A_348 = tpu.memref_squeeze %dma_start3A_347 : memref<1x128x8xf32, #tpu.memory_space<vmem>> -> memref<128x8xf32, #tpu.memory_space<vmem>>
      %dma_start3A_349 = arith.constant 0 : i32
      %dma_start3A_350 = tpu.memref_slice %arg9[%dma_start3A_344, %dma_start3A_349] : memref<14x128xi32, #tpu.memory_space<vmem>> -> memref<1x128xi32, #tpu.memory_space<vmem>>
      %dma_start3A_351 = tpu.memref_squeeze %dma_start3A_350 : memref<1x128xi32, #tpu.memory_space<vmem>> -> memref<128xi32, #tpu.memory_space<vmem>>
      %dma_start3A_352 = arith.constant 0 : i32
      %dma_start3A_353 = arith.constant 0 : i32
      %dma_start3A_354 = tpu.memref_slice %arg7[%dma_start3A_352, %dma_start3A_353] : memref<102400x8xf32, #tpu.memory_space<vmem_shared>> -> memref<102400x8xf32, #tpu.memory_space<vmem_shared>>
      tpu.enqueue_indirect_dma source(%dma_start3A_348 : memref<128x8xf32, #tpu.memory_space<vmem>>) target(%dma_start3A_354 : memref<102400x8xf32, #tpu.memory_space<vmem_shared>>) offsets(%dma_start3A_351 : memref<128xi32, #tpu.memory_space<vmem>>) semaphore(%arg13 : memref<!tpu.dma_semaphore, #tpu.memory_space<semaphore_mem>>) {add = true}
      %dma_wait3A_355 = arith.constant 7 : i32
      %dma_wait3A_356 = arith.constant 0 : i32
      %dma_wait3A_357 = arith.constant 0 : i32
      %dma_wait3A_358 = arith.constant 0 : i32
      %dma_wait3A_359 = tpu.memref_slice %arg11[%dma_wait3A_356, %dma_wait3A_357, %dma_wait3A_358] : memref<7x128x8xf32, #tpu.memory_space<vmem>> -> memref<1x128x8xf32, #tpu.memory_space<vmem>>
      %dma_wait3A_360 = tpu.memref_squeeze %dma_wait3A_359 : memref<1x128x8xf32, #tpu.memory_space<vmem>> -> memref<128x8xf32, #tpu.memory_space<vmem>>
      %dma_wait3A_361 = arith.constant 0 : i32
      %dma_wait3A_362 = tpu.memref_slice %arg8[%dma_wait3A_355, %dma_wait3A_361] : memref<14x128xi32, #tpu.memory_space<vmem>> -> memref<1x128xi32, #tpu.memory_space<vmem>>
      %dma_wait3A_363 = tpu.memref_squeeze %dma_wait3A_362 : memref<1x128xi32, #tpu.memory_space<vmem>> -> memref<128xi32, #tpu.memory_space<vmem>>
      %dma_wait3A_364 = arith.constant 0 : i32
      %dma_wait3A_365 = arith.constant 0 : i32
      %dma_wait3A_366 = tpu.memref_slice %arg4[%dma_wait3A_364, %dma_wait3A_365] : memref<102400x8xf32, #tpu.memory_space<hbm>> -> memref<102400x8xf32, #tpu.memory_space<hbm>>
      tpu.wait_indirect_dma semaphore(%arg12 : memref<!tpu.dma_semaphore, #tpu.memory_space<semaphore_mem>>) src(%dma_wait3A_366 : memref<102400x8xf32, #tpu.memory_space<hbm>>) dst(%dma_wait3A_360 : memref<128x8xf32, #tpu.memory_space<vmem>>)
      %dma_wait3A_367 = arith.constant 8 : i32
      %dma_wait3A_368 = arith.constant 1 : i32
      %dma_wait3A_369 = arith.constant 0 : i32
      %dma_wait3A_370 = arith.constant 0 : i32
      %dma_wait3A_371 = tpu.memref_slice %arg11[%dma_wait3A_368, %dma_wait3A_369, %dma_wait3A_370] : memref<7x128x8xf32, #tpu.memory_space<vmem>> -> memref<1x128x8xf32, #tpu.memory_space<vmem>>
      %dma_wait3A_372 = tpu.memref_squeeze %dma_wait3A_371 : memref<1x128x8xf32, #tpu.memory_space<vmem>> -> memref<128x8xf32, #tpu.memory_space<vmem>>
      %dma_wait3A_373 = arith.constant 0 : i32
      %dma_wait3A_374 = tpu.memref_slice %arg8[%dma_wait3A_367, %dma_wait3A_373] : memref<14x128xi32, #tpu.memory_space<vmem>> -> memref<1x128xi32, #tpu.memory_space<vmem>>
      %dma_wait3A_375 = tpu.memref_squeeze %dma_wait3A_374 : memref<1x128xi32, #tpu.memory_space<vmem>> -> memref<128xi32, #tpu.memory_space<vmem>>
      %dma_wait3A_376 = arith.constant 0 : i32
      %dma_wait3A_377 = arith.constant 0 : i32
      %dma_wait3A_378 = tpu.memref_slice %arg4[%dma_wait3A_376, %dma_wait3A_377] : memref<102400x8xf32, #tpu.memory_space<hbm>> -> memref<102400x8xf32, #tpu.memory_space<hbm>>
      tpu.wait_indirect_dma semaphore(%arg12 : memref<!tpu.dma_semaphore, #tpu.memory_space<semaphore_mem>>) src(%dma_wait3A_378 : memref<102400x8xf32, #tpu.memory_space<hbm>>) dst(%dma_wait3A_372 : memref<128x8xf32, #tpu.memory_space<vmem>>)
      %dma_wait3A_379 = arith.constant 9 : i32
      %dma_wait3A_380 = arith.constant 2 : i32
      %dma_wait3A_381 = arith.constant 0 : i32
      %dma_wait3A_382 = arith.constant 0 : i32
      %dma_wait3A_383 = tpu.memref_slice %arg11[%dma_wait3A_380, %dma_wait3A_381, %dma_wait3A_382] : memref<7x128x8xf32, #tpu.memory_space<vmem>> -> memref<1x128x8xf32, #tpu.memory_space<vmem>>
      %dma_wait3A_384 = tpu.memref_squeeze %dma_wait3A_383 : memref<1x128x8xf32, #tpu.memory_space<vmem>> -> memref<128x8xf32, #tpu.memory_space<vmem>>
      %dma_wait3A_385 = arith.constant 0 : i32
      %dma_wait3A_386 = tpu.memref_slice %arg8[%dma_wait3A_379, %dma_wait3A_385] : memref<14x128xi32, #tpu.memory_space<vmem>> -> memref<1x128xi32, #tpu.memory_space<vmem>>
      %dma_wait3A_387 = tpu.memref_squeeze %dma_wait3A_386 : memref<1x128xi32, #tpu.memory_space<vmem>> -> memref<128xi32, #tpu.memory_space<vmem>>
      %dma_wait3A_388 = arith.constant 0 : i32
      %dma_wait3A_389 = arith.constant 0 : i32
      %dma_wait3A_390 = tpu.memref_slice %arg4[%dma_wait3A_388, %dma_wait3A_389] : memref<102400x8xf32, #tpu.memory_space<hbm>> -> memref<102400x8xf32, #tpu.memory_space<hbm>>
      tpu.wait_indirect_dma semaphore(%arg12 : memref<!tpu.dma_semaphore, #tpu.memory_space<semaphore_mem>>) src(%dma_wait3A_390 : memref<102400x8xf32, #tpu.memory_space<hbm>>) dst(%dma_wait3A_384 : memref<128x8xf32, #tpu.memory_space<vmem>>)
      %dma_wait3A_391 = arith.constant 10 : i32
      %dma_wait3A_392 = arith.constant 3 : i32
      %dma_wait3A_393 = arith.constant 0 : i32
      %dma_wait3A_394 = arith.constant 0 : i32
      %dma_wait3A_395 = tpu.memref_slice %arg11[%dma_wait3A_392, %dma_wait3A_393, %dma_wait3A_394] : memref<7x128x8xf32, #tpu.memory_space<vmem>> -> memref<1x128x8xf32, #tpu.memory_space<vmem>>
      %dma_wait3A_396 = tpu.memref_squeeze %dma_wait3A_395 : memref<1x128x8xf32, #tpu.memory_space<vmem>> -> memref<128x8xf32, #tpu.memory_space<vmem>>
      %dma_wait3A_397 = arith.constant 0 : i32
      %dma_wait3A_398 = tpu.memref_slice %arg8[%dma_wait3A_391, %dma_wait3A_397] : memref<14x128xi32, #tpu.memory_space<vmem>> -> memref<1x128xi32, #tpu.memory_space<vmem>>
      %dma_wait3A_399 = tpu.memref_squeeze %dma_wait3A_398 : memref<1x128xi32, #tpu.memory_space<vmem>> -> memref<128xi32, #tpu.memory_space<vmem>>
      %dma_wait3A_400 = arith.constant 0 : i32
      %dma_wait3A_401 = arith.constant 0 : i32
      %dma_wait3A_402 = tpu.memref_slice %arg4[%dma_wait3A_400, %dma_wait3A_401] : memref<102400x8xf32, #tpu.memory_space<hbm>> -> memref<102400x8xf32, #tpu.memory_space<hbm>>
      tpu.wait_indirect_dma semaphore(%arg12 : memref<!tpu.dma_semaphore, #tpu.memory_space<semaphore_mem>>) src(%dma_wait3A_402 : memref<102400x8xf32, #tpu.memory_space<hbm>>) dst(%dma_wait3A_396 : memref<128x8xf32, #tpu.memory_space<vmem>>)
      %dma_wait3A_403 = arith.constant 11 : i32
      %dma_wait3A_404 = arith.constant 4 : i32
      %dma_wait3A_405 = arith.constant 0 : i32
      %dma_wait3A_406 = arith.constant 0 : i32
      %dma_wait3A_407 = tpu.memref_slice %arg11[%dma_wait3A_404, %dma_wait3A_405, %dma_wait3A_406] : memref<7x128x8xf32, #tpu.memory_space<vmem>> -> memref<1x128x8xf32, #tpu.memory_space<vmem>>
      %dma_wait3A_408 = tpu.memref_squeeze %dma_wait3A_407 : memref<1x128x8xf32, #tpu.memory_space<vmem>> -> memref<128x8xf32, #tpu.memory_space<vmem>>
      %dma_wait3A_409 = arith.constant 0 : i32
      %dma_wait3A_410 = tpu.memref_slice %arg8[%dma_wait3A_403, %dma_wait3A_409] : memref<14x128xi32, #tpu.memory_space<vmem>> -> memref<1x128xi32, #tpu.memory_space<vmem>>
      %dma_wait3A_411 = tpu.memref_squeeze %dma_wait3A_410 : memref<1x128xi32, #tpu.memory_space<vmem>> -> memref<128xi32, #tpu.memory_space<vmem>>
      %dma_wait3A_412 = arith.constant 0 : i32
      %dma_wait3A_413 = arith.constant 0 : i32
      %dma_wait3A_414 = tpu.memref_slice %arg4[%dma_wait3A_412, %dma_wait3A_413] : memref<102400x8xf32, #tpu.memory_space<hbm>> -> memref<102400x8xf32, #tpu.memory_space<hbm>>
      tpu.wait_indirect_dma semaphore(%arg12 : memref<!tpu.dma_semaphore, #tpu.memory_space<semaphore_mem>>) src(%dma_wait3A_414 : memref<102400x8xf32, #tpu.memory_space<hbm>>) dst(%dma_wait3A_408 : memref<128x8xf32, #tpu.memory_space<vmem>>)
      %dma_wait3A_415 = arith.constant 12 : i32
      %dma_wait3A_416 = arith.constant 5 : i32
      %dma_wait3A_417 = arith.constant 0 : i32
      %dma_wait3A_418 = arith.constant 0 : i32
      %dma_wait3A_419 = tpu.memref_slice %arg11[%dma_wait3A_416, %dma_wait3A_417, %dma_wait3A_418] : memref<7x128x8xf32, #tpu.memory_space<vmem>> -> memref<1x128x8xf32, #tpu.memory_space<vmem>>
      %dma_wait3A_420 = tpu.memref_squeeze %dma_wait3A_419 : memref<1x128x8xf32, #tpu.memory_space<vmem>> -> memref<128x8xf32, #tpu.memory_space<vmem>>
      %dma_wait3A_421 = arith.constant 0 : i32
      %dma_wait3A_422 = tpu.memref_slice %arg8[%dma_wait3A_415, %dma_wait3A_421] : memref<14x128xi32, #tpu.memory_space<vmem>> -> memref<1x128xi32, #tpu.memory_space<vmem>>
      %dma_wait3A_423 = tpu.memref_squeeze %dma_wait3A_422 : memref<1x128xi32, #tpu.memory_space<vmem>> -> memref<128xi32, #tpu.memory_space<vmem>>
      %dma_wait3A_424 = arith.constant 0 : i32
      %dma_wait3A_425 = arith.constant 0 : i32
      %dma_wait3A_426 = tpu.memref_slice %arg4[%dma_wait3A_424, %dma_wait3A_425] : memref<102400x8xf32, #tpu.memory_space<hbm>> -> memref<102400x8xf32, #tpu.memory_space<hbm>>
      tpu.wait_indirect_dma semaphore(%arg12 : memref<!tpu.dma_semaphore, #tpu.memory_space<semaphore_mem>>) src(%dma_wait3A_426 : memref<102400x8xf32, #tpu.memory_space<hbm>>) dst(%dma_wait3A_420 : memref<128x8xf32, #tpu.memory_space<vmem>>)
      %dma_wait3A_427 = arith.constant 13 : i32
      %dma_wait3A_428 = arith.constant 6 : i32
      %dma_wait3A_429 = arith.constant 0 : i32
      %dma_wait3A_430 = arith.constant 0 : i32
      %dma_wait3A_431 = tpu.memref_slice %arg11[%dma_wait3A_428, %dma_wait3A_429, %dma_wait3A_430] : memref<7x128x8xf32, #tpu.memory_space<vmem>> -> memref<1x128x8xf32, #tpu.memory_space<vmem>>
      %dma_wait3A_432 = tpu.memref_squeeze %dma_wait3A_431 : memref<1x128x8xf32, #tpu.memory_space<vmem>> -> memref<128x8xf32, #tpu.memory_space<vmem>>
      %dma_wait3A_433 = arith.constant 0 : i32
      %dma_wait3A_434 = tpu.memref_slice %arg8[%dma_wait3A_427, %dma_wait3A_433] : memref<14x128xi32, #tpu.memory_space<vmem>> -> memref<1x128xi32, #tpu.memory_space<vmem>>
      %dma_wait3A_435 = tpu.memref_squeeze %dma_wait3A_434 : memref<1x128xi32, #tpu.memory_space<vmem>> -> memref<128xi32, #tpu.memory_space<vmem>>
      %dma_wait3A_436 = arith.constant 0 : i32
      %dma_wait3A_437 = arith.constant 0 : i32
      %dma_wait3A_438 = tpu.memref_slice %arg4[%dma_wait3A_436, %dma_wait3A_437] : memref<102400x8xf32, #tpu.memory_space<hbm>> -> memref<102400x8xf32, #tpu.memory_space<hbm>>
      tpu.wait_indirect_dma semaphore(%arg12 : memref<!tpu.dma_semaphore, #tpu.memory_space<semaphore_mem>>) src(%dma_wait3A_438 : memref<102400x8xf32, #tpu.memory_space<hbm>>) dst(%dma_wait3A_432 : memref<128x8xf32, #tpu.memory_space<vmem>>)
      %dma_start3A_439 = arith.constant 0 : i32
      %dma_start3A_440 = arith.constant 7 : i32
      %dma_start3A_441 = arith.constant 0 : i32
      %dma_start3A_442 = arith.constant 0 : i32
      %dma_start3A_443 = tpu.memref_slice %arg11[%dma_start3A_439, %dma_start3A_441, %dma_start3A_442] : memref<7x128x8xf32, #tpu.memory_space<vmem>> -> memref<1x128x8xf32, #tpu.memory_space<vmem>>
      %dma_start3A_444 = tpu.memref_squeeze %dma_start3A_443 : memref<1x128x8xf32, #tpu.memory_space<vmem>> -> memref<128x8xf32, #tpu.memory_space<vmem>>
      %dma_start3A_445 = arith.constant 0 : i32
      %dma_start3A_446 = tpu.memref_slice %arg9[%dma_start3A_440, %dma_start3A_445] : memref<14x128xi32, #tpu.memory_space<vmem>> -> memref<1x128xi32, #tpu.memory_space<vmem>>
      %dma_start3A_447 = tpu.memref_squeeze %dma_start3A_446 : memref<1x128xi32, #tpu.memory_space<vmem>> -> memref<128xi32, #tpu.memory_space<vmem>>
      %dma_start3A_448 = arith.constant 0 : i32
      %dma_start3A_449 = arith.constant 0 : i32
      %dma_start3A_450 = tpu.memref_slice %arg7[%dma_start3A_448, %dma_start3A_449] : memref<102400x8xf32, #tpu.memory_space<vmem_shared>> -> memref<102400x8xf32, #tpu.memory_space<vmem_shared>>
      tpu.enqueue_indirect_dma source(%dma_start3A_444 : memref<128x8xf32, #tpu.memory_space<vmem>>) target(%dma_start3A_450 : memref<102400x8xf32, #tpu.memory_space<vmem_shared>>) offsets(%dma_start3A_447 : memref<128xi32, #tpu.memory_space<vmem>>) semaphore(%arg13 : memref<!tpu.dma_semaphore, #tpu.memory_space<semaphore_mem>>) {add = true}
      %dma_start3A_451 = arith.constant 1 : i32
      %dma_start3A_452 = arith.constant 8 : i32
      %dma_start3A_453 = arith.constant 0 : i32
      %dma_start3A_454 = arith.constant 0 : i32
      %dma_start3A_455 = tpu.memref_slice %arg11[%dma_start3A_451, %dma_start3A_453, %dma_start3A_454] : memref<7x128x8xf32, #tpu.memory_space<vmem>> -> memref<1x128x8xf32, #tpu.memory_space<vmem>>
      %dma_start3A_456 = tpu.memref_squeeze %dma_start3A_455 : memref<1x128x8xf32, #tpu.memory_space<vmem>> -> memref<128x8xf32, #tpu.memory_space<vmem>>
      %dma_start3A_457 = arith.constant 0 : i32
      %dma_start3A_458 = tpu.memref_slice %arg9[%dma_start3A_452, %dma_start3A_457] : memref<14x128xi32, #tpu.memory_space<vmem>> -> memref<1x128xi32, #tpu.memory_space<vmem>>
      %dma_start3A_459 = tpu.memref_squeeze %dma_start3A_458 : memref<1x128xi32, #tpu.memory_space<vmem>> -> memref<128xi32, #tpu.memory_space<vmem>>
      %dma_start3A_460 = arith.constant 0 : i32
      %dma_start3A_461 = arith.constant 0 : i32
      %dma_start3A_462 = tpu.memref_slice %arg7[%dma_start3A_460, %dma_start3A_461] : memref<102400x8xf32, #tpu.memory_space<vmem_shared>> -> memref<102400x8xf32, #tpu.memory_space<vmem_shared>>
      tpu.enqueue_indirect_dma source(%dma_start3A_456 : memref<128x8xf32, #tpu.memory_space<vmem>>) target(%dma_start3A_462 : memref<102400x8xf32, #tpu.memory_space<vmem_shared>>) offsets(%dma_start3A_459 : memref<128xi32, #tpu.memory_space<vmem>>) semaphore(%arg13 : memref<!tpu.dma_semaphore, #tpu.memory_space<semaphore_mem>>) {add = true}
      %dma_start3A_463 = arith.constant 2 : i32
      %dma_start3A_464 = arith.constant 9 : i32
      %dma_start3A_465 = arith.constant 0 : i32
      %dma_start3A_466 = arith.constant 0 : i32
      %dma_start3A_467 = tpu.memref_slice %arg11[%dma_start3A_463, %dma_start3A_465, %dma_start3A_466] : memref<7x128x8xf32, #tpu.memory_space<vmem>> -> memref<1x128x8xf32, #tpu.memory_space<vmem>>
      %dma_start3A_468 = tpu.memref_squeeze %dma_start3A_467 : memref<1x128x8xf32, #tpu.memory_space<vmem>> -> memref<128x8xf32, #tpu.memory_space<vmem>>
      %dma_start3A_469 = arith.constant 0 : i32
      %dma_start3A_470 = tpu.memref_slice %arg9[%dma_start3A_464, %dma_start3A_469] : memref<14x128xi32, #tpu.memory_space<vmem>> -> memref<1x128xi32, #tpu.memory_space<vmem>>
      %dma_start3A_471 = tpu.memref_squeeze %dma_start3A_470 : memref<1x128xi32, #tpu.memory_space<vmem>> -> memref<128xi32, #tpu.memory_space<vmem>>
      %dma_start3A_472 = arith.constant 0 : i32
      %dma_start3A_473 = arith.constant 0 : i32
      %dma_start3A_474 = tpu.memref_slice %arg7[%dma_start3A_472, %dma_start3A_473] : memref<102400x8xf32, #tpu.memory_space<vmem_shared>> -> memref<102400x8xf32, #tpu.memory_space<vmem_shared>>
      tpu.enqueue_indirect_dma source(%dma_start3A_468 : memref<128x8xf32, #tpu.memory_space<vmem>>) target(%dma_start3A_474 : memref<102400x8xf32, #tpu.memory_space<vmem_shared>>) offsets(%dma_start3A_471 : memref<128xi32, #tpu.memory_space<vmem>>) semaphore(%arg13 : memref<!tpu.dma_semaphore, #tpu.memory_space<semaphore_mem>>) {add = true}
      %dma_start3A_475 = arith.constant 3 : i32
      %dma_start3A_476 = arith.constant 10 : i32
      %dma_start3A_477 = arith.constant 0 : i32
      %dma_start3A_478 = arith.constant 0 : i32
      %dma_start3A_479 = tpu.memref_slice %arg11[%dma_start3A_475, %dma_start3A_477, %dma_start3A_478] : memref<7x128x8xf32, #tpu.memory_space<vmem>> -> memref<1x128x8xf32, #tpu.memory_space<vmem>>
      %dma_start3A_480 = tpu.memref_squeeze %dma_start3A_479 : memref<1x128x8xf32, #tpu.memory_space<vmem>> -> memref<128x8xf32, #tpu.memory_space<vmem>>
      %dma_start3A_481 = arith.constant 0 : i32
      %dma_start3A_482 = tpu.memref_slice %arg9[%dma_start3A_476, %dma_start3A_481] : memref<14x128xi32, #tpu.memory_space<vmem>> -> memref<1x128xi32, #tpu.memory_space<vmem>>
      %dma_start3A_483 = tpu.memref_squeeze %dma_start3A_482 : memref<1x128xi32, #tpu.memory_space<vmem>> -> memref<128xi32, #tpu.memory_space<vmem>>
      %dma_start3A_484 = arith.constant 0 : i32
      %dma_start3A_485 = arith.constant 0 : i32
      %dma_start3A_486 = tpu.memref_slice %arg7[%dma_start3A_484, %dma_start3A_485] : memref<102400x8xf32, #tpu.memory_space<vmem_shared>> -> memref<102400x8xf32, #tpu.memory_space<vmem_shared>>
      tpu.enqueue_indirect_dma source(%dma_start3A_480 : memref<128x8xf32, #tpu.memory_space<vmem>>) target(%dma_start3A_486 : memref<102400x8xf32, #tpu.memory_space<vmem_shared>>) offsets(%dma_start3A_483 : memref<128xi32, #tpu.memory_space<vmem>>) semaphore(%arg13 : memref<!tpu.dma_semaphore, #tpu.memory_space<semaphore_mem>>) {add = true}
      %dma_start3A_487 = arith.constant 4 : i32
      %dma_start3A_488 = arith.constant 11 : i32
      %dma_start3A_489 = arith.constant 0 : i32
      %dma_start3A_490 = arith.constant 0 : i32
      %dma_start3A_491 = tpu.memref_slice %arg11[%dma_start3A_487, %dma_start3A_489, %dma_start3A_490] : memref<7x128x8xf32, #tpu.memory_space<vmem>> -> memref<1x128x8xf32, #tpu.memory_space<vmem>>
      %dma_start3A_492 = tpu.memref_squeeze %dma_start3A_491 : memref<1x128x8xf32, #tpu.memory_space<vmem>> -> memref<128x8xf32, #tpu.memory_space<vmem>>
      %dma_start3A_493 = arith.constant 0 : i32
      %dma_start3A_494 = tpu.memref_slice %arg9[%dma_start3A_488, %dma_start3A_493] : memref<14x128xi32, #tpu.memory_space<vmem>> -> memref<1x128xi32, #tpu.memory_space<vmem>>
      %dma_start3A_495 = tpu.memref_squeeze %dma_start3A_494 : memref<1x128xi32, #tpu.memory_space<vmem>> -> memref<128xi32, #tpu.memory_space<vmem>>
      %dma_start3A_496 = arith.constant 0 : i32
      %dma_start3A_497 = arith.constant 0 : i32
      %dma_start3A_498 = tpu.memref_slice %arg7[%dma_start3A_496, %dma_start3A_497] : memref<102400x8xf32, #tpu.memory_space<vmem_shared>> -> memref<102400x8xf32, #tpu.memory_space<vmem_shared>>
      tpu.enqueue_indirect_dma source(%dma_start3A_492 : memref<128x8xf32, #tpu.memory_space<vmem>>) target(%dma_start3A_498 : memref<102400x8xf32, #tpu.memory_space<vmem_shared>>) offsets(%dma_start3A_495 : memref<128xi32, #tpu.memory_space<vmem>>) semaphore(%arg13 : memref<!tpu.dma_semaphore, #tpu.memory_space<semaphore_mem>>) {add = true}
      %dma_start3A_499 = arith.constant 5 : i32
      %dma_start3A_500 = arith.constant 12 : i32
      %dma_start3A_501 = arith.constant 0 : i32
      %dma_start3A_502 = arith.constant 0 : i32
      %dma_start3A_503 = tpu.memref_slice %arg11[%dma_start3A_499, %dma_start3A_501, %dma_start3A_502] : memref<7x128x8xf32, #tpu.memory_space<vmem>> -> memref<1x128x8xf32, #tpu.memory_space<vmem>>
      %dma_start3A_504 = tpu.memref_squeeze %dma_start3A_503 : memref<1x128x8xf32, #tpu.memory_space<vmem>> -> memref<128x8xf32, #tpu.memory_space<vmem>>
      %dma_start3A_505 = arith.constant 0 : i32
      %dma_start3A_506 = tpu.memref_slice %arg9[%dma_start3A_500, %dma_start3A_505] : memref<14x128xi32, #tpu.memory_space<vmem>> -> memref<1x128xi32, #tpu.memory_space<vmem>>
      %dma_start3A_507 = tpu.memref_squeeze %dma_start3A_506 : memref<1x128xi32, #tpu.memory_space<vmem>> -> memref<128xi32, #tpu.memory_space<vmem>>
      %dma_start3A_508 = arith.constant 0 : i32
      %dma_start3A_509 = arith.constant 0 : i32
      %dma_start3A_510 = tpu.memref_slice %arg7[%dma_start3A_508, %dma_start3A_509] : memref<102400x8xf32, #tpu.memory_space<vmem_shared>> -> memref<102400x8xf32, #tpu.memory_space<vmem_shared>>
      tpu.enqueue_indirect_dma source(%dma_start3A_504 : memref<128x8xf32, #tpu.memory_space<vmem>>) target(%dma_start3A_510 : memref<102400x8xf32, #tpu.memory_space<vmem_shared>>) offsets(%dma_start3A_507 : memref<128xi32, #tpu.memory_space<vmem>>) semaphore(%arg13 : memref<!tpu.dma_semaphore, #tpu.memory_space<semaphore_mem>>) {add = true}
      %dma_start3A_511 = arith.constant 6 : i32
      %dma_start3A_512 = arith.constant 13 : i32
      %dma_start3A_513 = arith.constant 0 : i32
      %dma_start3A_514 = arith.constant 0 : i32
      %dma_start3A_515 = tpu.memref_slice %arg11[%dma_start3A_511, %dma_start3A_513, %dma_start3A_514] : memref<7x128x8xf32, #tpu.memory_space<vmem>> -> memref<1x128x8xf32, #tpu.memory_space<vmem>>
      %dma_start3A_516 = tpu.memref_squeeze %dma_start3A_515 : memref<1x128x8xf32, #tpu.memory_space<vmem>> -> memref<128x8xf32, #tpu.memory_space<vmem>>
      %dma_start3A_517 = arith.constant 0 : i32
      %dma_start3A_518 = tpu.memref_slice %arg9[%dma_start3A_512, %dma_start3A_517] : memref<14x128xi32, #tpu.memory_space<vmem>> -> memref<1x128xi32, #tpu.memory_space<vmem>>
      %dma_start3A_519 = tpu.memref_squeeze %dma_start3A_518 : memref<1x128xi32, #tpu.memory_space<vmem>> -> memref<128xi32, #tpu.memory_space<vmem>>
      %dma_start3A_520 = arith.constant 0 : i32
      %dma_start3A_521 = arith.constant 0 : i32
      %dma_start3A_522 = tpu.memref_slice %arg7[%dma_start3A_520, %dma_start3A_521] : memref<102400x8xf32, #tpu.memory_space<vmem_shared>> -> memref<102400x8xf32, #tpu.memory_space<vmem_shared>>
      tpu.enqueue_indirect_dma source(%dma_start3A_516 : memref<128x8xf32, #tpu.memory_space<vmem>>) target(%dma_start3A_522 : memref<102400x8xf32, #tpu.memory_space<vmem_shared>>) offsets(%dma_start3A_519 : memref<128xi32, #tpu.memory_space<vmem>>) semaphore(%arg13 : memref<!tpu.dma_semaphore, #tpu.memory_space<semaphore_mem>>) {add = true}
      %dma_wait3A_523 = arith.constant 0 : i32
      %dma_wait3A_524 = arith.constant 0 : i32
      %dma_wait3A_525 = arith.constant 0 : i32
      %dma_wait3A_526 = arith.constant 0 : i32
      %dma_wait3A_527 = tpu.memref_slice %arg10[%dma_wait3A_523, %dma_wait3A_525, %dma_wait3A_526] : memref<7x128x8xf32, #tpu.memory_space<vmem>> -> memref<1x128x8xf32, #tpu.memory_space<vmem>>
      %dma_wait3A_528 = tpu.memref_squeeze %dma_wait3A_527 : memref<1x128x8xf32, #tpu.memory_space<vmem>> -> memref<128x8xf32, #tpu.memory_space<vmem>>
      %dma_wait3A_529 = arith.constant 0 : i32
      %dma_wait3A_530 = tpu.memref_slice %arg9[%dma_wait3A_524, %dma_wait3A_529] : memref<14x128xi32, #tpu.memory_space<vmem>> -> memref<1x128xi32, #tpu.memory_space<vmem>>
      %dma_wait3A_531 = tpu.memref_squeeze %dma_wait3A_530 : memref<1x128xi32, #tpu.memory_space<vmem>> -> memref<128xi32, #tpu.memory_space<vmem>>
      %dma_wait3A_532 = arith.constant 0 : i32
      %dma_wait3A_533 = arith.constant 0 : i32
      %dma_wait3A_534 = tpu.memref_slice %arg7[%dma_wait3A_532, %dma_wait3A_533] : memref<102400x8xf32, #tpu.memory_space<vmem_shared>> -> memref<102400x8xf32, #tpu.memory_space<vmem_shared>>
      tpu.wait_indirect_dma semaphore(%arg13 : memref<!tpu.dma_semaphore, #tpu.memory_space<semaphore_mem>>) src(%dma_wait3A_528 : memref<128x8xf32, #tpu.memory_space<vmem>>) dst(%dma_wait3A_534 : memref<102400x8xf32, #tpu.memory_space<vmem_shared>>)
      %dma_wait3A_535 = arith.constant 1 : i32
      %dma_wait3A_536 = arith.constant 1 : i32
      %dma_wait3A_537 = arith.constant 0 : i32
      %dma_wait3A_538 = arith.constant 0 : i32
      %dma_wait3A_539 = tpu.memref_slice %arg10[%dma_wait3A_535, %dma_wait3A_537, %dma_wait3A_538] : memref<7x128x8xf32, #tpu.memory_space<vmem>> -> memref<1x128x8xf32, #tpu.memory_space<vmem>>
      %dma_wait3A_540 = tpu.memref_squeeze %dma_wait3A_539 : memref<1x128x8xf32, #tpu.memory_space<vmem>> -> memref<128x8xf32, #tpu.memory_space<vmem>>
      %dma_wait3A_541 = arith.constant 0 : i32
      %dma_wait3A_542 = tpu.memref_slice %arg9[%dma_wait3A_536, %dma_wait3A_541] : memref<14x128xi32, #tpu.memory_space<vmem>> -> memref<1x128xi32, #tpu.memory_space<vmem>>
      %dma_wait3A_543 = tpu.memref_squeeze %dma_wait3A_542 : memref<1x128xi32, #tpu.memory_space<vmem>> -> memref<128xi32, #tpu.memory_space<vmem>>
      %dma_wait3A_544 = arith.constant 0 : i32
      %dma_wait3A_545 = arith.constant 0 : i32
      %dma_wait3A_546 = tpu.memref_slice %arg7[%dma_wait3A_544, %dma_wait3A_545] : memref<102400x8xf32, #tpu.memory_space<vmem_shared>> -> memref<102400x8xf32, #tpu.memory_space<vmem_shared>>
      tpu.wait_indirect_dma semaphore(%arg13 : memref<!tpu.dma_semaphore, #tpu.memory_space<semaphore_mem>>) src(%dma_wait3A_540 : memref<128x8xf32, #tpu.memory_space<vmem>>) dst(%dma_wait3A_546 : memref<102400x8xf32, #tpu.memory_space<vmem_shared>>)
      %dma_wait3A_547 = arith.constant 2 : i32
      %dma_wait3A_548 = arith.constant 2 : i32
      %dma_wait3A_549 = arith.constant 0 : i32
      %dma_wait3A_550 = arith.constant 0 : i32
      %dma_wait3A_551 = tpu.memref_slice %arg10[%dma_wait3A_547, %dma_wait3A_549, %dma_wait3A_550] : memref<7x128x8xf32, #tpu.memory_space<vmem>> -> memref<1x128x8xf32, #tpu.memory_space<vmem>>
      %dma_wait3A_552 = tpu.memref_squeeze %dma_wait3A_551 : memref<1x128x8xf32, #tpu.memory_space<vmem>> -> memref<128x8xf32, #tpu.memory_space<vmem>>
      %dma_wait3A_553 = arith.constant 0 : i32
      %dma_wait3A_554 = tpu.memref_slice %arg9[%dma_wait3A_548, %dma_wait3A_553] : memref<14x128xi32, #tpu.memory_space<vmem>> -> memref<1x128xi32, #tpu.memory_space<vmem>>
      %dma_wait3A_555 = tpu.memref_squeeze %dma_wait3A_554 : memref<1x128xi32, #tpu.memory_space<vmem>> -> memref<128xi32, #tpu.memory_space<vmem>>
      %dma_wait3A_556 = arith.constant 0 : i32
      %dma_wait3A_557 = arith.constant 0 : i32
      %dma_wait3A_558 = tpu.memref_slice %arg7[%dma_wait3A_556, %dma_wait3A_557] : memref<102400x8xf32, #tpu.memory_space<vmem_shared>> -> memref<102400x8xf32, #tpu.memory_space<vmem_shared>>
      tpu.wait_indirect_dma semaphore(%arg13 : memref<!tpu.dma_semaphore, #tpu.memory_space<semaphore_mem>>) src(%dma_wait3A_552 : memref<128x8xf32, #tpu.memory_space<vmem>>) dst(%dma_wait3A_558 : memref<102400x8xf32, #tpu.memory_space<vmem_shared>>)
      %dma_wait3A_559 = arith.constant 3 : i32
      %dma_wait3A_560 = arith.constant 3 : i32
      %dma_wait3A_561 = arith.constant 0 : i32
      %dma_wait3A_562 = arith.constant 0 : i32
      %dma_wait3A_563 = tpu.memref_slice %arg10[%dma_wait3A_559, %dma_wait3A_561, %dma_wait3A_562] : memref<7x128x8xf32, #tpu.memory_space<vmem>> -> memref<1x128x8xf32, #tpu.memory_space<vmem>>
      %dma_wait3A_564 = tpu.memref_squeeze %dma_wait3A_563 : memref<1x128x8xf32, #tpu.memory_space<vmem>> -> memref<128x8xf32, #tpu.memory_space<vmem>>
      %dma_wait3A_565 = arith.constant 0 : i32
      %dma_wait3A_566 = tpu.memref_slice %arg9[%dma_wait3A_560, %dma_wait3A_565] : memref<14x128xi32, #tpu.memory_space<vmem>> -> memref<1x128xi32, #tpu.memory_space<vmem>>
      %dma_wait3A_567 = tpu.memref_squeeze %dma_wait3A_566 : memref<1x128xi32, #tpu.memory_space<vmem>> -> memref<128xi32, #tpu.memory_space<vmem>>
      %dma_wait3A_568 = arith.constant 0 : i32
      %dma_wait3A_569 = arith.constant 0 : i32
      %dma_wait3A_570 = tpu.memref_slice %arg7[%dma_wait3A_568, %dma_wait3A_569] : memref<102400x8xf32, #tpu.memory_space<vmem_shared>> -> memref<102400x8xf32, #tpu.memory_space<vmem_shared>>
      tpu.wait_indirect_dma semaphore(%arg13 : memref<!tpu.dma_semaphore, #tpu.memory_space<semaphore_mem>>) src(%dma_wait3A_564 : memref<128x8xf32, #tpu.memory_space<vmem>>) dst(%dma_wait3A_570 : memref<102400x8xf32, #tpu.memory_space<vmem_shared>>)
      %dma_wait3A_571 = arith.constant 4 : i32
      %dma_wait3A_572 = arith.constant 4 : i32
      %dma_wait3A_573 = arith.constant 0 : i32
      %dma_wait3A_574 = arith.constant 0 : i32
      %dma_wait3A_575 = tpu.memref_slice %arg10[%dma_wait3A_571, %dma_wait3A_573, %dma_wait3A_574] : memref<7x128x8xf32, #tpu.memory_space<vmem>> -> memref<1x128x8xf32, #tpu.memory_space<vmem>>
      %dma_wait3A_576 = tpu.memref_squeeze %dma_wait3A_575 : memref<1x128x8xf32, #tpu.memory_space<vmem>> -> memref<128x8xf32, #tpu.memory_space<vmem>>
      %dma_wait3A_577 = arith.constant 0 : i32
      %dma_wait3A_578 = tpu.memref_slice %arg9[%dma_wait3A_572, %dma_wait3A_577] : memref<14x128xi32, #tpu.memory_space<vmem>> -> memref<1x128xi32, #tpu.memory_space<vmem>>
      %dma_wait3A_579 = tpu.memref_squeeze %dma_wait3A_578 : memref<1x128xi32, #tpu.memory_space<vmem>> -> memref<128xi32, #tpu.memory_space<vmem>>
      %dma_wait3A_580 = arith.constant 0 : i32
      %dma_wait3A_581 = arith.constant 0 : i32
      %dma_wait3A_582 = tpu.memref_slice %arg7[%dma_wait3A_580, %dma_wait3A_581] : memref<102400x8xf32, #tpu.memory_space<vmem_shared>> -> memref<102400x8xf32, #tpu.memory_space<vmem_shared>>
      tpu.wait_indirect_dma semaphore(%arg13 : memref<!tpu.dma_semaphore, #tpu.memory_space<semaphore_mem>>) src(%dma_wait3A_576 : memref<128x8xf32, #tpu.memory_space<vmem>>) dst(%dma_wait3A_582 : memref<102400x8xf32, #tpu.memory_space<vmem_shared>>)
      %dma_wait3A_583 = arith.constant 5 : i32
      %dma_wait3A_584 = arith.constant 5 : i32
      %dma_wait3A_585 = arith.constant 0 : i32
      %dma_wait3A_586 = arith.constant 0 : i32
      %dma_wait3A_587 = tpu.memref_slice %arg10[%dma_wait3A_583, %dma_wait3A_585, %dma_wait3A_586] : memref<7x128x8xf32, #tpu.memory_space<vmem>> -> memref<1x128x8xf32, #tpu.memory_space<vmem>>
      %dma_wait3A_588 = tpu.memref_squeeze %dma_wait3A_587 : memref<1x128x8xf32, #tpu.memory_space<vmem>> -> memref<128x8xf32, #tpu.memory_space<vmem>>
      %dma_wait3A_589 = arith.constant 0 : i32
      %dma_wait3A_590 = tpu.memref_slice %arg9[%dma_wait3A_584, %dma_wait3A_589] : memref<14x128xi32, #tpu.memory_space<vmem>> -> memref<1x128xi32, #tpu.memory_space<vmem>>
      %dma_wait3A_591 = tpu.memref_squeeze %dma_wait3A_590 : memref<1x128xi32, #tpu.memory_space<vmem>> -> memref<128xi32, #tpu.memory_space<vmem>>
      %dma_wait3A_592 = arith.constant 0 : i32
      %dma_wait3A_593 = arith.constant 0 : i32
      %dma_wait3A_594 = tpu.memref_slice %arg7[%dma_wait3A_592, %dma_wait3A_593] : memref<102400x8xf32, #tpu.memory_space<vmem_shared>> -> memref<102400x8xf32, #tpu.memory_space<vmem_shared>>
      tpu.wait_indirect_dma semaphore(%arg13 : memref<!tpu.dma_semaphore, #tpu.memory_space<semaphore_mem>>) src(%dma_wait3A_588 : memref<128x8xf32, #tpu.memory_space<vmem>>) dst(%dma_wait3A_594 : memref<102400x8xf32, #tpu.memory_space<vmem_shared>>)
      %dma_wait3A_595 = arith.constant 6 : i32
      %dma_wait3A_596 = arith.constant 6 : i32
      %dma_wait3A_597 = arith.constant 0 : i32
      %dma_wait3A_598 = arith.constant 0 : i32
      %dma_wait3A_599 = tpu.memref_slice %arg10[%dma_wait3A_595, %dma_wait3A_597, %dma_wait3A_598] : memref<7x128x8xf32, #tpu.memory_space<vmem>> -> memref<1x128x8xf32, #tpu.memory_space<vmem>>
      %dma_wait3A_600 = tpu.memref_squeeze %dma_wait3A_599 : memref<1x128x8xf32, #tpu.memory_space<vmem>> -> memref<128x8xf32, #tpu.memory_space<vmem>>
      %dma_wait3A_601 = arith.constant 0 : i32
      %dma_wait3A_602 = tpu.memref_slice %arg9[%dma_wait3A_596, %dma_wait3A_601] : memref<14x128xi32, #tpu.memory_space<vmem>> -> memref<1x128xi32, #tpu.memory_space<vmem>>
      %dma_wait3A_603 = tpu.memref_squeeze %dma_wait3A_602 : memref<1x128xi32, #tpu.memory_space<vmem>> -> memref<128xi32, #tpu.memory_space<vmem>>
      %dma_wait3A_604 = arith.constant 0 : i32
      %dma_wait3A_605 = arith.constant 0 : i32
      %dma_wait3A_606 = tpu.memref_slice %arg7[%dma_wait3A_604, %dma_wait3A_605] : memref<102400x8xf32, #tpu.memory_space<vmem_shared>> -> memref<102400x8xf32, #tpu.memory_space<vmem_shared>>
      tpu.wait_indirect_dma semaphore(%arg13 : memref<!tpu.dma_semaphore, #tpu.memory_space<semaphore_mem>>) src(%dma_wait3A_600 : memref<128x8xf32, #tpu.memory_space<vmem>>) dst(%dma_wait3A_606 : memref<102400x8xf32, #tpu.memory_space<vmem_shared>>)
      %dma_wait3A_607 = arith.constant 0 : i32
      %dma_wait3A_608 = arith.constant 7 : i32
      %dma_wait3A_609 = arith.constant 0 : i32
      %dma_wait3A_610 = arith.constant 0 : i32
      %dma_wait3A_611 = tpu.memref_slice %arg11[%dma_wait3A_607, %dma_wait3A_609, %dma_wait3A_610] : memref<7x128x8xf32, #tpu.memory_space<vmem>> -> memref<1x128x8xf32, #tpu.memory_space<vmem>>
      %dma_wait3A_612 = tpu.memref_squeeze %dma_wait3A_611 : memref<1x128x8xf32, #tpu.memory_space<vmem>> -> memref<128x8xf32, #tpu.memory_space<vmem>>
      %dma_wait3A_613 = arith.constant 0 : i32
      %dma_wait3A_614 = tpu.memref_slice %arg9[%dma_wait3A_608, %dma_wait3A_613] : memref<14x128xi32, #tpu.memory_space<vmem>> -> memref<1x128xi32, #tpu.memory_space<vmem>>
      %dma_wait3A_615 = tpu.memref_squeeze %dma_wait3A_614 : memref<1x128xi32, #tpu.memory_space<vmem>> -> memref<128xi32, #tpu.memory_space<vmem>>
      %dma_wait3A_616 = arith.constant 0 : i32
      %dma_wait3A_617 = arith.constant 0 : i32
      %dma_wait3A_618 = tpu.memref_slice %arg7[%dma_wait3A_616, %dma_wait3A_617] : memref<102400x8xf32, #tpu.memory_space<vmem_shared>> -> memref<102400x8xf32, #tpu.memory_space<vmem_shared>>
      tpu.wait_indirect_dma semaphore(%arg13 : memref<!tpu.dma_semaphore, #tpu.memory_space<semaphore_mem>>) src(%dma_wait3A_612 : memref<128x8xf32, #tpu.memory_space<vmem>>) dst(%dma_wait3A_618 : memref<102400x8xf32, #tpu.memory_space<vmem_shared>>)
      %dma_wait3A_619 = arith.constant 1 : i32
      %dma_wait3A_620 = arith.constant 8 : i32
      %dma_wait3A_621 = arith.constant 0 : i32
      %dma_wait3A_622 = arith.constant 0 : i32
      %dma_wait3A_623 = tpu.memref_slice %arg11[%dma_wait3A_619, %dma_wait3A_621, %dma_wait3A_622] : memref<7x128x8xf32, #tpu.memory_space<vmem>> -> memref<1x128x8xf32, #tpu.memory_space<vmem>>
      %dma_wait3A_624 = tpu.memref_squeeze %dma_wait3A_623 : memref<1x128x8xf32, #tpu.memory_space<vmem>> -> memref<128x8xf32, #tpu.memory_space<vmem>>
      %dma_wait3A_625 = arith.constant 0 : i32
      %dma_wait3A_626 = tpu.memref_slice %arg9[%dma_wait3A_620, %dma_wait3A_625] : memref<14x128xi32, #tpu.memory_space<vmem>> -> memref<1x128xi32, #tpu.memory_space<vmem>>
      %dma_wait3A_627 = tpu.memref_squeeze %dma_wait3A_626 : memref<1x128xi32, #tpu.memory_space<vmem>> -> memref<128xi32, #tpu.memory_space<vmem>>
      %dma_wait3A_628 = arith.constant 0 : i32
      %dma_wait3A_629 = arith.constant 0 : i32
      %dma_wait3A_630 = tpu.memref_slice %arg7[%dma_wait3A_628, %dma_wait3A_629] : memref<102400x8xf32, #tpu.memory_space<vmem_shared>> -> memref<102400x8xf32, #tpu.memory_space<vmem_shared>>
      tpu.wait_indirect_dma semaphore(%arg13 : memref<!tpu.dma_semaphore, #tpu.memory_space<semaphore_mem>>) src(%dma_wait3A_624 : memref<128x8xf32, #tpu.memory_space<vmem>>) dst(%dma_wait3A_630 : memref<102400x8xf32, #tpu.memory_space<vmem_shared>>)
      %dma_wait3A_631 = arith.constant 2 : i32
      %dma_wait3A_632 = arith.constant 9 : i32
      %dma_wait3A_633 = arith.constant 0 : i32
      %dma_wait3A_634 = arith.constant 0 : i32
      %dma_wait3A_635 = tpu.memref_slice %arg11[%dma_wait3A_631, %dma_wait3A_633, %dma_wait3A_634] : memref<7x128x8xf32, #tpu.memory_space<vmem>> -> memref<1x128x8xf32, #tpu.memory_space<vmem>>
      %dma_wait3A_636 = tpu.memref_squeeze %dma_wait3A_635 : memref<1x128x8xf32, #tpu.memory_space<vmem>> -> memref<128x8xf32, #tpu.memory_space<vmem>>
      %dma_wait3A_637 = arith.constant 0 : i32
      %dma_wait3A_638 = tpu.memref_slice %arg9[%dma_wait3A_632, %dma_wait3A_637] : memref<14x128xi32, #tpu.memory_space<vmem>> -> memref<1x128xi32, #tpu.memory_space<vmem>>
      %dma_wait3A_639 = tpu.memref_squeeze %dma_wait3A_638 : memref<1x128xi32, #tpu.memory_space<vmem>> -> memref<128xi32, #tpu.memory_space<vmem>>
      %dma_wait3A_640 = arith.constant 0 : i32
      %dma_wait3A_641 = arith.constant 0 : i32
      %dma_wait3A_642 = tpu.memref_slice %arg7[%dma_wait3A_640, %dma_wait3A_641] : memref<102400x8xf32, #tpu.memory_space<vmem_shared>> -> memref<102400x8xf32, #tpu.memory_space<vmem_shared>>
      tpu.wait_indirect_dma semaphore(%arg13 : memref<!tpu.dma_semaphore, #tpu.memory_space<semaphore_mem>>) src(%dma_wait3A_636 : memref<128x8xf32, #tpu.memory_space<vmem>>) dst(%dma_wait3A_642 : memref<102400x8xf32, #tpu.memory_space<vmem_shared>>)
      %dma_wait3A_643 = arith.constant 3 : i32
      %dma_wait3A_644 = arith.constant 10 : i32
      %dma_wait3A_645 = arith.constant 0 : i32
      %dma_wait3A_646 = arith.constant 0 : i32
      %dma_wait3A_647 = tpu.memref_slice %arg11[%dma_wait3A_643, %dma_wait3A_645, %dma_wait3A_646] : memref<7x128x8xf32, #tpu.memory_space<vmem>> -> memref<1x128x8xf32, #tpu.memory_space<vmem>>
      %dma_wait3A_648 = tpu.memref_squeeze %dma_wait3A_647 : memref<1x128x8xf32, #tpu.memory_space<vmem>> -> memref<128x8xf32, #tpu.memory_space<vmem>>
      %dma_wait3A_649 = arith.constant 0 : i32
      %dma_wait3A_650 = tpu.memref_slice %arg9[%dma_wait3A_644, %dma_wait3A_649] : memref<14x128xi32, #tpu.memory_space<vmem>> -> memref<1x128xi32, #tpu.memory_space<vmem>>
      %dma_wait3A_651 = tpu.memref_squeeze %dma_wait3A_650 : memref<1x128xi32, #tpu.memory_space<vmem>> -> memref<128xi32, #tpu.memory_space<vmem>>
      %dma_wait3A_652 = arith.constant 0 : i32
      %dma_wait3A_653 = arith.constant 0 : i32
      %dma_wait3A_654 = tpu.memref_slice %arg7[%dma_wait3A_652, %dma_wait3A_653] : memref<102400x8xf32, #tpu.memory_space<vmem_shared>> -> memref<102400x8xf32, #tpu.memory_space<vmem_shared>>
      tpu.wait_indirect_dma semaphore(%arg13 : memref<!tpu.dma_semaphore, #tpu.memory_space<semaphore_mem>>) src(%dma_wait3A_648 : memref<128x8xf32, #tpu.memory_space<vmem>>) dst(%dma_wait3A_654 : memref<102400x8xf32, #tpu.memory_space<vmem_shared>>)
      %dma_wait3A_655 = arith.constant 4 : i32
      %dma_wait3A_656 = arith.constant 11 : i32
      %dma_wait3A_657 = arith.constant 0 : i32
      %dma_wait3A_658 = arith.constant 0 : i32
      %dma_wait3A_659 = tpu.memref_slice %arg11[%dma_wait3A_655, %dma_wait3A_657, %dma_wait3A_658] : memref<7x128x8xf32, #tpu.memory_space<vmem>> -> memref<1x128x8xf32, #tpu.memory_space<vmem>>
      %dma_wait3A_660 = tpu.memref_squeeze %dma_wait3A_659 : memref<1x128x8xf32, #tpu.memory_space<vmem>> -> memref<128x8xf32, #tpu.memory_space<vmem>>
      %dma_wait3A_661 = arith.constant 0 : i32
      %dma_wait3A_662 = tpu.memref_slice %arg9[%dma_wait3A_656, %dma_wait3A_661] : memref<14x128xi32, #tpu.memory_space<vmem>> -> memref<1x128xi32, #tpu.memory_space<vmem>>
      %dma_wait3A_663 = tpu.memref_squeeze %dma_wait3A_662 : memref<1x128xi32, #tpu.memory_space<vmem>> -> memref<128xi32, #tpu.memory_space<vmem>>
      %dma_wait3A_664 = arith.constant 0 : i32
      %dma_wait3A_665 = arith.constant 0 : i32
      %dma_wait3A_666 = tpu.memref_slice %arg7[%dma_wait3A_664, %dma_wait3A_665] : memref<102400x8xf32, #tpu.memory_space<vmem_shared>> -> memref<102400x8xf32, #tpu.memory_space<vmem_shared>>
      tpu.wait_indirect_dma semaphore(%arg13 : memref<!tpu.dma_semaphore, #tpu.memory_space<semaphore_mem>>) src(%dma_wait3A_660 : memref<128x8xf32, #tpu.memory_space<vmem>>) dst(%dma_wait3A_666 : memref<102400x8xf32, #tpu.memory_space<vmem_shared>>)
      %dma_wait3A_667 = arith.constant 5 : i32
      %dma_wait3A_668 = arith.constant 12 : i32
      %dma_wait3A_669 = arith.constant 0 : i32
      %dma_wait3A_670 = arith.constant 0 : i32
      %dma_wait3A_671 = tpu.memref_slice %arg11[%dma_wait3A_667, %dma_wait3A_669, %dma_wait3A_670] : memref<7x128x8xf32, #tpu.memory_space<vmem>> -> memref<1x128x8xf32, #tpu.memory_space<vmem>>
      %dma_wait3A_672 = tpu.memref_squeeze %dma_wait3A_671 : memref<1x128x8xf32, #tpu.memory_space<vmem>> -> memref<128x8xf32, #tpu.memory_space<vmem>>
      %dma_wait3A_673 = arith.constant 0 : i32
      %dma_wait3A_674 = tpu.memref_slice %arg9[%dma_wait3A_668, %dma_wait3A_673] : memref<14x128xi32, #tpu.memory_space<vmem>> -> memref<1x128xi32, #tpu.memory_space<vmem>>
      %dma_wait3A_675 = tpu.memref_squeeze %dma_wait3A_674 : memref<1x128xi32, #tpu.memory_space<vmem>> -> memref<128xi32, #tpu.memory_space<vmem>>
      %dma_wait3A_676 = arith.constant 0 : i32
      %dma_wait3A_677 = arith.constant 0 : i32
      %dma_wait3A_678 = tpu.memref_slice %arg7[%dma_wait3A_676, %dma_wait3A_677] : memref<102400x8xf32, #tpu.memory_space<vmem_shared>> -> memref<102400x8xf32, #tpu.memory_space<vmem_shared>>
      tpu.wait_indirect_dma semaphore(%arg13 : memref<!tpu.dma_semaphore, #tpu.memory_space<semaphore_mem>>) src(%dma_wait3A_672 : memref<128x8xf32, #tpu.memory_space<vmem>>) dst(%dma_wait3A_678 : memref<102400x8xf32, #tpu.memory_space<vmem_shared>>)
      %dma_wait3A_679 = arith.constant 6 : i32
      %dma_wait3A_680 = arith.constant 13 : i32
      %dma_wait3A_681 = arith.constant 0 : i32
      %dma_wait3A_682 = arith.constant 0 : i32
      %dma_wait3A_683 = tpu.memref_slice %arg11[%dma_wait3A_679, %dma_wait3A_681, %dma_wait3A_682] : memref<7x128x8xf32, #tpu.memory_space<vmem>> -> memref<1x128x8xf32, #tpu.memory_space<vmem>>
      %dma_wait3A_684 = tpu.memref_squeeze %dma_wait3A_683 : memref<1x128x8xf32, #tpu.memory_space<vmem>> -> memref<128x8xf32, #tpu.memory_space<vmem>>
      %dma_wait3A_685 = arith.constant 0 : i32
      %dma_wait3A_686 = tpu.memref_slice %arg9[%dma_wait3A_680, %dma_wait3A_685] : memref<14x128xi32, #tpu.memory_space<vmem>> -> memref<1x128xi32, #tpu.memory_space<vmem>>
      %dma_wait3A_687 = tpu.memref_squeeze %dma_wait3A_686 : memref<1x128xi32, #tpu.memory_space<vmem>> -> memref<128xi32, #tpu.memory_space<vmem>>
      %dma_wait3A_688 = arith.constant 0 : i32
      %dma_wait3A_689 = arith.constant 0 : i32
      %dma_wait3A_690 = tpu.memref_slice %arg7[%dma_wait3A_688, %dma_wait3A_689] : memref<102400x8xf32, #tpu.memory_space<vmem_shared>> -> memref<102400x8xf32, #tpu.memory_space<vmem_shared>>
      tpu.wait_indirect_dma semaphore(%arg13 : memref<!tpu.dma_semaphore, #tpu.memory_space<semaphore_mem>>) src(%dma_wait3A_684 : memref<128x8xf32, #tpu.memory_space<vmem>>) dst(%dma_wait3A_690 : memref<102400x8xf32, #tpu.memory_space<vmem_shared>>)
    }
    %scan3A_11 = arith.constant 56 : i32
    %barrier3A_12 = arith.constant 0 : index
    tpu.barrier barrier_id(%barrier3A_12)
    %mul3A_13 = arith.constant 6400 : i32
    %mul3A_14 = arith.muli %arg1, %mul3A_13 : i32
    %mul3A_15 = arith.constant 6400 : i32
    %mul3A_16 = arith.muli %arg1, %mul3A_15 : i32
    "tpu.region"() ({
      %run_scoped3A = tpu.sem_alloc : memref<!tpu.dma_semaphore, #tpu.memory_space<semaphore_mem>>
      %dma_start3A = arith.constant 0 : i32
      %dma_start3A_17 = tpu.memref_slice %arg6[%arg0, %mul3A_16, %dma_start3A] : memref<2x102400x8xf32, #tpu.memory_space<hbm>> -> memref<1x6400x8xf32, #tpu.memory_space<hbm>>
      %dma_start3A_18 = tpu.memref_squeeze %dma_start3A_17 : memref<1x6400x8xf32, #tpu.memory_space<hbm>> -> memref<6400x8xf32, #tpu.memory_space<hbm>>
      %dma_start3A_19 = arith.constant 0 : i32
      %dma_start3A_20 = tpu.memref_slice %arg7[%mul3A_14, %dma_start3A_19] : memref<102400x8xf32, #tpu.memory_space<vmem_shared>> -> memref<6400x8xf32, #tpu.memory_space<vmem_shared>>
      tpu.enqueue_dma source(%dma_start3A_20 : memref<6400x8xf32, #tpu.memory_space<vmem_shared>>) target(%dma_start3A_18 : memref<6400x8xf32, #tpu.memory_space<hbm>>) target_semaphore(%run_scoped3A : memref<!tpu.dma_semaphore, #tpu.memory_space<semaphore_mem>>)
      %dma_wait3A = arith.constant 0 : i32
      %dma_wait3A_21 = tpu.memref_slice %arg6[%arg0, %mul3A_16, %dma_wait3A] : memref<2x102400x8xf32, #tpu.memory_space<hbm>> -> memref<1x6400x8xf32, #tpu.memory_space<hbm>>
      %dma_wait3A_22 = tpu.memref_squeeze %dma_wait3A_21 : memref<1x6400x8xf32, #tpu.memory_space<hbm>> -> memref<6400x8xf32, #tpu.memory_space<hbm>>
      %dma_wait3A_23 = arith.constant 0 : i32
      %dma_wait3A_24 = tpu.memref_slice %arg7[%mul3A_14, %dma_wait3A_23] : memref<102400x8xf32, #tpu.memory_space<vmem_shared>> -> memref<6400x8xf32, #tpu.memory_space<vmem_shared>>
      tpu.wait_dma2 semaphore(%run_scoped3A : memref<!tpu.dma_semaphore, #tpu.memory_space<semaphore_mem>>) src(%dma_wait3A_24 : memref<6400x8xf32, #tpu.memory_space<vmem_shared>>) dst(%dma_wait3A_22 : memref<6400x8xf32, #tpu.memory_space<hbm>>)
      tpu.yield
    }) : () -> ()
    return
  }
}

#map = affine_map<(d0, d1) -> (0, 0)>
#map1 = affine_map<(d0, d1) -> (0, 0, 0)>
module attributes {stable_mosaic.version = 14 : i64} {
  func.func @seg(%arg0: i32, %arg1: i32, %arg2: memref<25088x128xi32, #tpu.memory_space<hbm>>, %arg3: memref<25088x128xi32, #tpu.memory_space<hbm>>, %arg4: memref<102400x8xf32, #tpu.memory_space<hbm>>, %arg5: memref<102400x8xf32, #tpu.memory_space<hbm>>, %arg6: memref<2x102400x8xf32, #tpu.memory_space<hbm>>, %arg7: memref<102400x8xf32, #tpu.memory_space<vmem_shared>>, %arg8: memref<14x128xi32, #tpu.memory_space<vmem>>, %arg9: memref<14x128xi32, #tpu.memory_space<vmem>>, %arg10: memref<7x128x8xf32, #tpu.memory_space<vmem>>, %arg11: memref<7x128x8xf32, #tpu.memory_space<vmem>>, %arg12: memref<!tpu.dma_semaphore, #tpu.memory_space<semaphore_mem>>, %arg13: memref<!tpu.dma_semaphore, #tpu.memory_space<semaphore_mem>>) attributes {dimension_semantics = [#tpu.dimension_semantics<core_parallel>, #tpu.dimension_semantics<subcore_parallel>], iteration_bounds = array<i64: 2, 16>, scalar_prefetch = 0 : i64, scratch_operands = 7 : i64, tpu.core_type = #tpu.core_type<sc_vector_subcore>, window_params = [{transform_indices = #map}, {transform_indices = #map}, {transform_indices = #map}, {transform_indices = #map}, {transform_indices = #map1}]} {
    %mul3A = arith.constant 2 : i32
    %mul3A_0 = arith.muli %arg1, %mul3A : i32
    %add3A = arith.addi %mul3A_0, %arg0 : i32
    %mul3A_1 = arith.constant 6400 : i32
    %mul3A_2 = arith.muli %arg1, %mul3A_1 : i32
    %mul3A_3 = arith.constant 6400 : i32
    %mul3A_4 = arith.muli %arg1, %mul3A_3 : i32
    "tpu.region"() ({
      %run_scoped3A = tpu.sem_alloc : memref<!tpu.dma_semaphore, #tpu.memory_space<semaphore_mem>>
      %dma_start3A = arith.constant 0 : i32
      %dma_start3A_17 = tpu.memref_slice %arg7[%mul3A_4, %dma_start3A] : memref<102400x8xf32, #tpu.memory_space<vmem_shared>> -> memref<6400x8xf32, #tpu.memory_space<vmem_shared>>
      %dma_start3A_18 = arith.constant 0 : i32
      %dma_start3A_19 = tpu.memref_slice %arg5[%mul3A_2, %dma_start3A_18] : memref<102400x8xf32, #tpu.memory_space<hbm>> -> memref<6400x8xf32, #tpu.memory_space<hbm>>
      tpu.enqueue_dma source(%dma_start3A_19 : memref<6400x8xf32, #tpu.memory_space<hbm>>) target(%dma_start3A_17 : memref<6400x8xf32, #tpu.memory_space<vmem_shared>>) target_semaphore(%run_scoped3A : memref<!tpu.dma_semaphore, #tpu.memory_space<semaphore_mem>>)
      %dma_wait3A = arith.constant 0 : i32
      %dma_wait3A_20 = tpu.memref_slice %arg7[%mul3A_4, %dma_wait3A] : memref<102400x8xf32, #tpu.memory_space<vmem_shared>> -> memref<6400x8xf32, #tpu.memory_space<vmem_shared>>
      %dma_wait3A_21 = arith.constant 0 : i32
      %dma_wait3A_22 = tpu.memref_slice %arg5[%mul3A_2, %dma_wait3A_21] : memref<102400x8xf32, #tpu.memory_space<hbm>> -> memref<6400x8xf32, #tpu.memory_space<hbm>>
      tpu.wait_dma2 semaphore(%run_scoped3A : memref<!tpu.dma_semaphore, #tpu.memory_space<semaphore_mem>>) src(%dma_wait3A_22 : memref<6400x8xf32, #tpu.memory_space<hbm>>) dst(%dma_wait3A_20 : memref<6400x8xf32, #tpu.memory_space<vmem_shared>>)
      tpu.yield
    }) : () -> ()
    %barrier3A = arith.constant 0 : index
    tpu.barrier barrier_id(%barrier3A)
    %mul3A_5 = arith.constant 784 : i32
    %mul3A_6 = arith.muli %add3A, %mul3A_5 : i32
    %scan3A = arith.constant 0 : i32
    %scan3A_7 = arith.constant 0 : i32
    %scan3A_8 = arith.constant 56 : i32
    %scan3A_9 = arith.addi %scan3A_7, %scan3A_8 : i32
    %scan3A_10 = arith.constant 1 : i32
    scf.for %scan3A_17 = %scan3A_7 to %scan3A_9 step %scan3A_10  : i32 {
      %mul3A_18 = arith.constant 14 : i32
      %mul3A_19 = arith.muli %scan3A_17, %mul3A_18 : i32
      %add3A_20 = arith.addi %mul3A_6, %mul3A_19 : i32
      "tpu.region"() ({
        %run_scoped3A = tpu.sem_alloc : memref<!tpu.dma_semaphore, #tpu.memory_space<semaphore_mem>>
        %dma_start3A_691 = arith.constant 0 : i32
        %dma_start3A_692 = tpu.memref_slice %arg2[%add3A_20, %dma_start3A_691] : memref<25088x128xi32, #tpu.memory_space<hbm>> -> memref<14x128xi32, #tpu.memory_space<hbm>>
        %dma_start3A_693 = arith.constant 0 : i32
        %dma_start3A_694 = tpu.memref_slice %arg2[%add3A_20, %dma_start3A_693] : memref<25088x128xi32, #tpu.memory_space<hbm>> -> memref<14x128xi32, #tpu.memory_space<hbm>>
        tpu.enqueue_dma source(%dma_start3A_694 : memref<14x128xi32, #tpu.memory_space<hbm>>) target(%arg8 : memref<14x128xi32, #tpu.memory_space<vmem>>) target_semaphore(%run_scoped3A : memref<!tpu.dma_semaphore, #tpu.memory_space<semaphore_mem>>)
        %dma_wait3A_695 = arith.constant 0 : i32
        %dma_wait3A_696 = tpu.memref_slice %arg2[%add3A_20, %dma_wait3A_695] : memref<25088x128xi32, #tpu.memory_space<hbm>> -> memref<14x128xi32, #tpu.memory_space<hbm>>
        %dma_wait3A_697 = arith.constant 0 : i32
        %dma_wait3A_698 = tpu.memref_slice %arg2[%add3A_20, %dma_wait3A_697] : memref<25088x128xi32, #tpu.memory_space<hbm>> -> memref<14x128xi32, #tpu.memory_space<hbm>>
        tpu.wait_dma2 semaphore(%run_scoped3A : memref<!tpu.dma_semaphore, #tpu.memory_space<semaphore_mem>>) src(%dma_wait3A_698 : memref<14x128xi32, #tpu.memory_space<hbm>>) dst(%arg8 : memref<14x128xi32, #tpu.memory_space<vmem>>)
        tpu.yield
      }) : () -> ()
      "tpu.region"() ({
        %run_scoped3A = tpu.sem_alloc : memref<!tpu.dma_semaphore, #tpu.memory_space<semaphore_mem>>
        %dma_start3A_691 = arith.constant 0 : i32
        %dma_start3A_692 = tpu.memref_slice %arg3[%add3A_20, %dma_start3A_691] : memref<25088x128xi32, #tpu.memory_space<hbm>> -> memref<14x128xi32, #tpu.memory_space<hbm>>
        %dma_start3A_693 = arith.constant 0 : i32
        %dma_start3A_694 = tpu.memref_slice %arg3[%add3A_20, %dma_start3A_693] : memref<25088x128xi32, #tpu.memory_space<hbm>> -> memref<14x128xi32, #tpu.memory_space<hbm>>
        tpu.enqueue_dma source(%dma_start3A_694 : memref<14x128xi32, #tpu.memory_space<hbm>>) target(%arg9 : memref<14x128xi32, #tpu.memory_space<vmem>>) target_semaphore(%run_scoped3A : memref<!tpu.dma_semaphore, #tpu.memory_space<semaphore_mem>>)
        %dma_wait3A_695 = arith.constant 0 : i32
        %dma_wait3A_696 = tpu.memref_slice %arg3[%add3A_20, %dma_wait3A_695] : memref<25088x128xi32, #tpu.memory_space<hbm>> -> memref<14x128xi32, #tpu.memory_space<hbm>>
        %dma_wait3A_697 = arith.constant 0 : i32
        %dma_wait3A_698 = tpu.memref_slice %arg3[%add3A_20, %dma_wait3A_697] : memref<25088x128xi32, #tpu.memory_space<hbm>> -> memref<14x128xi32, #tpu.memory_space<hbm>>
        tpu.wait_dma2 semaphore(%run_scoped3A : memref<!tpu.dma_semaphore, #tpu.memory_space<semaphore_mem>>) src(%dma_wait3A_698 : memref<14x128xi32, #tpu.memory_space<hbm>>) dst(%arg9 : memref<14x128xi32, #tpu.memory_space<vmem>>)
        tpu.yield
      }) : () -> ()
      %dma_start3A = arith.constant 0 : i32
      %dma_start3A_21 = arith.constant 0 : i32
      %dma_start3A_22 = arith.constant 0 : i32
      %dma_start3A_23 = arith.constant 0 : i32
      %dma_start3A_24 = tpu.memref_slice %arg10[%dma_start3A_21, %dma_start3A_22, %dma_start3A_23] : memref<7x128x8xf32, #tpu.memory_space<vmem>> -> memref<1x128x8xf32, #tpu.memory_space<vmem>>
      %dma_start3A_25 = tpu.memref_squeeze %dma_start3A_24 : memref<1x128x8xf32, #tpu.memory_space<vmem>> -> memref<128x8xf32, #tpu.memory_space<vmem>>
      %dma_start3A_26 = arith.constant 0 : i32
      %dma_start3A_27 = tpu.memref_slice %arg8[%dma_start3A, %dma_start3A_26] : memref<14x128xi32, #tpu.memory_space<vmem>> -> memref<1x128xi32, #tpu.memory_space<vmem>>
      %dma_start3A_28 = tpu.memref_squeeze %dma_start3A_27 : memref<1x128xi32, #tpu.memory_space<vmem>> -> memref<128xi32, #tpu.memory_space<vmem>>
      %dma_start3A_29 = arith.constant 0 : i32
      %dma_start3A_30 = arith.constant 0 : i32
      %dma_start3A_31 = tpu.memref_slice %arg4[%dma_start3A_29, %dma_start3A_30] : memref<102400x8xf32, #tpu.memory_space<hbm>> -> memref<102400x8xf32, #tpu.memory_space<hbm>>
      tpu.enqueue_indirect_dma source(%dma_start3A_31 : memref<102400x8xf32, #tpu.memory_space<hbm>>) target(%dma_start3A_25 : memref<128x8xf32, #tpu.memory_space<vmem>>) offsets(%dma_start3A_28 : memref<128xi32, #tpu.memory_space<vmem>>) semaphore(%arg12 : memref<!tpu.dma_semaphore, #tpu.memory_space<semaphore_mem>>)
      %dma_start3A_32 = arith.constant 1 : i32
      %dma_start3A_33 = arith.constant 1 : i32
      %dma_start3A_34 = arith.constant 0 : i32
      %dma_start3A_35 = arith.constant 0 : i32
      %dma_start3A_36 = tpu.memref_slice %arg10[%dma_start3A_33, %dma_start3A_34, %dma_start3A_35] : memref<7x128x8xf32, #tpu.memory_space<vmem>> -> memref<1x128x8xf32, #tpu.memory_space<vmem>>
      %dma_start3A_37 = tpu.memref_squeeze %dma_start3A_36 : memref<1x128x8xf32, #tpu.memory_space<vmem>> -> memref<128x8xf32, #tpu.memory_space<vmem>>
      %dma_start3A_38 = arith.constant 0 : i32
      %dma_start3A_39 = tpu.memref_slice %arg8[%dma_start3A_32, %dma_start3A_38] : memref<14x128xi32, #tpu.memory_space<vmem>> -> memref<1x128xi32, #tpu.memory_space<vmem>>
      %dma_start3A_40 = tpu.memref_squeeze %dma_start3A_39 : memref<1x128xi32, #tpu.memory_space<vmem>> -> memref<128xi32, #tpu.memory_space<vmem>>
      %dma_start3A_41 = arith.constant 0 : i32
      %dma_start3A_42 = arith.constant 0 : i32
      %dma_start3A_43 = tpu.memref_slice %arg4[%dma_start3A_41, %dma_start3A_42] : memref<102400x8xf32, #tpu.memory_space<hbm>> -> memref<102400x8xf32, #tpu.memory_space<hbm>>
      tpu.enqueue_indirect_dma source(%dma_start3A_43 : memref<102400x8xf32, #tpu.memory_space<hbm>>) target(%dma_start3A_37 : memref<128x8xf32, #tpu.memory_space<vmem>>) offsets(%dma_start3A_40 : memref<128xi32, #tpu.memory_space<vmem>>) semaphore(%arg12 : memref<!tpu.dma_semaphore, #tpu.memory_space<semaphore_mem>>)
      %dma_start3A_44 = arith.constant 2 : i32
      %dma_start3A_45 = arith.constant 2 : i32
      %dma_start3A_46 = arith.constant 0 : i32
      %dma_start3A_47 = arith.constant 0 : i32
      %dma_start3A_48 = tpu.memref_slice %arg10[%dma_start3A_45, %dma_start3A_46, %dma_start3A_47] : memref<7x128x8xf32, #tpu.memory_space<vmem>> -> memref<1x128x8xf32, #tpu.memory_space<vmem>>
      %dma_start3A_49 = tpu.memref_squeeze %dma_start3A_48 : memref<1x128x8xf32, #tpu.memory_space<vmem>> -> memref<128x8xf32, #tpu.memory_space<vmem>>
      %dma_start3A_50 = arith.constant 0 : i32
      %dma_start3A_51 = tpu.memref_slice %arg8[%dma_start3A_44, %dma_start3A_50] : memref<14x128xi32, #tpu.memory_space<vmem>> -> memref<1x128xi32, #tpu.memory_space<vmem>>
      %dma_start3A_52 = tpu.memref_squeeze %dma_start3A_51 : memref<1x128xi32, #tpu.memory_space<vmem>> -> memref<128xi32, #tpu.memory_space<vmem>>
      %dma_start3A_53 = arith.constant 0 : i32
      %dma_start3A_54 = arith.constant 0 : i32
      %dma_start3A_55 = tpu.memref_slice %arg4[%dma_start3A_53, %dma_start3A_54] : memref<102400x8xf32, #tpu.memory_space<hbm>> -> memref<102400x8xf32, #tpu.memory_space<hbm>>
      tpu.enqueue_indirect_dma source(%dma_start3A_55 : memref<102400x8xf32, #tpu.memory_space<hbm>>) target(%dma_start3A_49 : memref<128x8xf32, #tpu.memory_space<vmem>>) offsets(%dma_start3A_52 : memref<128xi32, #tpu.memory_space<vmem>>) semaphore(%arg12 : memref<!tpu.dma_semaphore, #tpu.memory_space<semaphore_mem>>)
      %dma_start3A_56 = arith.constant 3 : i32
      %dma_start3A_57 = arith.constant 3 : i32
      %dma_start3A_58 = arith.constant 0 : i32
      %dma_start3A_59 = arith.constant 0 : i32
      %dma_start3A_60 = tpu.memref_slice %arg10[%dma_start3A_57, %dma_start3A_58, %dma_start3A_59] : memref<7x128x8xf32, #tpu.memory_space<vmem>> -> memref<1x128x8xf32, #tpu.memory_space<vmem>>
      %dma_start3A_61 = tpu.memref_squeeze %dma_start3A_60 : memref<1x128x8xf32, #tpu.memory_space<vmem>> -> memref<128x8xf32, #tpu.memory_space<vmem>>
      %dma_start3A_62 = arith.constant 0 : i32
      %dma_start3A_63 = tpu.memref_slice %arg8[%dma_start3A_56, %dma_start3A_62] : memref<14x128xi32, #tpu.memory_space<vmem>> -> memref<1x128xi32, #tpu.memory_space<vmem>>
      %dma_start3A_64 = tpu.memref_squeeze %dma_start3A_63 : memref<1x128xi32, #tpu.memory_space<vmem>> -> memref<128xi32, #tpu.memory_space<vmem>>
      %dma_start3A_65 = arith.constant 0 : i32
      %dma_start3A_66 = arith.constant 0 : i32
      %dma_start3A_67 = tpu.memref_slice %arg4[%dma_start3A_65, %dma_start3A_66] : memref<102400x8xf32, #tpu.memory_space<hbm>> -> memref<102400x8xf32, #tpu.memory_space<hbm>>
      tpu.enqueue_indirect_dma source(%dma_start3A_67 : memref<102400x8xf32, #tpu.memory_space<hbm>>) target(%dma_start3A_61 : memref<128x8xf32, #tpu.memory_space<vmem>>) offsets(%dma_start3A_64 : memref<128xi32, #tpu.memory_space<vmem>>) semaphore(%arg12 : memref<!tpu.dma_semaphore, #tpu.memory_space<semaphore_mem>>)
      %dma_start3A_68 = arith.constant 4 : i32
      %dma_start3A_69 = arith.constant 4 : i32
      %dma_start3A_70 = arith.constant 0 : i32
      %dma_start3A_71 = arith.constant 0 : i32
      %dma_start3A_72 = tpu.memref_slice %arg10[%dma_start3A_69, %dma_start3A_70, %dma_start3A_71] : memref<7x128x8xf32, #tpu.memory_space<vmem>> -> memref<1x128x8xf32, #tpu.memory_space<vmem>>
      %dma_start3A_73 = tpu.memref_squeeze %dma_start3A_72 : memref<1x128x8xf32, #tpu.memory_space<vmem>> -> memref<128x8xf32, #tpu.memory_space<vmem>>
      %dma_start3A_74 = arith.constant 0 : i32
      %dma_start3A_75 = tpu.memref_slice %arg8[%dma_start3A_68, %dma_start3A_74] : memref<14x128xi32, #tpu.memory_space<vmem>> -> memref<1x128xi32, #tpu.memory_space<vmem>>
      %dma_start3A_76 = tpu.memref_squeeze %dma_start3A_75 : memref<1x128xi32, #tpu.memory_space<vmem>> -> memref<128xi32, #tpu.memory_space<vmem>>
      %dma_start3A_77 = arith.constant 0 : i32
      %dma_start3A_78 = arith.constant 0 : i32
      %dma_start3A_79 = tpu.memref_slice %arg4[%dma_start3A_77, %dma_start3A_78] : memref<102400x8xf32, #tpu.memory_space<hbm>> -> memref<102400x8xf32, #tpu.memory_space<hbm>>
      tpu.enqueue_indirect_dma source(%dma_start3A_79 : memref<102400x8xf32, #tpu.memory_space<hbm>>) target(%dma_start3A_73 : memref<128x8xf32, #tpu.memory_space<vmem>>) offsets(%dma_start3A_76 : memref<128xi32, #tpu.memory_space<vmem>>) semaphore(%arg12 : memref<!tpu.dma_semaphore, #tpu.memory_space<semaphore_mem>>)
      %dma_start3A_80 = arith.constant 5 : i32
      %dma_start3A_81 = arith.constant 5 : i32
      %dma_start3A_82 = arith.constant 0 : i32
      %dma_start3A_83 = arith.constant 0 : i32
      %dma_start3A_84 = tpu.memref_slice %arg10[%dma_start3A_81, %dma_start3A_82, %dma_start3A_83] : memref<7x128x8xf32, #tpu.memory_space<vmem>> -> memref<1x128x8xf32, #tpu.memory_space<vmem>>
      %dma_start3A_85 = tpu.memref_squeeze %dma_start3A_84 : memref<1x128x8xf32, #tpu.memory_space<vmem>> -> memref<128x8xf32, #tpu.memory_space<vmem>>
      %dma_start3A_86 = arith.constant 0 : i32
      %dma_start3A_87 = tpu.memref_slice %arg8[%dma_start3A_80, %dma_start3A_86] : memref<14x128xi32, #tpu.memory_space<vmem>> -> memref<1x128xi32, #tpu.memory_space<vmem>>
      %dma_start3A_88 = tpu.memref_squeeze %dma_start3A_87 : memref<1x128xi32, #tpu.memory_space<vmem>> -> memref<128xi32, #tpu.memory_space<vmem>>
      %dma_start3A_89 = arith.constant 0 : i32
      %dma_start3A_90 = arith.constant 0 : i32
      %dma_start3A_91 = tpu.memref_slice %arg4[%dma_start3A_89, %dma_start3A_90] : memref<102400x8xf32, #tpu.memory_space<hbm>> -> memref<102400x8xf32, #tpu.memory_space<hbm>>
      tpu.enqueue_indirect_dma source(%dma_start3A_91 : memref<102400x8xf32, #tpu.memory_space<hbm>>) target(%dma_start3A_85 : memref<128x8xf32, #tpu.memory_space<vmem>>) offsets(%dma_start3A_88 : memref<128xi32, #tpu.memory_space<vmem>>) semaphore(%arg12 : memref<!tpu.dma_semaphore, #tpu.memory_space<semaphore_mem>>)
      %dma_start3A_92 = arith.constant 6 : i32
      %dma_start3A_93 = arith.constant 6 : i32
      %dma_start3A_94 = arith.constant 0 : i32
      %dma_start3A_95 = arith.constant 0 : i32
      %dma_start3A_96 = tpu.memref_slice %arg10[%dma_start3A_93, %dma_start3A_94, %dma_start3A_95] : memref<7x128x8xf32, #tpu.memory_space<vmem>> -> memref<1x128x8xf32, #tpu.memory_space<vmem>>
      %dma_start3A_97 = tpu.memref_squeeze %dma_start3A_96 : memref<1x128x8xf32, #tpu.memory_space<vmem>> -> memref<128x8xf32, #tpu.memory_space<vmem>>
      %dma_start3A_98 = arith.constant 0 : i32
      %dma_start3A_99 = tpu.memref_slice %arg8[%dma_start3A_92, %dma_start3A_98] : memref<14x128xi32, #tpu.memory_space<vmem>> -> memref<1x128xi32, #tpu.memory_space<vmem>>
      %dma_start3A_100 = tpu.memref_squeeze %dma_start3A_99 : memref<1x128xi32, #tpu.memory_space<vmem>> -> memref<128xi32, #tpu.memory_space<vmem>>
      %dma_start3A_101 = arith.constant 0 : i32
      %dma_start3A_102 = arith.constant 0 : i32
      %dma_start3A_103 = tpu.memref_slice %arg4[%dma_start3A_101, %dma_start3A_102] : memref<102400x8xf32, #tpu.memory_space<hbm>> -> memref<102400x8xf32, #tpu.memory_space<hbm>>
      tpu.enqueue_indirect_dma source(%dma_start3A_103 : memref<102400x8xf32, #tpu.memory_space<hbm>>) target(%dma_start3A_97 : memref<128x8xf32, #tpu.memory_space<vmem>>) offsets(%dma_start3A_100 : memref<128xi32, #tpu.memory_space<vmem>>) semaphore(%arg12 : memref<!tpu.dma_semaphore, #tpu.memory_space<semaphore_mem>>)
      %dma_start3A_104 = arith.constant 7 : i32
      %dma_start3A_105 = arith.constant 0 : i32
      %dma_start3A_106 = arith.constant 0 : i32
      %dma_start3A_107 = arith.constant 0 : i32
      %dma_start3A_108 = tpu.memref_slice %arg11[%dma_start3A_105, %dma_start3A_106, %dma_start3A_107] : memref<7x128x8xf32, #tpu.memory_space<vmem>> -> memref<1x128x8xf32, #tpu.memory_space<vmem>>
      %dma_start3A_109 = tpu.memref_squeeze %dma_start3A_108 : memref<1x128x8xf32, #tpu.memory_space<vmem>> -> memref<128x8xf32, #tpu.memory_space<vmem>>
      %dma_start3A_110 = arith.constant 0 : i32
      %dma_start3A_111 = tpu.memref_slice %arg8[%dma_start3A_104, %dma_start3A_110] : memref<14x128xi32, #tpu.memory_space<vmem>> -> memref<1x128xi32, #tpu.memory_space<vmem>>
      %dma_start3A_112 = tpu.memref_squeeze %dma_start3A_111 : memref<1x128xi32, #tpu.memory_space<vmem>> -> memref<128xi32, #tpu.memory_space<vmem>>
      %dma_start3A_113 = arith.constant 0 : i32
      %dma_start3A_114 = arith.constant 0 : i32
      %dma_start3A_115 = tpu.memref_slice %arg4[%dma_start3A_113, %dma_start3A_114] : memref<102400x8xf32, #tpu.memory_space<hbm>> -> memref<102400x8xf32, #tpu.memory_space<hbm>>
      tpu.enqueue_indirect_dma source(%dma_start3A_115 : memref<102400x8xf32, #tpu.memory_space<hbm>>) target(%dma_start3A_109 : memref<128x8xf32, #tpu.memory_space<vmem>>) offsets(%dma_start3A_112 : memref<128xi32, #tpu.memory_space<vmem>>) semaphore(%arg12 : memref<!tpu.dma_semaphore, #tpu.memory_space<semaphore_mem>>)
      %dma_start3A_116 = arith.constant 8 : i32
      %dma_start3A_117 = arith.constant 1 : i32
      %dma_start3A_118 = arith.constant 0 : i32
      %dma_start3A_119 = arith.constant 0 : i32
      %dma_start3A_120 = tpu.memref_slice %arg11[%dma_start3A_117, %dma_start3A_118, %dma_start3A_119] : memref<7x128x8xf32, #tpu.memory_space<vmem>> -> memref<1x128x8xf32, #tpu.memory_space<vmem>>
      %dma_start3A_121 = tpu.memref_squeeze %dma_start3A_120 : memref<1x128x8xf32, #tpu.memory_space<vmem>> -> memref<128x8xf32, #tpu.memory_space<vmem>>
      %dma_start3A_122 = arith.constant 0 : i32
      %dma_start3A_123 = tpu.memref_slice %arg8[%dma_start3A_116, %dma_start3A_122] : memref<14x128xi32, #tpu.memory_space<vmem>> -> memref<1x128xi32, #tpu.memory_space<vmem>>
      %dma_start3A_124 = tpu.memref_squeeze %dma_start3A_123 : memref<1x128xi32, #tpu.memory_space<vmem>> -> memref<128xi32, #tpu.memory_space<vmem>>
      %dma_start3A_125 = arith.constant 0 : i32
      %dma_start3A_126 = arith.constant 0 : i32
      %dma_start3A_127 = tpu.memref_slice %arg4[%dma_start3A_125, %dma_start3A_126] : memref<102400x8xf32, #tpu.memory_space<hbm>> -> memref<102400x8xf32, #tpu.memory_space<hbm>>
      tpu.enqueue_indirect_dma source(%dma_start3A_127 : memref<102400x8xf32, #tpu.memory_space<hbm>>) target(%dma_start3A_121 : memref<128x8xf32, #tpu.memory_space<vmem>>) offsets(%dma_start3A_124 : memref<128xi32, #tpu.memory_space<vmem>>) semaphore(%arg12 : memref<!tpu.dma_semaphore, #tpu.memory_space<semaphore_mem>>)
      %dma_start3A_128 = arith.constant 9 : i32
      %dma_start3A_129 = arith.constant 2 : i32
      %dma_start3A_130 = arith.constant 0 : i32
      %dma_start3A_131 = arith.constant 0 : i32
      %dma_start3A_132 = tpu.memref_slice %arg11[%dma_start3A_129, %dma_start3A_130, %dma_start3A_131] : memref<7x128x8xf32, #tpu.memory_space<vmem>> -> memref<1x128x8xf32, #tpu.memory_space<vmem>>
      %dma_start3A_133 = tpu.memref_squeeze %dma_start3A_132 : memref<1x128x8xf32, #tpu.memory_space<vmem>> -> memref<128x8xf32, #tpu.memory_space<vmem>>
      %dma_start3A_134 = arith.constant 0 : i32
      %dma_start3A_135 = tpu.memref_slice %arg8[%dma_start3A_128, %dma_start3A_134] : memref<14x128xi32, #tpu.memory_space<vmem>> -> memref<1x128xi32, #tpu.memory_space<vmem>>
      %dma_start3A_136 = tpu.memref_squeeze %dma_start3A_135 : memref<1x128xi32, #tpu.memory_space<vmem>> -> memref<128xi32, #tpu.memory_space<vmem>>
      %dma_start3A_137 = arith.constant 0 : i32
      %dma_start3A_138 = arith.constant 0 : i32
      %dma_start3A_139 = tpu.memref_slice %arg4[%dma_start3A_137, %dma_start3A_138] : memref<102400x8xf32, #tpu.memory_space<hbm>> -> memref<102400x8xf32, #tpu.memory_space<hbm>>
      tpu.enqueue_indirect_dma source(%dma_start3A_139 : memref<102400x8xf32, #tpu.memory_space<hbm>>) target(%dma_start3A_133 : memref<128x8xf32, #tpu.memory_space<vmem>>) offsets(%dma_start3A_136 : memref<128xi32, #tpu.memory_space<vmem>>) semaphore(%arg12 : memref<!tpu.dma_semaphore, #tpu.memory_space<semaphore_mem>>)
      %dma_start3A_140 = arith.constant 10 : i32
      %dma_start3A_141 = arith.constant 3 : i32
      %dma_start3A_142 = arith.constant 0 : i32
      %dma_start3A_143 = arith.constant 0 : i32
      %dma_start3A_144 = tpu.memref_slice %arg11[%dma_start3A_141, %dma_start3A_142, %dma_start3A_143] : memref<7x128x8xf32, #tpu.memory_space<vmem>> -> memref<1x128x8xf32, #tpu.memory_space<vmem>>
      %dma_start3A_145 = tpu.memref_squeeze %dma_start3A_144 : memref<1x128x8xf32, #tpu.memory_space<vmem>> -> memref<128x8xf32, #tpu.memory_space<vmem>>
      %dma_start3A_146 = arith.constant 0 : i32
      %dma_start3A_147 = tpu.memref_slice %arg8[%dma_start3A_140, %dma_start3A_146] : memref<14x128xi32, #tpu.memory_space<vmem>> -> memref<1x128xi32, #tpu.memory_space<vmem>>
      %dma_start3A_148 = tpu.memref_squeeze %dma_start3A_147 : memref<1x128xi32, #tpu.memory_space<vmem>> -> memref<128xi32, #tpu.memory_space<vmem>>
      %dma_start3A_149 = arith.constant 0 : i32
      %dma_start3A_150 = arith.constant 0 : i32
      %dma_start3A_151 = tpu.memref_slice %arg4[%dma_start3A_149, %dma_start3A_150] : memref<102400x8xf32, #tpu.memory_space<hbm>> -> memref<102400x8xf32, #tpu.memory_space<hbm>>
      tpu.enqueue_indirect_dma source(%dma_start3A_151 : memref<102400x8xf32, #tpu.memory_space<hbm>>) target(%dma_start3A_145 : memref<128x8xf32, #tpu.memory_space<vmem>>) offsets(%dma_start3A_148 : memref<128xi32, #tpu.memory_space<vmem>>) semaphore(%arg12 : memref<!tpu.dma_semaphore, #tpu.memory_space<semaphore_mem>>)
      %dma_start3A_152 = arith.constant 11 : i32
      %dma_start3A_153 = arith.constant 4 : i32
      %dma_start3A_154 = arith.constant 0 : i32
      %dma_start3A_155 = arith.constant 0 : i32
      %dma_start3A_156 = tpu.memref_slice %arg11[%dma_start3A_153, %dma_start3A_154, %dma_start3A_155] : memref<7x128x8xf32, #tpu.memory_space<vmem>> -> memref<1x128x8xf32, #tpu.memory_space<vmem>>
      %dma_start3A_157 = tpu.memref_squeeze %dma_start3A_156 : memref<1x128x8xf32, #tpu.memory_space<vmem>> -> memref<128x8xf32, #tpu.memory_space<vmem>>
      %dma_start3A_158 = arith.constant 0 : i32
      %dma_start3A_159 = tpu.memref_slice %arg8[%dma_start3A_152, %dma_start3A_158] : memref<14x128xi32, #tpu.memory_space<vmem>> -> memref<1x128xi32, #tpu.memory_space<vmem>>
      %dma_start3A_160 = tpu.memref_squeeze %dma_start3A_159 : memref<1x128xi32, #tpu.memory_space<vmem>> -> memref<128xi32, #tpu.memory_space<vmem>>
      %dma_start3A_161 = arith.constant 0 : i32
      %dma_start3A_162 = arith.constant 0 : i32
      %dma_start3A_163 = tpu.memref_slice %arg4[%dma_start3A_161, %dma_start3A_162] : memref<102400x8xf32, #tpu.memory_space<hbm>> -> memref<102400x8xf32, #tpu.memory_space<hbm>>
      tpu.enqueue_indirect_dma source(%dma_start3A_163 : memref<102400x8xf32, #tpu.memory_space<hbm>>) target(%dma_start3A_157 : memref<128x8xf32, #tpu.memory_space<vmem>>) offsets(%dma_start3A_160 : memref<128xi32, #tpu.memory_space<vmem>>) semaphore(%arg12 : memref<!tpu.dma_semaphore, #tpu.memory_space<semaphore_mem>>)
      %dma_start3A_164 = arith.constant 12 : i32
      %dma_start3A_165 = arith.constant 5 : i32
      %dma_start3A_166 = arith.constant 0 : i32
      %dma_start3A_167 = arith.constant 0 : i32
      %dma_start3A_168 = tpu.memref_slice %arg11[%dma_start3A_165, %dma_start3A_166, %dma_start3A_167] : memref<7x128x8xf32, #tpu.memory_space<vmem>> -> memref<1x128x8xf32, #tpu.memory_space<vmem>>
      %dma_start3A_169 = tpu.memref_squeeze %dma_start3A_168 : memref<1x128x8xf32, #tpu.memory_space<vmem>> -> memref<128x8xf32, #tpu.memory_space<vmem>>
      %dma_start3A_170 = arith.constant 0 : i32
      %dma_start3A_171 = tpu.memref_slice %arg8[%dma_start3A_164, %dma_start3A_170] : memref<14x128xi32, #tpu.memory_space<vmem>> -> memref<1x128xi32, #tpu.memory_space<vmem>>
      %dma_start3A_172 = tpu.memref_squeeze %dma_start3A_171 : memref<1x128xi32, #tpu.memory_space<vmem>> -> memref<128xi32, #tpu.memory_space<vmem>>
      %dma_start3A_173 = arith.constant 0 : i32
      %dma_start3A_174 = arith.constant 0 : i32
      %dma_start3A_175 = tpu.memref_slice %arg4[%dma_start3A_173, %dma_start3A_174] : memref<102400x8xf32, #tpu.memory_space<hbm>> -> memref<102400x8xf32, #tpu.memory_space<hbm>>
      tpu.enqueue_indirect_dma source(%dma_start3A_175 : memref<102400x8xf32, #tpu.memory_space<hbm>>) target(%dma_start3A_169 : memref<128x8xf32, #tpu.memory_space<vmem>>) offsets(%dma_start3A_172 : memref<128xi32, #tpu.memory_space<vmem>>) semaphore(%arg12 : memref<!tpu.dma_semaphore, #tpu.memory_space<semaphore_mem>>)
      %dma_start3A_176 = arith.constant 13 : i32
      %dma_start3A_177 = arith.constant 6 : i32
      %dma_start3A_178 = arith.constant 0 : i32
      %dma_start3A_179 = arith.constant 0 : i32
      %dma_start3A_180 = tpu.memref_slice %arg11[%dma_start3A_177, %dma_start3A_178, %dma_start3A_179] : memref<7x128x8xf32, #tpu.memory_space<vmem>> -> memref<1x128x8xf32, #tpu.memory_space<vmem>>
      %dma_start3A_181 = tpu.memref_squeeze %dma_start3A_180 : memref<1x128x8xf32, #tpu.memory_space<vmem>> -> memref<128x8xf32, #tpu.memory_space<vmem>>
      %dma_start3A_182 = arith.constant 0 : i32
      %dma_start3A_183 = tpu.memref_slice %arg8[%dma_start3A_176, %dma_start3A_182] : memref<14x128xi32, #tpu.memory_space<vmem>> -> memref<1x128xi32, #tpu.memory_space<vmem>>
      %dma_start3A_184 = tpu.memref_squeeze %dma_start3A_183 : memref<1x128xi32, #tpu.memory_space<vmem>> -> memref<128xi32, #tpu.memory_space<vmem>>
      %dma_start3A_185 = arith.constant 0 : i32
      %dma_start3A_186 = arith.constant 0 : i32
      %dma_start3A_187 = tpu.memref_slice %arg4[%dma_start3A_185, %dma_start3A_186] : memref<102400x8xf32, #tpu.memory_space<hbm>> -> memref<102400x8xf32, #tpu.memory_space<hbm>>
      tpu.enqueue_indirect_dma source(%dma_start3A_187 : memref<102400x8xf32, #tpu.memory_space<hbm>>) target(%dma_start3A_181 : memref<128x8xf32, #tpu.memory_space<vmem>>) offsets(%dma_start3A_184 : memref<128xi32, #tpu.memory_space<vmem>>) semaphore(%arg12 : memref<!tpu.dma_semaphore, #tpu.memory_space<semaphore_mem>>)
      %dma_wait3A = arith.constant 0 : i32
      %dma_wait3A_188 = arith.constant 0 : i32
      %dma_wait3A_189 = arith.constant 0 : i32
      %dma_wait3A_190 = arith.constant 0 : i32
      %dma_wait3A_191 = tpu.memref_slice %arg10[%dma_wait3A_188, %dma_wait3A_189, %dma_wait3A_190] : memref<7x128x8xf32, #tpu.memory_space<vmem>> -> memref<1x128x8xf32, #tpu.memory_space<vmem>>
      %dma_wait3A_192 = tpu.memref_squeeze %dma_wait3A_191 : memref<1x128x8xf32, #tpu.memory_space<vmem>> -> memref<128x8xf32, #tpu.memory_space<vmem>>
      %dma_wait3A_193 = arith.constant 0 : i32
      %dma_wait3A_194 = tpu.memref_slice %arg8[%dma_wait3A, %dma_wait3A_193] : memref<14x128xi32, #tpu.memory_space<vmem>> -> memref<1x128xi32, #tpu.memory_space<vmem>>
      %dma_wait3A_195 = tpu.memref_squeeze %dma_wait3A_194 : memref<1x128xi32, #tpu.memory_space<vmem>> -> memref<128xi32, #tpu.memory_space<vmem>>
      %dma_wait3A_196 = arith.constant 0 : i32
      %dma_wait3A_197 = arith.constant 0 : i32
      %dma_wait3A_198 = tpu.memref_slice %arg4[%dma_wait3A_196, %dma_wait3A_197] : memref<102400x8xf32, #tpu.memory_space<hbm>> -> memref<102400x8xf32, #tpu.memory_space<hbm>>
      tpu.wait_indirect_dma semaphore(%arg12 : memref<!tpu.dma_semaphore, #tpu.memory_space<semaphore_mem>>) src(%dma_wait3A_198 : memref<102400x8xf32, #tpu.memory_space<hbm>>) dst(%dma_wait3A_192 : memref<128x8xf32, #tpu.memory_space<vmem>>)
      %dma_wait3A_199 = arith.constant 1 : i32
      %dma_wait3A_200 = arith.constant 1 : i32
      %dma_wait3A_201 = arith.constant 0 : i32
      %dma_wait3A_202 = arith.constant 0 : i32
      %dma_wait3A_203 = tpu.memref_slice %arg10[%dma_wait3A_200, %dma_wait3A_201, %dma_wait3A_202] : memref<7x128x8xf32, #tpu.memory_space<vmem>> -> memref<1x128x8xf32, #tpu.memory_space<vmem>>
      %dma_wait3A_204 = tpu.memref_squeeze %dma_wait3A_203 : memref<1x128x8xf32, #tpu.memory_space<vmem>> -> memref<128x8xf32, #tpu.memory_space<vmem>>
      %dma_wait3A_205 = arith.constant 0 : i32
      %dma_wait3A_206 = tpu.memref_slice %arg8[%dma_wait3A_199, %dma_wait3A_205] : memref<14x128xi32, #tpu.memory_space<vmem>> -> memref<1x128xi32, #tpu.memory_space<vmem>>
      %dma_wait3A_207 = tpu.memref_squeeze %dma_wait3A_206 : memref<1x128xi32, #tpu.memory_space<vmem>> -> memref<128xi32, #tpu.memory_space<vmem>>
      %dma_wait3A_208 = arith.constant 0 : i32
      %dma_wait3A_209 = arith.constant 0 : i32
      %dma_wait3A_210 = tpu.memref_slice %arg4[%dma_wait3A_208, %dma_wait3A_209] : memref<102400x8xf32, #tpu.memory_space<hbm>> -> memref<102400x8xf32, #tpu.memory_space<hbm>>
      tpu.wait_indirect_dma semaphore(%arg12 : memref<!tpu.dma_semaphore, #tpu.memory_space<semaphore_mem>>) src(%dma_wait3A_210 : memref<102400x8xf32, #tpu.memory_space<hbm>>) dst(%dma_wait3A_204 : memref<128x8xf32, #tpu.memory_space<vmem>>)
      %dma_wait3A_211 = arith.constant 2 : i32
      %dma_wait3A_212 = arith.constant 2 : i32
      %dma_wait3A_213 = arith.constant 0 : i32
      %dma_wait3A_214 = arith.constant 0 : i32
      %dma_wait3A_215 = tpu.memref_slice %arg10[%dma_wait3A_212, %dma_wait3A_213, %dma_wait3A_214] : memref<7x128x8xf32, #tpu.memory_space<vmem>> -> memref<1x128x8xf32, #tpu.memory_space<vmem>>
      %dma_wait3A_216 = tpu.memref_squeeze %dma_wait3A_215 : memref<1x128x8xf32, #tpu.memory_space<vmem>> -> memref<128x8xf32, #tpu.memory_space<vmem>>
      %dma_wait3A_217 = arith.constant 0 : i32
      %dma_wait3A_218 = tpu.memref_slice %arg8[%dma_wait3A_211, %dma_wait3A_217] : memref<14x128xi32, #tpu.memory_space<vmem>> -> memref<1x128xi32, #tpu.memory_space<vmem>>
      %dma_wait3A_219 = tpu.memref_squeeze %dma_wait3A_218 : memref<1x128xi32, #tpu.memory_space<vmem>> -> memref<128xi32, #tpu.memory_space<vmem>>
      %dma_wait3A_220 = arith.constant 0 : i32
      %dma_wait3A_221 = arith.constant 0 : i32
      %dma_wait3A_222 = tpu.memref_slice %arg4[%dma_wait3A_220, %dma_wait3A_221] : memref<102400x8xf32, #tpu.memory_space<hbm>> -> memref<102400x8xf32, #tpu.memory_space<hbm>>
      tpu.wait_indirect_dma semaphore(%arg12 : memref<!tpu.dma_semaphore, #tpu.memory_space<semaphore_mem>>) src(%dma_wait3A_222 : memref<102400x8xf32, #tpu.memory_space<hbm>>) dst(%dma_wait3A_216 : memref<128x8xf32, #tpu.memory_space<vmem>>)
      %dma_wait3A_223 = arith.constant 3 : i32
      %dma_wait3A_224 = arith.constant 3 : i32
      %dma_wait3A_225 = arith.constant 0 : i32
      %dma_wait3A_226 = arith.constant 0 : i32
      %dma_wait3A_227 = tpu.memref_slice %arg10[%dma_wait3A_224, %dma_wait3A_225, %dma_wait3A_226] : memref<7x128x8xf32, #tpu.memory_space<vmem>> -> memref<1x128x8xf32, #tpu.memory_space<vmem>>
      %dma_wait3A_228 = tpu.memref_squeeze %dma_wait3A_227 : memref<1x128x8xf32, #tpu.memory_space<vmem>> -> memref<128x8xf32, #tpu.memory_space<vmem>>
      %dma_wait3A_229 = arith.constant 0 : i32
      %dma_wait3A_230 = tpu.memref_slice %arg8[%dma_wait3A_223, %dma_wait3A_229] : memref<14x128xi32, #tpu.memory_space<vmem>> -> memref<1x128xi32, #tpu.memory_space<vmem>>
      %dma_wait3A_231 = tpu.memref_squeeze %dma_wait3A_230 : memref<1x128xi32, #tpu.memory_space<vmem>> -> memref<128xi32, #tpu.memory_space<vmem>>
      %dma_wait3A_232 = arith.constant 0 : i32
      %dma_wait3A_233 = arith.constant 0 : i32
      %dma_wait3A_234 = tpu.memref_slice %arg4[%dma_wait3A_232, %dma_wait3A_233] : memref<102400x8xf32, #tpu.memory_space<hbm>> -> memref<102400x8xf32, #tpu.memory_space<hbm>>
      tpu.wait_indirect_dma semaphore(%arg12 : memref<!tpu.dma_semaphore, #tpu.memory_space<semaphore_mem>>) src(%dma_wait3A_234 : memref<102400x8xf32, #tpu.memory_space<hbm>>) dst(%dma_wait3A_228 : memref<128x8xf32, #tpu.memory_space<vmem>>)
      %dma_wait3A_235 = arith.constant 4 : i32
      %dma_wait3A_236 = arith.constant 4 : i32
      %dma_wait3A_237 = arith.constant 0 : i32
      %dma_wait3A_238 = arith.constant 0 : i32
      %dma_wait3A_239 = tpu.memref_slice %arg10[%dma_wait3A_236, %dma_wait3A_237, %dma_wait3A_238] : memref<7x128x8xf32, #tpu.memory_space<vmem>> -> memref<1x128x8xf32, #tpu.memory_space<vmem>>
      %dma_wait3A_240 = tpu.memref_squeeze %dma_wait3A_239 : memref<1x128x8xf32, #tpu.memory_space<vmem>> -> memref<128x8xf32, #tpu.memory_space<vmem>>
      %dma_wait3A_241 = arith.constant 0 : i32
      %dma_wait3A_242 = tpu.memref_slice %arg8[%dma_wait3A_235, %dma_wait3A_241] : memref<14x128xi32, #tpu.memory_space<vmem>> -> memref<1x128xi32, #tpu.memory_space<vmem>>
      %dma_wait3A_243 = tpu.memref_squeeze %dma_wait3A_242 : memref<1x128xi32, #tpu.memory_space<vmem>> -> memref<128xi32, #tpu.memory_space<vmem>>
      %dma_wait3A_244 = arith.constant 0 : i32
      %dma_wait3A_245 = arith.constant 0 : i32
      %dma_wait3A_246 = tpu.memref_slice %arg4[%dma_wait3A_244, %dma_wait3A_245] : memref<102400x8xf32, #tpu.memory_space<hbm>> -> memref<102400x8xf32, #tpu.memory_space<hbm>>
      tpu.wait_indirect_dma semaphore(%arg12 : memref<!tpu.dma_semaphore, #tpu.memory_space<semaphore_mem>>) src(%dma_wait3A_246 : memref<102400x8xf32, #tpu.memory_space<hbm>>) dst(%dma_wait3A_240 : memref<128x8xf32, #tpu.memory_space<vmem>>)
      %dma_wait3A_247 = arith.constant 5 : i32
      %dma_wait3A_248 = arith.constant 5 : i32
      %dma_wait3A_249 = arith.constant 0 : i32
      %dma_wait3A_250 = arith.constant 0 : i32
      %dma_wait3A_251 = tpu.memref_slice %arg10[%dma_wait3A_248, %dma_wait3A_249, %dma_wait3A_250] : memref<7x128x8xf32, #tpu.memory_space<vmem>> -> memref<1x128x8xf32, #tpu.memory_space<vmem>>
      %dma_wait3A_252 = tpu.memref_squeeze %dma_wait3A_251 : memref<1x128x8xf32, #tpu.memory_space<vmem>> -> memref<128x8xf32, #tpu.memory_space<vmem>>
      %dma_wait3A_253 = arith.constant 0 : i32
      %dma_wait3A_254 = tpu.memref_slice %arg8[%dma_wait3A_247, %dma_wait3A_253] : memref<14x128xi32, #tpu.memory_space<vmem>> -> memref<1x128xi32, #tpu.memory_space<vmem>>
      %dma_wait3A_255 = tpu.memref_squeeze %dma_wait3A_254 : memref<1x128xi32, #tpu.memory_space<vmem>> -> memref<128xi32, #tpu.memory_space<vmem>>
      %dma_wait3A_256 = arith.constant 0 : i32
      %dma_wait3A_257 = arith.constant 0 : i32
      %dma_wait3A_258 = tpu.memref_slice %arg4[%dma_wait3A_256, %dma_wait3A_257] : memref<102400x8xf32, #tpu.memory_space<hbm>> -> memref<102400x8xf32, #tpu.memory_space<hbm>>
      tpu.wait_indirect_dma semaphore(%arg12 : memref<!tpu.dma_semaphore, #tpu.memory_space<semaphore_mem>>) src(%dma_wait3A_258 : memref<102400x8xf32, #tpu.memory_space<hbm>>) dst(%dma_wait3A_252 : memref<128x8xf32, #tpu.memory_space<vmem>>)
      %dma_wait3A_259 = arith.constant 6 : i32
      %dma_wait3A_260 = arith.constant 6 : i32
      %dma_wait3A_261 = arith.constant 0 : i32
      %dma_wait3A_262 = arith.constant 0 : i32
      %dma_wait3A_263 = tpu.memref_slice %arg10[%dma_wait3A_260, %dma_wait3A_261, %dma_wait3A_262] : memref<7x128x8xf32, #tpu.memory_space<vmem>> -> memref<1x128x8xf32, #tpu.memory_space<vmem>>
      %dma_wait3A_264 = tpu.memref_squeeze %dma_wait3A_263 : memref<1x128x8xf32, #tpu.memory_space<vmem>> -> memref<128x8xf32, #tpu.memory_space<vmem>>
      %dma_wait3A_265 = arith.constant 0 : i32
      %dma_wait3A_266 = tpu.memref_slice %arg8[%dma_wait3A_259, %dma_wait3A_265] : memref<14x128xi32, #tpu.memory_space<vmem>> -> memref<1x128xi32, #tpu.memory_space<vmem>>
      %dma_wait3A_267 = tpu.memref_squeeze %dma_wait3A_266 : memref<1x128xi32, #tpu.memory_space<vmem>> -> memref<128xi32, #tpu.memory_space<vmem>>
      %dma_wait3A_268 = arith.constant 0 : i32
      %dma_wait3A_269 = arith.constant 0 : i32
      %dma_wait3A_270 = tpu.memref_slice %arg4[%dma_wait3A_268, %dma_wait3A_269] : memref<102400x8xf32, #tpu.memory_space<hbm>> -> memref<102400x8xf32, #tpu.memory_space<hbm>>
      tpu.wait_indirect_dma semaphore(%arg12 : memref<!tpu.dma_semaphore, #tpu.memory_space<semaphore_mem>>) src(%dma_wait3A_270 : memref<102400x8xf32, #tpu.memory_space<hbm>>) dst(%dma_wait3A_264 : memref<128x8xf32, #tpu.memory_space<vmem>>)
      %dma_start3A_271 = arith.constant 0 : i32
      %dma_start3A_272 = arith.constant 0 : i32
      %dma_start3A_273 = arith.constant 0 : i32
      %dma_start3A_274 = arith.constant 0 : i32
      %dma_start3A_275 = tpu.memref_slice %arg10[%dma_start3A_271, %dma_start3A_273, %dma_start3A_274] : memref<7x128x8xf32, #tpu.memory_space<vmem>> -> memref<1x128x8xf32, #tpu.memory_space<vmem>>
      %dma_start3A_276 = tpu.memref_squeeze %dma_start3A_275 : memref<1x128x8xf32, #tpu.memory_space<vmem>> -> memref<128x8xf32, #tpu.memory_space<vmem>>
      %dma_start3A_277 = arith.constant 0 : i32
      %dma_start3A_278 = tpu.memref_slice %arg9[%dma_start3A_272, %dma_start3A_277] : memref<14x128xi32, #tpu.memory_space<vmem>> -> memref<1x128xi32, #tpu.memory_space<vmem>>
      %dma_start3A_279 = tpu.memref_squeeze %dma_start3A_278 : memref<1x128xi32, #tpu.memory_space<vmem>> -> memref<128xi32, #tpu.memory_space<vmem>>
      %dma_start3A_280 = arith.constant 0 : i32
      %dma_start3A_281 = arith.constant 0 : i32
      %dma_start3A_282 = tpu.memref_slice %arg7[%dma_start3A_280, %dma_start3A_281] : memref<102400x8xf32, #tpu.memory_space<vmem_shared>> -> memref<102400x8xf32, #tpu.memory_space<vmem_shared>>
      tpu.enqueue_indirect_dma source(%dma_start3A_276 : memref<128x8xf32, #tpu.memory_space<vmem>>) target(%dma_start3A_282 : memref<102400x8xf32, #tpu.memory_space<vmem_shared>>) offsets(%dma_start3A_279 : memref<128xi32, #tpu.memory_space<vmem>>) semaphore(%arg13 : memref<!tpu.dma_semaphore, #tpu.memory_space<semaphore_mem>>) {add = true}
      %dma_start3A_283 = arith.constant 1 : i32
      %dma_start3A_284 = arith.constant 1 : i32
      %dma_start3A_285 = arith.constant 0 : i32
      %dma_start3A_286 = arith.constant 0 : i32
      %dma_start3A_287 = tpu.memref_slice %arg10[%dma_start3A_283, %dma_start3A_285, %dma_start3A_286] : memref<7x128x8xf32, #tpu.memory_space<vmem>> -> memref<1x128x8xf32, #tpu.memory_space<vmem>>
      %dma_start3A_288 = tpu.memref_squeeze %dma_start3A_287 : memref<1x128x8xf32, #tpu.memory_space<vmem>> -> memref<128x8xf32, #tpu.memory_space<vmem>>
      %dma_start3A_289 = arith.constant 0 : i32
      %dma_start3A_290 = tpu.memref_slice %arg9[%dma_start3A_284, %dma_start3A_289] : memref<14x128xi32, #tpu.memory_space<vmem>> -> memref<1x128xi32, #tpu.memory_space<vmem>>
      %dma_start3A_291 = tpu.memref_squeeze %dma_start3A_290 : memref<1x128xi32, #tpu.memory_space<vmem>> -> memref<128xi32, #tpu.memory_space<vmem>>
      %dma_start3A_292 = arith.constant 0 : i32
      %dma_start3A_293 = arith.constant 0 : i32
      %dma_start3A_294 = tpu.memref_slice %arg7[%dma_start3A_292, %dma_start3A_293] : memref<102400x8xf32, #tpu.memory_space<vmem_shared>> -> memref<102400x8xf32, #tpu.memory_space<vmem_shared>>
      tpu.enqueue_indirect_dma source(%dma_start3A_288 : memref<128x8xf32, #tpu.memory_space<vmem>>) target(%dma_start3A_294 : memref<102400x8xf32, #tpu.memory_space<vmem_shared>>) offsets(%dma_start3A_291 : memref<128xi32, #tpu.memory_space<vmem>>) semaphore(%arg13 : memref<!tpu.dma_semaphore, #tpu.memory_space<semaphore_mem>>) {add = true}
      %dma_start3A_295 = arith.constant 2 : i32
      %dma_start3A_296 = arith.constant 2 : i32
      %dma_start3A_297 = arith.constant 0 : i32
      %dma_start3A_298 = arith.constant 0 : i32
      %dma_start3A_299 = tpu.memref_slice %arg10[%dma_start3A_295, %dma_start3A_297, %dma_start3A_298] : memref<7x128x8xf32, #tpu.memory_space<vmem>> -> memref<1x128x8xf32, #tpu.memory_space<vmem>>
      %dma_start3A_300 = tpu.memref_squeeze %dma_start3A_299 : memref<1x128x8xf32, #tpu.memory_space<vmem>> -> memref<128x8xf32, #tpu.memory_space<vmem>>
      %dma_start3A_301 = arith.constant 0 : i32
      %dma_start3A_302 = tpu.memref_slice %arg9[%dma_start3A_296, %dma_start3A_301] : memref<14x128xi32, #tpu.memory_space<vmem>> -> memref<1x128xi32, #tpu.memory_space<vmem>>
      %dma_start3A_303 = tpu.memref_squeeze %dma_start3A_302 : memref<1x128xi32, #tpu.memory_space<vmem>> -> memref<128xi32, #tpu.memory_space<vmem>>
      %dma_start3A_304 = arith.constant 0 : i32
      %dma_start3A_305 = arith.constant 0 : i32
      %dma_start3A_306 = tpu.memref_slice %arg7[%dma_start3A_304, %dma_start3A_305] : memref<102400x8xf32, #tpu.memory_space<vmem_shared>> -> memref<102400x8xf32, #tpu.memory_space<vmem_shared>>
      tpu.enqueue_indirect_dma source(%dma_start3A_300 : memref<128x8xf32, #tpu.memory_space<vmem>>) target(%dma_start3A_306 : memref<102400x8xf32, #tpu.memory_space<vmem_shared>>) offsets(%dma_start3A_303 : memref<128xi32, #tpu.memory_space<vmem>>) semaphore(%arg13 : memref<!tpu.dma_semaphore, #tpu.memory_space<semaphore_mem>>) {add = true}
      %dma_start3A_307 = arith.constant 3 : i32
      %dma_start3A_308 = arith.constant 3 : i32
      %dma_start3A_309 = arith.constant 0 : i32
      %dma_start3A_310 = arith.constant 0 : i32
      %dma_start3A_311 = tpu.memref_slice %arg10[%dma_start3A_307, %dma_start3A_309, %dma_start3A_310] : memref<7x128x8xf32, #tpu.memory_space<vmem>> -> memref<1x128x8xf32, #tpu.memory_space<vmem>>
      %dma_start3A_312 = tpu.memref_squeeze %dma_start3A_311 : memref<1x128x8xf32, #tpu.memory_space<vmem>> -> memref<128x8xf32, #tpu.memory_space<vmem>>
      %dma_start3A_313 = arith.constant 0 : i32
      %dma_start3A_314 = tpu.memref_slice %arg9[%dma_start3A_308, %dma_start3A_313] : memref<14x128xi32, #tpu.memory_space<vmem>> -> memref<1x128xi32, #tpu.memory_space<vmem>>
      %dma_start3A_315 = tpu.memref_squeeze %dma_start3A_314 : memref<1x128xi32, #tpu.memory_space<vmem>> -> memref<128xi32, #tpu.memory_space<vmem>>
      %dma_start3A_316 = arith.constant 0 : i32
      %dma_start3A_317 = arith.constant 0 : i32
      %dma_start3A_318 = tpu.memref_slice %arg7[%dma_start3A_316, %dma_start3A_317] : memref<102400x8xf32, #tpu.memory_space<vmem_shared>> -> memref<102400x8xf32, #tpu.memory_space<vmem_shared>>
      tpu.enqueue_indirect_dma source(%dma_start3A_312 : memref<128x8xf32, #tpu.memory_space<vmem>>) target(%dma_start3A_318 : memref<102400x8xf32, #tpu.memory_space<vmem_shared>>) offsets(%dma_start3A_315 : memref<128xi32, #tpu.memory_space<vmem>>) semaphore(%arg13 : memref<!tpu.dma_semaphore, #tpu.memory_space<semaphore_mem>>) {add = true}
      %dma_start3A_319 = arith.constant 4 : i32
      %dma_start3A_320 = arith.constant 4 : i32
      %dma_start3A_321 = arith.constant 0 : i32
      %dma_start3A_322 = arith.constant 0 : i32
      %dma_start3A_323 = tpu.memref_slice %arg10[%dma_start3A_319, %dma_start3A_321, %dma_start3A_322] : memref<7x128x8xf32, #tpu.memory_space<vmem>> -> memref<1x128x8xf32, #tpu.memory_space<vmem>>
      %dma_start3A_324 = tpu.memref_squeeze %dma_start3A_323 : memref<1x128x8xf32, #tpu.memory_space<vmem>> -> memref<128x8xf32, #tpu.memory_space<vmem>>
      %dma_start3A_325 = arith.constant 0 : i32
      %dma_start3A_326 = tpu.memref_slice %arg9[%dma_start3A_320, %dma_start3A_325] : memref<14x128xi32, #tpu.memory_space<vmem>> -> memref<1x128xi32, #tpu.memory_space<vmem>>
      %dma_start3A_327 = tpu.memref_squeeze %dma_start3A_326 : memref<1x128xi32, #tpu.memory_space<vmem>> -> memref<128xi32, #tpu.memory_space<vmem>>
      %dma_start3A_328 = arith.constant 0 : i32
      %dma_start3A_329 = arith.constant 0 : i32
      %dma_start3A_330 = tpu.memref_slice %arg7[%dma_start3A_328, %dma_start3A_329] : memref<102400x8xf32, #tpu.memory_space<vmem_shared>> -> memref<102400x8xf32, #tpu.memory_space<vmem_shared>>
      tpu.enqueue_indirect_dma source(%dma_start3A_324 : memref<128x8xf32, #tpu.memory_space<vmem>>) target(%dma_start3A_330 : memref<102400x8xf32, #tpu.memory_space<vmem_shared>>) offsets(%dma_start3A_327 : memref<128xi32, #tpu.memory_space<vmem>>) semaphore(%arg13 : memref<!tpu.dma_semaphore, #tpu.memory_space<semaphore_mem>>) {add = true}
      %dma_start3A_331 = arith.constant 5 : i32
      %dma_start3A_332 = arith.constant 5 : i32
      %dma_start3A_333 = arith.constant 0 : i32
      %dma_start3A_334 = arith.constant 0 : i32
      %dma_start3A_335 = tpu.memref_slice %arg10[%dma_start3A_331, %dma_start3A_333, %dma_start3A_334] : memref<7x128x8xf32, #tpu.memory_space<vmem>> -> memref<1x128x8xf32, #tpu.memory_space<vmem>>
      %dma_start3A_336 = tpu.memref_squeeze %dma_start3A_335 : memref<1x128x8xf32, #tpu.memory_space<vmem>> -> memref<128x8xf32, #tpu.memory_space<vmem>>
      %dma_start3A_337 = arith.constant 0 : i32
      %dma_start3A_338 = tpu.memref_slice %arg9[%dma_start3A_332, %dma_start3A_337] : memref<14x128xi32, #tpu.memory_space<vmem>> -> memref<1x128xi32, #tpu.memory_space<vmem>>
      %dma_start3A_339 = tpu.memref_squeeze %dma_start3A_338 : memref<1x128xi32, #tpu.memory_space<vmem>> -> memref<128xi32, #tpu.memory_space<vmem>>
      %dma_start3A_340 = arith.constant 0 : i32
      %dma_start3A_341 = arith.constant 0 : i32
      %dma_start3A_342 = tpu.memref_slice %arg7[%dma_start3A_340, %dma_start3A_341] : memref<102400x8xf32, #tpu.memory_space<vmem_shared>> -> memref<102400x8xf32, #tpu.memory_space<vmem_shared>>
      tpu.enqueue_indirect_dma source(%dma_start3A_336 : memref<128x8xf32, #tpu.memory_space<vmem>>) target(%dma_start3A_342 : memref<102400x8xf32, #tpu.memory_space<vmem_shared>>) offsets(%dma_start3A_339 : memref<128xi32, #tpu.memory_space<vmem>>) semaphore(%arg13 : memref<!tpu.dma_semaphore, #tpu.memory_space<semaphore_mem>>) {add = true}
      %dma_start3A_343 = arith.constant 6 : i32
      %dma_start3A_344 = arith.constant 6 : i32
      %dma_start3A_345 = arith.constant 0 : i32
      %dma_start3A_346 = arith.constant 0 : i32
      %dma_start3A_347 = tpu.memref_slice %arg10[%dma_start3A_343, %dma_start3A_345, %dma_start3A_346] : memref<7x128x8xf32, #tpu.memory_space<vmem>> -> memref<1x128x8xf32, #tpu.memory_space<vmem>>
      %dma_start3A_348 = tpu.memref_squeeze %dma_start3A_347 : memref<1x128x8xf32, #tpu.memory_space<vmem>> -> memref<128x8xf32, #tpu.memory_space<vmem>>
      %dma_start3A_349 = arith.constant 0 : i32
      %dma_start3A_350 = tpu.memref_slice %arg9[%dma_start3A_344, %dma_start3A_349] : memref<14x128xi32, #tpu.memory_space<vmem>> -> memref<1x128xi32, #tpu.memory_space<vmem>>
      %dma_start3A_351 = tpu.memref_squeeze %dma_start3A_350 : memref<1x128xi32, #tpu.memory_space<vmem>> -> memref<128xi32, #tpu.memory_space<vmem>>
      %dma_start3A_352 = arith.constant 0 : i32
      %dma_start3A_353 = arith.constant 0 : i32
      %dma_start3A_354 = tpu.memref_slice %arg7[%dma_start3A_352, %dma_start3A_353] : memref<102400x8xf32, #tpu.memory_space<vmem_shared>> -> memref<102400x8xf32, #tpu.memory_space<vmem_shared>>
      tpu.enqueue_indirect_dma source(%dma_start3A_348 : memref<128x8xf32, #tpu.memory_space<vmem>>) target(%dma_start3A_354 : memref<102400x8xf32, #tpu.memory_space<vmem_shared>>) offsets(%dma_start3A_351 : memref<128xi32, #tpu.memory_space<vmem>>) semaphore(%arg13 : memref<!tpu.dma_semaphore, #tpu.memory_space<semaphore_mem>>) {add = true}
      %dma_wait3A_355 = arith.constant 7 : i32
      %dma_wait3A_356 = arith.constant 0 : i32
      %dma_wait3A_357 = arith.constant 0 : i32
      %dma_wait3A_358 = arith.constant 0 : i32
      %dma_wait3A_359 = tpu.memref_slice %arg11[%dma_wait3A_356, %dma_wait3A_357, %dma_wait3A_358] : memref<7x128x8xf32, #tpu.memory_space<vmem>> -> memref<1x128x8xf32, #tpu.memory_space<vmem>>
      %dma_wait3A_360 = tpu.memref_squeeze %dma_wait3A_359 : memref<1x128x8xf32, #tpu.memory_space<vmem>> -> memref<128x8xf32, #tpu.memory_space<vmem>>
      %dma_wait3A_361 = arith.constant 0 : i32
      %dma_wait3A_362 = tpu.memref_slice %arg8[%dma_wait3A_355, %dma_wait3A_361] : memref<14x128xi32, #tpu.memory_space<vmem>> -> memref<1x128xi32, #tpu.memory_space<vmem>>
      %dma_wait3A_363 = tpu.memref_squeeze %dma_wait3A_362 : memref<1x128xi32, #tpu.memory_space<vmem>> -> memref<128xi32, #tpu.memory_space<vmem>>
      %dma_wait3A_364 = arith.constant 0 : i32
      %dma_wait3A_365 = arith.constant 0 : i32
      %dma_wait3A_366 = tpu.memref_slice %arg4[%dma_wait3A_364, %dma_wait3A_365] : memref<102400x8xf32, #tpu.memory_space<hbm>> -> memref<102400x8xf32, #tpu.memory_space<hbm>>
      tpu.wait_indirect_dma semaphore(%arg12 : memref<!tpu.dma_semaphore, #tpu.memory_space<semaphore_mem>>) src(%dma_wait3A_366 : memref<102400x8xf32, #tpu.memory_space<hbm>>) dst(%dma_wait3A_360 : memref<128x8xf32, #tpu.memory_space<vmem>>)
      %dma_wait3A_367 = arith.constant 8 : i32
      %dma_wait3A_368 = arith.constant 1 : i32
      %dma_wait3A_369 = arith.constant 0 : i32
      %dma_wait3A_370 = arith.constant 0 : i32
      %dma_wait3A_371 = tpu.memref_slice %arg11[%dma_wait3A_368, %dma_wait3A_369, %dma_wait3A_370] : memref<7x128x8xf32, #tpu.memory_space<vmem>> -> memref<1x128x8xf32, #tpu.memory_space<vmem>>
      %dma_wait3A_372 = tpu.memref_squeeze %dma_wait3A_371 : memref<1x128x8xf32, #tpu.memory_space<vmem>> -> memref<128x8xf32, #tpu.memory_space<vmem>>
      %dma_wait3A_373 = arith.constant 0 : i32
      %dma_wait3A_374 = tpu.memref_slice %arg8[%dma_wait3A_367, %dma_wait3A_373] : memref<14x128xi32, #tpu.memory_space<vmem>> -> memref<1x128xi32, #tpu.memory_space<vmem>>
      %dma_wait3A_375 = tpu.memref_squeeze %dma_wait3A_374 : memref<1x128xi32, #tpu.memory_space<vmem>> -> memref<128xi32, #tpu.memory_space<vmem>>
      %dma_wait3A_376 = arith.constant 0 : i32
      %dma_wait3A_377 = arith.constant 0 : i32
      %dma_wait3A_378 = tpu.memref_slice %arg4[%dma_wait3A_376, %dma_wait3A_377] : memref<102400x8xf32, #tpu.memory_space<hbm>> -> memref<102400x8xf32, #tpu.memory_space<hbm>>
      tpu.wait_indirect_dma semaphore(%arg12 : memref<!tpu.dma_semaphore, #tpu.memory_space<semaphore_mem>>) src(%dma_wait3A_378 : memref<102400x8xf32, #tpu.memory_space<hbm>>) dst(%dma_wait3A_372 : memref<128x8xf32, #tpu.memory_space<vmem>>)
      %dma_wait3A_379 = arith.constant 9 : i32
      %dma_wait3A_380 = arith.constant 2 : i32
      %dma_wait3A_381 = arith.constant 0 : i32
      %dma_wait3A_382 = arith.constant 0 : i32
      %dma_wait3A_383 = tpu.memref_slice %arg11[%dma_wait3A_380, %dma_wait3A_381, %dma_wait3A_382] : memref<7x128x8xf32, #tpu.memory_space<vmem>> -> memref<1x128x8xf32, #tpu.memory_space<vmem>>
      %dma_wait3A_384 = tpu.memref_squeeze %dma_wait3A_383 : memref<1x128x8xf32, #tpu.memory_space<vmem>> -> memref<128x8xf32, #tpu.memory_space<vmem>>
      %dma_wait3A_385 = arith.constant 0 : i32
      %dma_wait3A_386 = tpu.memref_slice %arg8[%dma_wait3A_379, %dma_wait3A_385] : memref<14x128xi32, #tpu.memory_space<vmem>> -> memref<1x128xi32, #tpu.memory_space<vmem>>
      %dma_wait3A_387 = tpu.memref_squeeze %dma_wait3A_386 : memref<1x128xi32, #tpu.memory_space<vmem>> -> memref<128xi32, #tpu.memory_space<vmem>>
      %dma_wait3A_388 = arith.constant 0 : i32
      %dma_wait3A_389 = arith.constant 0 : i32
      %dma_wait3A_390 = tpu.memref_slice %arg4[%dma_wait3A_388, %dma_wait3A_389] : memref<102400x8xf32, #tpu.memory_space<hbm>> -> memref<102400x8xf32, #tpu.memory_space<hbm>>
      tpu.wait_indirect_dma semaphore(%arg12 : memref<!tpu.dma_semaphore, #tpu.memory_space<semaphore_mem>>) src(%dma_wait3A_390 : memref<102400x8xf32, #tpu.memory_space<hbm>>) dst(%dma_wait3A_384 : memref<128x8xf32, #tpu.memory_space<vmem>>)
      %dma_wait3A_391 = arith.constant 10 : i32
      %dma_wait3A_392 = arith.constant 3 : i32
      %dma_wait3A_393 = arith.constant 0 : i32
      %dma_wait3A_394 = arith.constant 0 : i32
      %dma_wait3A_395 = tpu.memref_slice %arg11[%dma_wait3A_392, %dma_wait3A_393, %dma_wait3A_394] : memref<7x128x8xf32, #tpu.memory_space<vmem>> -> memref<1x128x8xf32, #tpu.memory_space<vmem>>
      %dma_wait3A_396 = tpu.memref_squeeze %dma_wait3A_395 : memref<1x128x8xf32, #tpu.memory_space<vmem>> -> memref<128x8xf32, #tpu.memory_space<vmem>>
      %dma_wait3A_397 = arith.constant 0 : i32
      %dma_wait3A_398 = tpu.memref_slice %arg8[%dma_wait3A_391, %dma_wait3A_397] : memref<14x128xi32, #tpu.memory_space<vmem>> -> memref<1x128xi32, #tpu.memory_space<vmem>>
      %dma_wait3A_399 = tpu.memref_squeeze %dma_wait3A_398 : memref<1x128xi32, #tpu.memory_space<vmem>> -> memref<128xi32, #tpu.memory_space<vmem>>
      %dma_wait3A_400 = arith.constant 0 : i32
      %dma_wait3A_401 = arith.constant 0 : i32
      %dma_wait3A_402 = tpu.memref_slice %arg4[%dma_wait3A_400, %dma_wait3A_401] : memref<102400x8xf32, #tpu.memory_space<hbm>> -> memref<102400x8xf32, #tpu.memory_space<hbm>>
      tpu.wait_indirect_dma semaphore(%arg12 : memref<!tpu.dma_semaphore, #tpu.memory_space<semaphore_mem>>) src(%dma_wait3A_402 : memref<102400x8xf32, #tpu.memory_space<hbm>>) dst(%dma_wait3A_396 : memref<128x8xf32, #tpu.memory_space<vmem>>)
      %dma_wait3A_403 = arith.constant 11 : i32
      %dma_wait3A_404 = arith.constant 4 : i32
      %dma_wait3A_405 = arith.constant 0 : i32
      %dma_wait3A_406 = arith.constant 0 : i32
      %dma_wait3A_407 = tpu.memref_slice %arg11[%dma_wait3A_404, %dma_wait3A_405, %dma_wait3A_406] : memref<7x128x8xf32, #tpu.memory_space<vmem>> -> memref<1x128x8xf32, #tpu.memory_space<vmem>>
      %dma_wait3A_408 = tpu.memref_squeeze %dma_wait3A_407 : memref<1x128x8xf32, #tpu.memory_space<vmem>> -> memref<128x8xf32, #tpu.memory_space<vmem>>
      %dma_wait3A_409 = arith.constant 0 : i32
      %dma_wait3A_410 = tpu.memref_slice %arg8[%dma_wait3A_403, %dma_wait3A_409] : memref<14x128xi32, #tpu.memory_space<vmem>> -> memref<1x128xi32, #tpu.memory_space<vmem>>
      %dma_wait3A_411 = tpu.memref_squeeze %dma_wait3A_410 : memref<1x128xi32, #tpu.memory_space<vmem>> -> memref<128xi32, #tpu.memory_space<vmem>>
      %dma_wait3A_412 = arith.constant 0 : i32
      %dma_wait3A_413 = arith.constant 0 : i32
      %dma_wait3A_414 = tpu.memref_slice %arg4[%dma_wait3A_412, %dma_wait3A_413] : memref<102400x8xf32, #tpu.memory_space<hbm>> -> memref<102400x8xf32, #tpu.memory_space<hbm>>
      tpu.wait_indirect_dma semaphore(%arg12 : memref<!tpu.dma_semaphore, #tpu.memory_space<semaphore_mem>>) src(%dma_wait3A_414 : memref<102400x8xf32, #tpu.memory_space<hbm>>) dst(%dma_wait3A_408 : memref<128x8xf32, #tpu.memory_space<vmem>>)
      %dma_wait3A_415 = arith.constant 12 : i32
      %dma_wait3A_416 = arith.constant 5 : i32
      %dma_wait3A_417 = arith.constant 0 : i32
      %dma_wait3A_418 = arith.constant 0 : i32
      %dma_wait3A_419 = tpu.memref_slice %arg11[%dma_wait3A_416, %dma_wait3A_417, %dma_wait3A_418] : memref<7x128x8xf32, #tpu.memory_space<vmem>> -> memref<1x128x8xf32, #tpu.memory_space<vmem>>
      %dma_wait3A_420 = tpu.memref_squeeze %dma_wait3A_419 : memref<1x128x8xf32, #tpu.memory_space<vmem>> -> memref<128x8xf32, #tpu.memory_space<vmem>>
      %dma_wait3A_421 = arith.constant 0 : i32
      %dma_wait3A_422 = tpu.memref_slice %arg8[%dma_wait3A_415, %dma_wait3A_421] : memref<14x128xi32, #tpu.memory_space<vmem>> -> memref<1x128xi32, #tpu.memory_space<vmem>>
      %dma_wait3A_423 = tpu.memref_squeeze %dma_wait3A_422 : memref<1x128xi32, #tpu.memory_space<vmem>> -> memref<128xi32, #tpu.memory_space<vmem>>
      %dma_wait3A_424 = arith.constant 0 : i32
      %dma_wait3A_425 = arith.constant 0 : i32
      %dma_wait3A_426 = tpu.memref_slice %arg4[%dma_wait3A_424, %dma_wait3A_425] : memref<102400x8xf32, #tpu.memory_space<hbm>> -> memref<102400x8xf32, #tpu.memory_space<hbm>>
      tpu.wait_indirect_dma semaphore(%arg12 : memref<!tpu.dma_semaphore, #tpu.memory_space<semaphore_mem>>) src(%dma_wait3A_426 : memref<102400x8xf32, #tpu.memory_space<hbm>>) dst(%dma_wait3A_420 : memref<128x8xf32, #tpu.memory_space<vmem>>)
      %dma_wait3A_427 = arith.constant 13 : i32
      %dma_wait3A_428 = arith.constant 6 : i32
      %dma_wait3A_429 = arith.constant 0 : i32
      %dma_wait3A_430 = arith.constant 0 : i32
      %dma_wait3A_431 = tpu.memref_slice %arg11[%dma_wait3A_428, %dma_wait3A_429, %dma_wait3A_430] : memref<7x128x8xf32, #tpu.memory_space<vmem>> -> memref<1x128x8xf32, #tpu.memory_space<vmem>>
      %dma_wait3A_432 = tpu.memref_squeeze %dma_wait3A_431 : memref<1x128x8xf32, #tpu.memory_space<vmem>> -> memref<128x8xf32, #tpu.memory_space<vmem>>
      %dma_wait3A_433 = arith.constant 0 : i32
      %dma_wait3A_434 = tpu.memref_slice %arg8[%dma_wait3A_427, %dma_wait3A_433] : memref<14x128xi32, #tpu.memory_space<vmem>> -> memref<1x128xi32, #tpu.memory_space<vmem>>
      %dma_wait3A_435 = tpu.memref_squeeze %dma_wait3A_434 : memref<1x128xi32, #tpu.memory_space<vmem>> -> memref<128xi32, #tpu.memory_space<vmem>>
      %dma_wait3A_436 = arith.constant 0 : i32
      %dma_wait3A_437 = arith.constant 0 : i32
      %dma_wait3A_438 = tpu.memref_slice %arg4[%dma_wait3A_436, %dma_wait3A_437] : memref<102400x8xf32, #tpu.memory_space<hbm>> -> memref<102400x8xf32, #tpu.memory_space<hbm>>
      tpu.wait_indirect_dma semaphore(%arg12 : memref<!tpu.dma_semaphore, #tpu.memory_space<semaphore_mem>>) src(%dma_wait3A_438 : memref<102400x8xf32, #tpu.memory_space<hbm>>) dst(%dma_wait3A_432 : memref<128x8xf32, #tpu.memory_space<vmem>>)
      %dma_start3A_439 = arith.constant 0 : i32
      %dma_start3A_440 = arith.constant 7 : i32
      %dma_start3A_441 = arith.constant 0 : i32
      %dma_start3A_442 = arith.constant 0 : i32
      %dma_start3A_443 = tpu.memref_slice %arg11[%dma_start3A_439, %dma_start3A_441, %dma_start3A_442] : memref<7x128x8xf32, #tpu.memory_space<vmem>> -> memref<1x128x8xf32, #tpu.memory_space<vmem>>
      %dma_start3A_444 = tpu.memref_squeeze %dma_start3A_443 : memref<1x128x8xf32, #tpu.memory_space<vmem>> -> memref<128x8xf32, #tpu.memory_space<vmem>>
      %dma_start3A_445 = arith.constant 0 : i32
      %dma_start3A_446 = tpu.memref_slice %arg9[%dma_start3A_440, %dma_start3A_445] : memref<14x128xi32, #tpu.memory_space<vmem>> -> memref<1x128xi32, #tpu.memory_space<vmem>>
      %dma_start3A_447 = tpu.memref_squeeze %dma_start3A_446 : memref<1x128xi32, #tpu.memory_space<vmem>> -> memref<128xi32, #tpu.memory_space<vmem>>
      %dma_start3A_448 = arith.constant 0 : i32
      %dma_start3A_449 = arith.constant 0 : i32
      %dma_start3A_450 = tpu.memref_slice %arg7[%dma_start3A_448, %dma_start3A_449] : memref<102400x8xf32, #tpu.memory_space<vmem_shared>> -> memref<102400x8xf32, #tpu.memory_space<vmem_shared>>
      tpu.enqueue_indirect_dma source(%dma_start3A_444 : memref<128x8xf32, #tpu.memory_space<vmem>>) target(%dma_start3A_450 : memref<102400x8xf32, #tpu.memory_space<vmem_shared>>) offsets(%dma_start3A_447 : memref<128xi32, #tpu.memory_space<vmem>>) semaphore(%arg13 : memref<!tpu.dma_semaphore, #tpu.memory_space<semaphore_mem>>) {add = true}
      %dma_start3A_451 = arith.constant 1 : i32
      %dma_start3A_452 = arith.constant 8 : i32
      %dma_start3A_453 = arith.constant 0 : i32
      %dma_start3A_454 = arith.constant 0 : i32
      %dma_start3A_455 = tpu.memref_slice %arg11[%dma_start3A_451, %dma_start3A_453, %dma_start3A_454] : memref<7x128x8xf32, #tpu.memory_space<vmem>> -> memref<1x128x8xf32, #tpu.memory_space<vmem>>
      %dma_start3A_456 = tpu.memref_squeeze %dma_start3A_455 : memref<1x128x8xf32, #tpu.memory_space<vmem>> -> memref<128x8xf32, #tpu.memory_space<vmem>>
      %dma_start3A_457 = arith.constant 0 : i32
      %dma_start3A_458 = tpu.memref_slice %arg9[%dma_start3A_452, %dma_start3A_457] : memref<14x128xi32, #tpu.memory_space<vmem>> -> memref<1x128xi32, #tpu.memory_space<vmem>>
      %dma_start3A_459 = tpu.memref_squeeze %dma_start3A_458 : memref<1x128xi32, #tpu.memory_space<vmem>> -> memref<128xi32, #tpu.memory_space<vmem>>
      %dma_start3A_460 = arith.constant 0 : i32
      %dma_start3A_461 = arith.constant 0 : i32
      %dma_start3A_462 = tpu.memref_slice %arg7[%dma_start3A_460, %dma_start3A_461] : memref<102400x8xf32, #tpu.memory_space<vmem_shared>> -> memref<102400x8xf32, #tpu.memory_space<vmem_shared>>
      tpu.enqueue_indirect_dma source(%dma_start3A_456 : memref<128x8xf32, #tpu.memory_space<vmem>>) target(%dma_start3A_462 : memref<102400x8xf32, #tpu.memory_space<vmem_shared>>) offsets(%dma_start3A_459 : memref<128xi32, #tpu.memory_space<vmem>>) semaphore(%arg13 : memref<!tpu.dma_semaphore, #tpu.memory_space<semaphore_mem>>) {add = true}
      %dma_start3A_463 = arith.constant 2 : i32
      %dma_start3A_464 = arith.constant 9 : i32
      %dma_start3A_465 = arith.constant 0 : i32
      %dma_start3A_466 = arith.constant 0 : i32
      %dma_start3A_467 = tpu.memref_slice %arg11[%dma_start3A_463, %dma_start3A_465, %dma_start3A_466] : memref<7x128x8xf32, #tpu.memory_space<vmem>> -> memref<1x128x8xf32, #tpu.memory_space<vmem>>
      %dma_start3A_468 = tpu.memref_squeeze %dma_start3A_467 : memref<1x128x8xf32, #tpu.memory_space<vmem>> -> memref<128x8xf32, #tpu.memory_space<vmem>>
      %dma_start3A_469 = arith.constant 0 : i32
      %dma_start3A_470 = tpu.memref_slice %arg9[%dma_start3A_464, %dma_start3A_469] : memref<14x128xi32, #tpu.memory_space<vmem>> -> memref<1x128xi32, #tpu.memory_space<vmem>>
      %dma_start3A_471 = tpu.memref_squeeze %dma_start3A_470 : memref<1x128xi32, #tpu.memory_space<vmem>> -> memref<128xi32, #tpu.memory_space<vmem>>
      %dma_start3A_472 = arith.constant 0 : i32
      %dma_start3A_473 = arith.constant 0 : i32
      %dma_start3A_474 = tpu.memref_slice %arg7[%dma_start3A_472, %dma_start3A_473] : memref<102400x8xf32, #tpu.memory_space<vmem_shared>> -> memref<102400x8xf32, #tpu.memory_space<vmem_shared>>
      tpu.enqueue_indirect_dma source(%dma_start3A_468 : memref<128x8xf32, #tpu.memory_space<vmem>>) target(%dma_start3A_474 : memref<102400x8xf32, #tpu.memory_space<vmem_shared>>) offsets(%dma_start3A_471 : memref<128xi32, #tpu.memory_space<vmem>>) semaphore(%arg13 : memref<!tpu.dma_semaphore, #tpu.memory_space<semaphore_mem>>) {add = true}
      %dma_start3A_475 = arith.constant 3 : i32
      %dma_start3A_476 = arith.constant 10 : i32
      %dma_start3A_477 = arith.constant 0 : i32
      %dma_start3A_478 = arith.constant 0 : i32
      %dma_start3A_479 = tpu.memref_slice %arg11[%dma_start3A_475, %dma_start3A_477, %dma_start3A_478] : memref<7x128x8xf32, #tpu.memory_space<vmem>> -> memref<1x128x8xf32, #tpu.memory_space<vmem>>
      %dma_start3A_480 = tpu.memref_squeeze %dma_start3A_479 : memref<1x128x8xf32, #tpu.memory_space<vmem>> -> memref<128x8xf32, #tpu.memory_space<vmem>>
      %dma_start3A_481 = arith.constant 0 : i32
      %dma_start3A_482 = tpu.memref_slice %arg9[%dma_start3A_476, %dma_start3A_481] : memref<14x128xi32, #tpu.memory_space<vmem>> -> memref<1x128xi32, #tpu.memory_space<vmem>>
      %dma_start3A_483 = tpu.memref_squeeze %dma_start3A_482 : memref<1x128xi32, #tpu.memory_space<vmem>> -> memref<128xi32, #tpu.memory_space<vmem>>
      %dma_start3A_484 = arith.constant 0 : i32
      %dma_start3A_485 = arith.constant 0 : i32
      %dma_start3A_486 = tpu.memref_slice %arg7[%dma_start3A_484, %dma_start3A_485] : memref<102400x8xf32, #tpu.memory_space<vmem_shared>> -> memref<102400x8xf32, #tpu.memory_space<vmem_shared>>
      tpu.enqueue_indirect_dma source(%dma_start3A_480 : memref<128x8xf32, #tpu.memory_space<vmem>>) target(%dma_start3A_486 : memref<102400x8xf32, #tpu.memory_space<vmem_shared>>) offsets(%dma_start3A_483 : memref<128xi32, #tpu.memory_space<vmem>>) semaphore(%arg13 : memref<!tpu.dma_semaphore, #tpu.memory_space<semaphore_mem>>) {add = true}
      %dma_start3A_487 = arith.constant 4 : i32
      %dma_start3A_488 = arith.constant 11 : i32
      %dma_start3A_489 = arith.constant 0 : i32
      %dma_start3A_490 = arith.constant 0 : i32
      %dma_start3A_491 = tpu.memref_slice %arg11[%dma_start3A_487, %dma_start3A_489, %dma_start3A_490] : memref<7x128x8xf32, #tpu.memory_space<vmem>> -> memref<1x128x8xf32, #tpu.memory_space<vmem>>
      %dma_start3A_492 = tpu.memref_squeeze %dma_start3A_491 : memref<1x128x8xf32, #tpu.memory_space<vmem>> -> memref<128x8xf32, #tpu.memory_space<vmem>>
      %dma_start3A_493 = arith.constant 0 : i32
      %dma_start3A_494 = tpu.memref_slice %arg9[%dma_start3A_488, %dma_start3A_493] : memref<14x128xi32, #tpu.memory_space<vmem>> -> memref<1x128xi32, #tpu.memory_space<vmem>>
      %dma_start3A_495 = tpu.memref_squeeze %dma_start3A_494 : memref<1x128xi32, #tpu.memory_space<vmem>> -> memref<128xi32, #tpu.memory_space<vmem>>
      %dma_start3A_496 = arith.constant 0 : i32
      %dma_start3A_497 = arith.constant 0 : i32
      %dma_start3A_498 = tpu.memref_slice %arg7[%dma_start3A_496, %dma_start3A_497] : memref<102400x8xf32, #tpu.memory_space<vmem_shared>> -> memref<102400x8xf32, #tpu.memory_space<vmem_shared>>
      tpu.enqueue_indirect_dma source(%dma_start3A_492 : memref<128x8xf32, #tpu.memory_space<vmem>>) target(%dma_start3A_498 : memref<102400x8xf32, #tpu.memory_space<vmem_shared>>) offsets(%dma_start3A_495 : memref<128xi32, #tpu.memory_space<vmem>>) semaphore(%arg13 : memref<!tpu.dma_semaphore, #tpu.memory_space<semaphore_mem>>) {add = true}
      %dma_start3A_499 = arith.constant 5 : i32
      %dma_start3A_500 = arith.constant 12 : i32
      %dma_start3A_501 = arith.constant 0 : i32
      %dma_start3A_502 = arith.constant 0 : i32
      %dma_start3A_503 = tpu.memref_slice %arg11[%dma_start3A_499, %dma_start3A_501, %dma_start3A_502] : memref<7x128x8xf32, #tpu.memory_space<vmem>> -> memref<1x128x8xf32, #tpu.memory_space<vmem>>
      %dma_start3A_504 = tpu.memref_squeeze %dma_start3A_503 : memref<1x128x8xf32, #tpu.memory_space<vmem>> -> memref<128x8xf32, #tpu.memory_space<vmem>>
      %dma_start3A_505 = arith.constant 0 : i32
      %dma_start3A_506 = tpu.memref_slice %arg9[%dma_start3A_500, %dma_start3A_505] : memref<14x128xi32, #tpu.memory_space<vmem>> -> memref<1x128xi32, #tpu.memory_space<vmem>>
      %dma_start3A_507 = tpu.memref_squeeze %dma_start3A_506 : memref<1x128xi32, #tpu.memory_space<vmem>> -> memref<128xi32, #tpu.memory_space<vmem>>
      %dma_start3A_508 = arith.constant 0 : i32
      %dma_start3A_509 = arith.constant 0 : i32
      %dma_start3A_510 = tpu.memref_slice %arg7[%dma_start3A_508, %dma_start3A_509] : memref<102400x8xf32, #tpu.memory_space<vmem_shared>> -> memref<102400x8xf32, #tpu.memory_space<vmem_shared>>
      tpu.enqueue_indirect_dma source(%dma_start3A_504 : memref<128x8xf32, #tpu.memory_space<vmem>>) target(%dma_start3A_510 : memref<102400x8xf32, #tpu.memory_space<vmem_shared>>) offsets(%dma_start3A_507 : memref<128xi32, #tpu.memory_space<vmem>>) semaphore(%arg13 : memref<!tpu.dma_semaphore, #tpu.memory_space<semaphore_mem>>) {add = true}
      %dma_start3A_511 = arith.constant 6 : i32
      %dma_start3A_512 = arith.constant 13 : i32
      %dma_start3A_513 = arith.constant 0 : i32
      %dma_start3A_514 = arith.constant 0 : i32
      %dma_start3A_515 = tpu.memref_slice %arg11[%dma_start3A_511, %dma_start3A_513, %dma_start3A_514] : memref<7x128x8xf32, #tpu.memory_space<vmem>> -> memref<1x128x8xf32, #tpu.memory_space<vmem>>
      %dma_start3A_516 = tpu.memref_squeeze %dma_start3A_515 : memref<1x128x8xf32, #tpu.memory_space<vmem>> -> memref<128x8xf32, #tpu.memory_space<vmem>>
      %dma_start3A_517 = arith.constant 0 : i32
      %dma_start3A_518 = tpu.memref_slice %arg9[%dma_start3A_512, %dma_start3A_517] : memref<14x128xi32, #tpu.memory_space<vmem>> -> memref<1x128xi32, #tpu.memory_space<vmem>>
      %dma_start3A_519 = tpu.memref_squeeze %dma_start3A_518 : memref<1x128xi32, #tpu.memory_space<vmem>> -> memref<128xi32, #tpu.memory_space<vmem>>
      %dma_start3A_520 = arith.constant 0 : i32
      %dma_start3A_521 = arith.constant 0 : i32
      %dma_start3A_522 = tpu.memref_slice %arg7[%dma_start3A_520, %dma_start3A_521] : memref<102400x8xf32, #tpu.memory_space<vmem_shared>> -> memref<102400x8xf32, #tpu.memory_space<vmem_shared>>
      tpu.enqueue_indirect_dma source(%dma_start3A_516 : memref<128x8xf32, #tpu.memory_space<vmem>>) target(%dma_start3A_522 : memref<102400x8xf32, #tpu.memory_space<vmem_shared>>) offsets(%dma_start3A_519 : memref<128xi32, #tpu.memory_space<vmem>>) semaphore(%arg13 : memref<!tpu.dma_semaphore, #tpu.memory_space<semaphore_mem>>) {add = true}
      %dma_wait3A_523 = arith.constant 0 : i32
      %dma_wait3A_524 = arith.constant 0 : i32
      %dma_wait3A_525 = arith.constant 0 : i32
      %dma_wait3A_526 = arith.constant 0 : i32
      %dma_wait3A_527 = tpu.memref_slice %arg10[%dma_wait3A_523, %dma_wait3A_525, %dma_wait3A_526] : memref<7x128x8xf32, #tpu.memory_space<vmem>> -> memref<1x128x8xf32, #tpu.memory_space<vmem>>
      %dma_wait3A_528 = tpu.memref_squeeze %dma_wait3A_527 : memref<1x128x8xf32, #tpu.memory_space<vmem>> -> memref<128x8xf32, #tpu.memory_space<vmem>>
      %dma_wait3A_529 = arith.constant 0 : i32
      %dma_wait3A_530 = tpu.memref_slice %arg9[%dma_wait3A_524, %dma_wait3A_529] : memref<14x128xi32, #tpu.memory_space<vmem>> -> memref<1x128xi32, #tpu.memory_space<vmem>>
      %dma_wait3A_531 = tpu.memref_squeeze %dma_wait3A_530 : memref<1x128xi32, #tpu.memory_space<vmem>> -> memref<128xi32, #tpu.memory_space<vmem>>
      %dma_wait3A_532 = arith.constant 0 : i32
      %dma_wait3A_533 = arith.constant 0 : i32
      %dma_wait3A_534 = tpu.memref_slice %arg7[%dma_wait3A_532, %dma_wait3A_533] : memref<102400x8xf32, #tpu.memory_space<vmem_shared>> -> memref<102400x8xf32, #tpu.memory_space<vmem_shared>>
      tpu.wait_indirect_dma semaphore(%arg13 : memref<!tpu.dma_semaphore, #tpu.memory_space<semaphore_mem>>) src(%dma_wait3A_528 : memref<128x8xf32, #tpu.memory_space<vmem>>) dst(%dma_wait3A_534 : memref<102400x8xf32, #tpu.memory_space<vmem_shared>>)
      %dma_wait3A_535 = arith.constant 1 : i32
      %dma_wait3A_536 = arith.constant 1 : i32
      %dma_wait3A_537 = arith.constant 0 : i32
      %dma_wait3A_538 = arith.constant 0 : i32
      %dma_wait3A_539 = tpu.memref_slice %arg10[%dma_wait3A_535, %dma_wait3A_537, %dma_wait3A_538] : memref<7x128x8xf32, #tpu.memory_space<vmem>> -> memref<1x128x8xf32, #tpu.memory_space<vmem>>
      %dma_wait3A_540 = tpu.memref_squeeze %dma_wait3A_539 : memref<1x128x8xf32, #tpu.memory_space<vmem>> -> memref<128x8xf32, #tpu.memory_space<vmem>>
      %dma_wait3A_541 = arith.constant 0 : i32
      %dma_wait3A_542 = tpu.memref_slice %arg9[%dma_wait3A_536, %dma_wait3A_541] : memref<14x128xi32, #tpu.memory_space<vmem>> -> memref<1x128xi32, #tpu.memory_space<vmem>>
      %dma_wait3A_543 = tpu.memref_squeeze %dma_wait3A_542 : memref<1x128xi32, #tpu.memory_space<vmem>> -> memref<128xi32, #tpu.memory_space<vmem>>
      %dma_wait3A_544 = arith.constant 0 : i32
      %dma_wait3A_545 = arith.constant 0 : i32
      %dma_wait3A_546 = tpu.memref_slice %arg7[%dma_wait3A_544, %dma_wait3A_545] : memref<102400x8xf32, #tpu.memory_space<vmem_shared>> -> memref<102400x8xf32, #tpu.memory_space<vmem_shared>>
      tpu.wait_indirect_dma semaphore(%arg13 : memref<!tpu.dma_semaphore, #tpu.memory_space<semaphore_mem>>) src(%dma_wait3A_540 : memref<128x8xf32, #tpu.memory_space<vmem>>) dst(%dma_wait3A_546 : memref<102400x8xf32, #tpu.memory_space<vmem_shared>>)
      %dma_wait3A_547 = arith.constant 2 : i32
      %dma_wait3A_548 = arith.constant 2 : i32
      %dma_wait3A_549 = arith.constant 0 : i32
      %dma_wait3A_550 = arith.constant 0 : i32
      %dma_wait3A_551 = tpu.memref_slice %arg10[%dma_wait3A_547, %dma_wait3A_549, %dma_wait3A_550] : memref<7x128x8xf32, #tpu.memory_space<vmem>> -> memref<1x128x8xf32, #tpu.memory_space<vmem>>
      %dma_wait3A_552 = tpu.memref_squeeze %dma_wait3A_551 : memref<1x128x8xf32, #tpu.memory_space<vmem>> -> memref<128x8xf32, #tpu.memory_space<vmem>>
      %dma_wait3A_553 = arith.constant 0 : i32
      %dma_wait3A_554 = tpu.memref_slice %arg9[%dma_wait3A_548, %dma_wait3A_553] : memref<14x128xi32, #tpu.memory_space<vmem>> -> memref<1x128xi32, #tpu.memory_space<vmem>>
      %dma_wait3A_555 = tpu.memref_squeeze %dma_wait3A_554 : memref<1x128xi32, #tpu.memory_space<vmem>> -> memref<128xi32, #tpu.memory_space<vmem>>
      %dma_wait3A_556 = arith.constant 0 : i32
      %dma_wait3A_557 = arith.constant 0 : i32
      %dma_wait3A_558 = tpu.memref_slice %arg7[%dma_wait3A_556, %dma_wait3A_557] : memref<102400x8xf32, #tpu.memory_space<vmem_shared>> -> memref<102400x8xf32, #tpu.memory_space<vmem_shared>>
      tpu.wait_indirect_dma semaphore(%arg13 : memref<!tpu.dma_semaphore, #tpu.memory_space<semaphore_mem>>) src(%dma_wait3A_552 : memref<128x8xf32, #tpu.memory_space<vmem>>) dst(%dma_wait3A_558 : memref<102400x8xf32, #tpu.memory_space<vmem_shared>>)
      %dma_wait3A_559 = arith.constant 3 : i32
      %dma_wait3A_560 = arith.constant 3 : i32
      %dma_wait3A_561 = arith.constant 0 : i32
      %dma_wait3A_562 = arith.constant 0 : i32
      %dma_wait3A_563 = tpu.memref_slice %arg10[%dma_wait3A_559, %dma_wait3A_561, %dma_wait3A_562] : memref<7x128x8xf32, #tpu.memory_space<vmem>> -> memref<1x128x8xf32, #tpu.memory_space<vmem>>
      %dma_wait3A_564 = tpu.memref_squeeze %dma_wait3A_563 : memref<1x128x8xf32, #tpu.memory_space<vmem>> -> memref<128x8xf32, #tpu.memory_space<vmem>>
      %dma_wait3A_565 = arith.constant 0 : i32
      %dma_wait3A_566 = tpu.memref_slice %arg9[%dma_wait3A_560, %dma_wait3A_565] : memref<14x128xi32, #tpu.memory_space<vmem>> -> memref<1x128xi32, #tpu.memory_space<vmem>>
      %dma_wait3A_567 = tpu.memref_squeeze %dma_wait3A_566 : memref<1x128xi32, #tpu.memory_space<vmem>> -> memref<128xi32, #tpu.memory_space<vmem>>
      %dma_wait3A_568 = arith.constant 0 : i32
      %dma_wait3A_569 = arith.constant 0 : i32
      %dma_wait3A_570 = tpu.memref_slice %arg7[%dma_wait3A_568, %dma_wait3A_569] : memref<102400x8xf32, #tpu.memory_space<vmem_shared>> -> memref<102400x8xf32, #tpu.memory_space<vmem_shared>>
      tpu.wait_indirect_dma semaphore(%arg13 : memref<!tpu.dma_semaphore, #tpu.memory_space<semaphore_mem>>) src(%dma_wait3A_564 : memref<128x8xf32, #tpu.memory_space<vmem>>) dst(%dma_wait3A_570 : memref<102400x8xf32, #tpu.memory_space<vmem_shared>>)
      %dma_wait3A_571 = arith.constant 4 : i32
      %dma_wait3A_572 = arith.constant 4 : i32
      %dma_wait3A_573 = arith.constant 0 : i32
      %dma_wait3A_574 = arith.constant 0 : i32
      %dma_wait3A_575 = tpu.memref_slice %arg10[%dma_wait3A_571, %dma_wait3A_573, %dma_wait3A_574] : memref<7x128x8xf32, #tpu.memory_space<vmem>> -> memref<1x128x8xf32, #tpu.memory_space<vmem>>
      %dma_wait3A_576 = tpu.memref_squeeze %dma_wait3A_575 : memref<1x128x8xf32, #tpu.memory_space<vmem>> -> memref<128x8xf32, #tpu.memory_space<vmem>>
      %dma_wait3A_577 = arith.constant 0 : i32
      %dma_wait3A_578 = tpu.memref_slice %arg9[%dma_wait3A_572, %dma_wait3A_577] : memref<14x128xi32, #tpu.memory_space<vmem>> -> memref<1x128xi32, #tpu.memory_space<vmem>>
      %dma_wait3A_579 = tpu.memref_squeeze %dma_wait3A_578 : memref<1x128xi32, #tpu.memory_space<vmem>> -> memref<128xi32, #tpu.memory_space<vmem>>
      %dma_wait3A_580 = arith.constant 0 : i32
      %dma_wait3A_581 = arith.constant 0 : i32
      %dma_wait3A_582 = tpu.memref_slice %arg7[%dma_wait3A_580, %dma_wait3A_581] : memref<102400x8xf32, #tpu.memory_space<vmem_shared>> -> memref<102400x8xf32, #tpu.memory_space<vmem_shared>>
      tpu.wait_indirect_dma semaphore(%arg13 : memref<!tpu.dma_semaphore, #tpu.memory_space<semaphore_mem>>) src(%dma_wait3A_576 : memref<128x8xf32, #tpu.memory_space<vmem>>) dst(%dma_wait3A_582 : memref<102400x8xf32, #tpu.memory_space<vmem_shared>>)
      %dma_wait3A_583 = arith.constant 5 : i32
      %dma_wait3A_584 = arith.constant 5 : i32
      %dma_wait3A_585 = arith.constant 0 : i32
      %dma_wait3A_586 = arith.constant 0 : i32
      %dma_wait3A_587 = tpu.memref_slice %arg10[%dma_wait3A_583, %dma_wait3A_585, %dma_wait3A_586] : memref<7x128x8xf32, #tpu.memory_space<vmem>> -> memref<1x128x8xf32, #tpu.memory_space<vmem>>
      %dma_wait3A_588 = tpu.memref_squeeze %dma_wait3A_587 : memref<1x128x8xf32, #tpu.memory_space<vmem>> -> memref<128x8xf32, #tpu.memory_space<vmem>>
      %dma_wait3A_589 = arith.constant 0 : i32
      %dma_wait3A_590 = tpu.memref_slice %arg9[%dma_wait3A_584, %dma_wait3A_589] : memref<14x128xi32, #tpu.memory_space<vmem>> -> memref<1x128xi32, #tpu.memory_space<vmem>>
      %dma_wait3A_591 = tpu.memref_squeeze %dma_wait3A_590 : memref<1x128xi32, #tpu.memory_space<vmem>> -> memref<128xi32, #tpu.memory_space<vmem>>
      %dma_wait3A_592 = arith.constant 0 : i32
      %dma_wait3A_593 = arith.constant 0 : i32
      %dma_wait3A_594 = tpu.memref_slice %arg7[%dma_wait3A_592, %dma_wait3A_593] : memref<102400x8xf32, #tpu.memory_space<vmem_shared>> -> memref<102400x8xf32, #tpu.memory_space<vmem_shared>>
      tpu.wait_indirect_dma semaphore(%arg13 : memref<!tpu.dma_semaphore, #tpu.memory_space<semaphore_mem>>) src(%dma_wait3A_588 : memref<128x8xf32, #tpu.memory_space<vmem>>) dst(%dma_wait3A_594 : memref<102400x8xf32, #tpu.memory_space<vmem_shared>>)
      %dma_wait3A_595 = arith.constant 6 : i32
      %dma_wait3A_596 = arith.constant 6 : i32
      %dma_wait3A_597 = arith.constant 0 : i32
      %dma_wait3A_598 = arith.constant 0 : i32
      %dma_wait3A_599 = tpu.memref_slice %arg10[%dma_wait3A_595, %dma_wait3A_597, %dma_wait3A_598] : memref<7x128x8xf32, #tpu.memory_space<vmem>> -> memref<1x128x8xf32, #tpu.memory_space<vmem>>
      %dma_wait3A_600 = tpu.memref_squeeze %dma_wait3A_599 : memref<1x128x8xf32, #tpu.memory_space<vmem>> -> memref<128x8xf32, #tpu.memory_space<vmem>>
      %dma_wait3A_601 = arith.constant 0 : i32
      %dma_wait3A_602 = tpu.memref_slice %arg9[%dma_wait3A_596, %dma_wait3A_601] : memref<14x128xi32, #tpu.memory_space<vmem>> -> memref<1x128xi32, #tpu.memory_space<vmem>>
      %dma_wait3A_603 = tpu.memref_squeeze %dma_wait3A_602 : memref<1x128xi32, #tpu.memory_space<vmem>> -> memref<128xi32, #tpu.memory_space<vmem>>
      %dma_wait3A_604 = arith.constant 0 : i32
      %dma_wait3A_605 = arith.constant 0 : i32
      %dma_wait3A_606 = tpu.memref_slice %arg7[%dma_wait3A_604, %dma_wait3A_605] : memref<102400x8xf32, #tpu.memory_space<vmem_shared>> -> memref<102400x8xf32, #tpu.memory_space<vmem_shared>>
      tpu.wait_indirect_dma semaphore(%arg13 : memref<!tpu.dma_semaphore, #tpu.memory_space<semaphore_mem>>) src(%dma_wait3A_600 : memref<128x8xf32, #tpu.memory_space<vmem>>) dst(%dma_wait3A_606 : memref<102400x8xf32, #tpu.memory_space<vmem_shared>>)
      %dma_wait3A_607 = arith.constant 0 : i32
      %dma_wait3A_608 = arith.constant 7 : i32
      %dma_wait3A_609 = arith.constant 0 : i32
      %dma_wait3A_610 = arith.constant 0 : i32
      %dma_wait3A_611 = tpu.memref_slice %arg11[%dma_wait3A_607, %dma_wait3A_609, %dma_wait3A_610] : memref<7x128x8xf32, #tpu.memory_space<vmem>> -> memref<1x128x8xf32, #tpu.memory_space<vmem>>
      %dma_wait3A_612 = tpu.memref_squeeze %dma_wait3A_611 : memref<1x128x8xf32, #tpu.memory_space<vmem>> -> memref<128x8xf32, #tpu.memory_space<vmem>>
      %dma_wait3A_613 = arith.constant 0 : i32
      %dma_wait3A_614 = tpu.memref_slice %arg9[%dma_wait3A_608, %dma_wait3A_613] : memref<14x128xi32, #tpu.memory_space<vmem>> -> memref<1x128xi32, #tpu.memory_space<vmem>>
      %dma_wait3A_615 = tpu.memref_squeeze %dma_wait3A_614 : memref<1x128xi32, #tpu.memory_space<vmem>> -> memref<128xi32, #tpu.memory_space<vmem>>
      %dma_wait3A_616 = arith.constant 0 : i32
      %dma_wait3A_617 = arith.constant 0 : i32
      %dma_wait3A_618 = tpu.memref_slice %arg7[%dma_wait3A_616, %dma_wait3A_617] : memref<102400x8xf32, #tpu.memory_space<vmem_shared>> -> memref<102400x8xf32, #tpu.memory_space<vmem_shared>>
      tpu.wait_indirect_dma semaphore(%arg13 : memref<!tpu.dma_semaphore, #tpu.memory_space<semaphore_mem>>) src(%dma_wait3A_612 : memref<128x8xf32, #tpu.memory_space<vmem>>) dst(%dma_wait3A_618 : memref<102400x8xf32, #tpu.memory_space<vmem_shared>>)
      %dma_wait3A_619 = arith.constant 1 : i32
      %dma_wait3A_620 = arith.constant 8 : i32
      %dma_wait3A_621 = arith.constant 0 : i32
      %dma_wait3A_622 = arith.constant 0 : i32
      %dma_wait3A_623 = tpu.memref_slice %arg11[%dma_wait3A_619, %dma_wait3A_621, %dma_wait3A_622] : memref<7x128x8xf32, #tpu.memory_space<vmem>> -> memref<1x128x8xf32, #tpu.memory_space<vmem>>
      %dma_wait3A_624 = tpu.memref_squeeze %dma_wait3A_623 : memref<1x128x8xf32, #tpu.memory_space<vmem>> -> memref<128x8xf32, #tpu.memory_space<vmem>>
      %dma_wait3A_625 = arith.constant 0 : i32
      %dma_wait3A_626 = tpu.memref_slice %arg9[%dma_wait3A_620, %dma_wait3A_625] : memref<14x128xi32, #tpu.memory_space<vmem>> -> memref<1x128xi32, #tpu.memory_space<vmem>>
      %dma_wait3A_627 = tpu.memref_squeeze %dma_wait3A_626 : memref<1x128xi32, #tpu.memory_space<vmem>> -> memref<128xi32, #tpu.memory_space<vmem>>
      %dma_wait3A_628 = arith.constant 0 : i32
      %dma_wait3A_629 = arith.constant 0 : i32
      %dma_wait3A_630 = tpu.memref_slice %arg7[%dma_wait3A_628, %dma_wait3A_629] : memref<102400x8xf32, #tpu.memory_space<vmem_shared>> -> memref<102400x8xf32, #tpu.memory_space<vmem_shared>>
      tpu.wait_indirect_dma semaphore(%arg13 : memref<!tpu.dma_semaphore, #tpu.memory_space<semaphore_mem>>) src(%dma_wait3A_624 : memref<128x8xf32, #tpu.memory_space<vmem>>) dst(%dma_wait3A_630 : memref<102400x8xf32, #tpu.memory_space<vmem_shared>>)
      %dma_wait3A_631 = arith.constant 2 : i32
      %dma_wait3A_632 = arith.constant 9 : i32
      %dma_wait3A_633 = arith.constant 0 : i32
      %dma_wait3A_634 = arith.constant 0 : i32
      %dma_wait3A_635 = tpu.memref_slice %arg11[%dma_wait3A_631, %dma_wait3A_633, %dma_wait3A_634] : memref<7x128x8xf32, #tpu.memory_space<vmem>> -> memref<1x128x8xf32, #tpu.memory_space<vmem>>
      %dma_wait3A_636 = tpu.memref_squeeze %dma_wait3A_635 : memref<1x128x8xf32, #tpu.memory_space<vmem>> -> memref<128x8xf32, #tpu.memory_space<vmem>>
      %dma_wait3A_637 = arith.constant 0 : i32
      %dma_wait3A_638 = tpu.memref_slice %arg9[%dma_wait3A_632, %dma_wait3A_637] : memref<14x128xi32, #tpu.memory_space<vmem>> -> memref<1x128xi32, #tpu.memory_space<vmem>>
      %dma_wait3A_639 = tpu.memref_squeeze %dma_wait3A_638 : memref<1x128xi32, #tpu.memory_space<vmem>> -> memref<128xi32, #tpu.memory_space<vmem>>
      %dma_wait3A_640 = arith.constant 0 : i32
      %dma_wait3A_641 = arith.constant 0 : i32
      %dma_wait3A_642 = tpu.memref_slice %arg7[%dma_wait3A_640, %dma_wait3A_641] : memref<102400x8xf32, #tpu.memory_space<vmem_shared>> -> memref<102400x8xf32, #tpu.memory_space<vmem_shared>>
      tpu.wait_indirect_dma semaphore(%arg13 : memref<!tpu.dma_semaphore, #tpu.memory_space<semaphore_mem>>) src(%dma_wait3A_636 : memref<128x8xf32, #tpu.memory_space<vmem>>) dst(%dma_wait3A_642 : memref<102400x8xf32, #tpu.memory_space<vmem_shared>>)
      %dma_wait3A_643 = arith.constant 3 : i32
      %dma_wait3A_644 = arith.constant 10 : i32
      %dma_wait3A_645 = arith.constant 0 : i32
      %dma_wait3A_646 = arith.constant 0 : i32
      %dma_wait3A_647 = tpu.memref_slice %arg11[%dma_wait3A_643, %dma_wait3A_645, %dma_wait3A_646] : memref<7x128x8xf32, #tpu.memory_space<vmem>> -> memref<1x128x8xf32, #tpu.memory_space<vmem>>
      %dma_wait3A_648 = tpu.memref_squeeze %dma_wait3A_647 : memref<1x128x8xf32, #tpu.memory_space<vmem>> -> memref<128x8xf32, #tpu.memory_space<vmem>>
      %dma_wait3A_649 = arith.constant 0 : i32
      %dma_wait3A_650 = tpu.memref_slice %arg9[%dma_wait3A_644, %dma_wait3A_649] : memref<14x128xi32, #tpu.memory_space<vmem>> -> memref<1x128xi32, #tpu.memory_space<vmem>>
      %dma_wait3A_651 = tpu.memref_squeeze %dma_wait3A_650 : memref<1x128xi32, #tpu.memory_space<vmem>> -> memref<128xi32, #tpu.memory_space<vmem>>
      %dma_wait3A_652 = arith.constant 0 : i32
      %dma_wait3A_653 = arith.constant 0 : i32
      %dma_wait3A_654 = tpu.memref_slice %arg7[%dma_wait3A_652, %dma_wait3A_653] : memref<102400x8xf32, #tpu.memory_space<vmem_shared>> -> memref<102400x8xf32, #tpu.memory_space<vmem_shared>>
      tpu.wait_indirect_dma semaphore(%arg13 : memref<!tpu.dma_semaphore, #tpu.memory_space<semaphore_mem>>) src(%dma_wait3A_648 : memref<128x8xf32, #tpu.memory_space<vmem>>) dst(%dma_wait3A_654 : memref<102400x8xf32, #tpu.memory_space<vmem_shared>>)
      %dma_wait3A_655 = arith.constant 4 : i32
      %dma_wait3A_656 = arith.constant 11 : i32
      %dma_wait3A_657 = arith.constant 0 : i32
      %dma_wait3A_658 = arith.constant 0 : i32
      %dma_wait3A_659 = tpu.memref_slice %arg11[%dma_wait3A_655, %dma_wait3A_657, %dma_wait3A_658] : memref<7x128x8xf32, #tpu.memory_space<vmem>> -> memref<1x128x8xf32, #tpu.memory_space<vmem>>
      %dma_wait3A_660 = tpu.memref_squeeze %dma_wait3A_659 : memref<1x128x8xf32, #tpu.memory_space<vmem>> -> memref<128x8xf32, #tpu.memory_space<vmem>>
      %dma_wait3A_661 = arith.constant 0 : i32
      %dma_wait3A_662 = tpu.memref_slice %arg9[%dma_wait3A_656, %dma_wait3A_661] : memref<14x128xi32, #tpu.memory_space<vmem>> -> memref<1x128xi32, #tpu.memory_space<vmem>>
      %dma_wait3A_663 = tpu.memref_squeeze %dma_wait3A_662 : memref<1x128xi32, #tpu.memory_space<vmem>> -> memref<128xi32, #tpu.memory_space<vmem>>
      %dma_wait3A_664 = arith.constant 0 : i32
      %dma_wait3A_665 = arith.constant 0 : i32
      %dma_wait3A_666 = tpu.memref_slice %arg7[%dma_wait3A_664, %dma_wait3A_665] : memref<102400x8xf32, #tpu.memory_space<vmem_shared>> -> memref<102400x8xf32, #tpu.memory_space<vmem_shared>>
      tpu.wait_indirect_dma semaphore(%arg13 : memref<!tpu.dma_semaphore, #tpu.memory_space<semaphore_mem>>) src(%dma_wait3A_660 : memref<128x8xf32, #tpu.memory_space<vmem>>) dst(%dma_wait3A_666 : memref<102400x8xf32, #tpu.memory_space<vmem_shared>>)
      %dma_wait3A_667 = arith.constant 5 : i32
      %dma_wait3A_668 = arith.constant 12 : i32
      %dma_wait3A_669 = arith.constant 0 : i32
      %dma_wait3A_670 = arith.constant 0 : i32
      %dma_wait3A_671 = tpu.memref_slice %arg11[%dma_wait3A_667, %dma_wait3A_669, %dma_wait3A_670] : memref<7x128x8xf32, #tpu.memory_space<vmem>> -> memref<1x128x8xf32, #tpu.memory_space<vmem>>
      %dma_wait3A_672 = tpu.memref_squeeze %dma_wait3A_671 : memref<1x128x8xf32, #tpu.memory_space<vmem>> -> memref<128x8xf32, #tpu.memory_space<vmem>>
      %dma_wait3A_673 = arith.constant 0 : i32
      %dma_wait3A_674 = tpu.memref_slice %arg9[%dma_wait3A_668, %dma_wait3A_673] : memref<14x128xi32, #tpu.memory_space<vmem>> -> memref<1x128xi32, #tpu.memory_space<vmem>>
      %dma_wait3A_675 = tpu.memref_squeeze %dma_wait3A_674 : memref<1x128xi32, #tpu.memory_space<vmem>> -> memref<128xi32, #tpu.memory_space<vmem>>
      %dma_wait3A_676 = arith.constant 0 : i32
      %dma_wait3A_677 = arith.constant 0 : i32
      %dma_wait3A_678 = tpu.memref_slice %arg7[%dma_wait3A_676, %dma_wait3A_677] : memref<102400x8xf32, #tpu.memory_space<vmem_shared>> -> memref<102400x8xf32, #tpu.memory_space<vmem_shared>>
      tpu.wait_indirect_dma semaphore(%arg13 : memref<!tpu.dma_semaphore, #tpu.memory_space<semaphore_mem>>) src(%dma_wait3A_672 : memref<128x8xf32, #tpu.memory_space<vmem>>) dst(%dma_wait3A_678 : memref<102400x8xf32, #tpu.memory_space<vmem_shared>>)
      %dma_wait3A_679 = arith.constant 6 : i32
      %dma_wait3A_680 = arith.constant 13 : i32
      %dma_wait3A_681 = arith.constant 0 : i32
      %dma_wait3A_682 = arith.constant 0 : i32
      %dma_wait3A_683 = tpu.memref_slice %arg11[%dma_wait3A_679, %dma_wait3A_681, %dma_wait3A_682] : memref<7x128x8xf32, #tpu.memory_space<vmem>> -> memref<1x128x8xf32, #tpu.memory_space<vmem>>
      %dma_wait3A_684 = tpu.memref_squeeze %dma_wait3A_683 : memref<1x128x8xf32, #tpu.memory_space<vmem>> -> memref<128x8xf32, #tpu.memory_space<vmem>>
      %dma_wait3A_685 = arith.constant 0 : i32
      %dma_wait3A_686 = tpu.memref_slice %arg9[%dma_wait3A_680, %dma_wait3A_685] : memref<14x128xi32, #tpu.memory_space<vmem>> -> memref<1x128xi32, #tpu.memory_space<vmem>>
      %dma_wait3A_687 = tpu.memref_squeeze %dma_wait3A_686 : memref<1x128xi32, #tpu.memory_space<vmem>> -> memref<128xi32, #tpu.memory_space<vmem>>
      %dma_wait3A_688 = arith.constant 0 : i32
      %dma_wait3A_689 = arith.constant 0 : i32
      %dma_wait3A_690 = tpu.memref_slice %arg7[%dma_wait3A_688, %dma_wait3A_689] : memref<102400x8xf32, #tpu.memory_space<vmem_shared>> -> memref<102400x8xf32, #tpu.memory_space<vmem_shared>>
      tpu.wait_indirect_dma semaphore(%arg13 : memref<!tpu.dma_semaphore, #tpu.memory_space<semaphore_mem>>) src(%dma_wait3A_684 : memref<128x8xf32, #tpu.memory_space<vmem>>) dst(%dma_wait3A_690 : memref<102400x8xf32, #tpu.memory_space<vmem_shared>>)
    }
    %scan3A_11 = arith.constant 56 : i32
    %barrier3A_12 = arith.constant 0 : index
    tpu.barrier barrier_id(%barrier3A_12)
    %mul3A_13 = arith.constant 6400 : i32
    %mul3A_14 = arith.muli %arg1, %mul3A_13 : i32
    %mul3A_15 = arith.constant 6400 : i32
    %mul3A_16 = arith.muli %arg1, %mul3A_15 : i32
    "tpu.region"() ({
      %run_scoped3A = tpu.sem_alloc : memref<!tpu.dma_semaphore, #tpu.memory_space<semaphore_mem>>
      %dma_start3A = arith.constant 0 : i32
      %dma_start3A_17 = tpu.memref_slice %arg6[%arg0, %mul3A_16, %dma_start3A] : memref<2x102400x8xf32, #tpu.memory_space<hbm>> -> memref<1x6400x8xf32, #tpu.memory_space<hbm>>
      %dma_start3A_18 = tpu.memref_squeeze %dma_start3A_17 : memref<1x6400x8xf32, #tpu.memory_space<hbm>> -> memref<6400x8xf32, #tpu.memory_space<hbm>>
      %dma_start3A_19 = arith.constant 0 : i32
      %dma_start3A_20 = tpu.memref_slice %arg7[%mul3A_14, %dma_start3A_19] : memref<102400x8xf32, #tpu.memory_space<vmem_shared>> -> memref<6400x8xf32, #tpu.memory_space<vmem_shared>>
      tpu.enqueue_dma source(%dma_start3A_20 : memref<6400x8xf32, #tpu.memory_space<vmem_shared>>) target(%dma_start3A_18 : memref<6400x8xf32, #tpu.memory_space<hbm>>) target_semaphore(%run_scoped3A : memref<!tpu.dma_semaphore, #tpu.memory_space<semaphore_mem>>)
      %dma_wait3A = arith.constant 0 : i32
      %dma_wait3A_21 = tpu.memref_slice %arg6[%arg0, %mul3A_16, %dma_wait3A] : memref<2x102400x8xf32, #tpu.memory_space<hbm>> -> memref<1x6400x8xf32, #tpu.memory_space<hbm>>
      %dma_wait3A_22 = tpu.memref_squeeze %dma_wait3A_21 : memref<1x6400x8xf32, #tpu.memory_space<hbm>> -> memref<6400x8xf32, #tpu.memory_space<hbm>>
      %dma_wait3A_23 = arith.constant 0 : i32
      %dma_wait3A_24 = tpu.memref_slice %arg7[%mul3A_14, %dma_wait3A_23] : memref<102400x8xf32, #tpu.memory_space<vmem_shared>> -> memref<6400x8xf32, #tpu.memory_space<vmem_shared>>
      tpu.wait_dma2 semaphore(%run_scoped3A : memref<!tpu.dma_semaphore, #tpu.memory_space<semaphore_mem>>) src(%dma_wait3A_24 : memref<6400x8xf32, #tpu.memory_space<vmem_shared>>) dst(%dma_wait3A_22 : memref<6400x8xf32, #tpu.memory_space<hbm>>)
      tpu.yield
    }) : () -> ()
    return
  }
}

#map = affine_map<(d0, d1) -> (0, 0)>
#map1 = affine_map<(d0, d1) -> (0, 0, 0)>
module attributes {stable_mosaic.version = 14 : i64} {
  func.func @seg(%arg0: i32, %arg1: i32, %arg2: memref<25088x128xi32, #tpu.memory_space<hbm>>, %arg3: memref<25088x128xi32, #tpu.memory_space<hbm>>, %arg4: memref<102400x16xf32, #tpu.memory_space<hbm>>, %arg5: memref<102400x16xf32, #tpu.memory_space<hbm>>, %arg6: memref<2x102400x16xf32, #tpu.memory_space<hbm>>, %arg7: memref<102400x16xf32, #tpu.memory_space<vmem_shared>>, %arg8: memref<8x128xi32, #tpu.memory_space<vmem>>, %arg9: memref<8x128xi32, #tpu.memory_space<vmem>>, %arg10: memref<4x128x16xf32, #tpu.memory_space<vmem>>, %arg11: memref<4x128x16xf32, #tpu.memory_space<vmem>>, %arg12: memref<!tpu.dma_semaphore, #tpu.memory_space<semaphore_mem>>, %arg13: memref<!tpu.dma_semaphore, #tpu.memory_space<semaphore_mem>>) attributes {dimension_semantics = [#tpu.dimension_semantics<core_parallel>, #tpu.dimension_semantics<subcore_parallel>], iteration_bounds = array<i64: 2, 16>, scalar_prefetch = 0 : i64, scratch_operands = 7 : i64, tpu.core_type = #tpu.core_type<sc_vector_subcore>, window_params = [{transform_indices = #map}, {transform_indices = #map}, {transform_indices = #map}, {transform_indices = #map}, {transform_indices = #map1}]} {
    %mul3A = arith.constant 2 : i32
    %mul3A_0 = arith.muli %arg1, %mul3A : i32
    %add3A = arith.addi %mul3A_0, %arg0 : i32
    %mul3A_1 = arith.constant 6400 : i32
    %mul3A_2 = arith.muli %arg1, %mul3A_1 : i32
    %mul3A_3 = arith.constant 6400 : i32
    %mul3A_4 = arith.muli %arg1, %mul3A_3 : i32
    "tpu.region"() ({
      %run_scoped3A = tpu.sem_alloc : memref<!tpu.dma_semaphore, #tpu.memory_space<semaphore_mem>>
      %dma_start3A = arith.constant 0 : i32
      %dma_start3A_17 = tpu.memref_slice %arg7[%mul3A_4, %dma_start3A] : memref<102400x16xf32, #tpu.memory_space<vmem_shared>> -> memref<6400x16xf32, #tpu.memory_space<vmem_shared>>
      %dma_start3A_18 = arith.constant 0 : i32
      %dma_start3A_19 = tpu.memref_slice %arg5[%mul3A_2, %dma_start3A_18] : memref<102400x16xf32, #tpu.memory_space<hbm>> -> memref<6400x16xf32, #tpu.memory_space<hbm>>
      tpu.enqueue_dma source(%dma_start3A_19 : memref<6400x16xf32, #tpu.memory_space<hbm>>) target(%dma_start3A_17 : memref<6400x16xf32, #tpu.memory_space<vmem_shared>>) target_semaphore(%run_scoped3A : memref<!tpu.dma_semaphore, #tpu.memory_space<semaphore_mem>>)
      %dma_wait3A = arith.constant 0 : i32
      %dma_wait3A_20 = tpu.memref_slice %arg7[%mul3A_4, %dma_wait3A] : memref<102400x16xf32, #tpu.memory_space<vmem_shared>> -> memref<6400x16xf32, #tpu.memory_space<vmem_shared>>
      %dma_wait3A_21 = arith.constant 0 : i32
      %dma_wait3A_22 = tpu.memref_slice %arg5[%mul3A_2, %dma_wait3A_21] : memref<102400x16xf32, #tpu.memory_space<hbm>> -> memref<6400x16xf32, #tpu.memory_space<hbm>>
      tpu.wait_dma2 semaphore(%run_scoped3A : memref<!tpu.dma_semaphore, #tpu.memory_space<semaphore_mem>>) src(%dma_wait3A_22 : memref<6400x16xf32, #tpu.memory_space<hbm>>) dst(%dma_wait3A_20 : memref<6400x16xf32, #tpu.memory_space<vmem_shared>>)
      tpu.yield
    }) : () -> ()
    %barrier3A = arith.constant 0 : index
    tpu.barrier barrier_id(%barrier3A)
    %mul3A_5 = arith.constant 784 : i32
    %mul3A_6 = arith.muli %add3A, %mul3A_5 : i32
    %scan3A = arith.constant 0 : i32
    %scan3A_7 = arith.constant 0 : i32
    %scan3A_8 = arith.constant 98 : i32
    %scan3A_9 = arith.addi %scan3A_7, %scan3A_8 : i32
    %scan3A_10 = arith.constant 1 : i32
    scf.for %scan3A_17 = %scan3A_7 to %scan3A_9 step %scan3A_10  : i32 {
      %mul3A_18 = arith.constant 8 : i32
      %mul3A_19 = arith.muli %scan3A_17, %mul3A_18 : i32
      %add3A_20 = arith.addi %mul3A_6, %mul3A_19 : i32
      "tpu.region"() ({
        %run_scoped3A = tpu.sem_alloc : memref<!tpu.dma_semaphore, #tpu.memory_space<semaphore_mem>>
        %dma_start3A_403 = arith.constant 0 : i32
        %dma_start3A_404 = tpu.memref_slice %arg2[%add3A_20, %dma_start3A_403] : memref<25088x128xi32, #tpu.memory_space<hbm>> -> memref<8x128xi32, #tpu.memory_space<hbm>>
        %dma_start3A_405 = arith.constant 0 : i32
        %dma_start3A_406 = tpu.memref_slice %arg2[%add3A_20, %dma_start3A_405] : memref<25088x128xi32, #tpu.memory_space<hbm>> -> memref<8x128xi32, #tpu.memory_space<hbm>>
        tpu.enqueue_dma source(%dma_start3A_406 : memref<8x128xi32, #tpu.memory_space<hbm>>) target(%arg8 : memref<8x128xi32, #tpu.memory_space<vmem>>) target_semaphore(%run_scoped3A : memref<!tpu.dma_semaphore, #tpu.memory_space<semaphore_mem>>)
        %dma_wait3A_407 = arith.constant 0 : i32
        %dma_wait3A_408 = tpu.memref_slice %arg2[%add3A_20, %dma_wait3A_407] : memref<25088x128xi32, #tpu.memory_space<hbm>> -> memref<8x128xi32, #tpu.memory_space<hbm>>
        %dma_wait3A_409 = arith.constant 0 : i32
        %dma_wait3A_410 = tpu.memref_slice %arg2[%add3A_20, %dma_wait3A_409] : memref<25088x128xi32, #tpu.memory_space<hbm>> -> memref<8x128xi32, #tpu.memory_space<hbm>>
        tpu.wait_dma2 semaphore(%run_scoped3A : memref<!tpu.dma_semaphore, #tpu.memory_space<semaphore_mem>>) src(%dma_wait3A_410 : memref<8x128xi32, #tpu.memory_space<hbm>>) dst(%arg8 : memref<8x128xi32, #tpu.memory_space<vmem>>)
        tpu.yield
      }) : () -> ()
      "tpu.region"() ({
        %run_scoped3A = tpu.sem_alloc : memref<!tpu.dma_semaphore, #tpu.memory_space<semaphore_mem>>
        %dma_start3A_403 = arith.constant 0 : i32
        %dma_start3A_404 = tpu.memref_slice %arg3[%add3A_20, %dma_start3A_403] : memref<25088x128xi32, #tpu.memory_space<hbm>> -> memref<8x128xi32, #tpu.memory_space<hbm>>
        %dma_start3A_405 = arith.constant 0 : i32
        %dma_start3A_406 = tpu.memref_slice %arg3[%add3A_20, %dma_start3A_405] : memref<25088x128xi32, #tpu.memory_space<hbm>> -> memref<8x128xi32, #tpu.memory_space<hbm>>
        tpu.enqueue_dma source(%dma_start3A_406 : memref<8x128xi32, #tpu.memory_space<hbm>>) target(%arg9 : memref<8x128xi32, #tpu.memory_space<vmem>>) target_semaphore(%run_scoped3A : memref<!tpu.dma_semaphore, #tpu.memory_space<semaphore_mem>>)
        %dma_wait3A_407 = arith.constant 0 : i32
        %dma_wait3A_408 = tpu.memref_slice %arg3[%add3A_20, %dma_wait3A_407] : memref<25088x128xi32, #tpu.memory_space<hbm>> -> memref<8x128xi32, #tpu.memory_space<hbm>>
        %dma_wait3A_409 = arith.constant 0 : i32
        %dma_wait3A_410 = tpu.memref_slice %arg3[%add3A_20, %dma_wait3A_409] : memref<25088x128xi32, #tpu.memory_space<hbm>> -> memref<8x128xi32, #tpu.memory_space<hbm>>
        tpu.wait_dma2 semaphore(%run_scoped3A : memref<!tpu.dma_semaphore, #tpu.memory_space<semaphore_mem>>) src(%dma_wait3A_410 : memref<8x128xi32, #tpu.memory_space<hbm>>) dst(%arg9 : memref<8x128xi32, #tpu.memory_space<vmem>>)
        tpu.yield
      }) : () -> ()
      %dma_start3A = arith.constant 0 : i32
      %dma_start3A_21 = arith.constant 0 : i32
      %dma_start3A_22 = arith.constant 0 : i32
      %dma_start3A_23 = arith.constant 0 : i32
      %dma_start3A_24 = tpu.memref_slice %arg10[%dma_start3A_21, %dma_start3A_22, %dma_start3A_23] : memref<4x128x16xf32, #tpu.memory_space<vmem>> -> memref<1x128x16xf32, #tpu.memory_space<vmem>>
      %dma_start3A_25 = tpu.memref_squeeze %dma_start3A_24 : memref<1x128x16xf32, #tpu.memory_space<vmem>> -> memref<128x16xf32, #tpu.memory_space<vmem>>
      %dma_start3A_26 = arith.constant 0 : i32
      %dma_start3A_27 = tpu.memref_slice %arg8[%dma_start3A, %dma_start3A_26] : memref<8x128xi32, #tpu.memory_space<vmem>> -> memref<1x128xi32, #tpu.memory_space<vmem>>
      %dma_start3A_28 = tpu.memref_squeeze %dma_start3A_27 : memref<1x128xi32, #tpu.memory_space<vmem>> -> memref<128xi32, #tpu.memory_space<vmem>>
      %dma_start3A_29 = arith.constant 0 : i32
      %dma_start3A_30 = arith.constant 0 : i32
      %dma_start3A_31 = tpu.memref_slice %arg4[%dma_start3A_29, %dma_start3A_30] : memref<102400x16xf32, #tpu.memory_space<hbm>> -> memref<102400x16xf32, #tpu.memory_space<hbm>>
      tpu.enqueue_indirect_dma source(%dma_start3A_31 : memref<102400x16xf32, #tpu.memory_space<hbm>>) target(%dma_start3A_25 : memref<128x16xf32, #tpu.memory_space<vmem>>) offsets(%dma_start3A_28 : memref<128xi32, #tpu.memory_space<vmem>>) semaphore(%arg12 : memref<!tpu.dma_semaphore, #tpu.memory_space<semaphore_mem>>)
      %dma_start3A_32 = arith.constant 1 : i32
      %dma_start3A_33 = arith.constant 1 : i32
      %dma_start3A_34 = arith.constant 0 : i32
      %dma_start3A_35 = arith.constant 0 : i32
      %dma_start3A_36 = tpu.memref_slice %arg10[%dma_start3A_33, %dma_start3A_34, %dma_start3A_35] : memref<4x128x16xf32, #tpu.memory_space<vmem>> -> memref<1x128x16xf32, #tpu.memory_space<vmem>>
      %dma_start3A_37 = tpu.memref_squeeze %dma_start3A_36 : memref<1x128x16xf32, #tpu.memory_space<vmem>> -> memref<128x16xf32, #tpu.memory_space<vmem>>
      %dma_start3A_38 = arith.constant 0 : i32
      %dma_start3A_39 = tpu.memref_slice %arg8[%dma_start3A_32, %dma_start3A_38] : memref<8x128xi32, #tpu.memory_space<vmem>> -> memref<1x128xi32, #tpu.memory_space<vmem>>
      %dma_start3A_40 = tpu.memref_squeeze %dma_start3A_39 : memref<1x128xi32, #tpu.memory_space<vmem>> -> memref<128xi32, #tpu.memory_space<vmem>>
      %dma_start3A_41 = arith.constant 0 : i32
      %dma_start3A_42 = arith.constant 0 : i32
      %dma_start3A_43 = tpu.memref_slice %arg4[%dma_start3A_41, %dma_start3A_42] : memref<102400x16xf32, #tpu.memory_space<hbm>> -> memref<102400x16xf32, #tpu.memory_space<hbm>>
      tpu.enqueue_indirect_dma source(%dma_start3A_43 : memref<102400x16xf32, #tpu.memory_space<hbm>>) target(%dma_start3A_37 : memref<128x16xf32, #tpu.memory_space<vmem>>) offsets(%dma_start3A_40 : memref<128xi32, #tpu.memory_space<vmem>>) semaphore(%arg12 : memref<!tpu.dma_semaphore, #tpu.memory_space<semaphore_mem>>)
      %dma_start3A_44 = arith.constant 2 : i32
      %dma_start3A_45 = arith.constant 2 : i32
      %dma_start3A_46 = arith.constant 0 : i32
      %dma_start3A_47 = arith.constant 0 : i32
      %dma_start3A_48 = tpu.memref_slice %arg10[%dma_start3A_45, %dma_start3A_46, %dma_start3A_47] : memref<4x128x16xf32, #tpu.memory_space<vmem>> -> memref<1x128x16xf32, #tpu.memory_space<vmem>>
      %dma_start3A_49 = tpu.memref_squeeze %dma_start3A_48 : memref<1x128x16xf32, #tpu.memory_space<vmem>> -> memref<128x16xf32, #tpu.memory_space<vmem>>
      %dma_start3A_50 = arith.constant 0 : i32
      %dma_start3A_51 = tpu.memref_slice %arg8[%dma_start3A_44, %dma_start3A_50] : memref<8x128xi32, #tpu.memory_space<vmem>> -> memref<1x128xi32, #tpu.memory_space<vmem>>
      %dma_start3A_52 = tpu.memref_squeeze %dma_start3A_51 : memref<1x128xi32, #tpu.memory_space<vmem>> -> memref<128xi32, #tpu.memory_space<vmem>>
      %dma_start3A_53 = arith.constant 0 : i32
      %dma_start3A_54 = arith.constant 0 : i32
      %dma_start3A_55 = tpu.memref_slice %arg4[%dma_start3A_53, %dma_start3A_54] : memref<102400x16xf32, #tpu.memory_space<hbm>> -> memref<102400x16xf32, #tpu.memory_space<hbm>>
      tpu.enqueue_indirect_dma source(%dma_start3A_55 : memref<102400x16xf32, #tpu.memory_space<hbm>>) target(%dma_start3A_49 : memref<128x16xf32, #tpu.memory_space<vmem>>) offsets(%dma_start3A_52 : memref<128xi32, #tpu.memory_space<vmem>>) semaphore(%arg12 : memref<!tpu.dma_semaphore, #tpu.memory_space<semaphore_mem>>)
      %dma_start3A_56 = arith.constant 3 : i32
      %dma_start3A_57 = arith.constant 3 : i32
      %dma_start3A_58 = arith.constant 0 : i32
      %dma_start3A_59 = arith.constant 0 : i32
      %dma_start3A_60 = tpu.memref_slice %arg10[%dma_start3A_57, %dma_start3A_58, %dma_start3A_59] : memref<4x128x16xf32, #tpu.memory_space<vmem>> -> memref<1x128x16xf32, #tpu.memory_space<vmem>>
      %dma_start3A_61 = tpu.memref_squeeze %dma_start3A_60 : memref<1x128x16xf32, #tpu.memory_space<vmem>> -> memref<128x16xf32, #tpu.memory_space<vmem>>
      %dma_start3A_62 = arith.constant 0 : i32
      %dma_start3A_63 = tpu.memref_slice %arg8[%dma_start3A_56, %dma_start3A_62] : memref<8x128xi32, #tpu.memory_space<vmem>> -> memref<1x128xi32, #tpu.memory_space<vmem>>
      %dma_start3A_64 = tpu.memref_squeeze %dma_start3A_63 : memref<1x128xi32, #tpu.memory_space<vmem>> -> memref<128xi32, #tpu.memory_space<vmem>>
      %dma_start3A_65 = arith.constant 0 : i32
      %dma_start3A_66 = arith.constant 0 : i32
      %dma_start3A_67 = tpu.memref_slice %arg4[%dma_start3A_65, %dma_start3A_66] : memref<102400x16xf32, #tpu.memory_space<hbm>> -> memref<102400x16xf32, #tpu.memory_space<hbm>>
      tpu.enqueue_indirect_dma source(%dma_start3A_67 : memref<102400x16xf32, #tpu.memory_space<hbm>>) target(%dma_start3A_61 : memref<128x16xf32, #tpu.memory_space<vmem>>) offsets(%dma_start3A_64 : memref<128xi32, #tpu.memory_space<vmem>>) semaphore(%arg12 : memref<!tpu.dma_semaphore, #tpu.memory_space<semaphore_mem>>)
      %dma_start3A_68 = arith.constant 4 : i32
      %dma_start3A_69 = arith.constant 0 : i32
      %dma_start3A_70 = arith.constant 0 : i32
      %dma_start3A_71 = arith.constant 0 : i32
      %dma_start3A_72 = tpu.memref_slice %arg11[%dma_start3A_69, %dma_start3A_70, %dma_start3A_71] : memref<4x128x16xf32, #tpu.memory_space<vmem>> -> memref<1x128x16xf32, #tpu.memory_space<vmem>>
      %dma_start3A_73 = tpu.memref_squeeze %dma_start3A_72 : memref<1x128x16xf32, #tpu.memory_space<vmem>> -> memref<128x16xf32, #tpu.memory_space<vmem>>
      %dma_start3A_74 = arith.constant 0 : i32
      %dma_start3A_75 = tpu.memref_slice %arg8[%dma_start3A_68, %dma_start3A_74] : memref<8x128xi32, #tpu.memory_space<vmem>> -> memref<1x128xi32, #tpu.memory_space<vmem>>
      %dma_start3A_76 = tpu.memref_squeeze %dma_start3A_75 : memref<1x128xi32, #tpu.memory_space<vmem>> -> memref<128xi32, #tpu.memory_space<vmem>>
      %dma_start3A_77 = arith.constant 0 : i32
      %dma_start3A_78 = arith.constant 0 : i32
      %dma_start3A_79 = tpu.memref_slice %arg4[%dma_start3A_77, %dma_start3A_78] : memref<102400x16xf32, #tpu.memory_space<hbm>> -> memref<102400x16xf32, #tpu.memory_space<hbm>>
      tpu.enqueue_indirect_dma source(%dma_start3A_79 : memref<102400x16xf32, #tpu.memory_space<hbm>>) target(%dma_start3A_73 : memref<128x16xf32, #tpu.memory_space<vmem>>) offsets(%dma_start3A_76 : memref<128xi32, #tpu.memory_space<vmem>>) semaphore(%arg12 : memref<!tpu.dma_semaphore, #tpu.memory_space<semaphore_mem>>)
      %dma_start3A_80 = arith.constant 5 : i32
      %dma_start3A_81 = arith.constant 1 : i32
      %dma_start3A_82 = arith.constant 0 : i32
      %dma_start3A_83 = arith.constant 0 : i32
      %dma_start3A_84 = tpu.memref_slice %arg11[%dma_start3A_81, %dma_start3A_82, %dma_start3A_83] : memref<4x128x16xf32, #tpu.memory_space<vmem>> -> memref<1x128x16xf32, #tpu.memory_space<vmem>>
      %dma_start3A_85 = tpu.memref_squeeze %dma_start3A_84 : memref<1x128x16xf32, #tpu.memory_space<vmem>> -> memref<128x16xf32, #tpu.memory_space<vmem>>
      %dma_start3A_86 = arith.constant 0 : i32
      %dma_start3A_87 = tpu.memref_slice %arg8[%dma_start3A_80, %dma_start3A_86] : memref<8x128xi32, #tpu.memory_space<vmem>> -> memref<1x128xi32, #tpu.memory_space<vmem>>
      %dma_start3A_88 = tpu.memref_squeeze %dma_start3A_87 : memref<1x128xi32, #tpu.memory_space<vmem>> -> memref<128xi32, #tpu.memory_space<vmem>>
      %dma_start3A_89 = arith.constant 0 : i32
      %dma_start3A_90 = arith.constant 0 : i32
      %dma_start3A_91 = tpu.memref_slice %arg4[%dma_start3A_89, %dma_start3A_90] : memref<102400x16xf32, #tpu.memory_space<hbm>> -> memref<102400x16xf32, #tpu.memory_space<hbm>>
      tpu.enqueue_indirect_dma source(%dma_start3A_91 : memref<102400x16xf32, #tpu.memory_space<hbm>>) target(%dma_start3A_85 : memref<128x16xf32, #tpu.memory_space<vmem>>) offsets(%dma_start3A_88 : memref<128xi32, #tpu.memory_space<vmem>>) semaphore(%arg12 : memref<!tpu.dma_semaphore, #tpu.memory_space<semaphore_mem>>)
      %dma_start3A_92 = arith.constant 6 : i32
      %dma_start3A_93 = arith.constant 2 : i32
      %dma_start3A_94 = arith.constant 0 : i32
      %dma_start3A_95 = arith.constant 0 : i32
      %dma_start3A_96 = tpu.memref_slice %arg11[%dma_start3A_93, %dma_start3A_94, %dma_start3A_95] : memref<4x128x16xf32, #tpu.memory_space<vmem>> -> memref<1x128x16xf32, #tpu.memory_space<vmem>>
      %dma_start3A_97 = tpu.memref_squeeze %dma_start3A_96 : memref<1x128x16xf32, #tpu.memory_space<vmem>> -> memref<128x16xf32, #tpu.memory_space<vmem>>
      %dma_start3A_98 = arith.constant 0 : i32
      %dma_start3A_99 = tpu.memref_slice %arg8[%dma_start3A_92, %dma_start3A_98] : memref<8x128xi32, #tpu.memory_space<vmem>> -> memref<1x128xi32, #tpu.memory_space<vmem>>
      %dma_start3A_100 = tpu.memref_squeeze %dma_start3A_99 : memref<1x128xi32, #tpu.memory_space<vmem>> -> memref<128xi32, #tpu.memory_space<vmem>>
      %dma_start3A_101 = arith.constant 0 : i32
      %dma_start3A_102 = arith.constant 0 : i32
      %dma_start3A_103 = tpu.memref_slice %arg4[%dma_start3A_101, %dma_start3A_102] : memref<102400x16xf32, #tpu.memory_space<hbm>> -> memref<102400x16xf32, #tpu.memory_space<hbm>>
      tpu.enqueue_indirect_dma source(%dma_start3A_103 : memref<102400x16xf32, #tpu.memory_space<hbm>>) target(%dma_start3A_97 : memref<128x16xf32, #tpu.memory_space<vmem>>) offsets(%dma_start3A_100 : memref<128xi32, #tpu.memory_space<vmem>>) semaphore(%arg12 : memref<!tpu.dma_semaphore, #tpu.memory_space<semaphore_mem>>)
      %dma_start3A_104 = arith.constant 7 : i32
      %dma_start3A_105 = arith.constant 3 : i32
      %dma_start3A_106 = arith.constant 0 : i32
      %dma_start3A_107 = arith.constant 0 : i32
      %dma_start3A_108 = tpu.memref_slice %arg11[%dma_start3A_105, %dma_start3A_106, %dma_start3A_107] : memref<4x128x16xf32, #tpu.memory_space<vmem>> -> memref<1x128x16xf32, #tpu.memory_space<vmem>>
      %dma_start3A_109 = tpu.memref_squeeze %dma_start3A_108 : memref<1x128x16xf32, #tpu.memory_space<vmem>> -> memref<128x16xf32, #tpu.memory_space<vmem>>
      %dma_start3A_110 = arith.constant 0 : i32
      %dma_start3A_111 = tpu.memref_slice %arg8[%dma_start3A_104, %dma_start3A_110] : memref<8x128xi32, #tpu.memory_space<vmem>> -> memref<1x128xi32, #tpu.memory_space<vmem>>
      %dma_start3A_112 = tpu.memref_squeeze %dma_start3A_111 : memref<1x128xi32, #tpu.memory_space<vmem>> -> memref<128xi32, #tpu.memory_space<vmem>>
      %dma_start3A_113 = arith.constant 0 : i32
      %dma_start3A_114 = arith.constant 0 : i32
      %dma_start3A_115 = tpu.memref_slice %arg4[%dma_start3A_113, %dma_start3A_114] : memref<102400x16xf32, #tpu.memory_space<hbm>> -> memref<102400x16xf32, #tpu.memory_space<hbm>>
      tpu.enqueue_indirect_dma source(%dma_start3A_115 : memref<102400x16xf32, #tpu.memory_space<hbm>>) target(%dma_start3A_109 : memref<128x16xf32, #tpu.memory_space<vmem>>) offsets(%dma_start3A_112 : memref<128xi32, #tpu.memory_space<vmem>>) semaphore(%arg12 : memref<!tpu.dma_semaphore, #tpu.memory_space<semaphore_mem>>)
      %dma_wait3A = arith.constant 0 : i32
      %dma_wait3A_116 = arith.constant 0 : i32
      %dma_wait3A_117 = arith.constant 0 : i32
      %dma_wait3A_118 = arith.constant 0 : i32
      %dma_wait3A_119 = tpu.memref_slice %arg10[%dma_wait3A_116, %dma_wait3A_117, %dma_wait3A_118] : memref<4x128x16xf32, #tpu.memory_space<vmem>> -> memref<1x128x16xf32, #tpu.memory_space<vmem>>
      %dma_wait3A_120 = tpu.memref_squeeze %dma_wait3A_119 : memref<1x128x16xf32, #tpu.memory_space<vmem>> -> memref<128x16xf32, #tpu.memory_space<vmem>>
      %dma_wait3A_121 = arith.constant 0 : i32
      %dma_wait3A_122 = tpu.memref_slice %arg8[%dma_wait3A, %dma_wait3A_121] : memref<8x128xi32, #tpu.memory_space<vmem>> -> memref<1x128xi32, #tpu.memory_space<vmem>>
      %dma_wait3A_123 = tpu.memref_squeeze %dma_wait3A_122 : memref<1x128xi32, #tpu.memory_space<vmem>> -> memref<128xi32, #tpu.memory_space<vmem>>
      %dma_wait3A_124 = arith.constant 0 : i32
      %dma_wait3A_125 = arith.constant 0 : i32
      %dma_wait3A_126 = tpu.memref_slice %arg4[%dma_wait3A_124, %dma_wait3A_125] : memref<102400x16xf32, #tpu.memory_space<hbm>> -> memref<102400x16xf32, #tpu.memory_space<hbm>>
      tpu.wait_indirect_dma semaphore(%arg12 : memref<!tpu.dma_semaphore, #tpu.memory_space<semaphore_mem>>) src(%dma_wait3A_126 : memref<102400x16xf32, #tpu.memory_space<hbm>>) dst(%dma_wait3A_120 : memref<128x16xf32, #tpu.memory_space<vmem>>)
      %dma_wait3A_127 = arith.constant 1 : i32
      %dma_wait3A_128 = arith.constant 1 : i32
      %dma_wait3A_129 = arith.constant 0 : i32
      %dma_wait3A_130 = arith.constant 0 : i32
      %dma_wait3A_131 = tpu.memref_slice %arg10[%dma_wait3A_128, %dma_wait3A_129, %dma_wait3A_130] : memref<4x128x16xf32, #tpu.memory_space<vmem>> -> memref<1x128x16xf32, #tpu.memory_space<vmem>>
      %dma_wait3A_132 = tpu.memref_squeeze %dma_wait3A_131 : memref<1x128x16xf32, #tpu.memory_space<vmem>> -> memref<128x16xf32, #tpu.memory_space<vmem>>
      %dma_wait3A_133 = arith.constant 0 : i32
      %dma_wait3A_134 = tpu.memref_slice %arg8[%dma_wait3A_127, %dma_wait3A_133] : memref<8x128xi32, #tpu.memory_space<vmem>> -> memref<1x128xi32, #tpu.memory_space<vmem>>
      %dma_wait3A_135 = tpu.memref_squeeze %dma_wait3A_134 : memref<1x128xi32, #tpu.memory_space<vmem>> -> memref<128xi32, #tpu.memory_space<vmem>>
      %dma_wait3A_136 = arith.constant 0 : i32
      %dma_wait3A_137 = arith.constant 0 : i32
      %dma_wait3A_138 = tpu.memref_slice %arg4[%dma_wait3A_136, %dma_wait3A_137] : memref<102400x16xf32, #tpu.memory_space<hbm>> -> memref<102400x16xf32, #tpu.memory_space<hbm>>
      tpu.wait_indirect_dma semaphore(%arg12 : memref<!tpu.dma_semaphore, #tpu.memory_space<semaphore_mem>>) src(%dma_wait3A_138 : memref<102400x16xf32, #tpu.memory_space<hbm>>) dst(%dma_wait3A_132 : memref<128x16xf32, #tpu.memory_space<vmem>>)
      %dma_wait3A_139 = arith.constant 2 : i32
      %dma_wait3A_140 = arith.constant 2 : i32
      %dma_wait3A_141 = arith.constant 0 : i32
      %dma_wait3A_142 = arith.constant 0 : i32
      %dma_wait3A_143 = tpu.memref_slice %arg10[%dma_wait3A_140, %dma_wait3A_141, %dma_wait3A_142] : memref<4x128x16xf32, #tpu.memory_space<vmem>> -> memref<1x128x16xf32, #tpu.memory_space<vmem>>
      %dma_wait3A_144 = tpu.memref_squeeze %dma_wait3A_143 : memref<1x128x16xf32, #tpu.memory_space<vmem>> -> memref<128x16xf32, #tpu.memory_space<vmem>>
      %dma_wait3A_145 = arith.constant 0 : i32
      %dma_wait3A_146 = tpu.memref_slice %arg8[%dma_wait3A_139, %dma_wait3A_145] : memref<8x128xi32, #tpu.memory_space<vmem>> -> memref<1x128xi32, #tpu.memory_space<vmem>>
      %dma_wait3A_147 = tpu.memref_squeeze %dma_wait3A_146 : memref<1x128xi32, #tpu.memory_space<vmem>> -> memref<128xi32, #tpu.memory_space<vmem>>
      %dma_wait3A_148 = arith.constant 0 : i32
      %dma_wait3A_149 = arith.constant 0 : i32
      %dma_wait3A_150 = tpu.memref_slice %arg4[%dma_wait3A_148, %dma_wait3A_149] : memref<102400x16xf32, #tpu.memory_space<hbm>> -> memref<102400x16xf32, #tpu.memory_space<hbm>>
      tpu.wait_indirect_dma semaphore(%arg12 : memref<!tpu.dma_semaphore, #tpu.memory_space<semaphore_mem>>) src(%dma_wait3A_150 : memref<102400x16xf32, #tpu.memory_space<hbm>>) dst(%dma_wait3A_144 : memref<128x16xf32, #tpu.memory_space<vmem>>)
      %dma_wait3A_151 = arith.constant 3 : i32
      %dma_wait3A_152 = arith.constant 3 : i32
      %dma_wait3A_153 = arith.constant 0 : i32
      %dma_wait3A_154 = arith.constant 0 : i32
      %dma_wait3A_155 = tpu.memref_slice %arg10[%dma_wait3A_152, %dma_wait3A_153, %dma_wait3A_154] : memref<4x128x16xf32, #tpu.memory_space<vmem>> -> memref<1x128x16xf32, #tpu.memory_space<vmem>>
      %dma_wait3A_156 = tpu.memref_squeeze %dma_wait3A_155 : memref<1x128x16xf32, #tpu.memory_space<vmem>> -> memref<128x16xf32, #tpu.memory_space<vmem>>
      %dma_wait3A_157 = arith.constant 0 : i32
      %dma_wait3A_158 = tpu.memref_slice %arg8[%dma_wait3A_151, %dma_wait3A_157] : memref<8x128xi32, #tpu.memory_space<vmem>> -> memref<1x128xi32, #tpu.memory_space<vmem>>
      %dma_wait3A_159 = tpu.memref_squeeze %dma_wait3A_158 : memref<1x128xi32, #tpu.memory_space<vmem>> -> memref<128xi32, #tpu.memory_space<vmem>>
      %dma_wait3A_160 = arith.constant 0 : i32
      %dma_wait3A_161 = arith.constant 0 : i32
      %dma_wait3A_162 = tpu.memref_slice %arg4[%dma_wait3A_160, %dma_wait3A_161] : memref<102400x16xf32, #tpu.memory_space<hbm>> -> memref<102400x16xf32, #tpu.memory_space<hbm>>
      tpu.wait_indirect_dma semaphore(%arg12 : memref<!tpu.dma_semaphore, #tpu.memory_space<semaphore_mem>>) src(%dma_wait3A_162 : memref<102400x16xf32, #tpu.memory_space<hbm>>) dst(%dma_wait3A_156 : memref<128x16xf32, #tpu.memory_space<vmem>>)
      %dma_start3A_163 = arith.constant 0 : i32
      %dma_start3A_164 = arith.constant 0 : i32
      %dma_start3A_165 = arith.constant 0 : i32
      %dma_start3A_166 = arith.constant 0 : i32
      %dma_start3A_167 = tpu.memref_slice %arg10[%dma_start3A_163, %dma_start3A_165, %dma_start3A_166] : memref<4x128x16xf32, #tpu.memory_space<vmem>> -> memref<1x128x16xf32, #tpu.memory_space<vmem>>
      %dma_start3A_168 = tpu.memref_squeeze %dma_start3A_167 : memref<1x128x16xf32, #tpu.memory_space<vmem>> -> memref<128x16xf32, #tpu.memory_space<vmem>>
      %dma_start3A_169 = arith.constant 0 : i32
      %dma_start3A_170 = tpu.memref_slice %arg9[%dma_start3A_164, %dma_start3A_169] : memref<8x128xi32, #tpu.memory_space<vmem>> -> memref<1x128xi32, #tpu.memory_space<vmem>>
      %dma_start3A_171 = tpu.memref_squeeze %dma_start3A_170 : memref<1x128xi32, #tpu.memory_space<vmem>> -> memref<128xi32, #tpu.memory_space<vmem>>
      %dma_start3A_172 = arith.constant 0 : i32
      %dma_start3A_173 = arith.constant 0 : i32
      %dma_start3A_174 = tpu.memref_slice %arg7[%dma_start3A_172, %dma_start3A_173] : memref<102400x16xf32, #tpu.memory_space<vmem_shared>> -> memref<102400x16xf32, #tpu.memory_space<vmem_shared>>
      tpu.enqueue_indirect_dma source(%dma_start3A_168 : memref<128x16xf32, #tpu.memory_space<vmem>>) target(%dma_start3A_174 : memref<102400x16xf32, #tpu.memory_space<vmem_shared>>) offsets(%dma_start3A_171 : memref<128xi32, #tpu.memory_space<vmem>>) semaphore(%arg13 : memref<!tpu.dma_semaphore, #tpu.memory_space<semaphore_mem>>) {add = true}
      %dma_start3A_175 = arith.constant 1 : i32
      %dma_start3A_176 = arith.constant 1 : i32
      %dma_start3A_177 = arith.constant 0 : i32
      %dma_start3A_178 = arith.constant 0 : i32
      %dma_start3A_179 = tpu.memref_slice %arg10[%dma_start3A_175, %dma_start3A_177, %dma_start3A_178] : memref<4x128x16xf32, #tpu.memory_space<vmem>> -> memref<1x128x16xf32, #tpu.memory_space<vmem>>
      %dma_start3A_180 = tpu.memref_squeeze %dma_start3A_179 : memref<1x128x16xf32, #tpu.memory_space<vmem>> -> memref<128x16xf32, #tpu.memory_space<vmem>>
      %dma_start3A_181 = arith.constant 0 : i32
      %dma_start3A_182 = tpu.memref_slice %arg9[%dma_start3A_176, %dma_start3A_181] : memref<8x128xi32, #tpu.memory_space<vmem>> -> memref<1x128xi32, #tpu.memory_space<vmem>>
      %dma_start3A_183 = tpu.memref_squeeze %dma_start3A_182 : memref<1x128xi32, #tpu.memory_space<vmem>> -> memref<128xi32, #tpu.memory_space<vmem>>
      %dma_start3A_184 = arith.constant 0 : i32
      %dma_start3A_185 = arith.constant 0 : i32
      %dma_start3A_186 = tpu.memref_slice %arg7[%dma_start3A_184, %dma_start3A_185] : memref<102400x16xf32, #tpu.memory_space<vmem_shared>> -> memref<102400x16xf32, #tpu.memory_space<vmem_shared>>
      tpu.enqueue_indirect_dma source(%dma_start3A_180 : memref<128x16xf32, #tpu.memory_space<vmem>>) target(%dma_start3A_186 : memref<102400x16xf32, #tpu.memory_space<vmem_shared>>) offsets(%dma_start3A_183 : memref<128xi32, #tpu.memory_space<vmem>>) semaphore(%arg13 : memref<!tpu.dma_semaphore, #tpu.memory_space<semaphore_mem>>) {add = true}
      %dma_start3A_187 = arith.constant 2 : i32
      %dma_start3A_188 = arith.constant 2 : i32
      %dma_start3A_189 = arith.constant 0 : i32
      %dma_start3A_190 = arith.constant 0 : i32
      %dma_start3A_191 = tpu.memref_slice %arg10[%dma_start3A_187, %dma_start3A_189, %dma_start3A_190] : memref<4x128x16xf32, #tpu.memory_space<vmem>> -> memref<1x128x16xf32, #tpu.memory_space<vmem>>
      %dma_start3A_192 = tpu.memref_squeeze %dma_start3A_191 : memref<1x128x16xf32, #tpu.memory_space<vmem>> -> memref<128x16xf32, #tpu.memory_space<vmem>>
      %dma_start3A_193 = arith.constant 0 : i32
      %dma_start3A_194 = tpu.memref_slice %arg9[%dma_start3A_188, %dma_start3A_193] : memref<8x128xi32, #tpu.memory_space<vmem>> -> memref<1x128xi32, #tpu.memory_space<vmem>>
      %dma_start3A_195 = tpu.memref_squeeze %dma_start3A_194 : memref<1x128xi32, #tpu.memory_space<vmem>> -> memref<128xi32, #tpu.memory_space<vmem>>
      %dma_start3A_196 = arith.constant 0 : i32
      %dma_start3A_197 = arith.constant 0 : i32
      %dma_start3A_198 = tpu.memref_slice %arg7[%dma_start3A_196, %dma_start3A_197] : memref<102400x16xf32, #tpu.memory_space<vmem_shared>> -> memref<102400x16xf32, #tpu.memory_space<vmem_shared>>
      tpu.enqueue_indirect_dma source(%dma_start3A_192 : memref<128x16xf32, #tpu.memory_space<vmem>>) target(%dma_start3A_198 : memref<102400x16xf32, #tpu.memory_space<vmem_shared>>) offsets(%dma_start3A_195 : memref<128xi32, #tpu.memory_space<vmem>>) semaphore(%arg13 : memref<!tpu.dma_semaphore, #tpu.memory_space<semaphore_mem>>) {add = true}
      %dma_start3A_199 = arith.constant 3 : i32
      %dma_start3A_200 = arith.constant 3 : i32
      %dma_start3A_201 = arith.constant 0 : i32
      %dma_start3A_202 = arith.constant 0 : i32
      %dma_start3A_203 = tpu.memref_slice %arg10[%dma_start3A_199, %dma_start3A_201, %dma_start3A_202] : memref<4x128x16xf32, #tpu.memory_space<vmem>> -> memref<1x128x16xf32, #tpu.memory_space<vmem>>
      %dma_start3A_204 = tpu.memref_squeeze %dma_start3A_203 : memref<1x128x16xf32, #tpu.memory_space<vmem>> -> memref<128x16xf32, #tpu.memory_space<vmem>>
      %dma_start3A_205 = arith.constant 0 : i32
      %dma_start3A_206 = tpu.memref_slice %arg9[%dma_start3A_200, %dma_start3A_205] : memref<8x128xi32, #tpu.memory_space<vmem>> -> memref<1x128xi32, #tpu.memory_space<vmem>>
      %dma_start3A_207 = tpu.memref_squeeze %dma_start3A_206 : memref<1x128xi32, #tpu.memory_space<vmem>> -> memref<128xi32, #tpu.memory_space<vmem>>
      %dma_start3A_208 = arith.constant 0 : i32
      %dma_start3A_209 = arith.constant 0 : i32
      %dma_start3A_210 = tpu.memref_slice %arg7[%dma_start3A_208, %dma_start3A_209] : memref<102400x16xf32, #tpu.memory_space<vmem_shared>> -> memref<102400x16xf32, #tpu.memory_space<vmem_shared>>
      tpu.enqueue_indirect_dma source(%dma_start3A_204 : memref<128x16xf32, #tpu.memory_space<vmem>>) target(%dma_start3A_210 : memref<102400x16xf32, #tpu.memory_space<vmem_shared>>) offsets(%dma_start3A_207 : memref<128xi32, #tpu.memory_space<vmem>>) semaphore(%arg13 : memref<!tpu.dma_semaphore, #tpu.memory_space<semaphore_mem>>) {add = true}
      %dma_wait3A_211 = arith.constant 4 : i32
      %dma_wait3A_212 = arith.constant 0 : i32
      %dma_wait3A_213 = arith.constant 0 : i32
      %dma_wait3A_214 = arith.constant 0 : i32
      %dma_wait3A_215 = tpu.memref_slice %arg11[%dma_wait3A_212, %dma_wait3A_213, %dma_wait3A_214] : memref<4x128x16xf32, #tpu.memory_space<vmem>> -> memref<1x128x16xf32, #tpu.memory_space<vmem>>
      %dma_wait3A_216 = tpu.memref_squeeze %dma_wait3A_215 : memref<1x128x16xf32, #tpu.memory_space<vmem>> -> memref<128x16xf32, #tpu.memory_space<vmem>>
      %dma_wait3A_217 = arith.constant 0 : i32
      %dma_wait3A_218 = tpu.memref_slice %arg8[%dma_wait3A_211, %dma_wait3A_217] : memref<8x128xi32, #tpu.memory_space<vmem>> -> memref<1x128xi32, #tpu.memory_space<vmem>>
      %dma_wait3A_219 = tpu.memref_squeeze %dma_wait3A_218 : memref<1x128xi32, #tpu.memory_space<vmem>> -> memref<128xi32, #tpu.memory_space<vmem>>
      %dma_wait3A_220 = arith.constant 0 : i32
      %dma_wait3A_221 = arith.constant 0 : i32
      %dma_wait3A_222 = tpu.memref_slice %arg4[%dma_wait3A_220, %dma_wait3A_221] : memref<102400x16xf32, #tpu.memory_space<hbm>> -> memref<102400x16xf32, #tpu.memory_space<hbm>>
      tpu.wait_indirect_dma semaphore(%arg12 : memref<!tpu.dma_semaphore, #tpu.memory_space<semaphore_mem>>) src(%dma_wait3A_222 : memref<102400x16xf32, #tpu.memory_space<hbm>>) dst(%dma_wait3A_216 : memref<128x16xf32, #tpu.memory_space<vmem>>)
      %dma_wait3A_223 = arith.constant 5 : i32
      %dma_wait3A_224 = arith.constant 1 : i32
      %dma_wait3A_225 = arith.constant 0 : i32
      %dma_wait3A_226 = arith.constant 0 : i32
      %dma_wait3A_227 = tpu.memref_slice %arg11[%dma_wait3A_224, %dma_wait3A_225, %dma_wait3A_226] : memref<4x128x16xf32, #tpu.memory_space<vmem>> -> memref<1x128x16xf32, #tpu.memory_space<vmem>>
      %dma_wait3A_228 = tpu.memref_squeeze %dma_wait3A_227 : memref<1x128x16xf32, #tpu.memory_space<vmem>> -> memref<128x16xf32, #tpu.memory_space<vmem>>
      %dma_wait3A_229 = arith.constant 0 : i32
      %dma_wait3A_230 = tpu.memref_slice %arg8[%dma_wait3A_223, %dma_wait3A_229] : memref<8x128xi32, #tpu.memory_space<vmem>> -> memref<1x128xi32, #tpu.memory_space<vmem>>
      %dma_wait3A_231 = tpu.memref_squeeze %dma_wait3A_230 : memref<1x128xi32, #tpu.memory_space<vmem>> -> memref<128xi32, #tpu.memory_space<vmem>>
      %dma_wait3A_232 = arith.constant 0 : i32
      %dma_wait3A_233 = arith.constant 0 : i32
      %dma_wait3A_234 = tpu.memref_slice %arg4[%dma_wait3A_232, %dma_wait3A_233] : memref<102400x16xf32, #tpu.memory_space<hbm>> -> memref<102400x16xf32, #tpu.memory_space<hbm>>
      tpu.wait_indirect_dma semaphore(%arg12 : memref<!tpu.dma_semaphore, #tpu.memory_space<semaphore_mem>>) src(%dma_wait3A_234 : memref<102400x16xf32, #tpu.memory_space<hbm>>) dst(%dma_wait3A_228 : memref<128x16xf32, #tpu.memory_space<vmem>>)
      %dma_wait3A_235 = arith.constant 6 : i32
      %dma_wait3A_236 = arith.constant 2 : i32
      %dma_wait3A_237 = arith.constant 0 : i32
      %dma_wait3A_238 = arith.constant 0 : i32
      %dma_wait3A_239 = tpu.memref_slice %arg11[%dma_wait3A_236, %dma_wait3A_237, %dma_wait3A_238] : memref<4x128x16xf32, #tpu.memory_space<vmem>> -> memref<1x128x16xf32, #tpu.memory_space<vmem>>
      %dma_wait3A_240 = tpu.memref_squeeze %dma_wait3A_239 : memref<1x128x16xf32, #tpu.memory_space<vmem>> -> memref<128x16xf32, #tpu.memory_space<vmem>>
      %dma_wait3A_241 = arith.constant 0 : i32
      %dma_wait3A_242 = tpu.memref_slice %arg8[%dma_wait3A_235, %dma_wait3A_241] : memref<8x128xi32, #tpu.memory_space<vmem>> -> memref<1x128xi32, #tpu.memory_space<vmem>>
      %dma_wait3A_243 = tpu.memref_squeeze %dma_wait3A_242 : memref<1x128xi32, #tpu.memory_space<vmem>> -> memref<128xi32, #tpu.memory_space<vmem>>
      %dma_wait3A_244 = arith.constant 0 : i32
      %dma_wait3A_245 = arith.constant 0 : i32
      %dma_wait3A_246 = tpu.memref_slice %arg4[%dma_wait3A_244, %dma_wait3A_245] : memref<102400x16xf32, #tpu.memory_space<hbm>> -> memref<102400x16xf32, #tpu.memory_space<hbm>>
      tpu.wait_indirect_dma semaphore(%arg12 : memref<!tpu.dma_semaphore, #tpu.memory_space<semaphore_mem>>) src(%dma_wait3A_246 : memref<102400x16xf32, #tpu.memory_space<hbm>>) dst(%dma_wait3A_240 : memref<128x16xf32, #tpu.memory_space<vmem>>)
      %dma_wait3A_247 = arith.constant 7 : i32
      %dma_wait3A_248 = arith.constant 3 : i32
      %dma_wait3A_249 = arith.constant 0 : i32
      %dma_wait3A_250 = arith.constant 0 : i32
      %dma_wait3A_251 = tpu.memref_slice %arg11[%dma_wait3A_248, %dma_wait3A_249, %dma_wait3A_250] : memref<4x128x16xf32, #tpu.memory_space<vmem>> -> memref<1x128x16xf32, #tpu.memory_space<vmem>>
      %dma_wait3A_252 = tpu.memref_squeeze %dma_wait3A_251 : memref<1x128x16xf32, #tpu.memory_space<vmem>> -> memref<128x16xf32, #tpu.memory_space<vmem>>
      %dma_wait3A_253 = arith.constant 0 : i32
      %dma_wait3A_254 = tpu.memref_slice %arg8[%dma_wait3A_247, %dma_wait3A_253] : memref<8x128xi32, #tpu.memory_space<vmem>> -> memref<1x128xi32, #tpu.memory_space<vmem>>
      %dma_wait3A_255 = tpu.memref_squeeze %dma_wait3A_254 : memref<1x128xi32, #tpu.memory_space<vmem>> -> memref<128xi32, #tpu.memory_space<vmem>>
      %dma_wait3A_256 = arith.constant 0 : i32
      %dma_wait3A_257 = arith.constant 0 : i32
      %dma_wait3A_258 = tpu.memref_slice %arg4[%dma_wait3A_256, %dma_wait3A_257] : memref<102400x16xf32, #tpu.memory_space<hbm>> -> memref<102400x16xf32, #tpu.memory_space<hbm>>
      tpu.wait_indirect_dma semaphore(%arg12 : memref<!tpu.dma_semaphore, #tpu.memory_space<semaphore_mem>>) src(%dma_wait3A_258 : memref<102400x16xf32, #tpu.memory_space<hbm>>) dst(%dma_wait3A_252 : memref<128x16xf32, #tpu.memory_space<vmem>>)
      %dma_start3A_259 = arith.constant 0 : i32
      %dma_start3A_260 = arith.constant 4 : i32
      %dma_start3A_261 = arith.constant 0 : i32
      %dma_start3A_262 = arith.constant 0 : i32
      %dma_start3A_263 = tpu.memref_slice %arg11[%dma_start3A_259, %dma_start3A_261, %dma_start3A_262] : memref<4x128x16xf32, #tpu.memory_space<vmem>> -> memref<1x128x16xf32, #tpu.memory_space<vmem>>
      %dma_start3A_264 = tpu.memref_squeeze %dma_start3A_263 : memref<1x128x16xf32, #tpu.memory_space<vmem>> -> memref<128x16xf32, #tpu.memory_space<vmem>>
      %dma_start3A_265 = arith.constant 0 : i32
      %dma_start3A_266 = tpu.memref_slice %arg9[%dma_start3A_260, %dma_start3A_265] : memref<8x128xi32, #tpu.memory_space<vmem>> -> memref<1x128xi32, #tpu.memory_space<vmem>>
      %dma_start3A_267 = tpu.memref_squeeze %dma_start3A_266 : memref<1x128xi32, #tpu.memory_space<vmem>> -> memref<128xi32, #tpu.memory_space<vmem>>
      %dma_start3A_268 = arith.constant 0 : i32
      %dma_start3A_269 = arith.constant 0 : i32
      %dma_start3A_270 = tpu.memref_slice %arg7[%dma_start3A_268, %dma_start3A_269] : memref<102400x16xf32, #tpu.memory_space<vmem_shared>> -> memref<102400x16xf32, #tpu.memory_space<vmem_shared>>
      tpu.enqueue_indirect_dma source(%dma_start3A_264 : memref<128x16xf32, #tpu.memory_space<vmem>>) target(%dma_start3A_270 : memref<102400x16xf32, #tpu.memory_space<vmem_shared>>) offsets(%dma_start3A_267 : memref<128xi32, #tpu.memory_space<vmem>>) semaphore(%arg13 : memref<!tpu.dma_semaphore, #tpu.memory_space<semaphore_mem>>) {add = true}
      %dma_start3A_271 = arith.constant 1 : i32
      %dma_start3A_272 = arith.constant 5 : i32
      %dma_start3A_273 = arith.constant 0 : i32
      %dma_start3A_274 = arith.constant 0 : i32
      %dma_start3A_275 = tpu.memref_slice %arg11[%dma_start3A_271, %dma_start3A_273, %dma_start3A_274] : memref<4x128x16xf32, #tpu.memory_space<vmem>> -> memref<1x128x16xf32, #tpu.memory_space<vmem>>
      %dma_start3A_276 = tpu.memref_squeeze %dma_start3A_275 : memref<1x128x16xf32, #tpu.memory_space<vmem>> -> memref<128x16xf32, #tpu.memory_space<vmem>>
      %dma_start3A_277 = arith.constant 0 : i32
      %dma_start3A_278 = tpu.memref_slice %arg9[%dma_start3A_272, %dma_start3A_277] : memref<8x128xi32, #tpu.memory_space<vmem>> -> memref<1x128xi32, #tpu.memory_space<vmem>>
      %dma_start3A_279 = tpu.memref_squeeze %dma_start3A_278 : memref<1x128xi32, #tpu.memory_space<vmem>> -> memref<128xi32, #tpu.memory_space<vmem>>
      %dma_start3A_280 = arith.constant 0 : i32
      %dma_start3A_281 = arith.constant 0 : i32
      %dma_start3A_282 = tpu.memref_slice %arg7[%dma_start3A_280, %dma_start3A_281] : memref<102400x16xf32, #tpu.memory_space<vmem_shared>> -> memref<102400x16xf32, #tpu.memory_space<vmem_shared>>
      tpu.enqueue_indirect_dma source(%dma_start3A_276 : memref<128x16xf32, #tpu.memory_space<vmem>>) target(%dma_start3A_282 : memref<102400x16xf32, #tpu.memory_space<vmem_shared>>) offsets(%dma_start3A_279 : memref<128xi32, #tpu.memory_space<vmem>>) semaphore(%arg13 : memref<!tpu.dma_semaphore, #tpu.memory_space<semaphore_mem>>) {add = true}
      %dma_start3A_283 = arith.constant 2 : i32
      %dma_start3A_284 = arith.constant 6 : i32
      %dma_start3A_285 = arith.constant 0 : i32
      %dma_start3A_286 = arith.constant 0 : i32
      %dma_start3A_287 = tpu.memref_slice %arg11[%dma_start3A_283, %dma_start3A_285, %dma_start3A_286] : memref<4x128x16xf32, #tpu.memory_space<vmem>> -> memref<1x128x16xf32, #tpu.memory_space<vmem>>
      %dma_start3A_288 = tpu.memref_squeeze %dma_start3A_287 : memref<1x128x16xf32, #tpu.memory_space<vmem>> -> memref<128x16xf32, #tpu.memory_space<vmem>>
      %dma_start3A_289 = arith.constant 0 : i32
      %dma_start3A_290 = tpu.memref_slice %arg9[%dma_start3A_284, %dma_start3A_289] : memref<8x128xi32, #tpu.memory_space<vmem>> -> memref<1x128xi32, #tpu.memory_space<vmem>>
      %dma_start3A_291 = tpu.memref_squeeze %dma_start3A_290 : memref<1x128xi32, #tpu.memory_space<vmem>> -> memref<128xi32, #tpu.memory_space<vmem>>
      %dma_start3A_292 = arith.constant 0 : i32
      %dma_start3A_293 = arith.constant 0 : i32
      %dma_start3A_294 = tpu.memref_slice %arg7[%dma_start3A_292, %dma_start3A_293] : memref<102400x16xf32, #tpu.memory_space<vmem_shared>> -> memref<102400x16xf32, #tpu.memory_space<vmem_shared>>
      tpu.enqueue_indirect_dma source(%dma_start3A_288 : memref<128x16xf32, #tpu.memory_space<vmem>>) target(%dma_start3A_294 : memref<102400x16xf32, #tpu.memory_space<vmem_shared>>) offsets(%dma_start3A_291 : memref<128xi32, #tpu.memory_space<vmem>>) semaphore(%arg13 : memref<!tpu.dma_semaphore, #tpu.memory_space<semaphore_mem>>) {add = true}
      %dma_start3A_295 = arith.constant 3 : i32
      %dma_start3A_296 = arith.constant 7 : i32
      %dma_start3A_297 = arith.constant 0 : i32
      %dma_start3A_298 = arith.constant 0 : i32
      %dma_start3A_299 = tpu.memref_slice %arg11[%dma_start3A_295, %dma_start3A_297, %dma_start3A_298] : memref<4x128x16xf32, #tpu.memory_space<vmem>> -> memref<1x128x16xf32, #tpu.memory_space<vmem>>
      %dma_start3A_300 = tpu.memref_squeeze %dma_start3A_299 : memref<1x128x16xf32, #tpu.memory_space<vmem>> -> memref<128x16xf32, #tpu.memory_space<vmem>>
      %dma_start3A_301 = arith.constant 0 : i32
      %dma_start3A_302 = tpu.memref_slice %arg9[%dma_start3A_296, %dma_start3A_301] : memref<8x128xi32, #tpu.memory_space<vmem>> -> memref<1x128xi32, #tpu.memory_space<vmem>>
      %dma_start3A_303 = tpu.memref_squeeze %dma_start3A_302 : memref<1x128xi32, #tpu.memory_space<vmem>> -> memref<128xi32, #tpu.memory_space<vmem>>
      %dma_start3A_304 = arith.constant 0 : i32
      %dma_start3A_305 = arith.constant 0 : i32
      %dma_start3A_306 = tpu.memref_slice %arg7[%dma_start3A_304, %dma_start3A_305] : memref<102400x16xf32, #tpu.memory_space<vmem_shared>> -> memref<102400x16xf32, #tpu.memory_space<vmem_shared>>
      tpu.enqueue_indirect_dma source(%dma_start3A_300 : memref<128x16xf32, #tpu.memory_space<vmem>>) target(%dma_start3A_306 : memref<102400x16xf32, #tpu.memory_space<vmem_shared>>) offsets(%dma_start3A_303 : memref<128xi32, #tpu.memory_space<vmem>>) semaphore(%arg13 : memref<!tpu.dma_semaphore, #tpu.memory_space<semaphore_mem>>) {add = true}
      %dma_wait3A_307 = arith.constant 0 : i32
      %dma_wait3A_308 = arith.constant 0 : i32
      %dma_wait3A_309 = arith.constant 0 : i32
      %dma_wait3A_310 = arith.constant 0 : i32
      %dma_wait3A_311 = tpu.memref_slice %arg10[%dma_wait3A_307, %dma_wait3A_309, %dma_wait3A_310] : memref<4x128x16xf32, #tpu.memory_space<vmem>> -> memref<1x128x16xf32, #tpu.memory_space<vmem>>
      %dma_wait3A_312 = tpu.memref_squeeze %dma_wait3A_311 : memref<1x128x16xf32, #tpu.memory_space<vmem>> -> memref<128x16xf32, #tpu.memory_space<vmem>>
      %dma_wait3A_313 = arith.constant 0 : i32
      %dma_wait3A_314 = tpu.memref_slice %arg9[%dma_wait3A_308, %dma_wait3A_313] : memref<8x128xi32, #tpu.memory_space<vmem>> -> memref<1x128xi32, #tpu.memory_space<vmem>>
      %dma_wait3A_315 = tpu.memref_squeeze %dma_wait3A_314 : memref<1x128xi32, #tpu.memory_space<vmem>> -> memref<128xi32, #tpu.memory_space<vmem>>
      %dma_wait3A_316 = arith.constant 0 : i32
      %dma_wait3A_317 = arith.constant 0 : i32
      %dma_wait3A_318 = tpu.memref_slice %arg7[%dma_wait3A_316, %dma_wait3A_317] : memref<102400x16xf32, #tpu.memory_space<vmem_shared>> -> memref<102400x16xf32, #tpu.memory_space<vmem_shared>>
      tpu.wait_indirect_dma semaphore(%arg13 : memref<!tpu.dma_semaphore, #tpu.memory_space<semaphore_mem>>) src(%dma_wait3A_312 : memref<128x16xf32, #tpu.memory_space<vmem>>) dst(%dma_wait3A_318 : memref<102400x16xf32, #tpu.memory_space<vmem_shared>>)
      %dma_wait3A_319 = arith.constant 1 : i32
      %dma_wait3A_320 = arith.constant 1 : i32
      %dma_wait3A_321 = arith.constant 0 : i32
      %dma_wait3A_322 = arith.constant 0 : i32
      %dma_wait3A_323 = tpu.memref_slice %arg10[%dma_wait3A_319, %dma_wait3A_321, %dma_wait3A_322] : memref<4x128x16xf32, #tpu.memory_space<vmem>> -> memref<1x128x16xf32, #tpu.memory_space<vmem>>
      %dma_wait3A_324 = tpu.memref_squeeze %dma_wait3A_323 : memref<1x128x16xf32, #tpu.memory_space<vmem>> -> memref<128x16xf32, #tpu.memory_space<vmem>>
      %dma_wait3A_325 = arith.constant 0 : i32
      %dma_wait3A_326 = tpu.memref_slice %arg9[%dma_wait3A_320, %dma_wait3A_325] : memref<8x128xi32, #tpu.memory_space<vmem>> -> memref<1x128xi32, #tpu.memory_space<vmem>>
      %dma_wait3A_327 = tpu.memref_squeeze %dma_wait3A_326 : memref<1x128xi32, #tpu.memory_space<vmem>> -> memref<128xi32, #tpu.memory_space<vmem>>
      %dma_wait3A_328 = arith.constant 0 : i32
      %dma_wait3A_329 = arith.constant 0 : i32
      %dma_wait3A_330 = tpu.memref_slice %arg7[%dma_wait3A_328, %dma_wait3A_329] : memref<102400x16xf32, #tpu.memory_space<vmem_shared>> -> memref<102400x16xf32, #tpu.memory_space<vmem_shared>>
      tpu.wait_indirect_dma semaphore(%arg13 : memref<!tpu.dma_semaphore, #tpu.memory_space<semaphore_mem>>) src(%dma_wait3A_324 : memref<128x16xf32, #tpu.memory_space<vmem>>) dst(%dma_wait3A_330 : memref<102400x16xf32, #tpu.memory_space<vmem_shared>>)
      %dma_wait3A_331 = arith.constant 2 : i32
      %dma_wait3A_332 = arith.constant 2 : i32
      %dma_wait3A_333 = arith.constant 0 : i32
      %dma_wait3A_334 = arith.constant 0 : i32
      %dma_wait3A_335 = tpu.memref_slice %arg10[%dma_wait3A_331, %dma_wait3A_333, %dma_wait3A_334] : memref<4x128x16xf32, #tpu.memory_space<vmem>> -> memref<1x128x16xf32, #tpu.memory_space<vmem>>
      %dma_wait3A_336 = tpu.memref_squeeze %dma_wait3A_335 : memref<1x128x16xf32, #tpu.memory_space<vmem>> -> memref<128x16xf32, #tpu.memory_space<vmem>>
      %dma_wait3A_337 = arith.constant 0 : i32
      %dma_wait3A_338 = tpu.memref_slice %arg9[%dma_wait3A_332, %dma_wait3A_337] : memref<8x128xi32, #tpu.memory_space<vmem>> -> memref<1x128xi32, #tpu.memory_space<vmem>>
      %dma_wait3A_339 = tpu.memref_squeeze %dma_wait3A_338 : memref<1x128xi32, #tpu.memory_space<vmem>> -> memref<128xi32, #tpu.memory_space<vmem>>
      %dma_wait3A_340 = arith.constant 0 : i32
      %dma_wait3A_341 = arith.constant 0 : i32
      %dma_wait3A_342 = tpu.memref_slice %arg7[%dma_wait3A_340, %dma_wait3A_341] : memref<102400x16xf32, #tpu.memory_space<vmem_shared>> -> memref<102400x16xf32, #tpu.memory_space<vmem_shared>>
      tpu.wait_indirect_dma semaphore(%arg13 : memref<!tpu.dma_semaphore, #tpu.memory_space<semaphore_mem>>) src(%dma_wait3A_336 : memref<128x16xf32, #tpu.memory_space<vmem>>) dst(%dma_wait3A_342 : memref<102400x16xf32, #tpu.memory_space<vmem_shared>>)
      %dma_wait3A_343 = arith.constant 3 : i32
      %dma_wait3A_344 = arith.constant 3 : i32
      %dma_wait3A_345 = arith.constant 0 : i32
      %dma_wait3A_346 = arith.constant 0 : i32
      %dma_wait3A_347 = tpu.memref_slice %arg10[%dma_wait3A_343, %dma_wait3A_345, %dma_wait3A_346] : memref<4x128x16xf32, #tpu.memory_space<vmem>> -> memref<1x128x16xf32, #tpu.memory_space<vmem>>
      %dma_wait3A_348 = tpu.memref_squeeze %dma_wait3A_347 : memref<1x128x16xf32, #tpu.memory_space<vmem>> -> memref<128x16xf32, #tpu.memory_space<vmem>>
      %dma_wait3A_349 = arith.constant 0 : i32
      %dma_wait3A_350 = tpu.memref_slice %arg9[%dma_wait3A_344, %dma_wait3A_349] : memref<8x128xi32, #tpu.memory_space<vmem>> -> memref<1x128xi32, #tpu.memory_space<vmem>>
      %dma_wait3A_351 = tpu.memref_squeeze %dma_wait3A_350 : memref<1x128xi32, #tpu.memory_space<vmem>> -> memref<128xi32, #tpu.memory_space<vmem>>
      %dma_wait3A_352 = arith.constant 0 : i32
      %dma_wait3A_353 = arith.constant 0 : i32
      %dma_wait3A_354 = tpu.memref_slice %arg7[%dma_wait3A_352, %dma_wait3A_353] : memref<102400x16xf32, #tpu.memory_space<vmem_shared>> -> memref<102400x16xf32, #tpu.memory_space<vmem_shared>>
      tpu.wait_indirect_dma semaphore(%arg13 : memref<!tpu.dma_semaphore, #tpu.memory_space<semaphore_mem>>) src(%dma_wait3A_348 : memref<128x16xf32, #tpu.memory_space<vmem>>) dst(%dma_wait3A_354 : memref<102400x16xf32, #tpu.memory_space<vmem_shared>>)
      %dma_wait3A_355 = arith.constant 0 : i32
      %dma_wait3A_356 = arith.constant 4 : i32
      %dma_wait3A_357 = arith.constant 0 : i32
      %dma_wait3A_358 = arith.constant 0 : i32
      %dma_wait3A_359 = tpu.memref_slice %arg11[%dma_wait3A_355, %dma_wait3A_357, %dma_wait3A_358] : memref<4x128x16xf32, #tpu.memory_space<vmem>> -> memref<1x128x16xf32, #tpu.memory_space<vmem>>
      %dma_wait3A_360 = tpu.memref_squeeze %dma_wait3A_359 : memref<1x128x16xf32, #tpu.memory_space<vmem>> -> memref<128x16xf32, #tpu.memory_space<vmem>>
      %dma_wait3A_361 = arith.constant 0 : i32
      %dma_wait3A_362 = tpu.memref_slice %arg9[%dma_wait3A_356, %dma_wait3A_361] : memref<8x128xi32, #tpu.memory_space<vmem>> -> memref<1x128xi32, #tpu.memory_space<vmem>>
      %dma_wait3A_363 = tpu.memref_squeeze %dma_wait3A_362 : memref<1x128xi32, #tpu.memory_space<vmem>> -> memref<128xi32, #tpu.memory_space<vmem>>
      %dma_wait3A_364 = arith.constant 0 : i32
      %dma_wait3A_365 = arith.constant 0 : i32
      %dma_wait3A_366 = tpu.memref_slice %arg7[%dma_wait3A_364, %dma_wait3A_365] : memref<102400x16xf32, #tpu.memory_space<vmem_shared>> -> memref<102400x16xf32, #tpu.memory_space<vmem_shared>>
      tpu.wait_indirect_dma semaphore(%arg13 : memref<!tpu.dma_semaphore, #tpu.memory_space<semaphore_mem>>) src(%dma_wait3A_360 : memref<128x16xf32, #tpu.memory_space<vmem>>) dst(%dma_wait3A_366 : memref<102400x16xf32, #tpu.memory_space<vmem_shared>>)
      %dma_wait3A_367 = arith.constant 1 : i32
      %dma_wait3A_368 = arith.constant 5 : i32
      %dma_wait3A_369 = arith.constant 0 : i32
      %dma_wait3A_370 = arith.constant 0 : i32
      %dma_wait3A_371 = tpu.memref_slice %arg11[%dma_wait3A_367, %dma_wait3A_369, %dma_wait3A_370] : memref<4x128x16xf32, #tpu.memory_space<vmem>> -> memref<1x128x16xf32, #tpu.memory_space<vmem>>
      %dma_wait3A_372 = tpu.memref_squeeze %dma_wait3A_371 : memref<1x128x16xf32, #tpu.memory_space<vmem>> -> memref<128x16xf32, #tpu.memory_space<vmem>>
      %dma_wait3A_373 = arith.constant 0 : i32
      %dma_wait3A_374 = tpu.memref_slice %arg9[%dma_wait3A_368, %dma_wait3A_373] : memref<8x128xi32, #tpu.memory_space<vmem>> -> memref<1x128xi32, #tpu.memory_space<vmem>>
      %dma_wait3A_375 = tpu.memref_squeeze %dma_wait3A_374 : memref<1x128xi32, #tpu.memory_space<vmem>> -> memref<128xi32, #tpu.memory_space<vmem>>
      %dma_wait3A_376 = arith.constant 0 : i32
      %dma_wait3A_377 = arith.constant 0 : i32
      %dma_wait3A_378 = tpu.memref_slice %arg7[%dma_wait3A_376, %dma_wait3A_377] : memref<102400x16xf32, #tpu.memory_space<vmem_shared>> -> memref<102400x16xf32, #tpu.memory_space<vmem_shared>>
      tpu.wait_indirect_dma semaphore(%arg13 : memref<!tpu.dma_semaphore, #tpu.memory_space<semaphore_mem>>) src(%dma_wait3A_372 : memref<128x16xf32, #tpu.memory_space<vmem>>) dst(%dma_wait3A_378 : memref<102400x16xf32, #tpu.memory_space<vmem_shared>>)
      %dma_wait3A_379 = arith.constant 2 : i32
      %dma_wait3A_380 = arith.constant 6 : i32
      %dma_wait3A_381 = arith.constant 0 : i32
      %dma_wait3A_382 = arith.constant 0 : i32
      %dma_wait3A_383 = tpu.memref_slice %arg11[%dma_wait3A_379, %dma_wait3A_381, %dma_wait3A_382] : memref<4x128x16xf32, #tpu.memory_space<vmem>> -> memref<1x128x16xf32, #tpu.memory_space<vmem>>
      %dma_wait3A_384 = tpu.memref_squeeze %dma_wait3A_383 : memref<1x128x16xf32, #tpu.memory_space<vmem>> -> memref<128x16xf32, #tpu.memory_space<vmem>>
      %dma_wait3A_385 = arith.constant 0 : i32
      %dma_wait3A_386 = tpu.memref_slice %arg9[%dma_wait3A_380, %dma_wait3A_385] : memref<8x128xi32, #tpu.memory_space<vmem>> -> memref<1x128xi32, #tpu.memory_space<vmem>>
      %dma_wait3A_387 = tpu.memref_squeeze %dma_wait3A_386 : memref<1x128xi32, #tpu.memory_space<vmem>> -> memref<128xi32, #tpu.memory_space<vmem>>
      %dma_wait3A_388 = arith.constant 0 : i32
      %dma_wait3A_389 = arith.constant 0 : i32
      %dma_wait3A_390 = tpu.memref_slice %arg7[%dma_wait3A_388, %dma_wait3A_389] : memref<102400x16xf32, #tpu.memory_space<vmem_shared>> -> memref<102400x16xf32, #tpu.memory_space<vmem_shared>>
      tpu.wait_indirect_dma semaphore(%arg13 : memref<!tpu.dma_semaphore, #tpu.memory_space<semaphore_mem>>) src(%dma_wait3A_384 : memref<128x16xf32, #tpu.memory_space<vmem>>) dst(%dma_wait3A_390 : memref<102400x16xf32, #tpu.memory_space<vmem_shared>>)
      %dma_wait3A_391 = arith.constant 3 : i32
      %dma_wait3A_392 = arith.constant 7 : i32
      %dma_wait3A_393 = arith.constant 0 : i32
      %dma_wait3A_394 = arith.constant 0 : i32
      %dma_wait3A_395 = tpu.memref_slice %arg11[%dma_wait3A_391, %dma_wait3A_393, %dma_wait3A_394] : memref<4x128x16xf32, #tpu.memory_space<vmem>> -> memref<1x128x16xf32, #tpu.memory_space<vmem>>
      %dma_wait3A_396 = tpu.memref_squeeze %dma_wait3A_395 : memref<1x128x16xf32, #tpu.memory_space<vmem>> -> memref<128x16xf32, #tpu.memory_space<vmem>>
      %dma_wait3A_397 = arith.constant 0 : i32
      %dma_wait3A_398 = tpu.memref_slice %arg9[%dma_wait3A_392, %dma_wait3A_397] : memref<8x128xi32, #tpu.memory_space<vmem>> -> memref<1x128xi32, #tpu.memory_space<vmem>>
      %dma_wait3A_399 = tpu.memref_squeeze %dma_wait3A_398 : memref<1x128xi32, #tpu.memory_space<vmem>> -> memref<128xi32, #tpu.memory_space<vmem>>
      %dma_wait3A_400 = arith.constant 0 : i32
      %dma_wait3A_401 = arith.constant 0 : i32
      %dma_wait3A_402 = tpu.memref_slice %arg7[%dma_wait3A_400, %dma_wait3A_401] : memref<102400x16xf32, #tpu.memory_space<vmem_shared>> -> memref<102400x16xf32, #tpu.memory_space<vmem_shared>>
      tpu.wait_indirect_dma semaphore(%arg13 : memref<!tpu.dma_semaphore, #tpu.memory_space<semaphore_mem>>) src(%dma_wait3A_396 : memref<128x16xf32, #tpu.memory_space<vmem>>) dst(%dma_wait3A_402 : memref<102400x16xf32, #tpu.memory_space<vmem_shared>>)
    }
    %scan3A_11 = arith.constant 98 : i32
    %barrier3A_12 = arith.constant 0 : index
    tpu.barrier barrier_id(%barrier3A_12)
    %mul3A_13 = arith.constant 6400 : i32
    %mul3A_14 = arith.muli %arg1, %mul3A_13 : i32
    %mul3A_15 = arith.constant 6400 : i32
    %mul3A_16 = arith.muli %arg1, %mul3A_15 : i32
    "tpu.region"() ({
      %run_scoped3A = tpu.sem_alloc : memref<!tpu.dma_semaphore, #tpu.memory_space<semaphore_mem>>
      %dma_start3A = arith.constant 0 : i32
      %dma_start3A_17 = tpu.memref_slice %arg6[%arg0, %mul3A_16, %dma_start3A] : memref<2x102400x16xf32, #tpu.memory_space<hbm>> -> memref<1x6400x16xf32, #tpu.memory_space<hbm>>
      %dma_start3A_18 = tpu.memref_squeeze %dma_start3A_17 : memref<1x6400x16xf32, #tpu.memory_space<hbm>> -> memref<6400x16xf32, #tpu.memory_space<hbm>>
      %dma_start3A_19 = arith.constant 0 : i32
      %dma_start3A_20 = tpu.memref_slice %arg7[%mul3A_14, %dma_start3A_19] : memref<102400x16xf32, #tpu.memory_space<vmem_shared>> -> memref<6400x16xf32, #tpu.memory_space<vmem_shared>>
      tpu.enqueue_dma source(%dma_start3A_20 : memref<6400x16xf32, #tpu.memory_space<vmem_shared>>) target(%dma_start3A_18 : memref<6400x16xf32, #tpu.memory_space<hbm>>) target_semaphore(%run_scoped3A : memref<!tpu.dma_semaphore, #tpu.memory_space<semaphore_mem>>)
      %dma_wait3A = arith.constant 0 : i32
      %dma_wait3A_21 = tpu.memref_slice %arg6[%arg0, %mul3A_16, %dma_wait3A] : memref<2x102400x16xf32, #tpu.memory_space<hbm>> -> memref<1x6400x16xf32, #tpu.memory_space<hbm>>
      %dma_wait3A_22 = tpu.memref_squeeze %dma_wait3A_21 : memref<1x6400x16xf32, #tpu.memory_space<hbm>> -> memref<6400x16xf32, #tpu.memory_space<hbm>>
      %dma_wait3A_23 = arith.constant 0 : i32
      %dma_wait3A_24 = tpu.memref_slice %arg7[%mul3A_14, %dma_wait3A_23] : memref<102400x16xf32, #tpu.memory_space<vmem_shared>> -> memref<6400x16xf32, #tpu.memory_space<vmem_shared>>
      tpu.wait_dma2 semaphore(%run_scoped3A : memref<!tpu.dma_semaphore, #tpu.memory_space<semaphore_mem>>) src(%dma_wait3A_24 : memref<6400x16xf32, #tpu.memory_space<vmem_shared>>) dst(%dma_wait3A_22 : memref<6400x16xf32, #tpu.memory_space<hbm>>)
      tpu.yield
    }) : () -> ()
    return
  }
}

module attributes {stable_mosaic.version = 14 : i64} {
  func.func @body(%arg0: i32, %arg1: memref<2x1600x128xf32, #tpu.memory_space<vmem>>, %arg2: memref<1600x128xf32, #tpu.memory_space<vmem>>, %arg3: memref<128x128xf32, #tpu.memory_space<vmem>>, %arg4: memref<128x128xf32, #tpu.memory_space<vmem>>, %arg5: memref<128x128xf32, #tpu.memory_space<vmem>>, %arg6: memref<128x128xf32, #tpu.memory_space<vmem>>, %arg7: memref<128x128xf32, #tpu.memory_space<vmem>>, %arg8: memref<1x128xf32, #tpu.memory_space<vmem>>, %arg9: memref<3200x128xf32, #tpu.memory_space<vmem>>) attributes {dimension_semantics = [#tpu.dimension_semantics<arbitrary>], iteration_bounds = array<i64: 4>, scalar_prefetch = 0 : i64, scratch_operands = 0 : i64, tpu.core_type = #tpu.core_type<tc>, window_params = [{transform_indices = @transform_0, window_bounds = array<i64: 2, 1600, 128>}, {transform_indices = @transform_1, window_bounds = array<i64: 1600, 128>}, {pipeline_mode = #tpu.pipeline_mode<synchronous>, transform_indices = @transform_2, window_bounds = array<i64: 128, 128>}, {pipeline_mode = #tpu.pipeline_mode<synchronous>, transform_indices = @transform_3, window_bounds = array<i64: 128, 128>}, {pipeline_mode = #tpu.pipeline_mode<synchronous>, transform_indices = @transform_4, window_bounds = array<i64: 128, 128>}, {pipeline_mode = #tpu.pipeline_mode<synchronous>, transform_indices = @transform_5, window_bounds = array<i64: 128, 128>}, {pipeline_mode = #tpu.pipeline_mode<synchronous>, transform_indices = @transform_6, window_bounds = array<i64: 128, 128>}, {pipeline_mode = #tpu.pipeline_mode<synchronous>, transform_indices = @transform_7, window_bounds = array<i64: 1, 128>}, {transform_indices = @transform_8, window_bounds = array<i64: 3200, 128>}]} {
    %get3A = arith.constant 0 : index
    %get3A_0 = arith.constant 0 : index
    %get3A_1 = arith.constant 0 : index
    %get3A_2 = vector.load %arg1[%get3A, %get3A_0, %get3A_1] : memref<2x1600x128xf32, #tpu.memory_space<vmem>>, vector<1x1600x128xf32>
    %get3A_3 = vector.shape_cast %get3A_2 : vector<1x1600x128xf32> to vector<1600x128xf32>
    %get3A_4 = arith.constant 1 : index
    %get3A_5 = arith.constant 0 : index
    %get3A_6 = arith.constant 0 : index
    %get3A_7 = vector.load %arg1[%get3A_4, %get3A_5, %get3A_6] : memref<2x1600x128xf32, #tpu.memory_space<vmem>>, vector<1x1600x128xf32>
    %get3A_8 = vector.shape_cast %get3A_7 : vector<1x1600x128xf32> to vector<1600x128xf32>
    %add3A = arith.addf %get3A_3, %get3A_8 : vector<1600x128xf32>
    %get3A_9 = arith.constant 0 : index
    %get3A_10 = arith.constant 0 : index
    %get3A_11 = vector.load %arg3[%get3A_9, %get3A_10] : memref<128x128xf32, #tpu.memory_space<vmem>>, vector<128x128xf32>
    %dot_general3A = arith.constant dense<0.000000e+00> : vector<1600x128xf32>
    %dot_general3A_12 = tpu.matmul %add3A, %get3A_11, %dot_general3A {dimension_numbers = #tpu.dot_dimension_numbers<[1], [0], [0], [1], [0, 0, 1, 1], [], []>, transpose_lhs_hint = false} : vector<1600x128xf32>, vector<128x128xf32>, vector<1600x128xf32> -> vector<1600x128xf32>
    %max3A = arith.constant 1.000000e+00 : f32
    %max3A_13 = vector.broadcast %max3A : f32 to vector<1600x128xf32>
    %max3A_14 = arith.maximumf %dot_general3A_12, %max3A_13 : vector<1600x128xf32>
    %div3A = arith.constant 1.000000e+00 : f32
    %div3A_15 = vector.broadcast %div3A : f32 to vector<1600x128xf32>
    %div3A_16 = arith.divf %div3A_15, %max3A_14 : vector<1600x128xf32>
    %mul3A = arith.mulf %add3A, %div3A_16 : vector<1600x128xf32>
    %get3A_17 = arith.constant 0 : index
    %get3A_18 = arith.constant 0 : index
    %get3A_19 = vector.load %arg2[%get3A_17, %get3A_18] : memref<1600x128xf32, #tpu.memory_space<vmem>>, vector<1600x128xf32>
    %get3A_20 = arith.constant 0 : index
    %get3A_21 = arith.constant 0 : index
    %get3A_22 = vector.load %arg4[%get3A_20, %get3A_21] : memref<128x128xf32, #tpu.memory_space<vmem>>, vector<128x128xf32>
    %dot_general3A_23 = arith.constant dense<0.000000e+00> : vector<1600x128xf32>
    %dot_general3A_24 = tpu.matmul %mul3A, %get3A_22, %dot_general3A_23 {dimension_numbers = #tpu.dot_dimension_numbers<[1], [0], [0], [1], [0, 0, 1, 1], [], []>, transpose_lhs_hint = false} : vector<1600x128xf32>, vector<128x128xf32>, vector<1600x128xf32> -> vector<1600x128xf32>
    %get3A_25 = arith.constant 0 : index
    %get3A_26 = arith.constant 0 : index
    %get3A_27 = vector.load %arg6[%get3A_25, %get3A_26] : memref<128x128xf32, #tpu.memory_space<vmem>>, vector<128x128xf32>
    %dot_general3A_28 = arith.constant dense<0.000000e+00> : vector<1600x128xf32>
    %dot_general3A_29 = tpu.matmul %get3A_19, %get3A_27, %dot_general3A_28 {dimension_numbers = #tpu.dot_dimension_numbers<[1], [0], [0], [1], [0, 0, 1, 1], [], []>, transpose_lhs_hint = false} : vector<1600x128xf32>, vector<128x128xf32>, vector<1600x128xf32> -> vector<1600x128xf32>
    %add3A_30 = arith.addf %dot_general3A_24, %dot_general3A_29 : vector<1600x128xf32>
    %get3A_31 = arith.constant 0 : index
    %get3A_32 = arith.constant 0 : index
    %get3A_33 = vector.load %arg8[%get3A_31, %get3A_32] : memref<1x128xf32, #tpu.memory_space<vmem>>, vector<1x128xf32>
    %add3A_34 = vector.broadcast %get3A_33 : vector<1x128xf32> to vector<1600x128xf32>
    %add3A_35 = arith.addf %add3A_30, %add3A_34 : vector<1600x128xf32>
    %get3A_36 = arith.constant 0 : index
    %get3A_37 = arith.constant 0 : index
    %get3A_38 = vector.load %arg5[%get3A_36, %get3A_37] : memref<128x128xf32, #tpu.memory_space<vmem>>, vector<128x128xf32>
    %dot_general3A_39 = arith.constant dense<0.000000e+00> : vector<1600x128xf32>
    %dot_general3A_40 = tpu.matmul %mul3A, %get3A_38, %dot_general3A_39 {dimension_numbers = #tpu.dot_dimension_numbers<[1], [0], [0], [1], [0, 0, 1, 1], [], []>, transpose_lhs_hint = false} : vector<1600x128xf32>, vector<128x128xf32>, vector<1600x128xf32> -> vector<1600x128xf32>
    %get3A_41 = arith.constant 0 : index
    %get3A_42 = arith.constant 0 : index
    %get3A_43 = vector.load %arg7[%get3A_41, %get3A_42] : memref<128x128xf32, #tpu.memory_space<vmem>>, vector<128x128xf32>
    %dot_general3A_44 = arith.constant dense<0.000000e+00> : vector<1600x128xf32>
    %dot_general3A_45 = tpu.matmul %get3A_19, %get3A_43, %dot_general3A_44 {dimension_numbers = #tpu.dot_dimension_numbers<[1], [0], [0], [1], [0, 0, 1, 1], [], []>, transpose_lhs_hint = false} : vector<1600x128xf32>, vector<128x128xf32>, vector<1600x128xf32> -> vector<1600x128xf32>
    %add3A_46 = arith.addf %dot_general3A_40, %dot_general3A_45 : vector<1600x128xf32>
    %get3A_47 = arith.constant 0 : index
    %get3A_48 = arith.constant 0 : index
    %get3A_49 = vector.load %arg8[%get3A_47, %get3A_48] : memref<1x128xf32, #tpu.memory_space<vmem>>, vector<1x128xf32>
    %add3A_50 = vector.broadcast %get3A_49 : vector<1x128xf32> to vector<1600x128xf32>
    %add3A_51 = arith.addf %add3A_46, %add3A_50 : vector<1600x128xf32>
    %max3A_52 = arith.constant 0.000000e+00 : f32
    %max3A_53 = vector.broadcast %max3A_52 : f32 to vector<1600x128xf32>
    %max3A_54 = arith.maximumf %add3A_35, %max3A_53 : vector<1600x128xf32>
    %max3A_55 = arith.constant 0.000000e+00 : f32
    %max3A_56 = vector.broadcast %max3A_55 : f32 to vector<1600x128xf32>
    %max3A_57 = arith.maximumf %add3A_51, %max3A_56 : vector<1600x128xf32>
    %stack3A = vector.shape_cast %max3A_54 : vector<1600x128xf32> to vector<1600x1x128xf32>
    %stack3A_58 = vector.shape_cast %max3A_57 : vector<1600x128xf32> to vector<1600x1x128xf32>
    %stack3A_59 = tpu.concatenate %stack3A, %stack3A_58 in 1 : vector<1600x1x128xf32>, vector<1600x1x128xf32> -> vector<1600x2x128xf32>
    %reshape3A = vector.shape_cast %stack3A_59 : vector<1600x2x128xf32> to vector<3200x128xf32>
    %swap3A = arith.constant 0 : index
    %swap3A_60 = arith.constant 0 : index
    %swap3A_61 = vector.load %arg9[%swap3A, %swap3A_60] : memref<3200x128xf32, #tpu.memory_space<vmem>>, vector<3200x128xf32>
    tpu.vector_store %arg9[%swap3A, %swap3A_60], %reshape3A {strides = array<i32>} : memref<3200x128xf32, #tpu.memory_space<vmem>>, vector<3200x128xf32>,
    return
  }
  func.func @transform_0(%arg0: i32) -> (i32, i32, i32) {
    %c0_i32 = arith.constant 0 : i32
    %c0_i32_0 = arith.constant 0 : i32
    %c0_i32_1 = arith.constant 0 : i32
    return %c0_i32, %arg0, %c0_i32_0 : i32, i32, i32
  }
  func.func @transform_1(%arg0: i32) -> (i32, i32) {
    %c0_i32 = arith.constant 0 : i32
    %c0_i32_0 = arith.constant 0 : i32
    return %arg0, %c0_i32 : i32, i32
  }
  func.func @transform_2(%arg0: i32) -> (i32, i32) {
    %c0_i32 = arith.constant 0 : i32
    %c0_i32_0 = arith.constant 0 : i32
    %c0_i32_1 = arith.constant 0 : i32
    return %c0_i32, %c0_i32_0 : i32, i32
  }
  func.func @transform_3(%arg0: i32) -> (i32, i32) {
    %c0_i32 = arith.constant 0 : i32
    %c0_i32_0 = arith.constant 0 : i32
    %c0_i32_1 = arith.constant 0 : i32
    return %c0_i32, %c0_i32_0 : i32, i32
  }
  func.func @transform_4(%arg0: i32) -> (i32, i32) {
    %c0_i32 = arith.constant 0 : i32
    %c0_i32_0 = arith.constant 0 : i32
    %c0_i32_1 = arith.constant 0 : i32
    return %c0_i32, %c0_i32_0 : i32, i32
  }
  func.func @transform_5(%arg0: i32) -> (i32, i32) {
    %c0_i32 = arith.constant 0 : i32
    %c0_i32_0 = arith.constant 0 : i32
    %c0_i32_1 = arith.constant 0 : i32
    return %c0_i32, %c0_i32_0 : i32, i32
  }
  func.func @transform_6(%arg0: i32) -> (i32, i32) {
    %c0_i32 = arith.constant 0 : i32
    %c0_i32_0 = arith.constant 0 : i32
    %c0_i32_1 = arith.constant 0 : i32
    return %c0_i32, %c0_i32_0 : i32, i32
  }
  func.func @transform_7(%arg0: i32) -> (i32, i32) {
    %c0_i32 = arith.constant 0 : i32
    %c0_i32_0 = arith.constant 0 : i32
    %c0_i32_1 = arith.constant 0 : i32
    return %c0_i32, %c0_i32_0 : i32, i32
  }
  func.func @transform_8(%arg0: i32) -> (i32, i32) {
    %c0_i32 = arith.constant 0 : i32
    %c0_i32_0 = arith.constant 0 : i32
    return %arg0, %c0_i32 : i32, i32
  }
}

module attributes {stable_mosaic.version = 14 : i64} {
  func.func @body(%arg0: i32, %arg1: memref<2x3200x128xf32, #tpu.memory_space<vmem>>, %arg2: memref<3200x128xf32, #tpu.memory_space<vmem>>, %arg3: memref<2x1600x128xf32, #tpu.memory_space<vmem>>, %arg4: memref<128x128xf32, #tpu.memory_space<vmem>>, %arg5: memref<128x128xf32, #tpu.memory_space<vmem>>, %arg6: memref<128x128xf32, #tpu.memory_space<vmem>>, %arg7: memref<128x128xf32, #tpu.memory_space<vmem>>, %arg8: memref<128x128xf32, #tpu.memory_space<vmem>>, %arg9: memref<128x128xf32, #tpu.memory_space<vmem>>, %arg10: memref<128x128xf32, #tpu.memory_space<vmem>>, %arg11: memref<1x128xf32, #tpu.memory_space<vmem>>, %arg12: memref<3200x128xf32, #tpu.memory_space<vmem>>, %arg13: memref<1600x128xf32, #tpu.memory_space<vmem>>) attributes {dimension_semantics = [#tpu.dimension_semantics<arbitrary>], iteration_bounds = array<i64: 4>, scalar_prefetch = 0 : i64, scratch_operands = 0 : i64, tpu.core_type = #tpu.core_type<tc>, window_params = [{transform_indices = @transform_0, window_bounds = array<i64: 2, 3200, 128>}, {transform_indices = @transform_1, window_bounds = array<i64: 3200, 128>}, {transform_indices = @transform_2, window_bounds = array<i64: 2, 1600, 128>}, {pipeline_mode = #tpu.pipeline_mode<synchronous>, transform_indices = @transform_3, window_bounds = array<i64: 128, 128>}, {pipeline_mode = #tpu.pipeline_mode<synchronous>, transform_indices = @transform_4, window_bounds = array<i64: 128, 128>}, {pipeline_mode = #tpu.pipeline_mode<synchronous>, transform_indices = @transform_5, window_bounds = array<i64: 128, 128>}, {pipeline_mode = #tpu.pipeline_mode<synchronous>, transform_indices = @transform_6, window_bounds = array<i64: 128, 128>}, {pipeline_mode = #tpu.pipeline_mode<synchronous>, transform_indices = @transform_7, window_bounds = array<i64: 128, 128>}, {pipeline_mode = #tpu.pipeline_mode<synchronous>, transform_indices = @transform_8, window_bounds = array<i64: 128, 128>}, {pipeline_mode = #tpu.pipeline_mode<synchronous>, transform_indices = @transform_9, window_bounds = array<i64: 128, 128>}, {pipeline_mode = #tpu.pipeline_mode<synchronous>, transform_indices = @transform_10, window_bounds = array<i64: 1, 128>}, {transform_indices = @transform_11, window_bounds = array<i64: 3200, 128>}, {transform_indices = @transform_12, window_bounds = array<i64: 1600, 128>}]} {
    %get3A = arith.constant 0 : index
    %get3A_0 = arith.constant 0 : index
    %get3A_1 = arith.constant 0 : index
    %get3A_2 = vector.load %arg3[%get3A, %get3A_0, %get3A_1] : memref<2x1600x128xf32, #tpu.memory_space<vmem>>, vector<1x1600x128xf32>
    %get3A_3 = vector.shape_cast %get3A_2 : vector<1x1600x128xf32> to vector<1600x128xf32>
    %get3A_4 = arith.constant 1 : index
    %get3A_5 = arith.constant 0 : index
    %get3A_6 = arith.constant 0 : index
    %get3A_7 = vector.load %arg3[%get3A_4, %get3A_5, %get3A_6] : memref<2x1600x128xf32, #tpu.memory_space<vmem>>, vector<1x1600x128xf32>
    %get3A_8 = vector.shape_cast %get3A_7 : vector<1x1600x128xf32> to vector<1600x128xf32>
    %add3A = arith.addf %get3A_3, %get3A_8 : vector<1600x128xf32>
    %get3A_9 = arith.constant 0 : index
    %get3A_10 = arith.constant 0 : index
    %get3A_11 = vector.load %arg4[%get3A_9, %get3A_10] : memref<128x128xf32, #tpu.memory_space<vmem>>, vector<128x128xf32>
    %get3A_12 = arith.constant 0 : index
    %get3A_13 = arith.constant 0 : index
    %get3A_14 = vector.load %arg5[%get3A_12, %get3A_13] : memref<128x128xf32, #tpu.memory_space<vmem>>, vector<128x128xf32>
    %dot_general3A = arith.constant dense<0.000000e+00> : vector<1600x128xf32>
    %dot_general3A_15 = tpu.matmul %add3A, %get3A_11, %dot_general3A {dimension_numbers = #tpu.dot_dimension_numbers<[1], [0], [0], [1], [0, 0, 1, 1], [], []>, transpose_lhs_hint = false} : vector<1600x128xf32>, vector<128x128xf32>, vector<1600x128xf32> -> vector<1600x128xf32>
    %dot_general3A_16 = arith.constant dense<0.000000e+00> : vector<1600x128xf32>
    %dot_general3A_17 = tpu.matmul %add3A, %get3A_14, %dot_general3A_16 {dimension_numbers = #tpu.dot_dimension_numbers<[1], [0], [0], [1], [0, 0, 1, 1], [], []>, transpose_lhs_hint = false} : vector<1600x128xf32>, vector<128x128xf32>, vector<1600x128xf32> -> vector<1600x128xf32>
    %stack3A = vector.shape_cast %dot_general3A_15 : vector<1600x128xf32> to vector<1600x1x128xf32>
    %stack3A_18 = vector.shape_cast %dot_general3A_17 : vector<1600x128xf32> to vector<1600x1x128xf32>
    %stack3A_19 = tpu.concatenate %stack3A, %stack3A_18 in 1 : vector<1600x1x128xf32>, vector<1600x1x128xf32> -> vector<1600x2x128xf32>
    %reshape3A = vector.shape_cast %stack3A_19 : vector<1600x2x128xf32> to vector<3200x128xf32>
    %max3A = arith.constant 1.000000e+00 : f32
    %max3A_20 = vector.broadcast %max3A : f32 to vector<3200x128xf32>
    %max3A_21 = arith.maximumf %reshape3A, %max3A_20 : vector<3200x128xf32>
    %div3A = arith.constant 1.000000e+00 : f32
    %div3A_22 = vector.broadcast %div3A : f32 to vector<3200x128xf32>
    %div3A_23 = arith.divf %div3A_22, %max3A_21 : vector<3200x128xf32>
    %get3A_24 = arith.constant 0 : index
    %get3A_25 = arith.constant 0 : index
    %get3A_26 = arith.constant 0 : index
    %get3A_27 = vector.load %arg1[%get3A_24, %get3A_25, %get3A_26] : memref<2x3200x128xf32, #tpu.memory_space<vmem>>, vector<1x3200x128xf32>
    %get3A_28 = vector.shape_cast %get3A_27 : vector<1x3200x128xf32> to vector<3200x128xf32>
    %get3A_29 = arith.constant 1 : index
    %get3A_30 = arith.constant 0 : index
    %get3A_31 = arith.constant 0 : index
    %get3A_32 = vector.load %arg1[%get3A_29, %get3A_30, %get3A_31] : memref<2x3200x128xf32, #tpu.memory_space<vmem>>, vector<1x3200x128xf32>
    %get3A_33 = vector.shape_cast %get3A_32 : vector<1x3200x128xf32> to vector<3200x128xf32>
    %add3A_34 = arith.addf %get3A_28, %get3A_33 : vector<3200x128xf32>
    %mul3A = arith.mulf %add3A_34, %div3A_23 : vector<3200x128xf32>
    %get3A_35 = arith.constant 0 : index
    %get3A_36 = arith.constant 0 : index
    %get3A_37 = vector.load %arg6[%get3A_35, %get3A_36] : memref<128x128xf32, #tpu.memory_space<vmem>>, vector<128x128xf32>
    %dot_general3A_38 = arith.constant dense<0.000000e+00> : vector<3200x128xf32>
    %dot_general3A_39 = tpu.matmul %mul3A, %get3A_37, %dot_general3A_38 {dimension_numbers = #tpu.dot_dimension_numbers<[1], [0], [0], [1], [0, 0, 1, 1], [], []>, transpose_lhs_hint = false} : vector<3200x128xf32>, vector<128x128xf32>, vector<3200x128xf32> -> vector<3200x128xf32>
    %get3A_40 = arith.constant 0 : index
    %get3A_41 = arith.constant 0 : index
    %get3A_42 = vector.load %arg2[%get3A_40, %get3A_41] : memref<3200x128xf32, #tpu.memory_space<vmem>>, vector<3200x128xf32>
    %get3A_43 = arith.constant 0 : index
    %get3A_44 = arith.constant 0 : index
    %get3A_45 = vector.load %arg7[%get3A_43, %get3A_44] : memref<128x128xf32, #tpu.memory_space<vmem>>, vector<128x128xf32>
    %dot_general3A_46 = arith.constant dense<0.000000e+00> : vector<3200x128xf32>
    %dot_general3A_47 = tpu.matmul %get3A_42, %get3A_45, %dot_general3A_46 {dimension_numbers = #tpu.dot_dimension_numbers<[1], [0], [0], [1], [0, 0, 1, 1], [], []>, transpose_lhs_hint = false} : vector<3200x128xf32>, vector<128x128xf32>, vector<3200x128xf32> -> vector<3200x128xf32>
    %add3A_48 = arith.addf %dot_general3A_39, %dot_general3A_47 : vector<3200x128xf32>
    %get3A_49 = arith.constant 0 : index
    %get3A_50 = arith.constant 0 : index
    %get3A_51 = vector.load %arg11[%get3A_49, %get3A_50] : memref<1x128xf32, #tpu.memory_space<vmem>>, vector<1x128xf32>
    %add3A_52 = vector.broadcast %get3A_51 : vector<1x128xf32> to vector<3200x128xf32>
    %add3A_53 = arith.addf %add3A_48, %add3A_52 : vector<3200x128xf32>
    %max3A_54 = arith.constant 0.000000e+00 : f32
    %max3A_55 = vector.broadcast %max3A_54 : f32 to vector<3200x128xf32>
    %max3A_56 = arith.maximumf %add3A_53, %max3A_55 : vector<3200x128xf32>
    %swap3A = arith.constant 0 : index
    %swap3A_57 = arith.constant 0 : index
    %swap3A_58 = vector.load %arg12[%swap3A, %swap3A_57] : memref<3200x128xf32, #tpu.memory_space<vmem>>, vector<3200x128xf32>
    tpu.vector_store %arg12[%swap3A, %swap3A_57], %max3A_56 {strides = array<i32>} : memref<3200x128xf32, #tpu.memory_space<vmem>>, vector<3200x128xf32>,
    %get3A_59 = arith.constant 0 : index
    %get3A_60 = arith.constant 0 : index
    %get3A_61 = vector.load %arg8[%get3A_59, %get3A_60] : memref<128x128xf32, #tpu.memory_space<vmem>>, vector<128x128xf32>
    %dot_general3A_62 = arith.constant dense<0.000000e+00> : vector<3200x128xf32>
    %dot_general3A_63 = tpu.matmul %max3A_56, %get3A_61, %dot_general3A_62 {dimension_numbers = #tpu.dot_dimension_numbers<[1], [0], [0], [1], [0, 0, 1, 1], [], []>, transpose_lhs_hint = false} : vector<3200x128xf32>, vector<128x128xf32>, vector<3200x128xf32> -> vector<3200x128xf32>
    %reshape3A_64 = vector.shape_cast %dot_general3A_63 : vector<3200x128xf32> to vector<1600x2x128xf32>
    %slice3A = vector.extract_strided_slice %reshape3A_64 {offsets = [0, 0, 0], sizes = [1600, 1, 128], strides = [1, 1, 1]} : vector<1600x2x128xf32> to vector<1600x1x128xf32>
    %squeeze3A = vector.shape_cast %slice3A : vector<1600x1x128xf32> to vector<1600x128xf32>
    %reshape3A_65 = vector.shape_cast %dot_general3A_63 : vector<3200x128xf32> to vector<1600x2x128xf32>
    %slice3A_66 = vector.extract_strided_slice %reshape3A_65 {offsets = [0, 1, 0], sizes = [1600, 1, 128], strides = [1, 1, 1]} : vector<1600x2x128xf32> to vector<1600x1x128xf32>
    %squeeze3A_67 = vector.shape_cast %slice3A_66 : vector<1600x1x128xf32> to vector<1600x128xf32>
    %get3A_68 = arith.constant 0 : index
    %get3A_69 = arith.constant 0 : index
    %get3A_70 = vector.load %arg9[%get3A_68, %get3A_69] : memref<128x128xf32, #tpu.memory_space<vmem>>, vector<128x128xf32>
    %dot_general3A_71 = arith.constant dense<0.000000e+00> : vector<1600x128xf32>
    %dot_general3A_72 = tpu.matmul %squeeze3A, %get3A_70, %dot_general3A_71 {dimension_numbers = #tpu.dot_dimension_numbers<[1], [0], [0], [1], [0, 0, 1, 1], [], []>, transpose_lhs_hint = false} : vector<1600x128xf32>, vector<128x128xf32>, vector<1600x128xf32> -> vector<1600x128xf32>
    %get3A_73 = arith.constant 0 : index
    %get3A_74 = arith.constant 0 : index
    %get3A_75 = vector.load %arg10[%get3A_73, %get3A_74] : memref<128x128xf32, #tpu.memory_space<vmem>>, vector<128x128xf32>
    %dot_general3A_76 = arith.constant dense<0.000000e+00> : vector<1600x128xf32>
    %dot_general3A_77 = tpu.matmul %squeeze3A_67, %get3A_75, %dot_general3A_76 {dimension_numbers = #tpu.dot_dimension_numbers<[1], [0], [0], [1], [0, 0, 1, 1], [], []>, transpose_lhs_hint = false} : vector<1600x128xf32>, vector<128x128xf32>, vector<1600x128xf32> -> vector<1600x128xf32>
    %add3A_78 = arith.addf %dot_general3A_72, %dot_general3A_77 : vector<1600x128xf32>
    %swap3A_79 = arith.constant 0 : index
    %swap3A_80 = arith.constant 0 : index
    %swap3A_81 = vector.load %arg13[%swap3A_79, %swap3A_80] : memref<1600x128xf32, #tpu.memory_space<vmem>>, vector<1600x128xf32>
    tpu.vector_store %arg13[%swap3A_79, %swap3A_80], %add3A_78 {strides = array<i32>} : memref<1600x128xf32, #tpu.memory_space<vmem>>, vector<1600x128xf32>,
    return
  }
  func.func @transform_0(%arg0: i32) -> (i32, i32, i32) {
    %c0_i32 = arith.constant 0 : i32
    %c0_i32_0 = arith.constant 0 : i32
    %c0_i32_1 = arith.constant 0 : i32
    return %c0_i32, %arg0, %c0_i32_0 : i32, i32, i32
  }
  func.func @transform_1(%arg0: i32) -> (i32, i32) {
    %c0_i32 = arith.constant 0 : i32
    %c0_i32_0 = arith.constant 0 : i32
    return %arg0, %c0_i32 : i32, i32
  }
  func.func @transform_2(%arg0: i32) -> (i32, i32, i32) {
    %c0_i32 = arith.constant 0 : i32
    %c0_i32_0 = arith.constant 0 : i32
    %c0_i32_1 = arith.constant 0 : i32
    return %c0_i32, %arg0, %c0_i32_0 : i32, i32, i32
  }
  func.func @transform_3(%arg0: i32) -> (i32, i32) {
    %c0_i32 = arith.constant 0 : i32
    %c0_i32_0 = arith.constant 0 : i32
    %c0_i32_1 = arith.constant 0 : i32
    return %c0_i32, %c0_i32_0 : i32, i32
  }
  func.func @transform_4(%arg0: i32) -> (i32, i32) {
    %c0_i32 = arith.constant 0 : i32
    %c0_i32_0 = arith.constant 0 : i32
    %c0_i32_1 = arith.constant 0 : i32
    return %c0_i32, %c0_i32_0 : i32, i32
  }
  func.func @transform_5(%arg0: i32) -> (i32, i32) {
    %c0_i32 = arith.constant 0 : i32
    %c0_i32_0 = arith.constant 0 : i32
    %c0_i32_1 = arith.constant 0 : i32
    return %c0_i32, %c0_i32_0 : i32, i32
  }
  func.func @transform_6(%arg0: i32) -> (i32, i32) {
    %c0_i32 = arith.constant 0 : i32
    %c0_i32_0 = arith.constant 0 : i32
    %c0_i32_1 = arith.constant 0 : i32
    return %c0_i32, %c0_i32_0 : i32, i32
  }
  func.func @transform_7(%arg0: i32) -> (i32, i32) {
    %c0_i32 = arith.constant 0 : i32
    %c0_i32_0 = arith.constant 0 : i32
    %c0_i32_1 = arith.constant 0 : i32
    return %c0_i32, %c0_i32_0 : i32, i32
  }
  func.func @transform_8(%arg0: i32) -> (i32, i32) {
    %c0_i32 = arith.constant 0 : i32
    %c0_i32_0 = arith.constant 0 : i32
    %c0_i32_1 = arith.constant 0 : i32
    return %c0_i32, %c0_i32_0 : i32, i32
  }
  func.func @transform_9(%arg0: i32) -> (i32, i32) {
    %c0_i32 = arith.constant 0 : i32
    %c0_i32_0 = arith.constant 0 : i32
    %c0_i32_1 = arith.constant 0 : i32
    return %c0_i32, %c0_i32_0 : i32, i32
  }
  func.func @transform_10(%arg0: i32) -> (i32, i32) {
    %c0_i32 = arith.constant 0 : i32
    %c0_i32_0 = arith.constant 0 : i32
    %c0_i32_1 = arith.constant 0 : i32
    return %c0_i32, %c0_i32_0 : i32, i32
  }
  func.func @transform_11(%arg0: i32) -> (i32, i32) {
    %c0_i32 = arith.constant 0 : i32
    %c0_i32_0 = arith.constant 0 : i32
    return %arg0, %c0_i32 : i32, i32
  }
  func.func @transform_12(%arg0: i32) -> (i32, i32) {
    %c0_i32 = arith.constant 0 : i32
    %c0_i32_0 = arith.constant 0 : i32
    return %arg0, %c0_i32 : i32, i32
  }
}

module attributes {stable_mosaic.version = 14 : i64} {
  func.func @body(%arg0: i32, %arg1: memref<2x1600x128xf32, #tpu.memory_space<vmem>>, %arg2: memref<3200x128xf32, #tpu.memory_space<vmem>>, %arg3: memref<2x1600x128xf32, #tpu.memory_space<vmem>>, %arg4: memref<128x128xf32, #tpu.memory_space<vmem>>, %arg5: memref<128x128xf32, #tpu.memory_space<vmem>>, %arg6: memref<128x128xf32, #tpu.memory_space<vmem>>, %arg7: memref<128x128xf32, #tpu.memory_space<vmem>>, %arg8: memref<128x128xf32, #tpu.memory_space<vmem>>, %arg9: memref<1x1xf32, #tpu.memory_space<vmem>>, %arg10: memref<3200x128xf32, #tpu.memory_space<vmem>>) attributes {dimension_semantics = [#tpu.dimension_semantics<arbitrary>], iteration_bounds = array<i64: 4>, scalar_prefetch = 0 : i64, scratch_operands = 0 : i64, tpu.core_type = #tpu.core_type<tc>, window_params = [{transform_indices = @transform_0, window_bounds = array<i64: 2, 1600, 128>}, {transform_indices = @transform_1, window_bounds = array<i64: 3200, 128>}, {transform_indices = @transform_2, window_bounds = array<i64: 2, 1600, 128>}, {pipeline_mode = #tpu.pipeline_mode<synchronous>, transform_indices = @transform_3, window_bounds = array<i64: 128, 128>}, {pipeline_mode = #tpu.pipeline_mode<synchronous>, transform_indices = @transform_4, window_bounds = array<i64: 128, 128>}, {pipeline_mode = #tpu.pipeline_mode<synchronous>, transform_indices = @transform_5, window_bounds = array<i64: 128, 128>}, {pipeline_mode = #tpu.pipeline_mode<synchronous>, transform_indices = @transform_6, window_bounds = array<i64: 128, 128>}, {pipeline_mode = #tpu.pipeline_mode<synchronous>, transform_indices = @transform_7, window_bounds = array<i64: 128, 128>}, {pipeline_mode = #tpu.pipeline_mode<synchronous>, transform_indices = @transform_8, window_bounds = array<i64: 1, 1>}, {transform_indices = @transform_9, window_bounds = array<i64: 3200, 128>}]} {
    %get3A = arith.constant 0 : index
    %get3A_0 = arith.constant 0 : index
    %get3A_1 = arith.constant 0 : index
    %get3A_2 = vector.load %arg3[%get3A, %get3A_0, %get3A_1] : memref<2x1600x128xf32, #tpu.memory_space<vmem>>, vector<1x1600x128xf32>
    %get3A_3 = vector.shape_cast %get3A_2 : vector<1x1600x128xf32> to vector<1600x128xf32>
    %get3A_4 = arith.constant 1 : index
    %get3A_5 = arith.constant 0 : index
    %get3A_6 = arith.constant 0 : index
    %get3A_7 = vector.load %arg3[%get3A_4, %get3A_5, %get3A_6] : memref<2x1600x128xf32, #tpu.memory_space<vmem>>, vector<1x1600x128xf32>
    %get3A_8 = vector.shape_cast %get3A_7 : vector<1x1600x128xf32> to vector<1600x128xf32>
    %add3A = arith.addf %get3A_3, %get3A_8 : vector<1600x128xf32>
    %get3A_9 = arith.constant 0 : index
    %get3A_10 = arith.constant 0 : index
    %get3A_11 = vector.load %arg4[%get3A_9, %get3A_10] : memref<128x128xf32, #tpu.memory_space<vmem>>, vector<128x128xf32>
    %get3A_12 = arith.constant 0 : index
    %get3A_13 = arith.constant 0 : index
    %get3A_14 = vector.load %arg5[%get3A_12, %get3A_13] : memref<128x128xf32, #tpu.memory_space<vmem>>, vector<128x128xf32>
    %dot_general3A = arith.constant dense<0.000000e+00> : vector<1600x128xf32>
    %dot_general3A_15 = tpu.matmul %add3A, %get3A_11, %dot_general3A {dimension_numbers = #tpu.dot_dimension_numbers<[1], [0], [0], [1], [0, 0, 1, 1], [], []>, transpose_lhs_hint = false} : vector<1600x128xf32>, vector<128x128xf32>, vector<1600x128xf32> -> vector<1600x128xf32>
    %dot_general3A_16 = arith.constant dense<0.000000e+00> : vector<1600x128xf32>
    %dot_general3A_17 = tpu.matmul %add3A, %get3A_14, %dot_general3A_16 {dimension_numbers = #tpu.dot_dimension_numbers<[1], [0], [0], [1], [0, 0, 1, 1], [], []>, transpose_lhs_hint = false} : vector<1600x128xf32>, vector<128x128xf32>, vector<1600x128xf32> -> vector<1600x128xf32>
    %stack3A = vector.shape_cast %dot_general3A_15 : vector<1600x128xf32> to vector<1600x1x128xf32>
    %stack3A_18 = vector.shape_cast %dot_general3A_17 : vector<1600x128xf32> to vector<1600x1x128xf32>
    %stack3A_19 = tpu.concatenate %stack3A, %stack3A_18 in 1 : vector<1600x1x128xf32>, vector<1600x1x128xf32> -> vector<1600x2x128xf32>
    %reshape3A = vector.shape_cast %stack3A_19 : vector<1600x2x128xf32> to vector<3200x128xf32>
    %max3A = arith.constant 1.000000e+00 : f32
    %max3A_20 = vector.broadcast %max3A : f32 to vector<3200x128xf32>
    %max3A_21 = arith.maximumf %reshape3A, %max3A_20 : vector<3200x128xf32>
    %div3A = arith.constant 1.000000e+00 : f32
    %div3A_22 = vector.broadcast %div3A : f32 to vector<3200x128xf32>
    %div3A_23 = arith.divf %div3A_22, %max3A_21 : vector<3200x128xf32>
    %get3A_24 = arith.constant 0 : index
    %get3A_25 = arith.constant 0 : index
    %get3A_26 = arith.constant 0 : index
    %get3A_27 = vector.load %arg1[%get3A_24, %get3A_25, %get3A_26] : memref<2x1600x128xf32, #tpu.memory_space<vmem>>, vector<1x1600x128xf32>
    %get3A_28 = vector.shape_cast %get3A_27 : vector<1x1600x128xf32> to vector<1600x128xf32>
    %get3A_29 = arith.constant 1 : index
    %get3A_30 = arith.constant 0 : index
    %get3A_31 = arith.constant 0 : index
    %get3A_32 = vector.load %arg1[%get3A_29, %get3A_30, %get3A_31] : memref<2x1600x128xf32, #tpu.memory_space<vmem>>, vector<1x1600x128xf32>
    %get3A_33 = vector.shape_cast %get3A_32 : vector<1x1600x128xf32> to vector<1600x128xf32>
    %add3A_34 = arith.addf %get3A_28, %get3A_33 : vector<1600x128xf32>
    %get3A_35 = arith.constant 0 : index
    %get3A_36 = arith.constant 0 : index
    %get3A_37 = vector.load %arg6[%get3A_35, %get3A_36] : memref<128x128xf32, #tpu.memory_space<vmem>>, vector<128x128xf32>
    %dot_general3A_38 = arith.constant dense<0.000000e+00> : vector<1600x128xf32>
    %dot_general3A_39 = tpu.matmul %add3A_34, %get3A_37, %dot_general3A_38 {dimension_numbers = #tpu.dot_dimension_numbers<[1], [0], [0], [1], [0, 0, 1, 1], [], []>, transpose_lhs_hint = false} : vector<1600x128xf32>, vector<128x128xf32>, vector<1600x128xf32> -> vector<1600x128xf32>
    %get3A_40 = arith.constant 0 : index
    %get3A_41 = arith.constant 0 : index
    %get3A_42 = vector.load %arg7[%get3A_40, %get3A_41] : memref<128x128xf32, #tpu.memory_space<vmem>>, vector<128x128xf32>
    %dot_general3A_43 = arith.constant dense<0.000000e+00> : vector<1600x128xf32>
    %dot_general3A_44 = tpu.matmul %add3A_34, %get3A_42, %dot_general3A_43 {dimension_numbers = #tpu.dot_dimension_numbers<[1], [0], [0], [1], [0, 0, 1, 1], [], []>, transpose_lhs_hint = false} : vector<1600x128xf32>, vector<128x128xf32>, vector<1600x128xf32> -> vector<1600x128xf32>
    %stack3A_45 = vector.shape_cast %dot_general3A_39 : vector<1600x128xf32> to vector<1600x1x128xf32>
    %stack3A_46 = vector.shape_cast %dot_general3A_44 : vector<1600x128xf32> to vector<1600x1x128xf32>
    %stack3A_47 = tpu.concatenate %stack3A_45, %stack3A_46 in 1 : vector<1600x1x128xf32>, vector<1600x1x128xf32> -> vector<1600x2x128xf32>
    %reshape3A_48 = vector.shape_cast %stack3A_47 : vector<1600x2x128xf32> to vector<3200x128xf32>
    %mul3A = arith.mulf %reshape3A_48, %div3A_23 : vector<3200x128xf32>
    %get3A_49 = arith.constant 0 : index
    %get3A_50 = arith.constant 0 : index
    %get3A_51 = vector.load %arg2[%get3A_49, %get3A_50] : memref<3200x128xf32, #tpu.memory_space<vmem>>, vector<3200x128xf32>
    %get3A_52 = arith.constant 0 : index
    %get3A_53 = arith.constant 0 : index
    %get3A_54 = vector.load %arg8[%get3A_52, %get3A_53] : memref<128x128xf32, #tpu.memory_space<vmem>>, vector<128x128xf32>
    %dot_general3A_55 = arith.constant dense<0.000000e+00> : vector<3200x128xf32>
    %dot_general3A_56 = tpu.matmul %get3A_51, %get3A_54, %dot_general3A_55 {dimension_numbers = #tpu.dot_dimension_numbers<[1], [0], [0], [1], [0, 0, 1, 1], [], []>, transpose_lhs_hint = false} : vector<3200x128xf32>, vector<128x128xf32>, vector<3200x128xf32> -> vector<3200x128xf32>
    %add3A_57 = arith.addf %mul3A, %dot_general3A_56 : vector<3200x128xf32>
    %get3A_58 = arith.constant 0 : index
    %get3A_59 = arith.constant 0 : index
    %get3A_60 = vector.load %arg9[%get3A_58, %get3A_59] : memref<1x1xf32, #tpu.memory_space<vmem>>, vector<1x1xf32>
    %get3A_61 = vector.extract %get3A_60[0, 0] : f32 from vector<1x1xf32>
    %add3A_62 = vector.broadcast %get3A_61 : f32 to vector<3200x128xf32>
    %add3A_63 = arith.addf %add3A_57, %add3A_62 : vector<3200x128xf32>
    %logistic3A = arith.negf %add3A_63 : vector<3200x128xf32>
    %logistic3A_64 = math.exp %logistic3A : vector<3200x128xf32>
    %logistic3A_65 = arith.constant 1.000000e+00 : f32
    %logistic3A_66 = vector.broadcast %logistic3A_65 : f32 to vector<3200x128xf32>
    %logistic3A_67 = arith.addf %logistic3A_66, %logistic3A_64 : vector<3200x128xf32>
    %logistic3A_68 = arith.divf %logistic3A_66, %logistic3A_67 : vector<3200x128xf32>
    %swap3A = arith.constant 0 : index
    %swap3A_69 = arith.constant 0 : index
    %swap3A_70 = vector.load %arg10[%swap3A, %swap3A_69] : memref<3200x128xf32, #tpu.memory_space<vmem>>, vector<3200x128xf32>
    tpu.vector_store %arg10[%swap3A, %swap3A_69], %logistic3A_68 {strides = array<i32>} : memref<3200x128xf32, #tpu.memory_space<vmem>>, vector<3200x128xf32>,
    return
  }
  func.func @transform_0(%arg0: i32) -> (i32, i32, i32) {
    %c0_i32 = arith.constant 0 : i32
    %c0_i32_0 = arith.constant 0 : i32
    %c0_i32_1 = arith.constant 0 : i32
    return %c0_i32, %arg0, %c0_i32_0 : i32, i32, i32
  }
  func.func @transform_1(%arg0: i32) -> (i32, i32) {
    %c0_i32 = arith.constant 0 : i32
    %c0_i32_0 = arith.constant 0 : i32
    return %arg0, %c0_i32 : i32, i32
  }
  func.func @transform_2(%arg0: i32) -> (i32, i32, i32) {
    %c0_i32 = arith.constant 0 : i32
    %c0_i32_0 = arith.constant 0 : i32
    %c0_i32_1 = arith.constant 0 : i32
    return %c0_i32, %arg0, %c0_i32_0 : i32, i32, i32
  }
  func.func @transform_3(%arg0: i32) -> (i32, i32) {
    %c0_i32 = arith.constant 0 : i32
    %c0_i32_0 = arith.constant 0 : i32
    %c0_i32_1 = arith.constant 0 : i32
    return %c0_i32, %c0_i32_0 : i32, i32
  }
  func.func @transform_4(%arg0: i32) -> (i32, i32) {
    %c0_i32 = arith.constant 0 : i32
    %c0_i32_0 = arith.constant 0 : i32
    %c0_i32_1 = arith.constant 0 : i32
    return %c0_i32, %c0_i32_0 : i32, i32
  }
  func.func @transform_5(%arg0: i32) -> (i32, i32) {
    %c0_i32 = arith.constant 0 : i32
    %c0_i32_0 = arith.constant 0 : i32
    %c0_i32_1 = arith.constant 0 : i32
    return %c0_i32, %c0_i32_0 : i32, i32
  }
  func.func @transform_6(%arg0: i32) -> (i32, i32) {
    %c0_i32 = arith.constant 0 : i32
    %c0_i32_0 = arith.constant 0 : i32
    %c0_i32_1 = arith.constant 0 : i32
    return %c0_i32, %c0_i32_0 : i32, i32
  }
  func.func @transform_7(%arg0: i32) -> (i32, i32) {
    %c0_i32 = arith.constant 0 : i32
    %c0_i32_0 = arith.constant 0 : i32
    %c0_i32_1 = arith.constant 0 : i32
    return %c0_i32, %c0_i32_0 : i32, i32
  }
  func.func @transform_8(%arg0: i32) -> (i32, i32) {
    %c0_i32 = arith.constant 0 : i32
    %c0_i32_0 = arith.constant 0 : i32
    %c0_i32_1 = arith.constant 0 : i32
    return %c0_i32, %c0_i32_0 : i32, i32
  }
  func.func @transform_9(%arg0: i32) -> (i32, i32) {
    %c0_i32 = arith.constant 0 : i32
    %c0_i32_0 = arith.constant 0 : i32
    return %arg0, %c0_i32 : i32, i32
  }
}

</mosaic_0001>

<sc_bundles>
// kernel: kernel.11.cloned.1.call-start
scs
__scs_entry_jumppad:
0x0: {  	(pc) =	sbr.rel $0x88, $3  }
0x1: {  	(tag) =	ssettag $0x0;
	lr =	simm.s32 $0x1  }
0x2: {  	[smem:$0x3F96] =	sst lr;
	_ =	strace $0xD0000000  }
0x3: {  	_ = 	snop  }
0x4: {  	_ = 	snop  }
0x5: {  	_ = 	snop  }
0x6: {  	_ = 	snop  }
0x7: {  	_ = 	snop  }
__scs_overlays_trampoline_lowered:
0x8: {  	[smem:$0x3FA5] =	sst s0  }
0x9: {  	[smem:$0x3FA6] =	sst s1  }
0xa: {  	[smem:$0x3FA7] =	sst s2  }
0xb: {  	[smem:$0x3FA8] =	sst s3  }
0xc: {  	[smem:$0x3FA9] =	sst s4  }
0xd: {  	[smem:$0x3FAA] =	sst s5  }
0xe: {  	[smem:$0x3FAB] =	sst s6  }
0xf: {  	[smem:$0x3FAC] =	sst s7  }
0x10: {  	[smem:$0x3FAD] =	sst s8  }
0x11: {  	[smem:$0x3FAE] =	sst s9;
	s0 =	simm.s32 @!p0 $0x0  }
0x12: {  	s1 =	sld [smem:$0x3F94];
	s0 =	simm.s32 @p0 $0x1  }
0x13: {  	[smem:$0x3FAF] =	sst s0;
	s0 =	simm.s32 @!p1 $0x0  }
0x14: {  	s2 =	sld [smem:$0x3F93];
	s0 =	simm.s32 @p1 $0x1  }
0x15: {  	[smem:$0x3FB0] =	sst s0;
	s0 =	simm.s32 @!p2 $0x0  }
0x16: {  	s3 =	sld [smem:$0x3FDB];
	s0 =	simm.s32 @p2 $0x1  }
0x17: {  	s4 =	simm.s32 $0x1BF5;
	[smem:$0x3FB2] =	sst s0  }
0x18: {  	s0 =	sld [smem:$0x3F95];
	_ =	swait.ge [sflag:s4], $0x0  }
0x19: {  	s7 =	sld [smem:$0x3F96]  }
0x1a: {  	s8 =	sadd.s32 $0xFFFFE003, lr  }
0x1b: {  	s9 =	sadd.s32 $0xFFFFFEF7, lr;
	s5 =	simm.s32 $0xFFFFFFFF;
	p2 =	slt.u32 s8, $0xFFFFF086  }
0x1c: {  	p1 =	slt.u32 s9, $0xF7A;
	s5 =	simm.s32 @!p2 $0x0  }
0x1d: {  	s5 =	simm.s32 @p1 $0x1;
	p0 =	seq.s32 s7, s2  }
0x1e: {  	s7 =	smul.u32 @!p0 $0xF7A, s2;
	p2 =	seq.s32 @!p0 s5, $0x0  }
0x1f: {  	s9 =	smul.u32 $0xF7A, s1;
	s8 =	simm.s32 @!p0 $0x1BF5;
	p2 =	por !p2, p0  }
0x20: {  	[sflag:s8] =	ssyncset.s32 @!p0 $0xFFFFF086;
	s6 =	sadd.s32 @!p0 s3, s7;
	s7 =	simm.s32 @!p0 $0x108  }
0x21: {  	s3 =	sadd.s32 s3, s9;
	s6 =	sadd.s32 @!p0 $0x88, s6;
	s7 =	simm.s32 @p2 $0x1082  }
0x22: {  	[simem:s7], [sflag:s8] =	dma.local @!p0 [hbm:s6], $0xF7A  }
0x23: {  	s9 =	sor.u32 $0xD0000000, s2;
	s6 =	simm.s32 $0x108;
	_ =	swait.ge @!p0 [sflag:s8], $0x0  }
0x24: {  	s3 =	sadd.s32 $0x88, s3;
	s6 =	simm.s32 @!p1 $0x1082;
	[sflag:s4] =	ssyncset.s32 $0xFFFFF086  }
0x25: {  	[simem:s6], [sflag:s4] =	dma.local [hbm:s3], $0xF7A  }
0x26: {  	[smem:$0x3F96] =	sst s1;
	(tag) =	ssettag s2;
	_ =	strace s9  }
0x27: {  	s1 =	sld [smem:$0x3FA6]  }
0x28: {  	s2 =	sld [smem:$0x3FA7]  }
0x29: {  	s4 =	sld [smem:$0x3FA9]  }
0x2a: {  	p0 =	seq.s32 s5, $0x0;
	s5 =	sld [smem:$0x3FAA]  }
0x2b: {  	s6 =	sld [smem:$0x3FAB]  }
0x2c: {  	s7 =	sld [smem:$0x3FAC]  }
0x2d: {  	s3 =	simm.s32 $0x108;
	s8 =	sld [smem:$0x3FAD]  }
0x2e: {  	s3 =	simm.s32 @!p0 $0x1082;
	s9 =	sld [smem:$0x3FAE]  }
0x2f: {  	lr =	sadd.s32 s0, s3;
	s0 =	sld [smem:$0x3FA5]  }
0x30: {  	s3 =	sld [smem:$0x3FA8]  }
0x31: {  	[smem:$0x3FB1] =	sst s10  }
0x32: {  	s10 =	sld [smem:$0x3FAF];
	_ =	sdelay $0x3  }
0x33: {  	p0 =	seq.s32 s10, $0x1;
	s10 =	sld [smem:$0x3FB1];
	_ =	sdelay $0x3  }
0x34: {  	[smem:$0x3FB1] =	sst s10  }
0x35: {  	s10 =	sld [smem:$0x3FB0];
	_ =	sdelay $0x3  }
0x36: {  	p1 =	seq.s32 s10, $0x1;
	s10 =	sld [smem:$0x3FB1];
	_ =	sdelay $0x3  }
0x37: {  	[smem:$0x3FB1] =	sst s10  }
0x38: {  	s10 =	sld [smem:$0x3FB2]  }
0x39: {  	_ = 	snop;
	(pc) =	sbr.ind lr, $3  }
0x3a: {  	_ = 	snop  }
0x3b: {  	_ = 	snop  }
0x3c: {  	p2 =	seq.s32 s10, $0x1;
	s10 =	sld [smem:$0x3FB1]  }
0x3d: {  	_ =	shalt  }
0x3e: {  	_ =	shalt  }
0x3f: {  	_ =	shalt  }
0x40: {  	_ =	shalt  }
0x41: {  	_ =	shalt  }
0x42: {  	_ =	shalt  }
0x43: {  	_ =	shalt  }
0x44: {  	_ =	shalt  }
0x45: {  	_ =	shalt  }
0x46: {  	_ =	shalt  }
0x47: {  	_ =	shalt  }
0x48: {  	_ =	shalt  }
0x49: {  	_ =	shalt  }
0x4a: {  	_ =	shalt  }
0x4b: {  	_ =	shalt  }
0x4c: {  	_ =	shalt  }
0x4d: {  	_ =	shalt  }
0x4e: {  	_ =	shalt  }
0x4f: {  	_ =	shalt  }
0x50: {  	_ =	shalt  }
0x51: {  	_ =	shalt  }
0x52: {  	_ =	shalt  }
0x53: {  	_ =	shalt  }
0x54: {  	_ =	shalt  }
0x55: {  	_ =	shalt  }
0x56: {  	_ =	shalt  }
0x57: {  	_ =	shalt  }
0x58: {  	_ =	shalt  }
0x59: {  	_ =	shalt  }
0x5a: {  	_ =	shalt  }
0x5b: {  	_ =	shalt  }
0x5c: {  	_ =	shalt  }
0x5d: {  	_ =	shalt  }
0x5e: {  	_ =	shalt  }
0x5f: {  	_ =	shalt  }
0x60: {  	_ =	shalt  }
0x61: {  	_ =	shalt  }
0x62: {  	_ =	shalt  }
0x63: {  	_ =	shalt  }
0x64: {  	_ =	shalt  }
0x65: {  	_ =	shalt  }
0x66: {  	_ =	shalt  }
0x67: {  	_ =	shalt  }
0x68: {  	_ =	shalt  }
0x69: {  	_ =	shalt  }
0x6a: {  	_ =	shalt  }
0x6b: {  	_ =	shalt  }
0x6c: {  	_ =	shalt  }
0x6d: {  	_ =	shalt  }
0x6e: {  	_ =	shalt  }
0x6f: {  	_ =	shalt  }
0x70: {  	_ =	shalt  }
0x71: {  	_ =	shalt  }
0x72: {  	_ =	shalt  }
0x73: {  	_ =	shalt  }
0x74: {  	_ =	shalt  }
0x75: {  	_ =	shalt  }
0x76: {  	_ =	shalt  }
0x77: {  	_ =	shalt  }
0x78: {  	_ =	shalt  }
0x79: {  	_ =	shalt  }
0x7a: {  	_ =	shalt  }
0x7b: {  	_ =	shalt  }
0x7c: {  	_ =	shalt  }
0x7d: {  	_ =	shalt  }
0x7e: {  	_ =	shalt  }
0x7f: {  	_ =	shalt  }
0x80: {  	_ =	shalt  }
0x81: {  	_ =	shalt  }
0x82: {  	_ =	shalt  }
0x83: {  	_ =	shalt  }
0x84: {  	_ =	shalt  }
0x85: {  	_ =	shalt  }
0x86: {  	_ =	shalt  }
0x87: {  	_ =	shalt  }
.Lfunc_end0:
.L_simem_size_0:
called_computation.1_lowered:
.L_overlay_start_0:
0x88: {  	s2 =	sld [smem:$0x3FD9]  }
0x89: {  	s3 =	sld [smem:$0x3FFE];
	_ =	sdelay $0x1  }
0x8a: {  	s1 =	srdreg.scid  }
0x8b: {  	s0 =	sand.u32 $0x1, s1  }
0x8c: {  	s16 =	sshll.u32 s0, $0xA;
	s2 =	sadd.s32 s3, s2  }
0x8d: {  	s2 =	sadd.s32 s2, s16  }
0x8e: {  	[smem:$0x3FBD] =	sst s2  }
0x8f: {  	_ = 	snop  }
0x90: {  	(tm) =	ssettm $0x1  }
0x91: {  	s17 =	sld [smem:$0x3FFB];
	_ =	sdelay $0x3  }
0x92: {  	_ =	strace s17  }
0x93: {  	s2 =	sld [smem:$0x3FFC];
	_ =	sdelay $0x3  }
0x94: {  	_ =	strace s2  }
0x95: {  	s2 =	sld [smem:$0x3FFD];
	_ =	sdelay $0x3  }
0x96: {  	_ =	strace s2  }
0x97: {  	_ =	strace $0x8FFFFFFF  }
0x98: {  	s18 =	sld [smem:$0x3FDB];
	_ =	sdelay $0x1  }
0x99: {  	s19 =	simm.s32 $_scs_section_size  }
0x9a: {  	s4 =	simm.s32 $_size__tile_overlayer_lowered;
	s5 =	simm.s32 $_tile_overlayer_lowered  }
0x9b: {  	s22 =	simm.s32 $0x1BFF;
	s21 =	sshll.u32 s5, $0x1;
	s2 =	sadd.s32 s19, s18  }
0x9c: {  	s6 =	simm.s32 $0x0;
	s20 =	sshll.u32 s4, $0x1;
	s4 =	sadd.s32 s21, s2  }
0x9d: {  	[timem:s6], [sflag:s22] =	dma.local [hbm:s4], s20  }
0x9e: {  	_ =	swait.ge [sflag:s22], s20  }
0x9f: {  	s3 =	ssub.s32 $0x0, s20;
	[sflag:s22] =	ssyncset.done $0x0  }
0xa0: {  	[sflag:s22] =	ssyncadd.s32 s3;
	_ =	sdelay $0x1  }
0xa1: {  	s23 =	simm.s32 $0x1B8B  }
0xa2: {  	_ =	swait.ge [sflag:s23], $0x1  }
0xa3: {  	[sflag:s23] =	ssyncset.done $0x0  }
0xa4: {  	s25 =	simm.s32 $0x1B8E;
	s24 =	sld [smem:$0x3FFE];
	[sflag:s23] =	ssyncadd.s32 $0xFFFFFFFF  }
0xa5: {  	s26 =	simm.s32 $execute0_lowered;
	[smem:$0x3FD2] =	sst s25  }
0xa6: {  	s4 =	sshll.u32 s26, $0x1;
	_ =	strace $0x80000049;
	[dreg:$0x1] =	wrdreg $0xFFFFFFFF  }
0xa7: {  	s28 =	simm.s32 $_size_execute0_lowered;
	s2 =	sadd.s32 s2, s4;
	[dreg:$0x0] =	wrdreg $0x0  }
0xa8: {  	s4 =	sshll.u32 s28, $0x1;
	[dreg:$0x2] =	wrdreg s2  }
0xa9: {  	[dreg:$0x3] =	wrdreg s4  }
0xaa: {  	[dreg:$0x4] =	wrdreg $0xC0  }
0xab: {  	_ =	task [dreg:s6], $0x5FFFF  }
0xac: {  	[dreg:$0x1] =	wrdreg $0xFFFFFFFF  }
0xad: {  	[dreg:$0x0] =	wrdreg $0x60  }
0xae: {  	[dreg:$0x2] =	wrdreg s24  }
0xaf: {  	[dreg:$0x3] =	wrdreg $0x0  }
0xb0: {  	[dreg:$0x4] =	wrdreg $0x9  }
0xb1: {  	_ =	task.clear_ibuf [dreg:s6], $0x5FFFF;
	_ =	strace $0x90000049  }
0xb2: {  	s29 =	simm.s32 $0x9;
	_ =	strace $0x8000004B  }
0xb3: {  	_ =	swait.ge [sflag:s29], $0x1  }
0xb4: {  	[sflag:s29] =	ssyncadd.s32 $0xFFFFFFFF  }
0xb5: {  	_ =	strace $0x9000004B  }
0xb6: {  	_ =	sfence  }
0xb7: {  	s30 =	sld [smem:$0x0];
	_ =	sdelay $0x2  }
0xb8: {  	s31 =	sshll.u32 s1, $0xD;
	s1 =	sshrl.u32 s1, $0x2  }
0xb9: {  	s3 =	sand.u32 $0x4000, s31;
	s1 =	sadd.s32 s1, s30  }
0xba: {  	s0 =	sor.u32 s3, s0;
	s1 =	sshll.u32 s1, $0x11  }
0xbb: {  	s0 =	sor.u32 s1, s0  }
0xbc: {  	s0 =	sadd.s32 $0x8F2B, s0  }
0xbd: {  	[sflag:s0] =	ssyncadd.remote.s32 $0x1  }
0xbe: {  	_ =	sfence.sel $0xFFFF  }
0xbf: {  	[dreg:$0x0] =	wrdreg $0xFFFFFFFF;
	(pc) =	sbr.abs _section_cstart, $3  }
0xc0: {  	[dreg:$0x1] =	wrdreg $0xFFFFFFFF  }
0xc1: {  	_ =	task.clear_ibuf [dreg:s6], $0x2FFFF;
	_ =	strace $0x9FFFFFFF  }
0xc2: {  	(tm) =	ssettm $0x7FFFFFFF  }
0xc3: {  	_ =	shalt  }
tec
execute0_lowered:
.L_overlay_start_1:
0x0: {  	(tag) =	ssettag $0x1  }
0x1: {  	s0 =	srdreg.scid;
	s1 =	rddreg [dreg:$0x0]  }
0x2: {  	s9 =	stileid.u32;
	s2 =	rddreg [dreg:$0x1]  }
0x3: {  	s3 =	simm.s32 $0x0;
	s10 =	simm.s32 $0x3;
	s11 =	simm.s32 $0x19000  }
0x4: {  	s12 =	simm.s32 $0x19400;
	s13 =	simm.s32 $0x80;
	s14 =	simm.s32 $0x19800  }
0x5: {  	s23 =	simm.s32 $0x19080;
	s15 =	simm.s32 $0x1A000;
	s24 =	simm.s32 $0x19100  }
0x6: {  	s16 =	simm.s32 $0x1A800;
	s25 =	simm.s32 $0x19180;
	s26 =	simm.s32 $0x19200  }
0x7: {  	s28 =	simm.s32 $0x19500;
	s29 =	simm.s32 $0x19580;
	s30 =	simm.s32 $0x19600  }
0x8: {  	s31 =	simm.s32 $0x19680;
	s0 =	sand.u32 $0x1, s0;
	[smem:$0x7FF] =	sst s3  }
0x9: {  	s4 =	smul.u32 $0x31000, s9;
	_ =	strace $0x8000004A;
	[dreg:$0x5] =	wrdreg s23  }
0xa: {  	s6 =	smul.u32 $0x19000, s9;
	s20 =	sshll.u32 s9, $0x6;
	[dreg:$0x6] =	wrdreg s24  }
0xb: {  	s9 =	simm.s32 $0x0;
	s5 =	smul.u32 $0x18800, s0;
	[dreg:$0x7] =	wrdreg s25  }
0xc: {  	s17 =	smul.u32 $0x190000, s0;
	s0 =	ssub.s32 $0x2, s0;
	[dreg:$0x8] =	wrdreg s26  }
0xd: {  	s23 =	simm.s32 $0x19380;
	s24 =	simm.s32 $0x1D000;
	s25 =	simm.s32 $0x1  }
0xe: {  	s26 =	simm.s32 $0x19480;
	s8 =	sshrl.u32 s6, $0x3;
	s18 =	sshrl.u32 s0, $0x1  }
0xf: {  	s19 =	sadd.s32 s6, s2;
	s4 =	sadd.s32 s5, s4;
	s5 =	sadd.s32 s6, s17  }
0x10: {  	s8 =	sadd.s32 s8, s1;
	s0 =	ssub.s32 s0, s18;
	s17 =	simm.s32 $0x1B000  }
0x11: {  	s18 =	simm.s32 $0x1B800;
	s4 =	sshrl.u32 s4, $0x3;
	s5 =	sshrl.u32 s5, $0x3  }
0x12: {  	s8 =	sadd.s32 $0x15D400, s8;
	s0 =	smax.u32 s0, $0x1;
	s7 =	sadd.s32 s4, s1  }
0x13: {  	s4 =	sadd.s32 $0x12B400, s1;
	s1 =	sadd.s32 s5, s1;
	[dreg:$0x9] =	wrdreg s8  }
0x14: {  	s8 =	sor.u32 $0x1C03, s20;
	[dreg:$0xc] =	wrdreg s0;
	s20 =	simm.s32 $0x1C000  }
0x15: {  	s0 =	simm.s32 $0x19780;
	s1 =	sadd.s32 $0x18F400, s1;
	[dreg:$0xa] =	wrdreg s8  }
0x16: {  	s5 =	simm.s32 $0x2;
	s21 =	sadd.s32 $0x1C400, s7;
	[dreg:$0xb] =	wrdreg s1  }
0x17: {  	s22 =	sadd.s32 $0x7E400, s7;
	s7 =	sshrl.u32 s19, $0x3;
	[dreg:$0x3] =	wrdreg s21  }
0x18: {  	s19 =	simm.s32 $0x19280;
	[dreg:$0x4] =	wrdreg s22;
	s21 =	simm.s32 $0x19300  }
0x19: {  	s22 =	simm.s32 $0x1C800;
	s1 =	simm.s32 $0x19700;
	[dreg:$0xd] =	wrdreg s7  }
.LBB2_1:
0x1a: {  	[dreg:$0xe] =	wrdreg s9  }
0x1b: {  	s6 =	rddreg [dreg:$0x9]  }
0x1c: {  	[spmem:s7], [sflag:s8] =	dma.local [hbm:s6], $0x3200  }
0x1d: {  	_ =	swait.ge [sflag:s10], $0x3200  }
0x1e: {  	[sflag:s10] =	ssyncset.done $0x0  }
0x1f: {  	[sflag:s10] =	ssyncadd.s32 $0xFFFFCE00  }
0x20: {  	[bflag:$0x0] =	sbarrier.arrive $0xFFFF  }
0x21: {  	s9 =	rddreg [dreg:$0x4]  }
0x22: {  	s6 =	sadd.s32 $0x0, s9  }
0x23: {  	[tilespmem:s11], [sflag:$0x3] =	stream.linear.gather [hbm4b:s6+s3], $0x400, $0x38;
	[tilespmem:$0x1D800] =	vst v63  }
0x24: {  	_ =	swait.ge [sflag:s10], $0x400  }
0x25: {  	s7 =	rddreg [dreg:$0x3];
	[sflag:s10] =	ssyncset.done $0x0  }
0x26: {  	[sflag:s10] =	ssyncadd.s32 $0xFFFFFC00;
	s6 =	sadd.s32 $0x0, s7  }
0x27: {  	[tilespmem:s12], [sflag:$0x3] =	stream.linear.gather [hbm4b:s6+s3], $0x400, $0x38;
	[tilespmem:$0x1D800] =	vst v63  }
0x28: {  	_ =	swait.ge [sflag:s10], $0x400  }
0x29: {  	[sflag:s10] =	ssyncset.done $0x0  }
0x2a: {  	[sflag:s10] =	ssyncadd.s32 $0xFFFFFC00  }
0x2b: {  	[tilespmem:s14], [sflag:$0x1] =	stream.indirect.gather [hbm4b:s4+s13], $0x10, s11, s13, $0xb8;
	[tilespmem:$0x1D800] =	vst v63  }
0x2c: {  	s8 =	rddreg [dreg:$0x5]  }
0x2d: {  	[tilespmem:s15], [sflag:$0x1] =	stream.indirect.gather [hbm4b:s4+s13], $0x10, s8, s13, $0xb8;
	[tilespmem:$0x1D800] =	vst v63  }
0x2e: {  	s9 =	rddreg [dreg:$0x6]  }
0x2f: {  	[tilespmem:s16], [sflag:$0x1] =	stream.indirect.gather [hbm4b:s4+s13], $0x10, s9, s13, $0xb8;
	[tilespmem:$0x1D800] =	vst v63  }
0x30: {  	s7 =	rddreg [dreg:$0x7]  }
0x31: {  	[tilespmem:s17], [sflag:$0x1] =	stream.indirect.gather [hbm4b:s4+s13], $0x10, s7, s13, $0xb8;
	[tilespmem:$0x1D800] =	vst v63  }
0x32: {  	s9 =	rddreg [dreg:$0x8]  }
0x33: {  	[tilespmem:s18], [sflag:$0x1] =	stream.indirect.gather [hbm4b:s4+s13], $0x10, s9, s13, $0xb8;
	[tilespmem:$0x1D800] =	vst v63  }
0x34: {  	_ = 	snop  }
0x35: {  	[tilespmem:s20], [sflag:$0x1] =	stream.indirect.gather [hbm4b:s4+s13], $0x10, s19, s13, $0xb8;
	[tilespmem:$0x1D800] =	vst v63  }
0x36: {  	_ = 	snop  }
0x37: {  	[tilespmem:s22], [sflag:$0x1] =	stream.indirect.gather [hbm4b:s4+s13], $0x10, s21, s13, $0xb8;
	[tilespmem:$0x1D800] =	vst v63  }
0x38: {  	_ = 	snop  }
0x39: {  	[tilespmem:s24], [sflag:$0x1] =	stream.indirect.gather [hbm4b:s4+s13], $0x10, s23, s13, $0xb8;
	[tilespmem:$0x1D800] =	vst v63  }
0x3a: {  	_ =	swait.ge [sflag:s25], $0x800  }
0x3b: {  	[sflag:s25] =	ssyncset.done $0x0  }
0x3c: {  	[sflag:s25] =	ssyncadd.s32 $0xFFFFF800  }
0x3d: {  	_ =	swait.ge [sflag:s25], $0x800  }
0x3e: {  	[sflag:s25] =	ssyncset.done $0x0  }
0x3f: {  	[sflag:s25] =	ssyncadd.s32 $0xFFFFF800  }
0x40: {  	_ =	swait.ge [sflag:s25], $0x800  }
0x41: {  	[sflag:s25] =	ssyncset.done $0x0  }
0x42: {  	[sflag:s25] =	ssyncadd.s32 $0xFFFFF800  }
0x43: {  	_ =	swait.ge [sflag:s25], $0x800  }
0x44: {  	[sflag:s25] =	ssyncset.done $0x0  }
0x45: {  	[sflag:s25] =	ssyncadd.s32 $0xFFFFF800  }
0x46: {  	[spmem:s2] =	stream.indirect.scatter.add.f32 [tilespmem:s14], [sflag:$0x2], $0x10, s12, s13, $0xb8;
	[tilespmem:$0x1D800] =	vst v63  }
0x47: {  	_ = 	snop  }
0x48: {  	[spmem:s2] =	stream.indirect.scatter.add.f32 [tilespmem:s15], [sflag:$0x2], $0x10, s26, s13, $0xb8;
	[tilespmem:$0x1D800] =	vst v63  }
0x49: {  	_ = 	snop  }
0x4a: {  	[spmem:s2] =	stream.indirect.scatter.add.f32 [tilespmem:s16], [sflag:$0x2], $0x10, s28, s13, $0xb8;
	[tilespmem:$0x1D800] =	vst v63  }
0x4b: {  	_ = 	snop  }
0x4c: {  	[spmem:s2] =	stream.indirect.scatter.add.f32 [tilespmem:s17], [sflag:$0x2], $0x10, s29, s13, $0xb8;
	[tilespmem:$0x1D800] =	vst v63  }
0x4d: {  	_ =	swait.ge [sflag:s25], $0x800  }
0x4e: {  	[sflag:s25] =	ssyncset.done $0x0  }
0x4f: {  	[sflag:s25] =	ssyncadd.s32 $0xFFFFF800  }
0x50: {  	_ =	swait.ge [sflag:s25], $0x800  }
0x51: {  	[sflag:s25] =	ssyncset.done $0x0  }
0x52: {  	[sflag:s25] =	ssyncadd.s32 $0xFFFFF800  }
0x53: {  	_ =	swait.ge [sflag:s25], $0x800  }
0x54: {  	[sflag:s25] =	ssyncset.done $0x0  }
0x55: {  	[sflag:s25] =	ssyncadd.s32 $0xFFFFF800  }
0x56: {  	_ =	swait.ge [sflag:s25], $0x800  }
0x57: {  	[sflag:s25] =	ssyncset.done $0x0  }
0x58: {  	[sflag:s25] =	ssyncadd.s32 $0xFFFFF800  }
0x59: {  	[spmem:s2] =	stream.indirect.scatter.add.f32 [tilespmem:s18], [sflag:$0x2], $0x10, s30, s13, $0xb8;
	[tilespmem:$0x1D800] =	vst v63  }
0x5a: {  	_ = 	snop  }
0x5b: {  	[spmem:s2] =	stream.indirect.scatter.add.f32 [tilespmem:s20], [sflag:$0x2], $0x10, s31, s13, $0xb8;
	[tilespmem:$0x1D800] =	vst v63  }
0x5c: {  	_ = 	snop  }
0x5d: {  	[spmem:s2] =	stream.indirect.scatter.add.f32 [tilespmem:s22], [sflag:$0x2], $0x10, s1, s13, $0xb8;
	[tilespmem:$0x1D800] =	vst v63  }
0x5e: {  	_ = 	snop  }
0x5f: {  	[spmem:s2] =	stream.indirect.scatter.add.f32 [tilespmem:s24], [sflag:$0x2], $0x10, s0, s13, $0xb8;
	[tilespmem:$0x1D800] =	vst v63  }
0x60: {  	_ =	swait.ge [sflag:s5], $0x800  }
0x61: {  	[sflag:s5] =	ssyncset.done $0x0  }
0x62: {  	[sflag:s5] =	ssyncadd.s32 $0xFFFFF800  }
0x63: {  	_ =	swait.ge [sflag:s5], $0x800  }
0x64: {  	[sflag:s5] =	ssyncset.done $0x0  }
0x65: {  	[sflag:s5] =	ssyncadd.s32 $0xFFFFF800  }
0x66: {  	_ =	swait.ge [sflag:s5], $0x800  }
0x67: {  	[sflag:s5] =	ssyncset.done $0x0  }
0x68: {  	[sflag:s5] =	ssyncadd.s32 $0xFFFFF800  }
0x69: {  	_ =	swait.ge [sflag:s5], $0x800  }
0x6a: {  	[sflag:s5] =	ssyncset.done $0x0  }
0x6b: {  	[sflag:s5] =	ssyncadd.s32 $0xFFFFF800  }
0x6c: {  	_ =	swait.ge [sflag:s5], $0x800  }
0x6d: {  	[sflag:s5] =	ssyncset.done $0x0  }
0x6e: {  	[sflag:s5] =	ssyncadd.s32 $0xFFFFF800  }
0x6f: {  	_ =	swait.ge [sflag:s5], $0x800  }
0x70: {  	[sflag:s5] =	ssyncset.done $0x0  }
0x71: {  	[sflag:s5] =	ssyncadd.s32 $0xFFFFF800  }
0x72: {  	_ =	swait.ge [sflag:s5], $0x800  }
0x73: {  	[sflag:s5] =	ssyncset.done $0x0  }
0x74: {  	[sflag:s5] =	ssyncadd.s32 $0xFFFFF800  }
0x75: {  	s6 =	simm.s32 $0x100;
	_ =	swait.ge [sflag:s5], $0x800  }
0x76: {  	s8 =	simm.s32 $0x80;
	s9 =	rddreg [dreg:$0x4];
	[sflag:s5] =	ssyncset.done $0x0  }
.LBB2_2:
0x77: {  	[sflag:s5] =	ssyncadd.s32 $0xFFFFF800;
	s9 =	sadd.s32 s8, s9  }
0x78: {  	[tilespmem:s11], [sflag:$0x3] =	stream.linear.gather [hbm4b:s9+s3], $0x400, $0x38;
	[tilespmem:$0x1D800] =	vst v63  }
0x79: {  	_ =	swait.ge [sflag:s10], $0x400  }
0x7a: {  	s9 =	rddreg [dreg:$0x3];
	[sflag:s10] =	ssyncset.done $0x0  }
0x7b: {  	[sflag:s10] =	ssyncadd.s32 $0xFFFFFC00;
	s9 =	sadd.s32 s8, s9  }
0x7c: {  	[tilespmem:s12], [sflag:$0x3] =	stream.linear.gather [hbm4b:s9+s3], $0x400, $0x38;
	[tilespmem:$0x1D800] =	vst v63  }
0x7d: {  	_ =	swait.ge [sflag:s10], $0x400  }
0x7e: {  	[sflag:s10] =	ssyncset.done $0x0  }
0x7f: {  	s7 =	smov.u32 s6;
	[sflag:s10] =	ssyncadd.s32 $0xFFFFFC00  }
0x80: {  	[tilespmem:s14], [sflag:$0x1] =	stream.indirect.gather [hbm4b:s4+s13], $0x10, s11, s13, $0xb8;
	[tilespmem:$0x1D800] =	vst v63  }
0x81: {  	s8 =	smov.u32 s7;
	s7 =	rddreg [dreg:$0x5]  }
0x82: {  	[tilespmem:s15], [sflag:$0x1] =	stream.indirect.gather [hbm4b:s4+s13], $0x10, s7, s13, $0xb8;
	[tilespmem:$0x1D800] =	vst v63  }
0x83: {  	s9 =	rddreg [dreg:$0x6]  }
0x84: {  	[tilespmem:s16], [sflag:$0x1] =	stream.indirect.gather [hbm4b:s4+s13], $0x10, s9, s13, $0xb8;
	[tilespmem:$0x1D800] =	vst v63  }
0x85: {  	s7 =	rddreg [dreg:$0x7]  }
0x86: {  	[tilespmem:s17], [sflag:$0x1] =	stream.indirect.gather [hbm4b:s4+s13], $0x10, s7, s13, $0xb8;
	[tilespmem:$0x1D800] =	vst v63  }
0x87: {  	s9 =	rddreg [dreg:$0x8]  }
0x88: {  	[tilespmem:s18], [sflag:$0x1] =	stream.indirect.gather [hbm4b:s4+s13], $0x10, s9, s13, $0xb8;
	[tilespmem:$0x1D800] =	vst v63  }
0x89: {  	_ = 	snop  }
0x8a: {  	[tilespmem:s20], [sflag:$0x1] =	stream.indirect.gather [hbm4b:s4+s13], $0x10, s19, s13, $0xb8;
	[tilespmem:$0x1D800] =	vst v63  }
0x8b: {  	_ = 	snop  }
0x8c: {  	[tilespmem:s22], [sflag:$0x1] =	stream.indirect.gather [hbm4b:s4+s13], $0x10, s21, s13, $0xb8;
	[tilespmem:$0x1D800] =	vst v63  }
0x8d: {  	_ = 	snop  }
0x8e: {  	[tilespmem:s24], [sflag:$0x1] =	stream.indirect.gather [hbm4b:s4+s13], $0x10, s23, s13, $0xb8;
	[tilespmem:$0x1D800] =	vst v63  }
0x8f: {  	_ =	swait.ge [sflag:s25], $0x800  }
0x90: {  	[sflag:s25] =	ssyncset.done $0x0  }
0x91: {  	[sflag:s25] =	ssyncadd.s32 $0xFFFFF800  }
0x92: {  	_ =	swait.ge [sflag:s25], $0x800  }
0x93: {  	[sflag:s25] =	ssyncset.done $0x0  }
0x94: {  	[sflag:s25] =	ssyncadd.s32 $0xFFFFF800  }
0x95: {  	_ =	swait.ge [sflag:s25], $0x800  }
0x96: {  	[sflag:s25] =	ssyncset.done $0x0  }
0x97: {  	[sflag:s25] =	ssyncadd.s32 $0xFFFFF800  }
0x98: {  	_ =	swait.ge [sflag:s25], $0x800  }
0x99: {  	[sflag:s25] =	ssyncset.done $0x0  }
0x9a: {  	[sflag:s25] =	ssyncadd.s32 $0xFFFFF800  }
0x9b: {  	[spmem:s2] =	stream.indirect.scatter.add.f32 [tilespmem:s14], [sflag:$0x2], $0x10, s12, s13, $0xb8;
	[tilespmem:$0x1D800] =	vst v63  }
0x9c: {  	_ = 	snop  }
0x9d: {  	[spmem:s2] =	stream.indirect.scatter.add.f32 [tilespmem:s15], [sflag:$0x2], $0x10, s26, s13, $0xb8;
	[tilespmem:$0x1D800] =	vst v63  }
0x9e: {  	_ = 	snop  }
0x9f: {  	[spmem:s2] =	stream.indirect.scatter.add.f32 [tilespmem:s16], [sflag:$0x2], $0x10, s28, s13, $0xb8;
	[tilespmem:$0x1D800] =	vst v63  }
0xa0: {  	_ = 	snop  }
0xa1: {  	[spmem:s2] =	stream.indirect.scatter.add.f32 [tilespmem:s17], [sflag:$0x2], $0x10, s29, s13, $0xb8;
	[tilespmem:$0x1D800] =	vst v63  }
0xa2: {  	_ =	swait.ge [sflag:s25], $0x800  }
0xa3: {  	[sflag:s25] =	ssyncset.done $0x0  }
0xa4: {  	[sflag:s25] =	ssyncadd.s32 $0xFFFFF800  }
0xa5: {  	_ =	swait.ge [sflag:s25], $0x800  }
0xa6: {  	[sflag:s25] =	ssyncset.done $0x0  }
0xa7: {  	[sflag:s25] =	ssyncadd.s32 $0xFFFFF800  }
0xa8: {  	_ =	swait.ge [sflag:s25], $0x800  }
0xa9: {  	[sflag:s25] =	ssyncset.done $0x0  }
0xaa: {  	[sflag:s25] =	ssyncadd.s32 $0xFFFFF800  }
0xab: {  	_ =	swait.ge [sflag:s25], $0x800  }
0xac: {  	[sflag:s25] =	ssyncset.done $0x0  }
0xad: {  	[sflag:s25] =	ssyncadd.s32 $0xFFFFF800  }
0xae: {  	[spmem:s2] =	stream.indirect.scatter.add.f32 [tilespmem:s18], [sflag:$0x2], $0x10, s30, s13, $0xb8;
	[tilespmem:$0x1D800] =	vst v63  }
0xaf: {  	_ = 	snop  }
0xb0: {  	[spmem:s2] =	stream.indirect.scatter.add.f32 [tilespmem:s20], [sflag:$0x2], $0x10, s31, s13, $0xb8;
	[tilespmem:$0x1D800] =	vst v63  }
0xb1: {  	_ = 	snop  }
0xb2: {  	[spmem:s2] =	stream.indirect.scatter.add.f32 [tilespmem:s22], [sflag:$0x2], $0x10, s1, s13, $0xb8;
	[tilespmem:$0x1D800] =	vst v63  }
0xb3: {  	_ = 	snop  }
0xb4: {  	[spmem:s2] =	stream.indirect.scatter.add.f32 [tilespmem:s24], [sflag:$0x2], $0x10, s0, s13, $0xb8;
	[tilespmem:$0x1D800] =	vst v63  }
0xb5: {  	_ =	swait.ge [sflag:s5], $0x800  }
0xb6: {  	[sflag:s5] =	ssyncset.done $0x0  }
0xb7: {  	[sflag:s5] =	ssyncadd.s32 $0xFFFFF800  }
0xb8: {  	_ =	swait.ge [sflag:s5], $0x800  }
0xb9: {  	[sflag:s5] =	ssyncset.done $0x0  }
0xba: {  	[sflag:s5] =	ssyncadd.s32 $0xFFFFF800  }
0xbb: {  	_ =	swait.ge [sflag:s5], $0x800  }
0xbc: {  	[sflag:s5] =	ssyncset.done $0x0  }
0xbd: {  	[sflag:s5] =	ssyncadd.s32 $0xFFFFF800  }
0xbe: {  	_ =	swait.ge [sflag:s5], $0x800  }
0xbf: {  	[sflag:s5] =	ssyncset.done $0x0  }
0xc0: {  	[sflag:s5] =	ssyncadd.s32 $0xFFFFF800  }
0xc1: {  	_ =	swait.ge [sflag:s5], $0x800  }
0xc2: {  	[sflag:s5] =	ssyncset.done $0x0  }
0xc3: {  	[sflag:s5] =	ssyncadd.s32 $0xFFFFF800  }
0xc4: {  	_ =	swait.ge [sflag:s5], $0x800  }
0xc5: {  	[sflag:s5] =	ssyncset.done $0x0  }
0xc6: {  	p0 =	sne.s32 s6, $0x3080;
	[sflag:s5] =	ssyncadd.s32 $0xFFFFF800  }
.Ltmp0:
0xc7: {  	_ =	swait.ge [sflag:s5], $0x800;
	(pc) =	sbr.rel @p0 .LBB2_2-.Ltmp0, $4  }
0xc8: {  	[sflag:s5] =	ssyncset.done $0x0  }
0xc9: {  	[sflag:s5] =	ssyncadd.s32 $0xFFFFF800  }
0xca: {  	_ =	swait.ge [sflag:s5], $0x800  }
0xcb: {  	s6 =	sadd.s32 $0x80, s6;
	s9 =	rddreg [dreg:$0x4];
	[sflag:s5] =	ssyncset.done $0x0  }
0xcc: {  	[sflag:s5] =	ssyncadd.s32 $0xFFFFF800;
	s6 =	sadd.s32 s8, s9  }
0xcd: {  	[tilespmem:s11], [sflag:$0x3] =	stream.linear.gather [hbm4b:s6+s3], $0x400, $0x38;
	[tilespmem:$0x1D800] =	vst v63  }
0xce: {  	_ =	swait.ge [sflag:s10], $0x400  }
0xcf: {  	s7 =	rddreg [dreg:$0x3];
	[sflag:s10] =	ssyncset.done $0x0  }
0xd0: {  	[sflag:s10] =	ssyncadd.s32 $0xFFFFFC00;
	s6 =	sadd.s32 s8, s7  }
0xd1: {  	[tilespmem:s12], [sflag:$0x3] =	stream.linear.gather [hbm4b:s6+s3], $0x400, $0x38;
	[tilespmem:$0x1D800] =	vst v63  }
0xd2: {  	_ =	swait.ge [sflag:s10], $0x400  }
0xd3: {  	[sflag:s10] =	ssyncset.done $0x0  }
0xd4: {  	[sflag:s10] =	ssyncadd.s32 $0xFFFFFC00  }
0xd5: {  	[tilespmem:s14], [sflag:$0x1] =	stream.indirect.gather [hbm4b:s4+s13], $0x10, s11, s13, $0xb8;
	[tilespmem:$0x1D800] =	vst v63  }
0xd6: {  	s8 =	rddreg [dreg:$0x5]  }
0xd7: {  	[tilespmem:s15], [sflag:$0x1] =	stream.indirect.gather [hbm4b:s4+s13], $0x10, s8, s13, $0xb8;
	[tilespmem:$0x1D800] =	vst v63  }
0xd8: {  	s7 =	rddreg [dreg:$0x6]  }
0xd9: {  	[tilespmem:s16], [sflag:$0x1] =	stream.indirect.gather [hbm4b:s4+s13], $0x10, s7, s13, $0xb8;
	[tilespmem:$0x1D800] =	vst v63  }
0xda: {  	s9 =	rddreg [dreg:$0x7]  }
0xdb: {  	[tilespmem:s17], [sflag:$0x1] =	stream.indirect.gather [hbm4b:s4+s13], $0x10, s9, s13, $0xb8;
	[tilespmem:$0x1D800] =	vst v63  }
0xdc: {  	s8 =	rddreg [dreg:$0x8]  }
0xdd: {  	[tilespmem:s18], [sflag:$0x1] =	stream.indirect.gather [hbm4b:s4+s13], $0x10, s8, s13, $0xb8;
	[tilespmem:$0x1D800] =	vst v63  }
0xde: {  	_ = 	snop  }
0xdf: {  	[tilespmem:s20], [sflag:$0x1] =	stream.indirect.gather [hbm4b:s4+s13], $0x10, s19, s13, $0xb8;
	[tilespmem:$0x1D800] =	vst v63  }
0xe0: {  	_ = 	snop  }
0xe1: {  	[tilespmem:s22], [sflag:$0x1] =	stream.indirect.gather [hbm4b:s4+s13], $0x10, s21, s13, $0xb8;
	[tilespmem:$0x1D800] =	vst v63  }
0xe2: {  	_ = 	snop  }
0xe3: {  	[tilespmem:s24], [sflag:$0x1] =	stream.indirect.gather [hbm4b:s4+s13], $0x10, s23, s13, $0xb8;
	[tilespmem:$0x1D800] =	vst v63  }
0xe4: {  	_ =	swait.ge [sflag:s25], $0x800  }
0xe5: {  	[sflag:s25] =	ssyncset.done $0x0  }
0xe6: {  	[sflag:s25] =	ssyncadd.s32 $0xFFFFF800  }
0xe7: {  	_ =	swait.ge [sflag:s25], $0x800  }
0xe8: {  	[sflag:s25] =	ssyncset.done $0x0  }
0xe9: {  	[sflag:s25] =	ssyncadd.s32 $0xFFFFF800  }
0xea: {  	_ =	swait.ge [sflag:s25], $0x800  }
0xeb: {  	[sflag:s25] =	ssyncset.done $0x0  }
0xec: {  	[sflag:s25] =	ssyncadd.s32 $0xFFFFF800  }
0xed: {  	_ =	swait.ge [sflag:s25], $0x800  }
0xee: {  	[sflag:s25] =	ssyncset.done $0x0  }
0xef: {  	[sflag:s25] =	ssyncadd.s32 $0xFFFFF800  }
0xf0: {  	[spmem:s2] =	stream.indirect.scatter.add.f32 [tilespmem:s14], [sflag:$0x2], $0x10, s12, s13, $0xb8;
	[tilespmem:$0x1D800] =	vst v63  }
0xf1: {  	_ = 	snop  }
0xf2: {  	[spmem:s2] =	stream.indirect.scatter.add.f32 [tilespmem:s15], [sflag:$0x2], $0x10, s26, s13, $0xb8;
	[tilespmem:$0x1D800] =	vst v63  }
0xf3: {  	_ = 	snop  }
0xf4: {  	[spmem:s2] =	stream.indirect.scatter.add.f32 [tilespmem:s16], [sflag:$0x2], $0x10, s28, s13, $0xb8;
	[tilespmem:$0x1D800] =	vst v63  }
0xf5: {  	_ = 	snop  }
0xf6: {  	[spmem:s2] =	stream.indirect.scatter.add.f32 [tilespmem:s17], [sflag:$0x2], $0x10, s29, s13, $0xb8;
	[tilespmem:$0x1D800] =	vst v63  }
0xf7: {  	_ =	swait.ge [sflag:s25], $0x800  }
0xf8: {  	[sflag:s25] =	ssyncset.done $0x0  }
0xf9: {  	[sflag:s25] =	ssyncadd.s32 $0xFFFFF800  }
0xfa: {  	_ =	swait.ge [sflag:s25], $0x800  }
0xfb: {  	[sflag:s25] =	ssyncset.done $0x0  }
0xfc: {  	[sflag:s25] =	ssyncadd.s32 $0xFFFFF800  }
0xfd: {  	_ =	swait.ge [sflag:s25], $0x800  }
0xfe: {  	[sflag:s25] =	ssyncset.done $0x0  }
0xff: {  	[sflag:s25] =	ssyncadd.s32 $0xFFFFF800  }
0x100: {  	_ =	swait.ge [sflag:s25], $0x800  }
0x101: {  	[sflag:s25] =	ssyncset.done $0x0  }
0x102: {  	[sflag:s25] =	ssyncadd.s32 $0xFFFFF800  }
0x103: {  	[spmem:s2] =	stream.indirect.scatter.add.f32 [tilespmem:s18], [sflag:$0x2], $0x10, s30, s13, $0xb8;
	[tilespmem:$0x1D800] =	vst v63  }
0x104: {  	_ = 	snop  }
0x105: {  	[spmem:s2] =	stream.indirect.scatter.add.f32 [tilespmem:s20], [sflag:$0x2], $0x10, s31, s13, $0xb8;
	[tilespmem:$0x1D800] =	vst v63  }
0x106: {  	_ = 	snop  }
0x107: {  	[spmem:s2] =	stream.indirect.scatter.add.f32 [tilespmem:s22], [sflag:$0x2], $0x10, s1, s13, $0xb8;
	[tilespmem:$0x1D800] =	vst v63  }
0x108: {  	_ = 	snop  }
0x109: {  	[spmem:s2] =	stream.indirect.scatter.add.f32 [tilespmem:s24], [sflag:$0x2], $0x10, s0, s13, $0xb8;
	[tilespmem:$0x1D800] =	vst v63  }
0x10a: {  	_ =	swait.ge [sflag:s5], $0x800  }
0x10b: {  	[sflag:s5] =	ssyncset.done $0x0  }
0x10c: {  	[sflag:s5] =	ssyncadd.s32 $0xFFFFF800  }
0x10d: {  	_ =	swait.ge [sflag:s5], $0x800  }
0x10e: {  	[sflag:s5] =	ssyncset.done $0x0  }
0x10f: {  	[sflag:s5] =	ssyncadd.s32 $0xFFFFF800  }
0x110: {  	_ =	swait.ge [sflag:s5], $0x800  }
0x111: {  	[sflag:s5] =	ssyncset.done $0x0  }
0x112: {  	[sflag:s5] =	ssyncadd.s32 $0xFFFFF800  }
0x113: {  	_ =	swait.ge [sflag:s5], $0x800  }
0x114: {  	[sflag:s5] =	ssyncset.done $0x0  }
0x115: {  	[sflag:s5] =	ssyncadd.s32 $0xFFFFF800  }
0x116: {  	_ =	swait.ge [sflag:s5], $0x800  }
0x117: {  	[sflag:s5] =	ssyncset.done $0x0  }
0x118: {  	[sflag:s5] =	ssyncadd.s32 $0xFFFFF800  }
0x119: {  	_ =	swait.ge [sflag:s5], $0x800  }
0x11a: {  	[sflag:s5] =	ssyncset.done $0x0  }
0x11b: {  	[sflag:s5] =	ssyncadd.s32 $0xFFFFF800  }
0x11c: {  	_ =	swait.ge [sflag:s5], $0x800  }
0x11d: {  	[sflag:s5] =	ssyncset.done $0x0  }
0x11e: {  	[sflag:s5] =	ssyncadd.s32 $0xFFFFF800  }
0x11f: {  	_ =	swait.ge [sflag:s5], $0x800  }
0x120: {  	[sflag:s5] =	ssyncset.done $0x0  }
0x121: {  	[sflag:s5] =	ssyncadd.s32 $0xFFFFF800  }
0x122: {  	[bflag:$0x0] =	sbarrier.arrive $0xFFFF  }
0x123: {  	s8 =	rddreg [dreg:$0xa]  }
0x124: {  	s9 =	rddreg [dreg:$0xb]  }
0x125: {  	s7 =	rddreg [dreg:$0xd]  }
0x126: {  	[hbm:s9], [sflag:s8] =	dma.local [spmem:s7], $0x3200  }
0x127: {  	_ =	swait.ge [sflag:s10], $0x3200  }
0x128: {  	s6 =	rddreg [dreg:$0xe]  }
0x129: {  	s9 =	sadd.s32 $0x1, s6;
	s6 =	rddreg [dreg:$0xc]  }
0x12a: {  	p0 =	sne.s32 s9, s6  }
.Ltmp1:
0x12b: {  	_ = 	snop;
	(pc) =	sbr.rel @p0 .LBB2_1-.Ltmp1, $3  }
0x12c: {  	_ =	sdelay $0x1  }
0x12d: {  	[sflag:s10] =	ssyncset.done $0x0  }
0x12e: {  	[sflag:s10] =	ssyncadd.s32 $0xFFFFCE00  }
0x12f: {  	_ =	sfence.sel $0x180000  }
0x130: {  	[bflag:$0x0] =	sbarrier.arrive $0xFFFF  }
0x131: {  	_ =	strace $0x9000004A  }
0x132: {  	s0 =	stileid.u32;
	[bflag:$0x2] =	sbarrier.arrive $0xFFFF  }
0x133: {  	p0 =	sne.s32 s0, $0x0;
	s0 =	rddreg [dreg:$0x2]  }
0x134: {  	s0 =	sadd.s32 @!p0 $0x100000, s0  }
0x135: {  	[sflag:s0] =	ssyncadd.tile.s32 @!p0 $0x1;
	_ =	shalt  }
.Lfunc_end2:
_tile_overlayer_lowered:
.L_overlay_start_2:
0x136: {  	(tag) =	ssettag $0x2  }
0x137: {  	s0 =	rddreg [dreg:$0x0];
	s2 =	stileid.u32  }
0x138: {  	s1 =	rddreg [dreg:$0x1];
	p0 =	sne.s32 s2, $0x0  }
0x139: {  	s3 =	rddreg [dreg:$0x2];
	[bflag:$0x3] =	sbarrier.arrive $0xFFFF;
	s2 =	simm.s32 @!p0 $0x1C03  }
0x13a: {  	[timem:s3], [sflag:s2] =	dma.local @!p0 [hbm:s0], s1  }
0x13b: {  	s0 =	simm.s32 @!p0 $0x3  }
0x13c: {  	_ =	swait.ge @!p0 [sflag:s0], s1  }
0x13d: {  	s1 =	ssub.s32 @!p0 $0x0, s1;
	[sflag:s0] =	ssyncset.done @!p0 $0x0  }
0x13e: {  	[sflag:s0] =	ssyncadd.s32 @!p0 s1  }
0x13f: {  	[bflag:$0x3] =	sbarrier.arrive $0xFFFF  }
0x140: {  	_ =	shalt  }

// kernel: kernel.14.cloned.1.call-start
scs
__scs_entry_jumppad:
0x0: {  	(pc) =	sbr.rel $0x88, $3  }
0x1: {  	(tag) =	ssettag $0x0;
	lr =	simm.s32 $0x1  }
0x2: {  	[smem:$0x3F96] =	sst lr;
	_ =	strace $0xD0000000  }
0x3: {  	_ = 	snop  }
0x4: {  	_ = 	snop  }
0x5: {  	_ = 	snop  }
0x6: {  	_ = 	snop  }
0x7: {  	_ = 	snop  }
__scs_overlays_trampoline_lowered:
0x8: {  	[smem:$0x3FA5] =	sst s0  }
0x9: {  	[smem:$0x3FA6] =	sst s1  }
0xa: {  	[smem:$0x3FA7] =	sst s2  }
0xb: {  	[smem:$0x3FA8] =	sst s3  }
0xc: {  	[smem:$0x3FA9] =	sst s4  }
0xd: {  	[smem:$0x3FAA] =	sst s5  }
0xe: {  	[smem:$0x3FAB] =	sst s6  }
0xf: {  	[smem:$0x3FAC] =	sst s7  }
0x10: {  	[smem:$0x3FAD] =	sst s8  }
0x11: {  	[smem:$0x3FAE] =	sst s9;
	s0 =	simm.s32 @!p0 $0x0  }
0x12: {  	s1 =	sld [smem:$0x3F94];
	s0 =	simm.s32 @p0 $0x1  }
0x13: {  	[smem:$0x3FAF] =	sst s0;
	s0 =	simm.s32 @!p1 $0x0  }
0x14: {  	s2 =	sld [smem:$0x3F93];
	s0 =	simm.s32 @p1 $0x1  }
0x15: {  	[smem:$0x3FB0] =	sst s0;
	s0 =	simm.s32 @!p2 $0x0  }
0x16: {  	s3 =	sld [smem:$0x3FDB];
	s0 =	simm.s32 @p2 $0x1  }
0x17: {  	s4 =	simm.s32 $0x1BF5;
	[smem:$0x3FB2] =	sst s0  }
0x18: {  	s0 =	sld [smem:$0x3F95];
	_ =	swait.ge [sflag:s4], $0x0  }
0x19: {  	s7 =	sld [smem:$0x3F96]  }
0x1a: {  	s8 =	sadd.s32 $0xFFFFE003, lr  }
0x1b: {  	s9 =	sadd.s32 $0xFFFFFEF7, lr;
	s5 =	simm.s32 $0xFFFFFFFF;
	p2 =	slt.u32 s8, $0xFFFFF086  }
0x1c: {  	p1 =	slt.u32 s9, $0xF7A;
	s5 =	simm.s32 @!p2 $0x0  }
0x1d: {  	s5 =	simm.s32 @p1 $0x1;
	p0 =	seq.s32 s7, s2  }
0x1e: {  	s7 =	smul.u32 @!p0 $0xF7A, s2;
	p2 =	seq.s32 @!p0 s5, $0x0  }
0x1f: {  	s9 =	smul.u32 $0xF7A, s1;
	s8 =	simm.s32 @!p0 $0x1BF5;
	p2 =	por !p2, p0  }
0x20: {  	[sflag:s8] =	ssyncset.s32 @!p0 $0xFFFFF086;
	s6 =	sadd.s32 @!p0 s3, s7;
	s7 =	simm.s32 @!p0 $0x108  }
0x21: {  	s3 =	sadd.s32 s3, s9;
	s6 =	sadd.s32 @!p0 $0x88, s6;
	s7 =	simm.s32 @p2 $0x1082  }
0x22: {  	[simem:s7], [sflag:s8] =	dma.local @!p0 [hbm:s6], $0xF7A  }
0x23: {  	s9 =	sor.u32 $0xD0000000, s2;
	s6 =	simm.s32 $0x108;
	_ =	swait.ge @!p0 [sflag:s8], $0x0  }
0x24: {  	s3 =	sadd.s32 $0x88, s3;
	s6 =	simm.s32 @!p1 $0x1082;
	[sflag:s4] =	ssyncset.s32 $0xFFFFF086  }
0x25: {  	[simem:s6], [sflag:s4] =	dma.local [hbm:s3], $0xF7A  }
0x26: {  	[smem:$0x3F96] =	sst s1;
	(tag) =	ssettag s2;
	_ =	strace s9  }
0x27: {  	s1 =	sld [smem:$0x3FA6]  }
0x28: {  	s2 =	sld [smem:$0x3FA7]  }
0x29: {  	s4 =	sld [smem:$0x3FA9]  }
0x2a: {  	p0 =	seq.s32 s5, $0x0;
	s5 =	sld [smem:$0x3FAA]  }
0x2b: {  	s6 =	sld [smem:$0x3FAB]  }
0x2c: {  	s7 =	sld [smem:$0x3FAC]  }
0x2d: {  	s3 =	simm.s32 $0x108;
	s8 =	sld [smem:$0x3FAD]  }
0x2e: {  	s3 =	simm.s32 @!p0 $0x1082;
	s9 =	sld [smem:$0x3FAE]  }
0x2f: {  	lr =	sadd.s32 s0, s3;
	s0 =	sld [smem:$0x3FA5]  }
0x30: {  	s3 =	sld [smem:$0x3FA8]  }
0x31: {  	[smem:$0x3FB1] =	sst s10  }
0x32: {  	s10 =	sld [smem:$0x3FAF];
	_ =	sdelay $0x3  }
0x33: {  	p0 =	seq.s32 s10, $0x1;
	s10 =	sld [smem:$0x3FB1];
	_ =	sdelay $0x3  }
0x34: {  	[smem:$0x3FB1] =	sst s10  }
0x35: {  	s10 =	sld [smem:$0x3FB0];
	_ =	sdelay $0x3  }
0x36: {  	p1 =	seq.s32 s10, $0x1;
	s10 =	sld [smem:$0x3FB1];
	_ =	sdelay $0x3  }
0x37: {  	[smem:$0x3FB1] =	sst s10  }
0x38: {  	s10 =	sld [smem:$0x3FB2]  }
0x39: {  	_ = 	snop;
	(pc) =	sbr.ind lr, $3  }
0x3a: {  	_ = 	snop  }
0x3b: {  	_ = 	snop  }
0x3c: {  	p2 =	seq.s32 s10, $0x1;
	s10 =	sld [smem:$0x3FB1]  }
0x3d: {  	_ =	shalt  }
0x3e: {  	_ =	shalt  }
0x3f: {  	_ =	shalt  }
0x40: {  	_ =	shalt  }
0x41: {  	_ =	shalt  }
0x42: {  	_ =	shalt  }
0x43: {  	_ =	shalt  }
0x44: {  	_ =	shalt  }
0x45: {  	_ =	shalt  }
0x46: {  	_ =	shalt  }
0x47: {  	_ =	shalt  }
0x48: {  	_ =	shalt  }
0x49: {  	_ =	shalt  }
0x4a: {  	_ =	shalt  }
0x4b: {  	_ =	shalt  }
0x4c: {  	_ =	shalt  }
0x4d: {  	_ =	shalt  }
0x4e: {  	_ =	shalt  }
0x4f: {  	_ =	shalt  }
0x50: {  	_ =	shalt  }
0x51: {  	_ =	shalt  }
0x52: {  	_ =	shalt  }
0x53: {  	_ =	shalt  }
0x54: {  	_ =	shalt  }
0x55: {  	_ =	shalt  }
0x56: {  	_ =	shalt  }
0x57: {  	_ =	shalt  }
0x58: {  	_ =	shalt  }
0x59: {  	_ =	shalt  }
0x5a: {  	_ =	shalt  }
0x5b: {  	_ =	shalt  }
0x5c: {  	_ =	shalt  }
0x5d: {  	_ =	shalt  }
0x5e: {  	_ =	shalt  }
0x5f: {  	_ =	shalt  }
0x60: {  	_ =	shalt  }
0x61: {  	_ =	shalt  }
0x62: {  	_ =	shalt  }
0x63: {  	_ =	shalt  }
0x64: {  	_ =	shalt  }
0x65: {  	_ =	shalt  }
0x66: {  	_ =	shalt  }
0x67: {  	_ =	shalt  }
0x68: {  	_ =	shalt  }
0x69: {  	_ =	shalt  }
0x6a: {  	_ =	shalt  }
0x6b: {  	_ =	shalt  }
0x6c: {  	_ =	shalt  }
0x6d: {  	_ =	shalt  }
0x6e: {  	_ =	shalt  }
0x6f: {  	_ =	shalt  }
0x70: {  	_ =	shalt  }
0x71: {  	_ =	shalt  }
0x72: {  	_ =	shalt  }
0x73: {  	_ =	shalt  }
0x74: {  	_ =	shalt  }
0x75: {  	_ =	shalt  }
0x76: {  	_ =	shalt  }
0x77: {  	_ =	shalt  }
0x78: {  	_ =	shalt  }
0x79: {  	_ =	shalt  }
0x7a: {  	_ =	shalt  }
0x7b: {  	_ =	shalt  }
0x7c: {  	_ =	shalt  }
0x7d: {  	_ =	shalt  }
0x7e: {  	_ =	shalt  }
0x7f: {  	_ =	shalt  }
0x80: {  	_ =	shalt  }
0x81: {  	_ =	shalt  }
0x82: {  	_ =	shalt  }
0x83: {  	_ =	shalt  }
0x84: {  	_ =	shalt  }
0x85: {  	_ =	shalt  }
0x86: {  	_ =	shalt  }
0x87: {  	_ =	shalt  }
.Lfunc_end0:
.L_simem_size_0:
called_computation.2_lowered:
.L_overlay_start_0:
0x88: {  	s2 =	sld [smem:$0x3FD9]  }
0x89: {  	s3 =	sld [smem:$0x3FFE];
	_ =	sdelay $0x1  }
0x8a: {  	s1 =	srdreg.scid  }
0x8b: {  	s0 =	sand.u32 $0x1, s1  }
0x8c: {  	s16 =	sshll.u32 s0, $0xA;
	s2 =	sadd.s32 s3, s2  }
0x8d: {  	s2 =	sadd.s32 s2, s16  }
0x8e: {  	[smem:$0x3FBD] =	sst s2  }
0x8f: {  	_ = 	snop  }
0x90: {  	(tm) =	ssettm $0x1  }
0x91: {  	s17 =	sld [smem:$0x3FFB];
	_ =	sdelay $0x3  }
0x92: {  	_ =	strace s17  }
0x93: {  	s2 =	sld [smem:$0x3FFC];
	_ =	sdelay $0x3  }
0x94: {  	_ =	strace s2  }
0x95: {  	s2 =	sld [smem:$0x3FFD];
	_ =	sdelay $0x3  }
0x96: {  	_ =	strace s2  }
0x97: {  	_ =	strace $0x8FFFFFFF  }
0x98: {  	s18 =	sld [smem:$0x3FDB];
	_ =	sdelay $0x1  }
0x99: {  	s19 =	simm.s32 $_scs_section_size  }
0x9a: {  	s4 =	simm.s32 $_size__tile_overlayer_lowered;
	s5 =	simm.s32 $_tile_overlayer_lowered  }
0x9b: {  	s22 =	simm.s32 $0x1BFF;
	s21 =	sshll.u32 s5, $0x1;
	s2 =	sadd.s32 s19, s18  }
0x9c: {  	s6 =	simm.s32 $0x0;
	s20 =	sshll.u32 s4, $0x1;
	s4 =	sadd.s32 s21, s2  }
0x9d: {  	[timem:s6], [sflag:s22] =	dma.local [hbm:s4], s20  }
0x9e: {  	_ =	swait.ge [sflag:s22], s20  }
0x9f: {  	s3 =	ssub.s32 $0x0, s20;
	[sflag:s22] =	ssyncset.done $0x0  }
0xa0: {  	[sflag:s22] =	ssyncadd.s32 s3;
	_ =	sdelay $0x1  }
0xa1: {  	s23 =	simm.s32 $0x1B8B  }
0xa2: {  	_ =	swait.ge [sflag:s23], $0x1  }
0xa3: {  	[sflag:s23] =	ssyncset.done $0x0  }
0xa4: {  	s25 =	simm.s32 $0x1B8E;
	s24 =	sld [smem:$0x3FFE];
	[sflag:s23] =	ssyncadd.s32 $0xFFFFFFFF  }
0xa5: {  	s26 =	simm.s32 $execute0_lowered;
	[smem:$0x3FD2] =	sst s25  }
0xa6: {  	s4 =	sshll.u32 s26, $0x1;
	_ =	strace $0x8000004C;
	[dreg:$0x1] =	wrdreg $0xFFFFFFFF  }
0xa7: {  	s28 =	simm.s32 $_size_execute0_lowered;
	s2 =	sadd.s32 s2, s4;
	[dreg:$0x0] =	wrdreg $0x0  }
0xa8: {  	s4 =	sshll.u32 s28, $0x1;
	[dreg:$0x2] =	wrdreg s2  }
0xa9: {  	[dreg:$0x3] =	wrdreg s4  }
0xaa: {  	[dreg:$0x4] =	wrdreg $0xC0  }
0xab: {  	_ =	task [dreg:s6], $0x5FFFF  }
0xac: {  	[dreg:$0x1] =	wrdreg $0xFFFFFFFF  }
0xad: {  	[dreg:$0x0] =	wrdreg $0x60  }
0xae: {  	[dreg:$0x2] =	wrdreg s24  }
0xaf: {  	[dreg:$0x3] =	wrdreg $0x0  }
0xb0: {  	[dreg:$0x4] =	wrdreg $0x9  }
0xb1: {  	_ =	task.clear_ibuf [dreg:s6], $0x5FFFF;
	_ =	strace $0x9000004C  }
0xb2: {  	s29 =	simm.s32 $0x9;
	_ =	strace $0x8000004E  }
0xb3: {  	_ =	swait.ge [sflag:s29], $0x1  }
0xb4: {  	[sflag:s29] =	ssyncadd.s32 $0xFFFFFFFF  }
0xb5: {  	_ =	strace $0x9000004E  }
0xb6: {  	_ =	sfence  }
0xb7: {  	s30 =	sld [smem:$0x0];
	_ =	sdelay $0x2  }
0xb8: {  	s31 =	sshll.u32 s1, $0xD;
	s1 =	sshrl.u32 s1, $0x2  }
0xb9: {  	s3 =	sand.u32 $0x4000, s31;
	s1 =	sadd.s32 s1, s30  }
0xba: {  	s0 =	sor.u32 s3, s0;
	s1 =	sshll.u32 s1, $0x11  }
0xbb: {  	s0 =	sor.u32 s1, s0  }
0xbc: {  	s0 =	sadd.s32 $0x8F2B, s0  }
0xbd: {  	[sflag:s0] =	ssyncadd.remote.s32 $0x1  }
0xbe: {  	_ =	sfence.sel $0xFFFF  }
0xbf: {  	[dreg:$0x0] =	wrdreg $0xFFFFFFFF;
	(pc) =	sbr.abs _section_cstart, $3  }
0xc0: {  	[dreg:$0x1] =	wrdreg $0xFFFFFFFF  }
0xc1: {  	_ =	task.clear_ibuf [dreg:s6], $0x2FFFF;
	_ =	strace $0x9FFFFFFF  }
0xc2: {  	(tm) =	ssettm $0x7FFFFFFF  }
0xc3: {  	_ =	shalt  }
tec
execute0_lowered:
.L_overlay_start_1:
0x0: {  	(tag) =	ssettag $0x1  }
0x1: {  	s0 =	rddreg [dreg:$0x0]  }
0x2: {  	s2 =	rddreg [dreg:$0x1];
	s10 =	stileid.u32  }
0x3: {  	s4 =	srdreg.scid;
	s3 =	simm.s32 $0x0;
	s21 =	simm.s32 $0xC880  }
0x4: {  	s22 =	simm.s32 $0xC900;
	s24 =	simm.s32 $0xC980;
	s26 =	simm.s32 $0xCA00  }
0x5: {  	s11 =	simm.s32 $0xCB80;
	s12 =	simm.s32 $0xCC00;
	s13 =	simm.s32 $0xCC80  }
0x6: {  	s14 =	simm.s32 $0xCD00;
	s15 =	simm.s32 $0xCD80;
	[smem:$0x7FF] =	sst s3  }
0x7: {  	s16 =	simm.s32 $0xCE00;
	_ =	strace $0x8000004D;
	[dreg:$0x5] =	wrdreg s21  }
0x8: {  	s17 =	simm.s32 $0xCE80;
	s18 =	simm.s32 $0xCF80;
	[dreg:$0x6] =	wrdreg s22  }
0x9: {  	s28 =	simm.s32 $0x10A00;
	s29 =	simm.s32 $0x1;
	[dreg:$0x7] =	wrdreg s24  }
0xa: {  	s30 =	simm.s32 $0xD400;
	s1 =	smul.u32 $0x6200, s10;
	[dreg:$0x8] =	wrdreg s26  }
0xb: {  	s31 =	simm.s32 $0xD480;
	s5 =	smul.u32 $0xC800, s10;
	[dreg:$0xb] =	wrdreg s11  }
0xc: {  	s6 =	sand.u32 $0x1, s4;
	s4 =	sadd.s32 $0x3400, s0;
	[dreg:$0xc] =	wrdreg s12  }
0xd: {  	s25 =	sshll.u32 s10, $0x6;
	s7 =	smul.u32 $0xC8000, s6;
	[dreg:$0xd] =	wrdreg s13  }
0xe: {  	s8 =	smul.u32 $0x3100, s6;
	s6 =	ssub.s32 $0x2, s6;
	[dreg:$0xe] =	wrdreg s14  }
0xf: {  	s11 =	simm.s32 $0xC800;
	s12 =	simm.s32 $0xCF00;
	[dreg:$0xf] =	wrdreg s15  }
0x10: {  	s13 =	simm.s32 $0x80;
	s14 =	simm.s32 $0xD600;
	[dreg:$0x10] =	wrdreg s16  }
0x11: {  	s15 =	simm.s32 $0xDA00;
	[dreg:$0x11] =	wrdreg s17;
	s16 =	simm.s32 $0xDE00  }
0x12: {  	[dreg:$0x12] =	wrdreg s18;
	s17 =	simm.s32 $0xE200;
	s18 =	simm.s32 $0xE600  }
0x13: {  	s21 =	simm.s32 $0xD100;
	s22 =	simm.s32 $0xD180;
	s24 =	simm.s32 $0xD280  }
0x14: {  	s26 =	simm.s32 $0xD380;
	s1 =	sadd.s32 s1, s0;
	[dreg:$0x15] =	wrdreg s21  }
0x15: {  	s9 =	sshrl.u32 s5, $0x3;
	s20 =	sshrl.u32 s6, $0x1;
	[dreg:$0x16] =	wrdreg s22  }
0x16: {  	s21 =	simm.s32 $0xF200;
	s22 =	simm.s32 $0xF600;
	[dreg:$0x18] =	wrdreg s24  }
0x17: {  	s24 =	simm.s32 $0xFE00;
	[dreg:$0x1a] =	wrdreg s26;
	s26 =	simm.s32 $0x10600  }
0x18: {  	s7 =	sadd.s32 s5, s7;
	s1 =	sadd.s32 s8, s1;
	s8 =	simm.s32 $0xCA80  }
0x19: {  	s6 =	ssub.s32 s6, s20;
	s20 =	simm.s32 $0xD080;
	[dreg:$0x9] =	wrdreg s8  }
0x1a: {  	s9 =	sadd.s32 s9, s0;
	s19 =	sadd.s32 $0x1C400, s1;
	[dreg:$0x14] =	wrdreg s20  }
0x1b: {  	s5 =	sadd.s32 s5, s2;
	s1 =	sadd.s32 $0x7E400, s1;
	[dreg:$0x3] =	wrdreg s19  }
0x1c: {  	s7 =	sshrl.u32 s7, $0x3;
	s23 =	sadd.s32 $0xE0400, s9;
	[dreg:$0x4] =	wrdreg s1  }
0x1d: {  	s9 =	simm.s32 $0xCB00;
	s10 =	smax.u32 s6, $0x1;
	[dreg:$0x1b] =	wrdreg s23  }
0x1e: {  	s8 =	sshrl.u32 s5, $0x3;
	s20 =	simm.s32 $0xEE00;
	[dreg:$0x1e] =	wrdreg s10  }
0x1f: {  	s5 =	simm.s32 $0x2;
	s0 =	sadd.s32 s7, s0;
	[dreg:$0xa] =	wrdreg s9  }
0x20: {  	s7 =	sor.u32 $0x1C03, s25;
	s19 =	simm.s32 $0xD000;
	[dreg:$0x1f] =	wrdreg s8  }
0x21: {  	s10 =	simm.s32 $0x3;
	s23 =	simm.s32 $0xD200;
	[dreg:$0x13] =	wrdreg s19  }
0x22: {  	s25 =	simm.s32 $0xD300;
	s1 =	simm.s32 $0xD580;
	[dreg:$0x17] =	wrdreg s23  }
0x23: {  	s9 =	simm.s32 $0x0;
	s0 =	sadd.s32 $0x12B400, s0;
	[dreg:$0x19] =	wrdreg s25  }
0x24: {  	s19 =	simm.s32 $0xEA00;
	s23 =	simm.s32 $0xFA00;
	[dreg:$0x1c] =	wrdreg s7  }
0x25: {  	s25 =	simm.s32 $0x10200;
	[dreg:$0x1d] =	wrdreg s0;
	s0 =	simm.s32 $0xD500  }
.LBB2_1:
0x26: {  	[smem:$0x7FD] =	sst s9  }
0x27: {  	s6 =	rddreg [dreg:$0x1b]  }
0x28: {  	[spmem:s8], [sflag:s7] =	dma.local [hbm:s6], $0x1900  }
0x29: {  	_ =	swait.ge [sflag:s10], $0x1900  }
0x2a: {  	[sflag:s10] =	ssyncset.done $0x0  }
0x2b: {  	[sflag:s10] =	ssyncadd.s32 $0xFFFFE700  }
0x2c: {  	[bflag:$0x0] =	sbarrier.arrive $0xFFFF  }
0x2d: {  	s9 =	rddreg [dreg:$0x4]  }
0x2e: {  	s6 =	sadd.s32 $0x0, s9  }
0x2f: {  	[tilespmem:s11], [sflag:$0x3] =	stream.linear.gather [hbm4b:s6+s3], $0x700, $0x38;
	[tilespmem:$0x10E00] =	vst v63  }
0x30: {  	_ =	swait.ge [sflag:s10], $0x700  }
0x31: {  	s7 =	rddreg [dreg:$0x3];
	[sflag:s10] =	ssyncset.done $0x0  }
0x32: {  	[sflag:s10] =	ssyncadd.s32 $0xFFFFF900;
	s6 =	sadd.s32 $0x0, s7  }
0x33: {  	[tilespmem:s12], [sflag:$0x3] =	stream.linear.gather [hbm4b:s6+s3], $0x700, $0x38;
	[tilespmem:$0x10E00] =	vst v63  }
0x34: {  	_ =	swait.ge [sflag:s10], $0x700  }
0x35: {  	[sflag:s10] =	ssyncset.done $0x0  }
0x36: {  	[sflag:s10] =	ssyncadd.s32 $0xFFFFF900  }
0x37: {  	[tilespmem:s14], [sflag:$0x1] =	stream.indirect.gather [hbm4b:s4+s13], $0x8, s11, s13, $0xb8;
	[tilespmem:$0x10E00] =	vst v63  }
0x38: {  	s8 =	rddreg [dreg:$0x5]  }
0x39: {  	[tilespmem:s15], [sflag:$0x1] =	stream.indirect.gather [hbm4b:s4+s13], $0x8, s8, s13, $0xb8;
	[tilespmem:$0x10E00] =	vst v63  }
0x3a: {  	s9 =	rddreg [dreg:$0x6]  }
0x3b: {  	[tilespmem:s16], [sflag:$0x1] =	stream.indirect.gather [hbm4b:s4+s13], $0x8, s9, s13, $0xb8;
	[tilespmem:$0x10E00] =	vst v63  }
0x3c: {  	s7 =	rddreg [dreg:$0x7]  }
0x3d: {  	[tilespmem:s17], [sflag:$0x1] =	stream.indirect.gather [hbm4b:s4+s13], $0x8, s7, s13, $0xb8;
	[tilespmem:$0x10E00] =	vst v63  }
0x3e: {  	s9 =	rddreg [dreg:$0x8]  }
0x3f: {  	[tilespmem:s18], [sflag:$0x1] =	stream.indirect.gather [hbm4b:s4+s13], $0x8, s9, s13, $0xb8;
	[tilespmem:$0x10E00] =	vst v63  }
0x40: {  	s7 =	rddreg [dreg:$0x9]  }
0x41: {  	[tilespmem:s19], [sflag:$0x1] =	stream.indirect.gather [hbm4b:s4+s13], $0x8, s7, s13, $0xb8;
	[tilespmem:$0x10E00] =	vst v63  }
0x42: {  	s9 =	rddreg [dreg:$0xa]  }
0x43: {  	[tilespmem:s20], [sflag:$0x1] =	stream.indirect.gather [hbm4b:s4+s13], $0x8, s9, s13, $0xb8;
	[tilespmem:$0x10E00] =	vst v63  }
0x44: {  	s7 =	rddreg [dreg:$0xb]  }
0x45: {  	[tilespmem:s21], [sflag:$0x1] =	stream.indirect.gather [hbm4b:s4+s13], $0x8, s7, s13, $0xb8;
	[tilespmem:$0x10E00] =	vst v63  }
0x46: {  	s9 =	rddreg [dreg:$0xc]  }
0x47: {  	[tilespmem:s22], [sflag:$0x1] =	stream.indirect.gather [hbm4b:s4+s13], $0x8, s9, s13, $0xb8;
	[tilespmem:$0x10E00] =	vst v63  }
0x48: {  	s7 =	rddreg [dreg:$0xd]  }
0x49: {  	[tilespmem:s23], [sflag:$0x1] =	stream.indirect.gather [hbm4b:s4+s13], $0x8, s7, s13, $0xb8;
	[tilespmem:$0x10E00] =	vst v63  }
0x4a: {  	s9 =	rddreg [dreg:$0xe]  }
0x4b: {  	[tilespmem:s24], [sflag:$0x1] =	stream.indirect.gather [hbm4b:s4+s13], $0x8, s9, s13, $0xb8;
	[tilespmem:$0x10E00] =	vst v63  }
0x4c: {  	s7 =	rddreg [dreg:$0xf]  }
0x4d: {  	[tilespmem:s25], [sflag:$0x1] =	stream.indirect.gather [hbm4b:s4+s13], $0x8, s7, s13, $0xb8;
	[tilespmem:$0x10E00] =	vst v63  }
0x4e: {  	s9 =	rddreg [dreg:$0x10]  }
0x4f: {  	[tilespmem:s26], [sflag:$0x1] =	stream.indirect.gather [hbm4b:s4+s13], $0x8, s9, s13, $0xb8;
	[tilespmem:$0x10E00] =	vst v63  }
0x50: {  	s7 =	rddreg [dreg:$0x11]  }
0x51: {  	[tilespmem:s28], [sflag:$0x1] =	stream.indirect.gather [hbm4b:s4+s13], $0x8, s7, s13, $0xb8;
	[tilespmem:$0x10E00] =	vst v63  }
0x52: {  	_ =	swait.ge [sflag:s29], $0x400  }
0x53: {  	[sflag:s29] =	ssyncset.done $0x0  }
0x54: {  	[sflag:s29] =	ssyncadd.s32 $0xFFFFFC00  }
0x55: {  	_ =	swait.ge [sflag:s29], $0x400  }
0x56: {  	[sflag:s29] =	ssyncset.done $0x0  }
0x57: {  	[sflag:s29] =	ssyncadd.s32 $0xFFFFFC00  }
0x58: {  	_ =	swait.ge [sflag:s29], $0x400  }
0x59: {  	[sflag:s29] =	ssyncset.done $0x0  }
0x5a: {  	[sflag:s29] =	ssyncadd.s32 $0xFFFFFC00  }
0x5b: {  	_ =	swait.ge [sflag:s29], $0x400  }
0x5c: {  	[sflag:s29] =	ssyncset.done $0x0  }
0x5d: {  	[sflag:s29] =	ssyncadd.s32 $0xFFFFFC00  }
0x5e: {  	_ =	swait.ge [sflag:s29], $0x400  }
0x5f: {  	[sflag:s29] =	ssyncset.done $0x0  }
0x60: {  	[sflag:s29] =	ssyncadd.s32 $0xFFFFFC00  }
0x61: {  	_ =	swait.ge [sflag:s29], $0x400  }
0x62: {  	[sflag:s29] =	ssyncset.done $0x0  }
0x63: {  	[sflag:s29] =	ssyncadd.s32 $0xFFFFFC00  }
0x64: {  	_ =	swait.ge [sflag:s29], $0x400  }
0x65: {  	[sflag:s29] =	ssyncset.done $0x0  }
0x66: {  	[sflag:s29] =	ssyncadd.s32 $0xFFFFFC00  }
0x67: {  	[spmem:s2] =	stream.indirect.scatter.add.f32 [tilespmem:s14], [sflag:$0x2], $0x8, s12, s13, $0xb8;
	[tilespmem:$0x10E00] =	vst v63  }
0x68: {  	s9 =	rddreg [dreg:$0x12]  }
0x69: {  	[spmem:s2] =	stream.indirect.scatter.add.f32 [tilespmem:s15], [sflag:$0x2], $0x8, s9, s13, $0xb8;
	[tilespmem:$0x10E00] =	vst v63  }
0x6a: {  	s7 =	rddreg [dreg:$0x13]  }
0x6b: {  	[spmem:s2] =	stream.indirect.scatter.add.f32 [tilespmem:s16], [sflag:$0x2], $0x8, s7, s13, $0xb8;
	[tilespmem:$0x10E00] =	vst v63  }
0x6c: {  	s9 =	rddreg [dreg:$0x14]  }
0x6d: {  	[spmem:s2] =	stream.indirect.scatter.add.f32 [tilespmem:s17], [sflag:$0x2], $0x8, s9, s13, $0xb8;
	[tilespmem:$0x10E00] =	vst v63  }
0x6e: {  	s7 =	rddreg [dreg:$0x15]  }
0x6f: {  	[spmem:s2] =	stream.indirect.scatter.add.f32 [tilespmem:s18], [sflag:$0x2], $0x8, s7, s13, $0xb8;
	[tilespmem:$0x10E00] =	vst v63  }
0x70: {  	s9 =	rddreg [dreg:$0x16]  }
0x71: {  	[spmem:s2] =	stream.indirect.scatter.add.f32 [tilespmem:s19], [sflag:$0x2], $0x8, s9, s13, $0xb8;
	[tilespmem:$0x10E00] =	vst v63  }
0x72: {  	s7 =	rddreg [dreg:$0x17]  }
0x73: {  	[spmem:s2] =	stream.indirect.scatter.add.f32 [tilespmem:s20], [sflag:$0x2], $0x8, s7, s13, $0xb8;
	[tilespmem:$0x10E00] =	vst v63  }
0x74: {  	_ =	swait.ge [sflag:s29], $0x400  }
0x75: {  	[sflag:s29] =	ssyncset.done $0x0  }
0x76: {  	[sflag:s29] =	ssyncadd.s32 $0xFFFFFC00  }
0x77: {  	_ =	swait.ge [sflag:s29], $0x400  }
0x78: {  	[sflag:s29] =	ssyncset.done $0x0  }
0x79: {  	[sflag:s29] =	ssyncadd.s32 $0xFFFFFC00  }
0x7a: {  	_ =	swait.ge [sflag:s29], $0x400  }
0x7b: {  	[sflag:s29] =	ssyncset.done $0x0  }
0x7c: {  	[sflag:s29] =	ssyncadd.s32 $0xFFFFFC00  }
0x7d: {  	_ =	swait.ge [sflag:s29], $0x400  }
0x7e: {  	[sflag:s29] =	ssyncset.done $0x0  }
0x7f: {  	[sflag:s29] =	ssyncadd.s32 $0xFFFFFC00  }
0x80: {  	_ =	swait.ge [sflag:s29], $0x400  }
0x81: {  	[sflag:s29] =	ssyncset.done $0x0  }
0x82: {  	[sflag:s29] =	ssyncadd.s32 $0xFFFFFC00  }
0x83: {  	_ =	swait.ge [sflag:s29], $0x400  }
0x84: {  	[sflag:s29] =	ssyncset.done $0x0  }
0x85: {  	[sflag:s29] =	ssyncadd.s32 $0xFFFFFC00  }
0x86: {  	_ =	swait.ge [sflag:s29], $0x400  }
0x87: {  	[sflag:s29] =	ssyncset.done $0x0  }
0x88: {  	s9 =	rddreg [dreg:$0x18];
	[sflag:s29] =	ssyncadd.s32 $0xFFFFFC00  }
0x89: {  	[spmem:s2] =	stream.indirect.scatter.add.f32 [tilespmem:s21], [sflag:$0x2], $0x8, s9, s13, $0xb8;
	[tilespmem:$0x10E00] =	vst v63  }
0x8a: {  	s7 =	rddreg [dreg:$0x19]  }
0x8b: {  	[spmem:s2] =	stream.indirect.scatter.add.f32 [tilespmem:s22], [sflag:$0x2], $0x8, s7, s13, $0xb8;
	[tilespmem:$0x10E00] =	vst v63  }
0x8c: {  	s9 =	rddreg [dreg:$0x1a]  }
0x8d: {  	[spmem:s2] =	stream.indirect.scatter.add.f32 [tilespmem:s23], [sflag:$0x2], $0x8, s9, s13, $0xb8;
	[tilespmem:$0x10E00] =	vst v63  }
0x8e: {  	_ = 	snop  }
0x8f: {  	[spmem:s2] =	stream.indirect.scatter.add.f32 [tilespmem:s24], [sflag:$0x2], $0x8, s30, s13, $0xb8;
	[tilespmem:$0x10E00] =	vst v63  }
0x90: {  	_ = 	snop  }
0x91: {  	[spmem:s2] =	stream.indirect.scatter.add.f32 [tilespmem:s25], [sflag:$0x2], $0x8, s31, s13, $0xb8;
	[tilespmem:$0x10E00] =	vst v63  }
0x92: {  	_ = 	snop  }
0x93: {  	[spmem:s2] =	stream.indirect.scatter.add.f32 [tilespmem:s26], [sflag:$0x2], $0x8, s0, s13, $0xb8;
	[tilespmem:$0x10E00] =	vst v63  }
0x94: {  	_ = 	snop  }
0x95: {  	[spmem:s2] =	stream.indirect.scatter.add.f32 [tilespmem:s28], [sflag:$0x2], $0x8, s1, s13, $0xb8;
	[tilespmem:$0x10E00] =	vst v63  }
0x96: {  	_ =	swait.ge [sflag:s5], $0x400  }
0x97: {  	[sflag:s5] =	ssyncset.done $0x0  }
0x98: {  	[sflag:s5] =	ssyncadd.s32 $0xFFFFFC00  }
0x99: {  	_ =	swait.ge [sflag:s5], $0x400  }
0x9a: {  	[sflag:s5] =	ssyncset.done $0x0  }
0x9b: {  	[sflag:s5] =	ssyncadd.s32 $0xFFFFFC00  }
0x9c: {  	_ =	swait.ge [sflag:s5], $0x400  }
0x9d: {  	[sflag:s5] =	ssyncset.done $0x0  }
0x9e: {  	[sflag:s5] =	ssyncadd.s32 $0xFFFFFC00  }
0x9f: {  	_ =	swait.ge [sflag:s5], $0x400  }
0xa0: {  	[sflag:s5] =	ssyncset.done $0x0  }
0xa1: {  	[sflag:s5] =	ssyncadd.s32 $0xFFFFFC00  }
0xa2: {  	_ =	swait.ge [sflag:s5], $0x400  }
0xa3: {  	[sflag:s5] =	ssyncset.done $0x0  }
0xa4: {  	[sflag:s5] =	ssyncadd.s32 $0xFFFFFC00  }
0xa5: {  	_ =	swait.ge [sflag:s5], $0x400  }
0xa6: {  	[sflag:s5] =	ssyncset.done $0x0  }
0xa7: {  	[sflag:s5] =	ssyncadd.s32 $0xFFFFFC00  }
0xa8: {  	_ =	swait.ge [sflag:s5], $0x400  }
0xa9: {  	[sflag:s5] =	ssyncset.done $0x0  }
0xaa: {  	[sflag:s5] =	ssyncadd.s32 $0xFFFFFC00  }
0xab: {  	_ =	swait.ge [sflag:s5], $0x400  }
0xac: {  	[sflag:s5] =	ssyncset.done $0x0  }
0xad: {  	[sflag:s5] =	ssyncadd.s32 $0xFFFFFC00  }
0xae: {  	_ =	swait.ge [sflag:s5], $0x400  }
0xaf: {  	[sflag:s5] =	ssyncset.done $0x0  }
0xb0: {  	[sflag:s5] =	ssyncadd.s32 $0xFFFFFC00  }
0xb1: {  	_ =	swait.ge [sflag:s5], $0x400  }
0xb2: {  	[sflag:s5] =	ssyncset.done $0x0  }
0xb3: {  	[sflag:s5] =	ssyncadd.s32 $0xFFFFFC00  }
0xb4: {  	_ =	swait.ge [sflag:s5], $0x400  }
0xb5: {  	[sflag:s5] =	ssyncset.done $0x0  }
0xb6: {  	[sflag:s5] =	ssyncadd.s32 $0xFFFFFC00  }
0xb7: {  	_ =	swait.ge [sflag:s5], $0x400  }
0xb8: {  	[sflag:s5] =	ssyncset.done $0x0  }
0xb9: {  	[sflag:s5] =	ssyncadd.s32 $0xFFFFFC00  }
0xba: {  	_ =	swait.ge [sflag:s5], $0x400  }
0xbb: {  	[sflag:s5] =	ssyncset.done $0x0  }
0xbc: {  	[sflag:s5] =	ssyncadd.s32 $0xFFFFFC00  }
0xbd: {  	s6 =	simm.s32 $0x1C0;
	_ =	swait.ge [sflag:s5], $0x400  }
0xbe: {  	s8 =	simm.s32 $0xE0;
	s9 =	rddreg [dreg:$0x4];
	[sflag:s5] =	ssyncset.done $0x0  }
.LBB2_2:
0xbf: {  	[sflag:s5] =	ssyncadd.s32 $0xFFFFFC00;
	s9 =	sadd.s32 s8, s9  }
0xc0: {  	[tilespmem:s11], [sflag:$0x3] =	stream.linear.gather [hbm4b:s9+s3], $0x700, $0x38;
	[tilespmem:$0x10E00] =	vst v63  }
0xc1: {  	_ =	swait.ge [sflag:s10], $0x700  }
0xc2: {  	s9 =	rddreg [dreg:$0x3];
	[sflag:s10] =	ssyncset.done $0x0  }
0xc3: {  	[sflag:s10] =	ssyncadd.s32 $0xFFFFF900;
	s9 =	sadd.s32 s8, s9  }
0xc4: {  	[tilespmem:s12], [sflag:$0x3] =	stream.linear.gather [hbm4b:s9+s3], $0x700, $0x38;
	[tilespmem:$0x10E00] =	vst v63  }
0xc5: {  	_ =	swait.ge [sflag:s10], $0x700  }
0xc6: {  	[sflag:s10] =	ssyncset.done $0x0  }
0xc7: {  	s7 =	smov.u32 s6;
	[sflag:s10] =	ssyncadd.s32 $0xFFFFF900  }
0xc8: {  	[tilespmem:s14], [sflag:$0x1] =	stream.indirect.gather [hbm4b:s4+s13], $0x8, s11, s13, $0xb8;
	[tilespmem:$0x10E00] =	vst v63  }
0xc9: {  	s8 =	smov.u32 s7;
	s7 =	rddreg [dreg:$0x5]  }
0xca: {  	[tilespmem:s15], [sflag:$0x1] =	stream.indirect.gather [hbm4b:s4+s13], $0x8, s7, s13, $0xb8;
	[tilespmem:$0x10E00] =	vst v63  }
0xcb: {  	s9 =	rddreg [dreg:$0x6]  }
0xcc: {  	[tilespmem:s16], [sflag:$0x1] =	stream.indirect.gather [hbm4b:s4+s13], $0x8, s9, s13, $0xb8;
	[tilespmem:$0x10E00] =	vst v63  }
0xcd: {  	s7 =	rddreg [dreg:$0x7]  }
0xce: {  	[tilespmem:s17], [sflag:$0x1] =	stream.indirect.gather [hbm4b:s4+s13], $0x8, s7, s13, $0xb8;
	[tilespmem:$0x10E00] =	vst v63  }
0xcf: {  	s9 =	rddreg [dreg:$0x8]  }
0xd0: {  	[tilespmem:s18], [sflag:$0x1] =	stream.indirect.gather [hbm4b:s4+s13], $0x8, s9, s13, $0xb8;
	[tilespmem:$0x10E00] =	vst v63  }
0xd1: {  	s7 =	rddreg [dreg:$0x9]  }
0xd2: {  	[tilespmem:s19], [sflag:$0x1] =	stream.indirect.gather [hbm4b:s4+s13], $0x8, s7, s13, $0xb8;
	[tilespmem:$0x10E00] =	vst v63  }
0xd3: {  	s9 =	rddreg [dreg:$0xa]  }
0xd4: {  	[tilespmem:s20], [sflag:$0x1] =	stream.indirect.gather [hbm4b:s4+s13], $0x8, s9, s13, $0xb8;
	[tilespmem:$0x10E00] =	vst v63  }
0xd5: {  	s7 =	rddreg [dreg:$0xb]  }
0xd6: {  	[tilespmem:s21], [sflag:$0x1] =	stream.indirect.gather [hbm4b:s4+s13], $0x8, s7, s13, $0xb8;
	[tilespmem:$0x10E00] =	vst v63  }
0xd7: {  	s9 =	rddreg [dreg:$0xc]  }
0xd8: {  	[tilespmem:s22], [sflag:$0x1] =	stream.indirect.gather [hbm4b:s4+s13], $0x8, s9, s13, $0xb8;
	[tilespmem:$0x10E00] =	vst v63  }
0xd9: {  	s7 =	rddreg [dreg:$0xd]  }
0xda: {  	[tilespmem:s23], [sflag:$0x1] =	stream.indirect.gather [hbm4b:s4+s13], $0x8, s7, s13, $0xb8;
	[tilespmem:$0x10E00] =	vst v63  }
0xdb: {  	s9 =	rddreg [dreg:$0xe]  }
0xdc: {  	[tilespmem:s24], [sflag:$0x1] =	stream.indirect.gather [hbm4b:s4+s13], $0x8, s9, s13, $0xb8;
	[tilespmem:$0x10E00] =	vst v63  }
0xdd: {  	s7 =	rddreg [dreg:$0xf]  }
0xde: {  	[tilespmem:s25], [sflag:$0x1] =	stream.indirect.gather [hbm4b:s4+s13], $0x8, s7, s13, $0xb8;
	[tilespmem:$0x10E00] =	vst v63  }
0xdf: {  	s9 =	rddreg [dreg:$0x10]  }
0xe0: {  	[tilespmem:s26], [sflag:$0x1] =	stream.indirect.gather [hbm4b:s4+s13], $0x8, s9, s13, $0xb8;
	[tilespmem:$0x10E00] =	vst v63  }
0xe1: {  	s7 =	rddreg [dreg:$0x11]  }
0xe2: {  	[tilespmem:s28], [sflag:$0x1] =	stream.indirect.gather [hbm4b:s4+s13], $0x8, s7, s13, $0xb8;
	[tilespmem:$0x10E00] =	vst v63  }
0xe3: {  	_ =	swait.ge [sflag:s29], $0x400  }
0xe4: {  	[sflag:s29] =	ssyncset.done $0x0  }
0xe5: {  	[sflag:s29] =	ssyncadd.s32 $0xFFFFFC00  }
0xe6: {  	_ =	swait.ge [sflag:s29], $0x400  }
0xe7: {  	[sflag:s29] =	ssyncset.done $0x0  }
0xe8: {  	[sflag:s29] =	ssyncadd.s32 $0xFFFFFC00  }
0xe9: {  	_ =	swait.ge [sflag:s29], $0x400  }
0xea: {  	[sflag:s29] =	ssyncset.done $0x0  }
0xeb: {  	[sflag:s29] =	ssyncadd.s32 $0xFFFFFC00  }
0xec: {  	_ =	swait.ge [sflag:s29], $0x400  }
0xed: {  	[sflag:s29] =	ssyncset.done $0x0  }
0xee: {  	[sflag:s29] =	ssyncadd.s32 $0xFFFFFC00  }
0xef: {  	_ =	swait.ge [sflag:s29], $0x400  }
0xf0: {  	[sflag:s29] =	ssyncset.done $0x0  }
0xf1: {  	[sflag:s29] =	ssyncadd.s32 $0xFFFFFC00  }
0xf2: {  	_ =	swait.ge [sflag:s29], $0x400  }
0xf3: {  	[sflag:s29] =	ssyncset.done $0x0  }
0xf4: {  	[sflag:s29] =	ssyncadd.s32 $0xFFFFFC00  }
0xf5: {  	_ =	swait.ge [sflag:s29], $0x400  }
0xf6: {  	[sflag:s29] =	ssyncset.done $0x0  }
0xf7: {  	[sflag:s29] =	ssyncadd.s32 $0xFFFFFC00  }
0xf8: {  	[spmem:s2] =	stream.indirect.scatter.add.f32 [tilespmem:s14], [sflag:$0x2], $0x8, s12, s13, $0xb8;
	[tilespmem:$0x10E00] =	vst v63  }
0xf9: {  	s7 =	rddreg [dreg:$0x12]  }
0xfa: {  	[spmem:s2] =	stream.indirect.scatter.add.f32 [tilespmem:s15], [sflag:$0x2], $0x8, s7, s13, $0xb8;
	[tilespmem:$0x10E00] =	vst v63  }
0xfb: {  	s9 =	rddreg [dreg:$0x13]  }
0xfc: {  	[spmem:s2] =	stream.indirect.scatter.add.f32 [tilespmem:s16], [sflag:$0x2], $0x8, s9, s13, $0xb8;
	[tilespmem:$0x10E00] =	vst v63  }
0xfd: {  	s7 =	rddreg [dreg:$0x14]  }
0xfe: {  	[spmem:s2] =	stream.indirect.scatter.add.f32 [tilespmem:s17], [sflag:$0x2], $0x8, s7, s13, $0xb8;
	[tilespmem:$0x10E00] =	vst v63  }
0xff: {  	s9 =	rddreg [dreg:$0x15]  }
0x100: {  	[spmem:s2] =	stream.indirect.scatter.add.f32 [tilespmem:s18], [sflag:$0x2], $0x8, s9, s13, $0xb8;
	[tilespmem:$0x10E00] =	vst v63  }
0x101: {  	s7 =	rddreg [dreg:$0x16]  }
0x102: {  	[spmem:s2] =	stream.indirect.scatter.add.f32 [tilespmem:s19], [sflag:$0x2], $0x8, s7, s13, $0xb8;
	[tilespmem:$0x10E00] =	vst v63  }
0x103: {  	s9 =	rddreg [dreg:$0x17]  }
0x104: {  	[spmem:s2] =	stream.indirect.scatter.add.f32 [tilespmem:s20], [sflag:$0x2], $0x8, s9, s13, $0xb8;
	[tilespmem:$0x10E00] =	vst v63  }
0x105: {  	_ =	swait.ge [sflag:s29], $0x400  }
0x106: {  	[sflag:s29] =	ssyncset.done $0x0  }
0x107: {  	[sflag:s29] =	ssyncadd.s32 $0xFFFFFC00  }
0x108: {  	_ =	swait.ge [sflag:s29], $0x400  }
0x109: {  	[sflag:s29] =	ssyncset.done $0x0  }
0x10a: {  	[sflag:s29] =	ssyncadd.s32 $0xFFFFFC00  }
0x10b: {  	_ =	swait.ge [sflag:s29], $0x400  }
0x10c: {  	[sflag:s29] =	ssyncset.done $0x0  }
0x10d: {  	[sflag:s29] =	ssyncadd.s32 $0xFFFFFC00  }
0x10e: {  	_ =	swait.ge [sflag:s29], $0x400  }
0x10f: {  	[sflag:s29] =	ssyncset.done $0x0  }
0x110: {  	[sflag:s29] =	ssyncadd.s32 $0xFFFFFC00  }
0x111: {  	_ =	swait.ge [sflag:s29], $0x400  }
0x112: {  	[sflag:s29] =	ssyncset.done $0x0  }
0x113: {  	[sflag:s29] =	ssyncadd.s32 $0xFFFFFC00  }
0x114: {  	_ =	swait.ge [sflag:s29], $0x400  }
0x115: {  	[sflag:s29] =	ssyncset.done $0x0  }
0x116: {  	[sflag:s29] =	ssyncadd.s32 $0xFFFFFC00  }
0x117: {  	_ =	swait.ge [sflag:s29], $0x400  }
0x118: {  	[sflag:s29] =	ssyncset.done $0x0  }
0x119: {  	s7 =	rddreg [dreg:$0x18];
	[sflag:s29] =	ssyncadd.s32 $0xFFFFFC00  }
0x11a: {  	[spmem:s2] =	stream.indirect.scatter.add.f32 [tilespmem:s21], [sflag:$0x2], $0x8, s7, s13, $0xb8;
	[tilespmem:$0x10E00] =	vst v63  }
0x11b: {  	s9 =	rddreg [dreg:$0x19]  }
0x11c: {  	[spmem:s2] =	stream.indirect.scatter.add.f32 [tilespmem:s22], [sflag:$0x2], $0x8, s9, s13, $0xb8;
	[tilespmem:$0x10E00] =	vst v63  }
0x11d: {  	s7 =	rddreg [dreg:$0x1a]  }
0x11e: {  	[spmem:s2] =	stream.indirect.scatter.add.f32 [tilespmem:s23], [sflag:$0x2], $0x8, s7, s13, $0xb8;
	[tilespmem:$0x10E00] =	vst v63  }
0x11f: {  	_ = 	snop  }
0x120: {  	[spmem:s2] =	stream.indirect.scatter.add.f32 [tilespmem:s24], [sflag:$0x2], $0x8, s30, s13, $0xb8;
	[tilespmem:$0x10E00] =	vst v63  }
0x121: {  	_ = 	snop  }
0x122: {  	[spmem:s2] =	stream.indirect.scatter.add.f32 [tilespmem:s25], [sflag:$0x2], $0x8, s31, s13, $0xb8;
	[tilespmem:$0x10E00] =	vst v63  }
0x123: {  	_ = 	snop  }
0x124: {  	[spmem:s2] =	stream.indirect.scatter.add.f32 [tilespmem:s26], [sflag:$0x2], $0x8, s0, s13, $0xb8;
	[tilespmem:$0x10E00] =	vst v63  }
0x125: {  	_ = 	snop  }
0x126: {  	[spmem:s2] =	stream.indirect.scatter.add.f32 [tilespmem:s28], [sflag:$0x2], $0x8, s1, s13, $0xb8;
	[tilespmem:$0x10E00] =	vst v63  }
0x127: {  	_ =	swait.ge [sflag:s5], $0x400  }
0x128: {  	[sflag:s5] =	ssyncset.done $0x0  }
0x129: {  	[sflag:s5] =	ssyncadd.s32 $0xFFFFFC00  }
0x12a: {  	_ =	swait.ge [sflag:s5], $0x400  }
0x12b: {  	[sflag:s5] =	ssyncset.done $0x0  }
0x12c: {  	[sflag:s5] =	ssyncadd.s32 $0xFFFFFC00  }
0x12d: {  	_ =	swait.ge [sflag:s5], $0x400  }
0x12e: {  	[sflag:s5] =	ssyncset.done $0x0  }
0x12f: {  	[sflag:s5] =	ssyncadd.s32 $0xFFFFFC00  }
0x130: {  	_ =	swait.ge [sflag:s5], $0x400  }
0x131: {  	[sflag:s5] =	ssyncset.done $0x0  }
0x132: {  	[sflag:s5] =	ssyncadd.s32 $0xFFFFFC00  }
0x133: {  	_ =	swait.ge [sflag:s5], $0x400  }
0x134: {  	[sflag:s5] =	ssyncset.done $0x0  }
0x135: {  	[sflag:s5] =	ssyncadd.s32 $0xFFFFFC00  }
0x136: {  	_ =	swait.ge [sflag:s5], $0x400  }
0x137: {  	[sflag:s5] =	ssyncset.done $0x0  }
0x138: {  	[sflag:s5] =	ssyncadd.s32 $0xFFFFFC00  }
0x139: {  	_ =	swait.ge [sflag:s5], $0x400  }
0x13a: {  	[sflag:s5] =	ssyncset.done $0x0  }
0x13b: {  	[sflag:s5] =	ssyncadd.s32 $0xFFFFFC00  }
0x13c: {  	_ =	swait.ge [sflag:s5], $0x400  }
0x13d: {  	[sflag:s5] =	ssyncset.done $0x0  }
0x13e: {  	[sflag:s5] =	ssyncadd.s32 $0xFFFFFC00  }
0x13f: {  	_ =	swait.ge [sflag:s5], $0x400  }
0x140: {  	[sflag:s5] =	ssyncset.done $0x0  }
0x141: {  	[sflag:s5] =	ssyncadd.s32 $0xFFFFFC00  }
0x142: {  	_ =	swait.ge [sflag:s5], $0x400  }
0x143: {  	[sflag:s5] =	ssyncset.done $0x0  }
0x144: {  	[sflag:s5] =	ssyncadd.s32 $0xFFFFFC00  }
0x145: {  	_ =	swait.ge [sflag:s5], $0x400  }
0x146: {  	[sflag:s5] =	ssyncset.done $0x0  }
0x147: {  	[sflag:s5] =	ssyncadd.s32 $0xFFFFFC00  }
0x148: {  	_ =	swait.ge [sflag:s5], $0x400  }
0x149: {  	[sflag:s5] =	ssyncset.done $0x0  }
0x14a: {  	p0 =	sne.s32 s6, $0x3020;
	[sflag:s5] =	ssyncadd.s32 $0xFFFFFC00  }
.Ltmp0:
0x14b: {  	_ =	swait.ge [sflag:s5], $0x400;
	(pc) =	sbr.rel @p0 .LBB2_2-.Ltmp0, $4  }
0x14c: {  	[sflag:s5] =	ssyncset.done $0x0  }
0x14d: {  	[sflag:s5] =	ssyncadd.s32 $0xFFFFFC00  }
0x14e: {  	_ =	swait.ge [sflag:s5], $0x400  }
0x14f: {  	s6 =	sadd.s32 $0xE0, s6;
	s9 =	rddreg [dreg:$0x4];
	[sflag:s5] =	ssyncset.done $0x0  }
0x150: {  	[sflag:s5] =	ssyncadd.s32 $0xFFFFFC00;
	s6 =	sadd.s32 s8, s9  }
0x151: {  	[tilespmem:s11], [sflag:$0x3] =	stream.linear.gather [hbm4b:s6+s3], $0x700, $0x38;
	[tilespmem:$0x10E00] =	vst v63  }
0x152: {  	_ =	swait.ge [sflag:s10], $0x700  }
0x153: {  	s7 =	rddreg [dreg:$0x3];
	[sflag:s10] =	ssyncset.done $0x0  }
0x154: {  	[sflag:s10] =	ssyncadd.s32 $0xFFFFF900;
	s6 =	sadd.s32 s8, s7  }
0x155: {  	[tilespmem:s12], [sflag:$0x3] =	stream.linear.gather [hbm4b:s6+s3], $0x700, $0x38;
	[tilespmem:$0x10E00] =	vst v63  }
0x156: {  	_ =	swait.ge [sflag:s10], $0x700  }
0x157: {  	[sflag:s10] =	ssyncset.done $0x0  }
0x158: {  	[sflag:s10] =	ssyncadd.s32 $0xFFFFF900  }
0x159: {  	[tilespmem:s14], [sflag:$0x1] =	stream.indirect.gather [hbm4b:s4+s13], $0x8, s11, s13, $0xb8;
	[tilespmem:$0x10E00] =	vst v63  }
0x15a: {  	s8 =	rddreg [dreg:$0x5]  }
0x15b: {  	[tilespmem:s15], [sflag:$0x1] =	stream.indirect.gather [hbm4b:s4+s13], $0x8, s8, s13, $0xb8;
	[tilespmem:$0x10E00] =	vst v63  }
0x15c: {  	s7 =	rddreg [dreg:$0x6]  }
0x15d: {  	[tilespmem:s16], [sflag:$0x1] =	stream.indirect.gather [hbm4b:s4+s13], $0x8, s7, s13, $0xb8;
	[tilespmem:$0x10E00] =	vst v63  }
0x15e: {  	s9 =	rddreg [dreg:$0x7]  }
0x15f: {  	[tilespmem:s17], [sflag:$0x1] =	stream.indirect.gather [hbm4b:s4+s13], $0x8, s9, s13, $0xb8;
	[tilespmem:$0x10E00] =	vst v63  }
0x160: {  	s8 =	rddreg [dreg:$0x8]  }
0x161: {  	[tilespmem:s18], [sflag:$0x1] =	stream.indirect.gather [hbm4b:s4+s13], $0x8, s8, s13, $0xb8;
	[tilespmem:$0x10E00] =	vst v63  }
0x162: {  	s9 =	rddreg [dreg:$0x9]  }
0x163: {  	[tilespmem:s19], [sflag:$0x1] =	stream.indirect.gather [hbm4b:s4+s13], $0x8, s9, s13, $0xb8;
	[tilespmem:$0x10E00] =	vst v63  }
0x164: {  	s8 =	rddreg [dreg:$0xa]  }
0x165: {  	[tilespmem:s20], [sflag:$0x1] =	stream.indirect.gather [hbm4b:s4+s13], $0x8, s8, s13, $0xb8;
	[tilespmem:$0x10E00] =	vst v63  }
0x166: {  	s9 =	rddreg [dreg:$0xb]  }
0x167: {  	[tilespmem:s21], [sflag:$0x1] =	stream.indirect.gather [hbm4b:s4+s13], $0x8, s9, s13, $0xb8;
	[tilespmem:$0x10E00] =	vst v63  }
0x168: {  	s8 =	rddreg [dreg:$0xc]  }
0x169: {  	[tilespmem:s22], [sflag:$0x1] =	stream.indirect.gather [hbm4b:s4+s13], $0x8, s8, s13, $0xb8;
	[tilespmem:$0x10E00] =	vst v63  }
0x16a: {  	s9 =	rddreg [dreg:$0xd]  }
0x16b: {  	[tilespmem:s23], [sflag:$0x1] =	stream.indirect.gather [hbm4b:s4+s13], $0x8, s9, s13, $0xb8;
	[tilespmem:$0x10E00] =	vst v63  }
0x16c: {  	s8 =	rddreg [dreg:$0xe]  }
0x16d: {  	[tilespmem:s24], [sflag:$0x1] =	stream.indirect.gather [hbm4b:s4+s13], $0x8, s8, s13, $0xb8;
	[tilespmem:$0x10E00] =	vst v63  }
0x16e: {  	s9 =	rddreg [dreg:$0xf]  }
0x16f: {  	[tilespmem:s25], [sflag:$0x1] =	stream.indirect.gather [hbm4b:s4+s13], $0x8, s9, s13, $0xb8;
	[tilespmem:$0x10E00] =	vst v63  }
0x170: {  	s8 =	rddreg [dreg:$0x10]  }
0x171: {  	[tilespmem:s26], [sflag:$0x1] =	stream.indirect.gather [hbm4b:s4+s13], $0x8, s8, s13, $0xb8;
	[tilespmem:$0x10E00] =	vst v63  }
0x172: {  	s9 =	rddreg [dreg:$0x11]  }
0x173: {  	[tilespmem:s28], [sflag:$0x1] =	stream.indirect.gather [hbm4b:s4+s13], $0x8, s9, s13, $0xb8;
	[tilespmem:$0x10E00] =	vst v63  }
0x174: {  	_ =	swait.ge [sflag:s29], $0x400  }
0x175: {  	[sflag:s29] =	ssyncset.done $0x0  }
0x176: {  	[sflag:s29] =	ssyncadd.s32 $0xFFFFFC00  }
0x177: {  	_ =	swait.ge [sflag:s29], $0x400  }
0x178: {  	[sflag:s29] =	ssyncset.done $0x0  }
0x179: {  	[sflag:s29] =	ssyncadd.s32 $0xFFFFFC00  }
0x17a: {  	_ =	swait.ge [sflag:s29], $0x400  }
0x17b: {  	[sflag:s29] =	ssyncset.done $0x0  }
0x17c: {  	[sflag:s29] =	ssyncadd.s32 $0xFFFFFC00  }
0x17d: {  	_ =	swait.ge [sflag:s29], $0x400  }
0x17e: {  	[sflag:s29] =	ssyncset.done $0x0  }
0x17f: {  	[sflag:s29] =	ssyncadd.s32 $0xFFFFFC00  }
0x180: {  	_ =	swait.ge [sflag:s29], $0x400  }
0x181: {  	[sflag:s29] =	ssyncset.done $0x0  }
0x182: {  	[sflag:s29] =	ssyncadd.s32 $0xFFFFFC00  }
0x183: {  	_ =	swait.ge [sflag:s29], $0x400  }
0x184: {  	[sflag:s29] =	ssyncset.done $0x0  }
0x185: {  	[sflag:s29] =	ssyncadd.s32 $0xFFFFFC00  }
0x186: {  	_ =	swait.ge [sflag:s29], $0x400  }
0x187: {  	[sflag:s29] =	ssyncset.done $0x0  }
0x188: {  	[sflag:s29] =	ssyncadd.s32 $0xFFFFFC00  }
0x189: {  	[spmem:s2] =	stream.indirect.scatter.add.f32 [tilespmem:s14], [sflag:$0x2], $0x8, s12, s13, $0xb8;
	[tilespmem:$0x10E00] =	vst v63  }
0x18a: {  	s8 =	rddreg [dreg:$0x12]  }
0x18b: {  	[spmem:s2] =	stream.indirect.scatter.add.f32 [tilespmem:s15], [sflag:$0x2], $0x8, s8, s13, $0xb8;
	[tilespmem:$0x10E00] =	vst v63  }
0x18c: {  	s9 =	rddreg [dreg:$0x13]  }
0x18d: {  	[spmem:s2] =	stream.indirect.scatter.add.f32 [tilespmem:s16], [sflag:$0x2], $0x8, s9, s13, $0xb8;
	[tilespmem:$0x10E00] =	vst v63  }
0x18e: {  	s8 =	rddreg [dreg:$0x14]  }
0x18f: {  	[spmem:s2] =	stream.indirect.scatter.add.f32 [tilespmem:s17], [sflag:$0x2], $0x8, s8, s13, $0xb8;
	[tilespmem:$0x10E00] =	vst v63  }
0x190: {  	s9 =	rddreg [dreg:$0x15]  }
0x191: {  	[spmem:s2] =	stream.indirect.scatter.add.f32 [tilespmem:s18], [sflag:$0x2], $0x8, s9, s13, $0xb8;
	[tilespmem:$0x10E00] =	vst v63  }
0x192: {  	s8 =	rddreg [dreg:$0x16]  }
0x193: {  	[spmem:s2] =	stream.indirect.scatter.add.f32 [tilespmem:s19], [sflag:$0x2], $0x8, s8, s13, $0xb8;
	[tilespmem:$0x10E00] =	vst v63  }
0x194: {  	s9 =	rddreg [dreg:$0x17]  }
0x195: {  	[spmem:s2] =	stream.indirect.scatter.add.f32 [tilespmem:s20], [sflag:$0x2], $0x8, s9, s13, $0xb8;
	[tilespmem:$0x10E00] =	vst v63  }
0x196: {  	_ =	swait.ge [sflag:s29], $0x400  }
0x197: {  	[sflag:s29] =	ssyncset.done $0x0  }
0x198: {  	[sflag:s29] =	ssyncadd.s32 $0xFFFFFC00  }
0x199: {  	_ =	swait.ge [sflag:s29], $0x400  }
0x19a: {  	[sflag:s29] =	ssyncset.done $0x0  }
0x19b: {  	[sflag:s29] =	ssyncadd.s32 $0xFFFFFC00  }
0x19c: {  	_ =	swait.ge [sflag:s29], $0x400  }
0x19d: {  	[sflag:s29] =	ssyncset.done $0x0  }
0x19e: {  	[sflag:s29] =	ssyncadd.s32 $0xFFFFFC00  }
0x19f: {  	_ =	swait.ge [sflag:s29], $0x400  }
0x1a0: {  	[sflag:s29] =	ssyncset.done $0x0  }
0x1a1: {  	[sflag:s29] =	ssyncadd.s32 $0xFFFFFC00  }
0x1a2: {  	_ =	swait.ge [sflag:s29], $0x400  }
0x1a3: {  	[sflag:s29] =	ssyncset.done $0x0  }
0x1a4: {  	[sflag:s29] =	ssyncadd.s32 $0xFFFFFC00  }
0x1a5: {  	_ =	swait.ge [sflag:s29], $0x400  }
0x1a6: {  	[sflag:s29] =	ssyncset.done $0x0  }
0x1a7: {  	[sflag:s29] =	ssyncadd.s32 $0xFFFFFC00  }
0x1a8: {  	_ =	swait.ge [sflag:s29], $0x400  }
0x1a9: {  	[sflag:s29] =	ssyncset.done $0x0  }
0x1aa: {  	s8 =	rddreg [dreg:$0x18];
	[sflag:s29] =	ssyncadd.s32 $0xFFFFFC00  }
0x1ab: {  	[spmem:s2] =	stream.indirect.scatter.add.f32 [tilespmem:s21], [sflag:$0x2], $0x8, s8, s13, $0xb8;
	[tilespmem:$0x10E00] =	vst v63  }
0x1ac: {  	s9 =	rddreg [dreg:$0x19]  }
0x1ad: {  	[spmem:s2] =	stream.indirect.scatter.add.f32 [tilespmem:s22], [sflag:$0x2], $0x8, s9, s13, $0xb8;
	[tilespmem:$0x10E00] =	vst v63  }
0x1ae: {  	s8 =	rddreg [dreg:$0x1a]  }
0x1af: {  	[spmem:s2] =	stream.indirect.scatter.add.f32 [tilespmem:s23], [sflag:$0x2], $0x8, s8, s13, $0xb8;
	[tilespmem:$0x10E00] =	vst v63  }
0x1b0: {  	_ = 	snop  }
0x1b1: {  	[spmem:s2] =	stream.indirect.scatter.add.f32 [tilespmem:s24], [sflag:$0x2], $0x8, s30, s13, $0xb8;
	[tilespmem:$0x10E00] =	vst v63  }
0x1b2: {  	_ = 	snop  }
0x1b3: {  	[spmem:s2] =	stream.indirect.scatter.add.f32 [tilespmem:s25], [sflag:$0x2], $0x8, s31, s13, $0xb8;
	[tilespmem:$0x10E00] =	vst v63  }
0x1b4: {  	_ = 	snop  }
0x1b5: {  	[spmem:s2] =	stream.indirect.scatter.add.f32 [tilespmem:s26], [sflag:$0x2], $0x8, s0, s13, $0xb8;
	[tilespmem:$0x10E00] =	vst v63  }
0x1b6: {  	_ = 	snop  }
0x1b7: {  	[spmem:s2] =	stream.indirect.scatter.add.f32 [tilespmem:s28], [sflag:$0x2], $0x8, s1, s13, $0xb8;
	[tilespmem:$0x10E00] =	vst v63  }
0x1b8: {  	_ =	swait.ge [sflag:s5], $0x400  }
0x1b9: {  	[sflag:s5] =	ssyncset.done $0x0  }
0x1ba: {  	[sflag:s5] =	ssyncadd.s32 $0xFFFFFC00  }
0x1bb: {  	_ =	swait.ge [sflag:s5], $0x400  }
0x1bc: {  	[sflag:s5] =	ssyncset.done $0x0  }
0x1bd: {  	[sflag:s5] =	ssyncadd.s32 $0xFFFFFC00  }
0x1be: {  	_ =	swait.ge [sflag:s5], $0x400  }
0x1bf: {  	[sflag:s5] =	ssyncset.done $0x0  }
0x1c0: {  	[sflag:s5] =	ssyncadd.s32 $0xFFFFFC00  }
0x1c1: {  	_ =	swait.ge [sflag:s5], $0x400  }
0x1c2: {  	[sflag:s5] =	ssyncset.done $0x0  }
0x1c3: {  	[sflag:s5] =	ssyncadd.s32 $0xFFFFFC00  }
0x1c4: {  	_ =	swait.ge [sflag:s5], $0x400  }
0x1c5: {  	[sflag:s5] =	ssyncset.done $0x0  }
0x1c6: {  	[sflag:s5] =	ssyncadd.s32 $0xFFFFFC00  }
0x1c7: {  	_ =	swait.ge [sflag:s5], $0x400  }
0x1c8: {  	[sflag:s5] =	ssyncset.done $0x0  }
0x1c9: {  	[sflag:s5] =	ssyncadd.s32 $0xFFFFFC00  }
0x1ca: {  	_ =	swait.ge [sflag:s5], $0x400  }
0x1cb: {  	[sflag:s5] =	ssyncset.done $0x0  }
0x1cc: {  	[sflag:s5] =	ssyncadd.s32 $0xFFFFFC00  }
0x1cd: {  	_ =	swait.ge [sflag:s5], $0x400  }
0x1ce: {  	[sflag:s5] =	ssyncset.done $0x0  }
0x1cf: {  	[sflag:s5] =	ssyncadd.s32 $0xFFFFFC00  }
0x1d0: {  	_ =	swait.ge [sflag:s5], $0x400  }
0x1d1: {  	[sflag:s5] =	ssyncset.done $0x0  }
0x1d2: {  	[sflag:s5] =	ssyncadd.s32 $0xFFFFFC00  }
0x1d3: {  	_ =	swait.ge [sflag:s5], $0x400  }
0x1d4: {  	[sflag:s5] =	ssyncset.done $0x0  }
0x1d5: {  	[sflag:s5] =	ssyncadd.s32 $0xFFFFFC00  }
0x1d6: {  	_ =	swait.ge [sflag:s5], $0x400  }
0x1d7: {  	[sflag:s5] =	ssyncset.done $0x0  }
0x1d8: {  	[sflag:s5] =	ssyncadd.s32 $0xFFFFFC00  }
0x1d9: {  	_ =	swait.ge [sflag:s5], $0x400  }
0x1da: {  	[sflag:s5] =	ssyncset.done $0x0  }
0x1db: {  	[sflag:s5] =	ssyncadd.s32 $0xFFFFFC00  }
0x1dc: {  	_ =	swait.ge [sflag:s5], $0x400  }
0x1dd: {  	[sflag:s5] =	ssyncset.done $0x0  }
0x1de: {  	[sflag:s5] =	ssyncadd.s32 $0xFFFFFC00  }
0x1df: {  	_ =	swait.ge [sflag:s5], $0x400  }
0x1e0: {  	[sflag:s5] =	ssyncset.done $0x0  }
0x1e1: {  	[sflag:s5] =	ssyncadd.s32 $0xFFFFFC00  }
0x1e2: {  	[bflag:$0x0] =	sbarrier.arrive $0xFFFF  }
0x1e3: {  	s7 =	rddreg [dreg:$0x1c]  }
0x1e4: {  	s9 =	rddreg [dreg:$0x1d]  }
0x1e5: {  	s8 =	rddreg [dreg:$0x1f]  }
0x1e6: {  	[hbm:s9], [sflag:s7] =	dma.local [spmem:s8], $0x1900  }
0x1e7: {  	_ =	swait.ge [sflag:s10], $0x1900  }
0x1e8: {  	s6 =	sld [smem:$0x7FD];
	_ =	sdelay $0x2  }
0x1e9: {  	s9 =	sadd.s32 $0x1, s6;
	s6 =	rddreg [dreg:$0x1e]  }
0x1ea: {  	p0 =	sne.s32 s9, s6  }
.Ltmp1:
0x1eb: {  	_ = 	snop;
	(pc) =	sbr.rel @p0 .LBB2_1-.Ltmp1, $3  }
0x1ec: {  	_ =	sdelay $0x1  }
0x1ed: {  	[sflag:s10] =	ssyncset.done $0x0  }
0x1ee: {  	[sflag:s10] =	ssyncadd.s32 $0xFFFFE700  }
0x1ef: {  	_ =	sfence.sel $0x180000  }
0x1f0: {  	[bflag:$0x0] =	sbarrier.arrive $0xFFFF  }
0x1f1: {  	_ =	strace $0x9000004D  }
0x1f2: {  	s0 =	stileid.u32;
	[bflag:$0x2] =	sbarrier.arrive $0xFFFF  }
0x1f3: {  	p0 =	sne.s32 s0, $0x0;
	s0 =	rddreg [dreg:$0x2]  }
0x1f4: {  	s0 =	sadd.s32 @!p0 $0x100000, s0  }
0x1f5: {  	[sflag:s0] =	ssyncadd.tile.s32 @!p0 $0x1;
	_ =	shalt  }
.Lfunc_end2:
_tile_overlayer_lowered:
.L_overlay_start_2:
0x1f6: {  	(tag) =	ssettag $0x2  }
0x1f7: {  	s0 =	rddreg [dreg:$0x0];
	s2 =	stileid.u32  }
0x1f8: {  	s1 =	rddreg [dreg:$0x1];
	p0 =	sne.s32 s2, $0x0  }
0x1f9: {  	s3 =	rddreg [dreg:$0x2];
	[bflag:$0x3] =	sbarrier.arrive $0xFFFF;
	s2 =	simm.s32 @!p0 $0x1C03  }
0x1fa: {  	[timem:s3], [sflag:s2] =	dma.local @!p0 [hbm:s0], s1  }
0x1fb: {  	s0 =	simm.s32 @!p0 $0x3  }
0x1fc: {  	_ =	swait.ge @!p0 [sflag:s0], s1  }
0x1fd: {  	s1 =	ssub.s32 @!p0 $0x0, s1;
	[sflag:s0] =	ssyncset.done @!p0 $0x0  }
0x1fe: {  	[sflag:s0] =	ssyncadd.s32 @!p0 s1  }
0x1ff: {  	[bflag:$0x3] =	sbarrier.arrive $0xFFFF  }
0x200: {  	_ =	shalt  }

// kernel: kernel.8.cloned.1.call-start
scs
__scs_entry_jumppad:
0x0: {  	(pc) =	sbr.rel $0x88, $3  }
0x1: {  	(tag) =	ssettag $0x0;
	lr =	simm.s32 $0x1  }
0x2: {  	[smem:$0x3F96] =	sst lr;
	_ =	strace $0xD0000000  }
0x3: {  	_ = 	snop  }
0x4: {  	_ = 	snop  }
0x5: {  	_ = 	snop  }
0x6: {  	_ = 	snop  }
0x7: {  	_ = 	snop  }
__scs_overlays_trampoline_lowered:
0x8: {  	[smem:$0x3FA5] =	sst s0  }
0x9: {  	[smem:$0x3FA6] =	sst s1  }
0xa: {  	[smem:$0x3FA7] =	sst s2  }
0xb: {  	[smem:$0x3FA8] =	sst s3  }
0xc: {  	[smem:$0x3FA9] =	sst s4  }
0xd: {  	[smem:$0x3FAA] =	sst s5  }
0xe: {  	[smem:$0x3FAB] =	sst s6  }
0xf: {  	[smem:$0x3FAC] =	sst s7  }
0x10: {  	[smem:$0x3FAD] =	sst s8  }
0x11: {  	[smem:$0x3FAE] =	sst s9;
	s0 =	simm.s32 @!p0 $0x0  }
0x12: {  	s1 =	sld [smem:$0x3F94];
	s0 =	simm.s32 @p0 $0x1  }
0x13: {  	[smem:$0x3FAF] =	sst s0;
	s0 =	simm.s32 @!p1 $0x0  }
0x14: {  	s2 =	sld [smem:$0x3F93];
	s0 =	simm.s32 @p1 $0x1  }
0x15: {  	[smem:$0x3FB0] =	sst s0;
	s0 =	simm.s32 @!p2 $0x0  }
0x16: {  	s3 =	sld [smem:$0x3FDB];
	s0 =	simm.s32 @p2 $0x1  }
0x17: {  	s4 =	simm.s32 $0x1BF5;
	[smem:$0x3FB2] =	sst s0  }
0x18: {  	s0 =	sld [smem:$0x3F95];
	_ =	swait.ge [sflag:s4], $0x0  }
0x19: {  	s7 =	sld [smem:$0x3F96]  }
0x1a: {  	s8 =	sadd.s32 $0xFFFFE003, lr  }
0x1b: {  	s9 =	sadd.s32 $0xFFFFFEF7, lr;
	s5 =	simm.s32 $0xFFFFFFFF;
	p2 =	slt.u32 s8, $0xFFFFF086  }
0x1c: {  	p1 =	slt.u32 s9, $0xF7A;
	s5 =	simm.s32 @!p2 $0x0  }
0x1d: {  	s5 =	simm.s32 @p1 $0x1;
	p0 =	seq.s32 s7, s2  }
0x1e: {  	s7 =	smul.u32 @!p0 $0xF7A, s2;
	p2 =	seq.s32 @!p0 s5, $0x0  }
0x1f: {  	s9 =	smul.u32 $0xF7A, s1;
	s8 =	simm.s32 @!p0 $0x1BF5;
	p2 =	por !p2, p0  }
0x20: {  	[sflag:s8] =	ssyncset.s32 @!p0 $0xFFFFF086;
	s6 =	sadd.s32 @!p0 s3, s7;
	s7 =	simm.s32 @!p0 $0x108  }
0x21: {  	s3 =	sadd.s32 s3, s9;
	s6 =	sadd.s32 @!p0 $0x88, s6;
	s7 =	simm.s32 @p2 $0x1082  }
0x22: {  	[simem:s7], [sflag:s8] =	dma.local @!p0 [hbm:s6], $0xF7A  }
0x23: {  	s9 =	sor.u32 $0xD0000000, s2;
	s6 =	simm.s32 $0x108;
	_ =	swait.ge @!p0 [sflag:s8], $0x0  }
0x24: {  	s3 =	sadd.s32 $0x88, s3;
	s6 =	simm.s32 @!p1 $0x1082;
	[sflag:s4] =	ssyncset.s32 $0xFFFFF086  }
0x25: {  	[simem:s6], [sflag:s4] =	dma.local [hbm:s3], $0xF7A  }
0x26: {  	[smem:$0x3F96] =	sst s1;
	(tag) =	ssettag s2;
	_ =	strace s9  }
0x27: {  	s1 =	sld [smem:$0x3FA6]  }
0x28: {  	s2 =	sld [smem:$0x3FA7]  }
0x29: {  	s4 =	sld [smem:$0x3FA9]  }
0x2a: {  	p0 =	seq.s32 s5, $0x0;
	s5 =	sld [smem:$0x3FAA]  }
0x2b: {  	s6 =	sld [smem:$0x3FAB]  }
0x2c: {  	s7 =	sld [smem:$0x3FAC]  }
0x2d: {  	s3 =	simm.s32 $0x108;
	s8 =	sld [smem:$0x3FAD]  }
0x2e: {  	s3 =	simm.s32 @!p0 $0x1082;
	s9 =	sld [smem:$0x3FAE]  }
0x2f: {  	lr =	sadd.s32 s0, s3;
	s0 =	sld [smem:$0x3FA5]  }
0x30: {  	s3 =	sld [smem:$0x3FA8]  }
0x31: {  	[smem:$0x3FB1] =	sst s10  }
0x32: {  	s10 =	sld [smem:$0x3FAF];
	_ =	sdelay $0x3  }
0x33: {  	p0 =	seq.s32 s10, $0x1;
	s10 =	sld [smem:$0x3FB1];
	_ =	sdelay $0x3  }
0x34: {  	[smem:$0x3FB1] =	sst s10  }
0x35: {  	s10 =	sld [smem:$0x3FB0];
	_ =	sdelay $0x3  }
0x36: {  	p1 =	seq.s32 s10, $0x1;
	s10 =	sld [smem:$0x3FB1];
	_ =	sdelay $0x3  }
0x37: {  	[smem:$0x3FB1] =	sst s10  }
0x38: {  	s10 =	sld [smem:$0x3FB2]  }
0x39: {  	_ = 	snop;
	(pc) =	sbr.ind lr, $3  }
0x3a: {  	_ = 	snop  }
0x3b: {  	_ = 	snop  }
0x3c: {  	p2 =	seq.s32 s10, $0x1;
	s10 =	sld [smem:$0x3FB1]  }
0x3d: {  	_ =	shalt  }
0x3e: {  	_ =	shalt  }
0x3f: {  	_ =	shalt  }
0x40: {  	_ =	shalt  }
0x41: {  	_ =	shalt  }
0x42: {  	_ =	shalt  }
0x43: {  	_ =	shalt  }
0x44: {  	_ =	shalt  }
0x45: {  	_ =	shalt  }
0x46: {  	_ =	shalt  }
0x47: {  	_ =	shalt  }
0x48: {  	_ =	shalt  }
0x49: {  	_ =	shalt  }
0x4a: {  	_ =	shalt  }
0x4b: {  	_ =	shalt  }
0x4c: {  	_ =	shalt  }
0x4d: {  	_ =	shalt  }
0x4e: {  	_ =	shalt  }
0x4f: {  	_ =	shalt  }
0x50: {  	_ =	shalt  }
0x51: {  	_ =	shalt  }
0x52: {  	_ =	shalt  }
0x53: {  	_ =	shalt  }
0x54: {  	_ =	shalt  }
0x55: {  	_ =	shalt  }
0x56: {  	_ =	shalt  }
0x57: {  	_ =	shalt  }
0x58: {  	_ =	shalt  }
0x59: {  	_ =	shalt  }
0x5a: {  	_ =	shalt  }
0x5b: {  	_ =	shalt  }
0x5c: {  	_ =	shalt  }
0x5d: {  	_ =	shalt  }
0x5e: {  	_ =	shalt  }
0x5f: {  	_ =	shalt  }
0x60: {  	_ =	shalt  }
0x61: {  	_ =	shalt  }
0x62: {  	_ =	shalt  }
0x63: {  	_ =	shalt  }
0x64: {  	_ =	shalt  }
0x65: {  	_ =	shalt  }
0x66: {  	_ =	shalt  }
0x67: {  	_ =	shalt  }
0x68: {  	_ =	shalt  }
0x69: {  	_ =	shalt  }
0x6a: {  	_ =	shalt  }
0x6b: {  	_ =	shalt  }
0x6c: {  	_ =	shalt  }
0x6d: {  	_ =	shalt  }
0x6e: {  	_ =	shalt  }
0x6f: {  	_ =	shalt  }
0x70: {  	_ =	shalt  }
0x71: {  	_ =	shalt  }
0x72: {  	_ =	shalt  }
0x73: {  	_ =	shalt  }
0x74: {  	_ =	shalt  }
0x75: {  	_ =	shalt  }
0x76: {  	_ =	shalt  }
0x77: {  	_ =	shalt  }
0x78: {  	_ =	shalt  }
0x79: {  	_ =	shalt  }
0x7a: {  	_ =	shalt  }
0x7b: {  	_ =	shalt  }
0x7c: {  	_ =	shalt  }
0x7d: {  	_ =	shalt  }
0x7e: {  	_ =	shalt  }
0x7f: {  	_ =	shalt  }
0x80: {  	_ =	shalt  }
0x81: {  	_ =	shalt  }
0x82: {  	_ =	shalt  }
0x83: {  	_ =	shalt  }
0x84: {  	_ =	shalt  }
0x85: {  	_ =	shalt  }
0x86: {  	_ =	shalt  }
0x87: {  	_ =	shalt  }
.Lfunc_end0:
.L_simem_size_0:
called_computation_lowered:
.L_overlay_start_0:
0x88: {  	s2 =	sld [smem:$0x3FD9]  }
0x89: {  	s3 =	sld [smem:$0x3FFE];
	_ =	sdelay $0x1  }
0x8a: {  	s1 =	srdreg.scid  }
0x8b: {  	s0 =	sand.u32 $0x1, s1  }
0x8c: {  	s16 =	sshll.u32 s0, $0xA;
	s2 =	sadd.s32 s3, s2  }
0x8d: {  	s2 =	sadd.s32 s2, s16  }
0x8e: {  	[smem:$0x3FBD] =	sst s2  }
0x8f: {  	_ = 	snop  }
0x90: {  	(tm) =	ssettm $0x1  }
0x91: {  	s17 =	sld [smem:$0x3FFB];
	_ =	sdelay $0x3  }
0x92: {  	_ =	strace s17  }
0x93: {  	s2 =	sld [smem:$0x3FFC];
	_ =	sdelay $0x3  }
0x94: {  	_ =	strace s2  }
0x95: {  	s2 =	sld [smem:$0x3FFD];
	_ =	sdelay $0x3  }
0x96: {  	_ =	strace s2  }
0x97: {  	_ =	strace $0x8FFFFFFF  }
0x98: {  	s18 =	sld [smem:$0x3FDB];
	_ =	sdelay $0x1  }
0x99: {  	s19 =	simm.s32 $_scs_section_size  }
0x9a: {  	s4 =	simm.s32 $_size__tile_overlayer_lowered;
	s5 =	simm.s32 $_tile_overlayer_lowered  }
0x9b: {  	s22 =	simm.s32 $0x1BFF;
	s21 =	sshll.u32 s5, $0x1;
	s2 =	sadd.s32 s19, s18  }
0x9c: {  	s6 =	simm.s32 $0x0;
	s20 =	sshll.u32 s4, $0x1;
	s4 =	sadd.s32 s21, s2  }
0x9d: {  	[timem:s6], [sflag:s22] =	dma.local [hbm:s4], s20  }
0x9e: {  	_ =	swait.ge [sflag:s22], s20  }
0x9f: {  	s3 =	ssub.s32 $0x0, s20;
	[sflag:s22] =	ssyncset.done $0x0  }
0xa0: {  	[sflag:s22] =	ssyncadd.s32 s3;
	_ =	sdelay $0x1  }
0xa1: {  	s23 =	simm.s32 $0x1B8B  }
0xa2: {  	_ =	swait.ge [sflag:s23], $0x1  }
0xa3: {  	[sflag:s23] =	ssyncset.done $0x0  }
0xa4: {  	s25 =	simm.s32 $0x1B8E;
	s24 =	sld [smem:$0x3FFE];
	[sflag:s23] =	ssyncadd.s32 $0xFFFFFFFF  }
0xa5: {  	s26 =	simm.s32 $execute0_lowered;
	[smem:$0x3FD2] =	sst s25  }
0xa6: {  	s4 =	sshll.u32 s26, $0x1;
	_ =	strace $0x80000046;
	[dreg:$0x1] =	wrdreg $0xFFFFFFFF  }
0xa7: {  	s28 =	simm.s32 $_size_execute0_lowered;
	s2 =	sadd.s32 s2, s4;
	[dreg:$0x0] =	wrdreg $0x0  }
0xa8: {  	s4 =	sshll.u32 s28, $0x1;
	[dreg:$0x2] =	wrdreg s2  }
0xa9: {  	[dreg:$0x3] =	wrdreg s4  }
0xaa: {  	[dreg:$0x4] =	wrdreg $0xC0  }
0xab: {  	_ =	task [dreg:s6], $0x5FFFF  }
0xac: {  	[dreg:$0x1] =	wrdreg $0xFFFFFFFF  }
0xad: {  	[dreg:$0x0] =	wrdreg $0x60  }
0xae: {  	[dreg:$0x2] =	wrdreg s24  }
0xaf: {  	[dreg:$0x3] =	wrdreg $0x0  }
0xb0: {  	[dreg:$0x4] =	wrdreg $0x9  }
0xb1: {  	_ =	task.clear_ibuf [dreg:s6], $0x5FFFF;
	_ =	strace $0x90000046  }
0xb2: {  	s29 =	simm.s32 $0x9;
	_ =	strace $0x80000048  }
0xb3: {  	_ =	swait.ge [sflag:s29], $0x1  }
0xb4: {  	[sflag:s29] =	ssyncadd.s32 $0xFFFFFFFF  }
0xb5: {  	_ =	strace $0x90000048  }
0xb6: {  	_ =	sfence  }
0xb7: {  	s30 =	sld [smem:$0x0];
	_ =	sdelay $0x2  }
0xb8: {  	s31 =	sshll.u32 s1, $0xD;
	s1 =	sshrl.u32 s1, $0x2  }
0xb9: {  	s3 =	sand.u32 $0x4000, s31;
	s1 =	sadd.s32 s1, s30  }
0xba: {  	s0 =	sor.u32 s3, s0;
	s1 =	sshll.u32 s1, $0x11  }
0xbb: {  	s0 =	sor.u32 s1, s0  }
0xbc: {  	s0 =	sadd.s32 $0x8F2B, s0  }
0xbd: {  	[sflag:s0] =	ssyncadd.remote.s32 $0x1  }
0xbe: {  	_ =	sfence.sel $0xFFFF  }
0xbf: {  	[dreg:$0x0] =	wrdreg $0xFFFFFFFF;
	(pc) =	sbr.abs _section_cstart, $3  }
0xc0: {  	[dreg:$0x1] =	wrdreg $0xFFFFFFFF  }
0xc1: {  	_ =	task.clear_ibuf [dreg:s6], $0x2FFFF;
	_ =	strace $0x9FFFFFFF  }
0xc2: {  	(tm) =	ssettm $0x7FFFFFFF  }
0xc3: {  	_ =	shalt  }
tec
execute0_lowered:
.L_overlay_start_1:
0x0: {  	(tag) =	ssettag $0x1  }
0x1: {  	s0 =	rddreg [dreg:$0x0]  }
0x2: {  	s2 =	rddreg [dreg:$0x1];
	s10 =	stileid.u32  }
0x3: {  	s4 =	srdreg.scid;
	s3 =	simm.s32 $0x0;
	s21 =	simm.s32 $0xC880  }
0x4: {  	s22 =	simm.s32 $0xC900;
	s24 =	simm.s32 $0xC980;
	s26 =	simm.s32 $0xCA00  }
0x5: {  	s11 =	simm.s32 $0xCB80;
	s12 =	simm.s32 $0xCC00;
	s13 =	simm.s32 $0xCC80  }
0x6: {  	s14 =	simm.s32 $0xCD00;
	s15 =	simm.s32 $0xCD80;
	[smem:$0x7FF] =	sst s3  }
0x7: {  	s16 =	simm.s32 $0xCE00;
	_ =	strace $0x80000047;
	[dreg:$0x5] =	wrdreg s21  }
0x8: {  	s17 =	simm.s32 $0xCE80;
	s18 =	simm.s32 $0xCF80;
	[dreg:$0x6] =	wrdreg s22  }
0x9: {  	s28 =	simm.s32 $0x10A00;
	s29 =	simm.s32 $0x1;
	[dreg:$0x7] =	wrdreg s24  }
0xa: {  	s30 =	simm.s32 $0xD400;
	s1 =	smul.u32 $0x6200, s10;
	[dreg:$0x8] =	wrdreg s26  }
0xb: {  	s31 =	simm.s32 $0xD480;
	s5 =	smul.u32 $0xC800, s10;
	[dreg:$0xb] =	wrdreg s11  }
0xc: {  	s6 =	sand.u32 $0x1, s4;
	s4 =	sadd.s32 $0x3400, s0;
	[dreg:$0xc] =	wrdreg s12  }
0xd: {  	s25 =	sshll.u32 s10, $0x6;
	s7 =	smul.u32 $0xC8000, s6;
	[dreg:$0xd] =	wrdreg s13  }
0xe: {  	s8 =	smul.u32 $0x3100, s6;
	s6 =	ssub.s32 $0x2, s6;
	[dreg:$0xe] =	wrdreg s14  }
0xf: {  	s11 =	simm.s32 $0xC800;
	s12 =	simm.s32 $0xCF00;
	[dreg:$0xf] =	wrdreg s15  }
0x10: {  	s13 =	simm.s32 $0x80;
	s14 =	simm.s32 $0xD600;
	[dreg:$0x10] =	wrdreg s16  }
0x11: {  	s15 =	simm.s32 $0xDA00;
	[dreg:$0x11] =	wrdreg s17;
	s16 =	simm.s32 $0xDE00  }
0x12: {  	[dreg:$0x12] =	wrdreg s18;
	s17 =	simm.s32 $0xE200;
	s18 =	simm.s32 $0xE600  }
0x13: {  	s21 =	simm.s32 $0xD100;
	s22 =	simm.s32 $0xD180;
	s24 =	simm.s32 $0xD280  }
0x14: {  	s26 =	simm.s32 $0xD380;
	s1 =	sadd.s32 s1, s0;
	[dreg:$0x15] =	wrdreg s21  }
0x15: {  	s9 =	sshrl.u32 s5, $0x3;
	s20 =	sshrl.u32 s6, $0x1;
	[dreg:$0x16] =	wrdreg s22  }
0x16: {  	s21 =	simm.s32 $0xF200;
	s22 =	simm.s32 $0xF600;
	[dreg:$0x18] =	wrdreg s24  }
0x17: {  	s24 =	simm.s32 $0xFE00;
	[dreg:$0x1a] =	wrdreg s26;
	s26 =	simm.s32 $0x10600  }
0x18: {  	s7 =	sadd.s32 s5, s7;
	s1 =	sadd.s32 s8, s1;
	s8 =	simm.s32 $0xCA80  }
0x19: {  	s6 =	ssub.s32 s6, s20;
	s20 =	simm.s32 $0xD080;
	[dreg:$0x9] =	wrdreg s8  }
0x1a: {  	s9 =	sadd.s32 s9, s0;
	s19 =	sadd.s32 $0x1C400, s1;
	[dreg:$0x14] =	wrdreg s20  }
0x1b: {  	s5 =	sadd.s32 s5, s2;
	s1 =	sadd.s32 $0x7E400, s1;
	[dreg:$0x3] =	wrdreg s19  }
0x1c: {  	s7 =	sshrl.u32 s7, $0x3;
	s23 =	sadd.s32 $0xE0400, s9;
	[dreg:$0x4] =	wrdreg s1  }
0x1d: {  	s9 =	simm.s32 $0xCB00;
	s10 =	smax.u32 s6, $0x1;
	[dreg:$0x1b] =	wrdreg s23  }
0x1e: {  	s8 =	sshrl.u32 s5, $0x3;
	s20 =	simm.s32 $0xEE00;
	[dreg:$0x1e] =	wrdreg s10  }
0x1f: {  	s5 =	simm.s32 $0x2;
	s0 =	sadd.s32 s7, s0;
	[dreg:$0xa] =	wrdreg s9  }
0x20: {  	s7 =	sor.u32 $0x1C03, s25;
	s19 =	simm.s32 $0xD000;
	[dreg:$0x1f] =	wrdreg s8  }
0x21: {  	s10 =	simm.s32 $0x3;
	s23 =	simm.s32 $0xD200;
	[dreg:$0x13] =	wrdreg s19  }
0x22: {  	s25 =	simm.s32 $0xD300;
	s1 =	simm.s32 $0xD580;
	[dreg:$0x17] =	wrdreg s23  }
0x23: {  	s9 =	simm.s32 $0x0;
	s0 =	sadd.s32 $0xF9400, s0;
	[dreg:$0x19] =	wrdreg s25  }
0x24: {  	s19 =	simm.s32 $0xEA00;
	s23 =	simm.s32 $0xFA00;
	[dreg:$0x1c] =	wrdreg s7  }
0x25: {  	s25 =	simm.s32 $0x10200;
	[dreg:$0x1d] =	wrdreg s0;
	s0 =	simm.s32 $0xD500  }
.LBB2_1:
0x26: {  	[smem:$0x7FD] =	sst s9  }
0x27: {  	s6 =	rddreg [dreg:$0x1b]  }
0x28: {  	[spmem:s8], [sflag:s7] =	dma.local [hbm:s6], $0x1900  }
0x29: {  	_ =	swait.ge [sflag:s10], $0x1900  }
0x2a: {  	[sflag:s10] =	ssyncset.done $0x0  }
0x2b: {  	[sflag:s10] =	ssyncadd.s32 $0xFFFFE700  }
0x2c: {  	[bflag:$0x0] =	sbarrier.arrive $0xFFFF  }
0x2d: {  	s9 =	rddreg [dreg:$0x4]  }
0x2e: {  	s6 =	sadd.s32 $0x0, s9  }
0x2f: {  	[tilespmem:s11], [sflag:$0x3] =	stream.linear.gather [hbm4b:s6+s3], $0x700, $0x38;
	[tilespmem:$0x10E00] =	vst v63  }
0x30: {  	_ =	swait.ge [sflag:s10], $0x700  }
0x31: {  	s7 =	rddreg [dreg:$0x3];
	[sflag:s10] =	ssyncset.done $0x0  }
0x32: {  	[sflag:s10] =	ssyncadd.s32 $0xFFFFF900;
	s6 =	sadd.s32 $0x0, s7  }
0x33: {  	[tilespmem:s12], [sflag:$0x3] =	stream.linear.gather [hbm4b:s6+s3], $0x700, $0x38;
	[tilespmem:$0x10E00] =	vst v63  }
0x34: {  	_ =	swait.ge [sflag:s10], $0x700  }
0x35: {  	[sflag:s10] =	ssyncset.done $0x0  }
0x36: {  	[sflag:s10] =	ssyncadd.s32 $0xFFFFF900  }
0x37: {  	[tilespmem:s14], [sflag:$0x1] =	stream.indirect.gather [hbm4b:s4+s13], $0x8, s11, s13, $0xb8;
	[tilespmem:$0x10E00] =	vst v63  }
0x38: {  	s8 =	rddreg [dreg:$0x5]  }
0x39: {  	[tilespmem:s15], [sflag:$0x1] =	stream.indirect.gather [hbm4b:s4+s13], $0x8, s8, s13, $0xb8;
	[tilespmem:$0x10E00] =	vst v63  }
0x3a: {  	s9 =	rddreg [dreg:$0x6]  }
0x3b: {  	[tilespmem:s16], [sflag:$0x1] =	stream.indirect.gather [hbm4b:s4+s13], $0x8, s9, s13, $0xb8;
	[tilespmem:$0x10E00] =	vst v63  }
0x3c: {  	s7 =	rddreg [dreg:$0x7]  }
0x3d: {  	[tilespmem:s17], [sflag:$0x1] =	stream.indirect.gather [hbm4b:s4+s13], $0x8, s7, s13, $0xb8;
	[tilespmem:$0x10E00] =	vst v63  }
0x3e: {  	s9 =	rddreg [dreg:$0x8]  }
0x3f: {  	[tilespmem:s18], [sflag:$0x1] =	stream.indirect.gather [hbm4b:s4+s13], $0x8, s9, s13, $0xb8;
	[tilespmem:$0x10E00] =	vst v63  }
0x40: {  	s7 =	rddreg [dreg:$0x9]  }
0x41: {  	[tilespmem:s19], [sflag:$0x1] =	stream.indirect.gather [hbm4b:s4+s13], $0x8, s7, s13, $0xb8;
	[tilespmem:$0x10E00] =	vst v63  }
0x42: {  	s9 =	rddreg [dreg:$0xa]  }
0x43: {  	[tilespmem:s20], [sflag:$0x1] =	stream.indirect.gather [hbm4b:s4+s13], $0x8, s9, s13, $0xb8;
	[tilespmem:$0x10E00] =	vst v63  }
0x44: {  	s7 =	rddreg [dreg:$0xb]  }
0x45: {  	[tilespmem:s21], [sflag:$0x1] =	stream.indirect.gather [hbm4b:s4+s13], $0x8, s7, s13, $0xb8;
	[tilespmem:$0x10E00] =	vst v63  }
0x46: {  	s9 =	rddreg [dreg:$0xc]  }
0x47: {  	[tilespmem:s22], [sflag:$0x1] =	stream.indirect.gather [hbm4b:s4+s13], $0x8, s9, s13, $0xb8;
	[tilespmem:$0x10E00] =	vst v63  }
0x48: {  	s7 =	rddreg [dreg:$0xd]  }
0x49: {  	[tilespmem:s23], [sflag:$0x1] =	stream.indirect.gather [hbm4b:s4+s13], $0x8, s7, s13, $0xb8;
	[tilespmem:$0x10E00] =	vst v63  }
0x4a: {  	s9 =	rddreg [dreg:$0xe]  }
0x4b: {  	[tilespmem:s24], [sflag:$0x1] =	stream.indirect.gather [hbm4b:s4+s13], $0x8, s9, s13, $0xb8;
	[tilespmem:$0x10E00] =	vst v63  }
0x4c: {  	s7 =	rddreg [dreg:$0xf]  }
0x4d: {  	[tilespmem:s25], [sflag:$0x1] =	stream.indirect.gather [hbm4b:s4+s13], $0x8, s7, s13, $0xb8;
	[tilespmem:$0x10E00] =	vst v63  }
0x4e: {  	s9 =	rddreg [dreg:$0x10]  }
0x4f: {  	[tilespmem:s26], [sflag:$0x1] =	stream.indirect.gather [hbm4b:s4+s13], $0x8, s9, s13, $0xb8;
	[tilespmem:$0x10E00] =	vst v63  }
0x50: {  	s7 =	rddreg [dreg:$0x11]  }
0x51: {  	[tilespmem:s28], [sflag:$0x1] =	stream.indirect.gather [hbm4b:s4+s13], $0x8, s7, s13, $0xb8;
	[tilespmem:$0x10E00] =	vst v63  }
0x52: {  	_ =	swait.ge [sflag:s29], $0x400  }
0x53: {  	[sflag:s29] =	ssyncset.done $0x0  }
0x54: {  	[sflag:s29] =	ssyncadd.s32 $0xFFFFFC00  }
0x55: {  	_ =	swait.ge [sflag:s29], $0x400  }
0x56: {  	[sflag:s29] =	ssyncset.done $0x0  }
0x57: {  	[sflag:s29] =	ssyncadd.s32 $0xFFFFFC00  }
0x58: {  	_ =	swait.ge [sflag:s29], $0x400  }
0x59: {  	[sflag:s29] =	ssyncset.done $0x0  }
0x5a: {  	[sflag:s29] =	ssyncadd.s32 $0xFFFFFC00  }
0x5b: {  	_ =	swait.ge [sflag:s29], $0x400  }
0x5c: {  	[sflag:s29] =	ssyncset.done $0x0  }
0x5d: {  	[sflag:s29] =	ssyncadd.s32 $0xFFFFFC00  }
0x5e: {  	_ =	swait.ge [sflag:s29], $0x400  }
0x5f: {  	[sflag:s29] =	ssyncset.done $0x0  }
0x60: {  	[sflag:s29] =	ssyncadd.s32 $0xFFFFFC00  }
0x61: {  	_ =	swait.ge [sflag:s29], $0x400  }
0x62: {  	[sflag:s29] =	ssyncset.done $0x0  }
0x63: {  	[sflag:s29] =	ssyncadd.s32 $0xFFFFFC00  }
0x64: {  	_ =	swait.ge [sflag:s29], $0x400  }
0x65: {  	[sflag:s29] =	ssyncset.done $0x0  }
0x66: {  	[sflag:s29] =	ssyncadd.s32 $0xFFFFFC00  }
0x67: {  	[spmem:s2] =	stream.indirect.scatter.add.f32 [tilespmem:s14], [sflag:$0x2], $0x8, s12, s13, $0xb8;
	[tilespmem:$0x10E00] =	vst v63  }
0x68: {  	s9 =	rddreg [dreg:$0x12]  }
0x69: {  	[spmem:s2] =	stream.indirect.scatter.add.f32 [tilespmem:s15], [sflag:$0x2], $0x8, s9, s13, $0xb8;
	[tilespmem:$0x10E00] =	vst v63  }
0x6a: {  	s7 =	rddreg [dreg:$0x13]  }
0x6b: {  	[spmem:s2] =	stream.indirect.scatter.add.f32 [tilespmem:s16], [sflag:$0x2], $0x8, s7, s13, $0xb8;
	[tilespmem:$0x10E00] =	vst v63  }
0x6c: {  	s9 =	rddreg [dreg:$0x14]  }
0x6d: {  	[spmem:s2] =	stream.indirect.scatter.add.f32 [tilespmem:s17], [sflag:$0x2], $0x8, s9, s13, $0xb8;
	[tilespmem:$0x10E00] =	vst v63  }
0x6e: {  	s7 =	rddreg [dreg:$0x15]  }
0x6f: {  	[spmem:s2] =	stream.indirect.scatter.add.f32 [tilespmem:s18], [sflag:$0x2], $0x8, s7, s13, $0xb8;
	[tilespmem:$0x10E00] =	vst v63  }
0x70: {  	s9 =	rddreg [dreg:$0x16]  }
0x71: {  	[spmem:s2] =	stream.indirect.scatter.add.f32 [tilespmem:s19], [sflag:$0x2], $0x8, s9, s13, $0xb8;
	[tilespmem:$0x10E00] =	vst v63  }
0x72: {  	s7 =	rddreg [dreg:$0x17]  }
0x73: {  	[spmem:s2] =	stream.indirect.scatter.add.f32 [tilespmem:s20], [sflag:$0x2], $0x8, s7, s13, $0xb8;
	[tilespmem:$0x10E00] =	vst v63  }
0x74: {  	_ =	swait.ge [sflag:s29], $0x400  }
0x75: {  	[sflag:s29] =	ssyncset.done $0x0  }
0x76: {  	[sflag:s29] =	ssyncadd.s32 $0xFFFFFC00  }
0x77: {  	_ =	swait.ge [sflag:s29], $0x400  }
0x78: {  	[sflag:s29] =	ssyncset.done $0x0  }
0x79: {  	[sflag:s29] =	ssyncadd.s32 $0xFFFFFC00  }
0x7a: {  	_ =	swait.ge [sflag:s29], $0x400  }
0x7b: {  	[sflag:s29] =	ssyncset.done $0x0  }
0x7c: {  	[sflag:s29] =	ssyncadd.s32 $0xFFFFFC00  }
0x7d: {  	_ =	swait.ge [sflag:s29], $0x400  }
0x7e: {  	[sflag:s29] =	ssyncset.done $0x0  }
0x7f: {  	[sflag:s29] =	ssyncadd.s32 $0xFFFFFC00  }
0x80: {  	_ =	swait.ge [sflag:s29], $0x400  }
0x81: {  	[sflag:s29] =	ssyncset.done $0x0  }
0x82: {  	[sflag:s29] =	ssyncadd.s32 $0xFFFFFC00  }
0x83: {  	_ =	swait.ge [sflag:s29], $0x400  }
0x84: {  	[sflag:s29] =	ssyncset.done $0x0  }
0x85: {  	[sflag:s29] =	ssyncadd.s32 $0xFFFFFC00  }
0x86: {  	_ =	swait.ge [sflag:s29], $0x400  }
0x87: {  	[sflag:s29] =	ssyncset.done $0x0  }
0x88: {  	s9 =	rddreg [dreg:$0x18];
	[sflag:s29] =	ssyncadd.s32 $0xFFFFFC00  }
0x89: {  	[spmem:s2] =	stream.indirect.scatter.add.f32 [tilespmem:s21], [sflag:$0x2], $0x8, s9, s13, $0xb8;
	[tilespmem:$0x10E00] =	vst v63  }
0x8a: {  	s7 =	rddreg [dreg:$0x19]  }
0x8b: {  	[spmem:s2] =	stream.indirect.scatter.add.f32 [tilespmem:s22], [sflag:$0x2], $0x8, s7, s13, $0xb8;
	[tilespmem:$0x10E00] =	vst v63  }
0x8c: {  	s9 =	rddreg [dreg:$0x1a]  }
0x8d: {  	[spmem:s2] =	stream.indirect.scatter.add.f32 [tilespmem:s23], [sflag:$0x2], $0x8, s9, s13, $0xb8;
	[tilespmem:$0x10E00] =	vst v63  }
0x8e: {  	_ = 	snop  }
0x8f: {  	[spmem:s2] =	stream.indirect.scatter.add.f32 [tilespmem:s24], [sflag:$0x2], $0x8, s30, s13, $0xb8;
	[tilespmem:$0x10E00] =	vst v63  }
0x90: {  	_ = 	snop  }
0x91: {  	[spmem:s2] =	stream.indirect.scatter.add.f32 [tilespmem:s25], [sflag:$0x2], $0x8, s31, s13, $0xb8;
	[tilespmem:$0x10E00] =	vst v63  }
0x92: {  	_ = 	snop  }
0x93: {  	[spmem:s2] =	stream.indirect.scatter.add.f32 [tilespmem:s26], [sflag:$0x2], $0x8, s0, s13, $0xb8;
	[tilespmem:$0x10E00] =	vst v63  }
0x94: {  	_ = 	snop  }
0x95: {  	[spmem:s2] =	stream.indirect.scatter.add.f32 [tilespmem:s28], [sflag:$0x2], $0x8, s1, s13, $0xb8;
	[tilespmem:$0x10E00] =	vst v63  }
0x96: {  	_ =	swait.ge [sflag:s5], $0x400  }
0x97: {  	[sflag:s5] =	ssyncset.done $0x0  }
0x98: {  	[sflag:s5] =	ssyncadd.s32 $0xFFFFFC00  }
0x99: {  	_ =	swait.ge [sflag:s5], $0x400  }
0x9a: {  	[sflag:s5] =	ssyncset.done $0x0  }
0x9b: {  	[sflag:s5] =	ssyncadd.s32 $0xFFFFFC00  }
0x9c: {  	_ =	swait.ge [sflag:s5], $0x400  }
0x9d: {  	[sflag:s5] =	ssyncset.done $0x0  }
0x9e: {  	[sflag:s5] =	ssyncadd.s32 $0xFFFFFC00  }
0x9f: {  	_ =	swait.ge [sflag:s5], $0x400  }
0xa0: {  	[sflag:s5] =	ssyncset.done $0x0  }
0xa1: {  	[sflag:s5] =	ssyncadd.s32 $0xFFFFFC00  }
0xa2: {  	_ =	swait.ge [sflag:s5], $0x400  }
0xa3: {  	[sflag:s5] =	ssyncset.done $0x0  }
0xa4: {  	[sflag:s5] =	ssyncadd.s32 $0xFFFFFC00  }
0xa5: {  	_ =	swait.ge [sflag:s5], $0x400  }
0xa6: {  	[sflag:s5] =	ssyncset.done $0x0  }
0xa7: {  	[sflag:s5] =	ssyncadd.s32 $0xFFFFFC00  }
0xa8: {  	_ =	swait.ge [sflag:s5], $0x400  }
0xa9: {  	[sflag:s5] =	ssyncset.done $0x0  }
0xaa: {  	[sflag:s5] =	ssyncadd.s32 $0xFFFFFC00  }
0xab: {  	_ =	swait.ge [sflag:s5], $0x400  }
0xac: {  	[sflag:s5] =	ssyncset.done $0x0  }
0xad: {  	[sflag:s5] =	ssyncadd.s32 $0xFFFFFC00  }
0xae: {  	_ =	swait.ge [sflag:s5], $0x400  }
0xaf: {  	[sflag:s5] =	ssyncset.done $0x0  }
0xb0: {  	[sflag:s5] =	ssyncadd.s32 $0xFFFFFC00  }
0xb1: {  	_ =	swait.ge [sflag:s5], $0x400  }
0xb2: {  	[sflag:s5] =	ssyncset.done $0x0  }
0xb3: {  	[sflag:s5] =	ssyncadd.s32 $0xFFFFFC00  }
0xb4: {  	_ =	swait.ge [sflag:s5], $0x400  }
0xb5: {  	[sflag:s5] =	ssyncset.done $0x0  }
0xb6: {  	[sflag:s5] =	ssyncadd.s32 $0xFFFFFC00  }
0xb7: {  	_ =	swait.ge [sflag:s5], $0x400  }
0xb8: {  	[sflag:s5] =	ssyncset.done $0x0  }
0xb9: {  	[sflag:s5] =	ssyncadd.s32 $0xFFFFFC00  }
0xba: {  	_ =	swait.ge [sflag:s5], $0x400  }
0xbb: {  	[sflag:s5] =	ssyncset.done $0x0  }
0xbc: {  	[sflag:s5] =	ssyncadd.s32 $0xFFFFFC00  }
0xbd: {  	s6 =	simm.s32 $0x1C0;
	_ =	swait.ge [sflag:s5], $0x400  }
0xbe: {  	s8 =	simm.s32 $0xE0;
	s9 =	rddreg [dreg:$0x4];
	[sflag:s5] =	ssyncset.done $0x0  }
.LBB2_2:
0xbf: {  	[sflag:s5] =	ssyncadd.s32 $0xFFFFFC00;
	s9 =	sadd.s32 s8, s9  }
0xc0: {  	[tilespmem:s11], [sflag:$0x3] =	stream.linear.gather [hbm4b:s9+s3], $0x700, $0x38;
	[tilespmem:$0x10E00] =	vst v63  }
0xc1: {  	_ =	swait.ge [sflag:s10], $0x700  }
0xc2: {  	s9 =	rddreg [dreg:$0x3];
	[sflag:s10] =	ssyncset.done $0x0  }
0xc3: {  	[sflag:s10] =	ssyncadd.s32 $0xFFFFF900;
	s9 =	sadd.s32 s8, s9  }
0xc4: {  	[tilespmem:s12], [sflag:$0x3] =	stream.linear.gather [hbm4b:s9+s3], $0x700, $0x38;
	[tilespmem:$0x10E00] =	vst v63  }
0xc5: {  	_ =	swait.ge [sflag:s10], $0x700  }
0xc6: {  	[sflag:s10] =	ssyncset.done $0x0  }
0xc7: {  	s7 =	smov.u32 s6;
	[sflag:s10] =	ssyncadd.s32 $0xFFFFF900  }
0xc8: {  	[tilespmem:s14], [sflag:$0x1] =	stream.indirect.gather [hbm4b:s4+s13], $0x8, s11, s13, $0xb8;
	[tilespmem:$0x10E00] =	vst v63  }
0xc9: {  	s8 =	smov.u32 s7;
	s7 =	rddreg [dreg:$0x5]  }
0xca: {  	[tilespmem:s15], [sflag:$0x1] =	stream.indirect.gather [hbm4b:s4+s13], $0x8, s7, s13, $0xb8;
	[tilespmem:$0x10E00] =	vst v63  }
0xcb: {  	s9 =	rddreg [dreg:$0x6]  }
0xcc: {  	[tilespmem:s16], [sflag:$0x1] =	stream.indirect.gather [hbm4b:s4+s13], $0x8, s9, s13, $0xb8;
	[tilespmem:$0x10E00] =	vst v63  }
0xcd: {  	s7 =	rddreg [dreg:$0x7]  }
0xce: {  	[tilespmem:s17], [sflag:$0x1] =	stream.indirect.gather [hbm4b:s4+s13], $0x8, s7, s13, $0xb8;
	[tilespmem:$0x10E00] =	vst v63  }
0xcf: {  	s9 =	rddreg [dreg:$0x8]  }
0xd0: {  	[tilespmem:s18], [sflag:$0x1] =	stream.indirect.gather [hbm4b:s4+s13], $0x8, s9, s13, $0xb8;
	[tilespmem:$0x10E00] =	vst v63  }
0xd1: {  	s7 =	rddreg [dreg:$0x9]  }
0xd2: {  	[tilespmem:s19], [sflag:$0x1] =	stream.indirect.gather [hbm4b:s4+s13], $0x8, s7, s13, $0xb8;
	[tilespmem:$0x10E00] =	vst v63  }
0xd3: {  	s9 =	rddreg [dreg:$0xa]  }
0xd4: {  	[tilespmem:s20], [sflag:$0x1] =	stream.indirect.gather [hbm4b:s4+s13], $0x8, s9, s13, $0xb8;
	[tilespmem:$0x10E00] =	vst v63  }
0xd5: {  	s7 =	rddreg [dreg:$0xb]  }
0xd6: {  	[tilespmem:s21], [sflag:$0x1] =	stream.indirect.gather [hbm4b:s4+s13], $0x8, s7, s13, $0xb8;
	[tilespmem:$0x10E00] =	vst v63  }
0xd7: {  	s9 =	rddreg [dreg:$0xc]  }
0xd8: {  	[tilespmem:s22], [sflag:$0x1] =	stream.indirect.gather [hbm4b:s4+s13], $0x8, s9, s13, $0xb8;
	[tilespmem:$0x10E00] =	vst v63  }
0xd9: {  	s7 =	rddreg [dreg:$0xd]  }
0xda: {  	[tilespmem:s23], [sflag:$0x1] =	stream.indirect.gather [hbm4b:s4+s13], $0x8, s7, s13, $0xb8;
	[tilespmem:$0x10E00] =	vst v63  }
0xdb: {  	s9 =	rddreg [dreg:$0xe]  }
0xdc: {  	[tilespmem:s24], [sflag:$0x1] =	stream.indirect.gather [hbm4b:s4+s13], $0x8, s9, s13, $0xb8;
	[tilespmem:$0x10E00] =	vst v63  }
0xdd: {  	s7 =	rddreg [dreg:$0xf]  }
0xde: {  	[tilespmem:s25], [sflag:$0x1] =	stream.indirect.gather [hbm4b:s4+s13], $0x8, s7, s13, $0xb8;
	[tilespmem:$0x10E00] =	vst v63  }
0xdf: {  	s9 =	rddreg [dreg:$0x10]  }
0xe0: {  	[tilespmem:s26], [sflag:$0x1] =	stream.indirect.gather [hbm4b:s4+s13], $0x8, s9, s13, $0xb8;
	[tilespmem:$0x10E00] =	vst v63  }
0xe1: {  	s7 =	rddreg [dreg:$0x11]  }
0xe2: {  	[tilespmem:s28], [sflag:$0x1] =	stream.indirect.gather [hbm4b:s4+s13], $0x8, s7, s13, $0xb8;
	[tilespmem:$0x10E00] =	vst v63  }
0xe3: {  	_ =	swait.ge [sflag:s29], $0x400  }
0xe4: {  	[sflag:s29] =	ssyncset.done $0x0  }
0xe5: {  	[sflag:s29] =	ssyncadd.s32 $0xFFFFFC00  }
0xe6: {  	_ =	swait.ge [sflag:s29], $0x400  }
0xe7: {  	[sflag:s29] =	ssyncset.done $0x0  }
0xe8: {  	[sflag:s29] =	ssyncadd.s32 $0xFFFFFC00  }
0xe9: {  	_ =	swait.ge [sflag:s29], $0x400  }
0xea: {  	[sflag:s29] =	ssyncset.done $0x0  }
0xeb: {  	[sflag:s29] =	ssyncadd.s32 $0xFFFFFC00  }
0xec: {  	_ =	swait.ge [sflag:s29], $0x400  }
0xed: {  	[sflag:s29] =	ssyncset.done $0x0  }
0xee: {  	[sflag:s29] =	ssyncadd.s32 $0xFFFFFC00  }
0xef: {  	_ =	swait.ge [sflag:s29], $0x400  }
0xf0: {  	[sflag:s29] =	ssyncset.done $0x0  }
0xf1: {  	[sflag:s29] =	ssyncadd.s32 $0xFFFFFC00  }
0xf2: {  	_ =	swait.ge [sflag:s29], $0x400  }
0xf3: {  	[sflag:s29] =	ssyncset.done $0x0  }
0xf4: {  	[sflag:s29] =	ssyncadd.s32 $0xFFFFFC00  }
0xf5: {  	_ =	swait.ge [sflag:s29], $0x400  }
0xf6: {  	[sflag:s29] =	ssyncset.done $0x0  }
0xf7: {  	[sflag:s29] =	ssyncadd.s32 $0xFFFFFC00  }
0xf8: {  	[spmem:s2] =	stream.indirect.scatter.add.f32 [tilespmem:s14], [sflag:$0x2], $0x8, s12, s13, $0xb8;
	[tilespmem:$0x10E00] =	vst v63  }
0xf9: {  	s7 =	rddreg [dreg:$0x12]  }
0xfa: {  	[spmem:s2] =	stream.indirect.scatter.add.f32 [tilespmem:s15], [sflag:$0x2], $0x8, s7, s13, $0xb8;
	[tilespmem:$0x10E00] =	vst v63  }
0xfb: {  	s9 =	rddreg [dreg:$0x13]  }
0xfc: {  	[spmem:s2] =	stream.indirect.scatter.add.f32 [tilespmem:s16], [sflag:$0x2], $0x8, s9, s13, $0xb8;
	[tilespmem:$0x10E00] =	vst v63  }
0xfd: {  	s7 =	rddreg [dreg:$0x14]  }
0xfe: {  	[spmem:s2] =	stream.indirect.scatter.add.f32 [tilespmem:s17], [sflag:$0x2], $0x8, s7, s13, $0xb8;
	[tilespmem:$0x10E00] =	vst v63  }
0xff: {  	s9 =	rddreg [dreg:$0x15]  }
0x100: {  	[spmem:s2] =	stream.indirect.scatter.add.f32 [tilespmem:s18], [sflag:$0x2], $0x8, s9, s13, $0xb8;
	[tilespmem:$0x10E00] =	vst v63  }
0x101: {  	s7 =	rddreg [dreg:$0x16]  }
0x102: {  	[spmem:s2] =	stream.indirect.scatter.add.f32 [tilespmem:s19], [sflag:$0x2], $0x8, s7, s13, $0xb8;
	[tilespmem:$0x10E00] =	vst v63  }
0x103: {  	s9 =	rddreg [dreg:$0x17]  }
0x104: {  	[spmem:s2] =	stream.indirect.scatter.add.f32 [tilespmem:s20], [sflag:$0x2], $0x8, s9, s13, $0xb8;
	[tilespmem:$0x10E00] =	vst v63  }
0x105: {  	_ =	swait.ge [sflag:s29], $0x400  }
0x106: {  	[sflag:s29] =	ssyncset.done $0x0  }
0x107: {  	[sflag:s29] =	ssyncadd.s32 $0xFFFFFC00  }
0x108: {  	_ =	swait.ge [sflag:s29], $0x400  }
0x109: {  	[sflag:s29] =	ssyncset.done $0x0  }
0x10a: {  	[sflag:s29] =	ssyncadd.s32 $0xFFFFFC00  }
0x10b: {  	_ =	swait.ge [sflag:s29], $0x400  }
0x10c: {  	[sflag:s29] =	ssyncset.done $0x0  }
0x10d: {  	[sflag:s29] =	ssyncadd.s32 $0xFFFFFC00  }
0x10e: {  	_ =	swait.ge [sflag:s29], $0x400  }
0x10f: {  	[sflag:s29] =	ssyncset.done $0x0  }
0x110: {  	[sflag:s29] =	ssyncadd.s32 $0xFFFFFC00  }
0x111: {  	_ =	swait.ge [sflag:s29], $0x400  }
0x112: {  	[sflag:s29] =	ssyncset.done $0x0  }
0x113: {  	[sflag:s29] =	ssyncadd.s32 $0xFFFFFC00  }
0x114: {  	_ =	swait.ge [sflag:s29], $0x400  }
0x115: {  	[sflag:s29] =	ssyncset.done $0x0  }
0x116: {  	[sflag:s29] =	ssyncadd.s32 $0xFFFFFC00  }
0x117: {  	_ =	swait.ge [sflag:s29], $0x400  }
0x118: {  	[sflag:s29] =	ssyncset.done $0x0  }
0x119: {  	s7 =	rddreg [dreg:$0x18];
	[sflag:s29] =	ssyncadd.s32 $0xFFFFFC00  }
0x11a: {  	[spmem:s2] =	stream.indirect.scatter.add.f32 [tilespmem:s21], [sflag:$0x2], $0x8, s7, s13, $0xb8;
	[tilespmem:$0x10E00] =	vst v63  }
0x11b: {  	s9 =	rddreg [dreg:$0x19]  }
0x11c: {  	[spmem:s2] =	stream.indirect.scatter.add.f32 [tilespmem:s22], [sflag:$0x2], $0x8, s9, s13, $0xb8;
	[tilespmem:$0x10E00] =	vst v63  }
0x11d: {  	s7 =	rddreg [dreg:$0x1a]  }
0x11e: {  	[spmem:s2] =	stream.indirect.scatter.add.f32 [tilespmem:s23], [sflag:$0x2], $0x8, s7, s13, $0xb8;
	[tilespmem:$0x10E00] =	vst v63  }
0x11f: {  	_ = 	snop  }
0x120: {  	[spmem:s2] =	stream.indirect.scatter.add.f32 [tilespmem:s24], [sflag:$0x2], $0x8, s30, s13, $0xb8;
	[tilespmem:$0x10E00] =	vst v63  }
0x121: {  	_ = 	snop  }
0x122: {  	[spmem:s2] =	stream.indirect.scatter.add.f32 [tilespmem:s25], [sflag:$0x2], $0x8, s31, s13, $0xb8;
	[tilespmem:$0x10E00] =	vst v63  }
0x123: {  	_ = 	snop  }
0x124: {  	[spmem:s2] =	stream.indirect.scatter.add.f32 [tilespmem:s26], [sflag:$0x2], $0x8, s0, s13, $0xb8;
	[tilespmem:$0x10E00] =	vst v63  }
0x125: {  	_ = 	snop  }
0x126: {  	[spmem:s2] =	stream.indirect.scatter.add.f32 [tilespmem:s28], [sflag:$0x2], $0x8, s1, s13, $0xb8;
	[tilespmem:$0x10E00] =	vst v63  }
0x127: {  	_ =	swait.ge [sflag:s5], $0x400  }
0x128: {  	[sflag:s5] =	ssyncset.done $0x0  }
0x129: {  	[sflag:s5] =	ssyncadd.s32 $0xFFFFFC00  }
0x12a: {  	_ =	swait.ge [sflag:s5], $0x400  }
0x12b: {  	[sflag:s5] =	ssyncset.done $0x0  }
0x12c: {  	[sflag:s5] =	ssyncadd.s32 $0xFFFFFC00  }
0x12d: {  	_ =	swait.ge [sflag:s5], $0x400  }
0x12e: {  	[sflag:s5] =	ssyncset.done $0x0  }
0x12f: {  	[sflag:s5] =	ssyncadd.s32 $0xFFFFFC00  }
0x130: {  	_ =	swait.ge [sflag:s5], $0x400  }
0x131: {  	[sflag:s5] =	ssyncset.done $0x0  }
0x132: {  	[sflag:s5] =	ssyncadd.s32 $0xFFFFFC00  }
0x133: {  	_ =	swait.ge [sflag:s5], $0x400  }
0x134: {  	[sflag:s5] =	ssyncset.done $0x0  }
0x135: {  	[sflag:s5] =	ssyncadd.s32 $0xFFFFFC00  }
0x136: {  	_ =	swait.ge [sflag:s5], $0x400  }
0x137: {  	[sflag:s5] =	ssyncset.done $0x0  }
0x138: {  	[sflag:s5] =	ssyncadd.s32 $0xFFFFFC00  }
0x139: {  	_ =	swait.ge [sflag:s5], $0x400  }
0x13a: {  	[sflag:s5] =	ssyncset.done $0x0  }
0x13b: {  	[sflag:s5] =	ssyncadd.s32 $0xFFFFFC00  }
0x13c: {  	_ =	swait.ge [sflag:s5], $0x400  }
0x13d: {  	[sflag:s5] =	ssyncset.done $0x0  }
0x13e: {  	[sflag:s5] =	ssyncadd.s32 $0xFFFFFC00  }
0x13f: {  	_ =	swait.ge [sflag:s5], $0x400  }
0x140: {  	[sflag:s5] =	ssyncset.done $0x0  }
0x141: {  	[sflag:s5] =	ssyncadd.s32 $0xFFFFFC00  }
0x142: {  	_ =	swait.ge [sflag:s5], $0x400  }
0x143: {  	[sflag:s5] =	ssyncset.done $0x0  }
0x144: {  	[sflag:s5] =	ssyncadd.s32 $0xFFFFFC00  }
0x145: {  	_ =	swait.ge [sflag:s5], $0x400  }
0x146: {  	[sflag:s5] =	ssyncset.done $0x0  }
0x147: {  	[sflag:s5] =	ssyncadd.s32 $0xFFFFFC00  }
0x148: {  	_ =	swait.ge [sflag:s5], $0x400  }
0x149: {  	[sflag:s5] =	ssyncset.done $0x0  }
0x14a: {  	p0 =	sne.s32 s6, $0x3020;
	[sflag:s5] =	ssyncadd.s32 $0xFFFFFC00  }
.Ltmp0:
0x14b: {  	_ =	swait.ge [sflag:s5], $0x400;
	(pc) =	sbr.rel @p0 .LBB2_2-.Ltmp0, $4  }
0x14c: {  	[sflag:s5] =	ssyncset.done $0x0  }
0x14d: {  	[sflag:s5] =	ssyncadd.s32 $0xFFFFFC00  }
0x14e: {  	_ =	swait.ge [sflag:s5], $0x400  }
0x14f: {  	s6 =	sadd.s32 $0xE0, s6;
	s9 =	rddreg [dreg:$0x4];
	[sflag:s5] =	ssyncset.done $0x0  }
0x150: {  	[sflag:s5] =	ssyncadd.s32 $0xFFFFFC00;
	s6 =	sadd.s32 s8, s9  }
0x151: {  	[tilespmem:s11], [sflag:$0x3] =	stream.linear.gather [hbm4b:s6+s3], $0x700, $0x38;
	[tilespmem:$0x10E00] =	vst v63  }
0x152: {  	_ =	swait.ge [sflag:s10], $0x700  }
0x153: {  	s7 =	rddreg [dreg:$0x3];
	[sflag:s10] =	ssyncset.done $0x0  }
0x154: {  	[sflag:s10] =	ssyncadd.s32 $0xFFFFF900;
	s6 =	sadd.s32 s8, s7  }
0x155: {  	[tilespmem:s12], [sflag:$0x3] =	stream.linear.gather [hbm4b:s6+s3], $0x700, $0x38;
	[tilespmem:$0x10E00] =	vst v63  }
0x156: {  	_ =	swait.ge [sflag:s10], $0x700  }
0x157: {  	[sflag:s10] =	ssyncset.done $0x0  }
0x158: {  	[sflag:s10] =	ssyncadd.s32 $0xFFFFF900  }
0x159: {  	[tilespmem:s14], [sflag:$0x1] =	stream.indirect.gather [hbm4b:s4+s13], $0x8, s11, s13, $0xb8;
	[tilespmem:$0x10E00] =	vst v63  }
0x15a: {  	s8 =	rddreg [dreg:$0x5]  }
0x15b: {  	[tilespmem:s15], [sflag:$0x1] =	stream.indirect.gather [hbm4b:s4+s13], $0x8, s8, s13, $0xb8;
	[tilespmem:$0x10E00] =	vst v63  }
0x15c: {  	s7 =	rddreg [dreg:$0x6]  }
0x15d: {  	[tilespmem:s16], [sflag:$0x1] =	stream.indirect.gather [hbm4b:s4+s13], $0x8, s7, s13, $0xb8;
	[tilespmem:$0x10E00] =	vst v63  }
0x15e: {  	s9 =	rddreg [dreg:$0x7]  }
0x15f: {  	[tilespmem:s17], [sflag:$0x1] =	stream.indirect.gather [hbm4b:s4+s13], $0x8, s9, s13, $0xb8;
	[tilespmem:$0x10E00] =	vst v63  }
0x160: {  	s8 =	rddreg [dreg:$0x8]  }
0x161: {  	[tilespmem:s18], [sflag:$0x1] =	stream.indirect.gather [hbm4b:s4+s13], $0x8, s8, s13, $0xb8;
	[tilespmem:$0x10E00] =	vst v63  }
0x162: {  	s9 =	rddreg [dreg:$0x9]  }
0x163: {  	[tilespmem:s19], [sflag:$0x1] =	stream.indirect.gather [hbm4b:s4+s13], $0x8, s9, s13, $0xb8;
	[tilespmem:$0x10E00] =	vst v63  }
0x164: {  	s8 =	rddreg [dreg:$0xa]  }
0x165: {  	[tilespmem:s20], [sflag:$0x1] =	stream.indirect.gather [hbm4b:s4+s13], $0x8, s8, s13, $0xb8;
	[tilespmem:$0x10E00] =	vst v63  }
0x166: {  	s9 =	rddreg [dreg:$0xb]  }
0x167: {  	[tilespmem:s21], [sflag:$0x1] =	stream.indirect.gather [hbm4b:s4+s13], $0x8, s9, s13, $0xb8;
	[tilespmem:$0x10E00] =	vst v63  }
0x168: {  	s8 =	rddreg [dreg:$0xc]  }
0x169: {  	[tilespmem:s22], [sflag:$0x1] =	stream.indirect.gather [hbm4b:s4+s13], $0x8, s8, s13, $0xb8;
	[tilespmem:$0x10E00] =	vst v63  }
0x16a: {  	s9 =	rddreg [dreg:$0xd]  }
0x16b: {  	[tilespmem:s23], [sflag:$0x1] =	stream.indirect.gather [hbm4b:s4+s13], $0x8, s9, s13, $0xb8;
	[tilespmem:$0x10E00] =	vst v63  }
0x16c: {  	s8 =	rddreg [dreg:$0xe]  }
0x16d: {  	[tilespmem:s24], [sflag:$0x1] =	stream.indirect.gather [hbm4b:s4+s13], $0x8, s8, s13, $0xb8;
	[tilespmem:$0x10E00] =	vst v63  }
0x16e: {  	s9 =	rddreg [dreg:$0xf]  }
0x16f: {  	[tilespmem:s25], [sflag:$0x1] =	stream.indirect.gather [hbm4b:s4+s13], $0x8, s9, s13, $0xb8;
	[tilespmem:$0x10E00] =	vst v63  }
0x170: {  	s8 =	rddreg [dreg:$0x10]  }
0x171: {  	[tilespmem:s26], [sflag:$0x1] =	stream.indirect.gather [hbm4b:s4+s13], $0x8, s8, s13, $0xb8;
	[tilespmem:$0x10E00] =	vst v63  }
0x172: {  	s9 =	rddreg [dreg:$0x11]  }
0x173: {  	[tilespmem:s28], [sflag:$0x1] =	stream.indirect.gather [hbm4b:s4+s13], $0x8, s9, s13, $0xb8;
	[tilespmem:$0x10E00] =	vst v63  }
0x174: {  	_ =	swait.ge [sflag:s29], $0x400  }
0x175: {  	[sflag:s29] =	ssyncset.done $0x0  }
0x176: {  	[sflag:s29] =	ssyncadd.s32 $0xFFFFFC00  }
0x177: {  	_ =	swait.ge [sflag:s29], $0x400  }
0x178: {  	[sflag:s29] =	ssyncset.done $0x0  }
0x179: {  	[sflag:s29] =	ssyncadd.s32 $0xFFFFFC00  }
0x17a: {  	_ =	swait.ge [sflag:s29], $0x400  }
0x17b: {  	[sflag:s29] =	ssyncset.done $0x0  }
0x17c: {  	[sflag:s29] =	ssyncadd.s32 $0xFFFFFC00  }
0x17d: {  	_ =	swait.ge [sflag:s29], $0x400  }
0x17e: {  	[sflag:s29] =	ssyncset.done $0x0  }
0x17f: {  	[sflag:s29] =	ssyncadd.s32 $0xFFFFFC00  }
0x180: {  	_ =	swait.ge [sflag:s29], $0x400  }
0x181: {  	[sflag:s29] =	ssyncset.done $0x0  }
0x182: {  	[sflag:s29] =	ssyncadd.s32 $0xFFFFFC00  }
0x183: {  	_ =	swait.ge [sflag:s29], $0x400  }
0x184: {  	[sflag:s29] =	ssyncset.done $0x0  }
0x185: {  	[sflag:s29] =	ssyncadd.s32 $0xFFFFFC00  }
0x186: {  	_ =	swait.ge [sflag:s29], $0x400  }
0x187: {  	[sflag:s29] =	ssyncset.done $0x0  }
0x188: {  	[sflag:s29] =	ssyncadd.s32 $0xFFFFFC00  }
0x189: {  	[spmem:s2] =	stream.indirect.scatter.add.f32 [tilespmem:s14], [sflag:$0x2], $0x8, s12, s13, $0xb8;
	[tilespmem:$0x10E00] =	vst v63  }
0x18a: {  	s8 =	rddreg [dreg:$0x12]  }
0x18b: {  	[spmem:s2] =	stream.indirect.scatter.add.f32 [tilespmem:s15], [sflag:$0x2], $0x8, s8, s13, $0xb8;
	[tilespmem:$0x10E00] =	vst v63  }
0x18c: {  	s9 =	rddreg [dreg:$0x13]  }
0x18d: {  	[spmem:s2] =	stream.indirect.scatter.add.f32 [tilespmem:s16], [sflag:$0x2], $0x8, s9, s13, $0xb8;
	[tilespmem:$0x10E00] =	vst v63  }
0x18e: {  	s8 =	rddreg [dreg:$0x14]  }
0x18f: {  	[spmem:s2] =	stream.indirect.scatter.add.f32 [tilespmem:s17], [sflag:$0x2], $0x8, s8, s13, $0xb8;
	[tilespmem:$0x10E00] =	vst v63  }
0x190: {  	s9 =	rddreg [dreg:$0x15]  }
0x191: {  	[spmem:s2] =	stream.indirect.scatter.add.f32 [tilespmem:s18], [sflag:$0x2], $0x8, s9, s13, $0xb8;
	[tilespmem:$0x10E00] =	vst v63  }
0x192: {  	s8 =	rddreg [dreg:$0x16]  }
0x193: {  	[spmem:s2] =	stream.indirect.scatter.add.f32 [tilespmem:s19], [sflag:$0x2], $0x8, s8, s13, $0xb8;
	[tilespmem:$0x10E00] =	vst v63  }
0x194: {  	s9 =	rddreg [dreg:$0x17]  }
0x195: {  	[spmem:s2] =	stream.indirect.scatter.add.f32 [tilespmem:s20], [sflag:$0x2], $0x8, s9, s13, $0xb8;
	[tilespmem:$0x10E00] =	vst v63  }
0x196: {  	_ =	swait.ge [sflag:s29], $0x400  }
0x197: {  	[sflag:s29] =	ssyncset.done $0x0  }
0x198: {  	[sflag:s29] =	ssyncadd.s32 $0xFFFFFC00  }
0x199: {  	_ =	swait.ge [sflag:s29], $0x400  }
0x19a: {  	[sflag:s29] =	ssyncset.done $0x0  }
0x19b: {  	[sflag:s29] =	ssyncadd.s32 $0xFFFFFC00  }
0x19c: {  	_ =	swait.ge [sflag:s29], $0x400  }
0x19d: {  	[sflag:s29] =	ssyncset.done $0x0  }
0x19e: {  	[sflag:s29] =	ssyncadd.s32 $0xFFFFFC00  }
0x19f: {  	_ =	swait.ge [sflag:s29], $0x400  }
0x1a0: {  	[sflag:s29] =	ssyncset.done $0x0  }
0x1a1: {  	[sflag:s29] =	ssyncadd.s32 $0xFFFFFC00  }
0x1a2: {  	_ =	swait.ge [sflag:s29], $0x400  }
0x1a3: {  	[sflag:s29] =	ssyncset.done $0x0  }
0x1a4: {  	[sflag:s29] =	ssyncadd.s32 $0xFFFFFC00  }
0x1a5: {  	_ =	swait.ge [sflag:s29], $0x400  }
0x1a6: {  	[sflag:s29] =	ssyncset.done $0x0  }
0x1a7: {  	[sflag:s29] =	ssyncadd.s32 $0xFFFFFC00  }
0x1a8: {  	_ =	swait.ge [sflag:s29], $0x400  }
0x1a9: {  	[sflag:s29] =	ssyncset.done $0x0  }
0x1aa: {  	s8 =	rddreg [dreg:$0x18];
	[sflag:s29] =	ssyncadd.s32 $0xFFFFFC00  }
0x1ab: {  	[spmem:s2] =	stream.indirect.scatter.add.f32 [tilespmem:s21], [sflag:$0x2], $0x8, s8, s13, $0xb8;
	[tilespmem:$0x10E00] =	vst v63  }
0x1ac: {  	s9 =	rddreg [dreg:$0x19]  }
0x1ad: {  	[spmem:s2] =	stream.indirect.scatter.add.f32 [tilespmem:s22], [sflag:$0x2], $0x8, s9, s13, $0xb8;
	[tilespmem:$0x10E00] =	vst v63  }
0x1ae: {  	s8 =	rddreg [dreg:$0x1a]  }
0x1af: {  	[spmem:s2] =	stream.indirect.scatter.add.f32 [tilespmem:s23], [sflag:$0x2], $0x8, s8, s13, $0xb8;
	[tilespmem:$0x10E00] =	vst v63  }
0x1b0: {  	_ = 	snop  }
0x1b1: {  	[spmem:s2] =	stream.indirect.scatter.add.f32 [tilespmem:s24], [sflag:$0x2], $0x8, s30, s13, $0xb8;
	[tilespmem:$0x10E00] =	vst v63  }
0x1b2: {  	_ = 	snop  }
0x1b3: {  	[spmem:s2] =	stream.indirect.scatter.add.f32 [tilespmem:s25], [sflag:$0x2], $0x8, s31, s13, $0xb8;
	[tilespmem:$0x10E00] =	vst v63  }
0x1b4: {  	_ = 	snop  }
0x1b5: {  	[spmem:s2] =	stream.indirect.scatter.add.f32 [tilespmem:s26], [sflag:$0x2], $0x8, s0, s13, $0xb8;
	[tilespmem:$0x10E00] =	vst v63  }
0x1b6: {  	_ = 	snop  }
0x1b7: {  	[spmem:s2] =	stream.indirect.scatter.add.f32 [tilespmem:s28], [sflag:$0x2], $0x8, s1, s13, $0xb8;
	[tilespmem:$0x10E00] =	vst v63  }
0x1b8: {  	_ =	swait.ge [sflag:s5], $0x400  }
0x1b9: {  	[sflag:s5] =	ssyncset.done $0x0  }
0x1ba: {  	[sflag:s5] =	ssyncadd.s32 $0xFFFFFC00  }
0x1bb: {  	_ =	swait.ge [sflag:s5], $0x400  }
0x1bc: {  	[sflag:s5] =	ssyncset.done $0x0  }
0x1bd: {  	[sflag:s5] =	ssyncadd.s32 $0xFFFFFC00  }
0x1be: {  	_ =	swait.ge [sflag:s5], $0x400  }
0x1bf: {  	[sflag:s5] =	ssyncset.done $0x0  }
0x1c0: {  	[sflag:s5] =	ssyncadd.s32 $0xFFFFFC00  }
0x1c1: {  	_ =	swait.ge [sflag:s5], $0x400  }
0x1c2: {  	[sflag:s5] =	ssyncset.done $0x0  }
0x1c3: {  	[sflag:s5] =	ssyncadd.s32 $0xFFFFFC00  }
0x1c4: {  	_ =	swait.ge [sflag:s5], $0x400  }
0x1c5: {  	[sflag:s5] =	ssyncset.done $0x0  }
0x1c6: {  	[sflag:s5] =	ssyncadd.s32 $0xFFFFFC00  }
0x1c7: {  	_ =	swait.ge [sflag:s5], $0x400  }
0x1c8: {  	[sflag:s5] =	ssyncset.done $0x0  }
0x1c9: {  	[sflag:s5] =	ssyncadd.s32 $0xFFFFFC00  }
0x1ca: {  	_ =	swait.ge [sflag:s5], $0x400  }
0x1cb: {  	[sflag:s5] =	ssyncset.done $0x0  }
0x1cc: {  	[sflag:s5] =	ssyncadd.s32 $0xFFFFFC00  }
0x1cd: {  	_ =	swait.ge [sflag:s5], $0x400  }
0x1ce: {  	[sflag:s5] =	ssyncset.done $0x0  }
0x1cf: {  	[sflag:s5] =	ssyncadd.s32 $0xFFFFFC00  }
0x1d0: {  	_ =	swait.ge [sflag:s5], $0x400  }
0x1d1: {  	[sflag:s5] =	ssyncset.done $0x0  }
0x1d2: {  	[sflag:s5] =	ssyncadd.s32 $0xFFFFFC00  }
0x1d3: {  	_ =	swait.ge [sflag:s5], $0x400  }
0x1d4: {  	[sflag:s5] =	ssyncset.done $0x0  }
0x1d5: {  	[sflag:s5] =	ssyncadd.s32 $0xFFFFFC00  }
0x1d6: {  	_ =	swait.ge [sflag:s5], $0x400  }
0x1d7: {  	[sflag:s5] =	ssyncset.done $0x0  }
0x1d8: {  	[sflag:s5] =	ssyncadd.s32 $0xFFFFFC00  }
0x1d9: {  	_ =	swait.ge [sflag:s5], $0x400  }
0x1da: {  	[sflag:s5] =	ssyncset.done $0x0  }
0x1db: {  	[sflag:s5] =	ssyncadd.s32 $0xFFFFFC00  }
0x1dc: {  	_ =	swait.ge [sflag:s5], $0x400  }
0x1dd: {  	[sflag:s5] =	ssyncset.done $0x0  }
0x1de: {  	[sflag:s5] =	ssyncadd.s32 $0xFFFFFC00  }
0x1df: {  	_ =	swait.ge [sflag:s5], $0x400  }
0x1e0: {  	[sflag:s5] =	ssyncset.done $0x0  }
0x1e1: {  	[sflag:s5] =	ssyncadd.s32 $0xFFFFFC00  }
0x1e2: {  	[bflag:$0x0] =	sbarrier.arrive $0xFFFF  }
0x1e3: {  	s7 =	rddreg [dreg:$0x1c]  }
0x1e4: {  	s9 =	rddreg [dreg:$0x1d]  }
0x1e5: {  	s8 =	rddreg [dreg:$0x1f]  }
0x1e6: {  	[hbm:s9], [sflag:s7] =	dma.local [spmem:s8], $0x1900  }
0x1e7: {  	_ =	swait.ge [sflag:s10], $0x1900  }
0x1e8: {  	s6 =	sld [smem:$0x7FD];
	_ =	sdelay $0x2  }
0x1e9: {  	s9 =	sadd.s32 $0x1, s6;
	s6 =	rddreg [dreg:$0x1e]  }
0x1ea: {  	p0 =	sne.s32 s9, s6  }
.Ltmp1:
0x1eb: {  	_ = 	snop;
	(pc) =	sbr.rel @p0 .LBB2_1-.Ltmp1, $3  }
0x1ec: {  	_ =	sdelay $0x1  }
0x1ed: {  	[sflag:s10] =	ssyncset.done $0x0  }
0x1ee: {  	[sflag:s10] =	ssyncadd.s32 $0xFFFFE700  }
0x1ef: {  	_ =	sfence.sel $0x180000  }
0x1f0: {  	[bflag:$0x0] =	sbarrier.arrive $0xFFFF  }
0x1f1: {  	_ =	strace $0x90000047  }
0x1f2: {  	s0 =	stileid.u32;
	[bflag:$0x2] =	sbarrier.arrive $0xFFFF  }
0x1f3: {  	p0 =	sne.s32 s0, $0x0;
	s0 =	rddreg [dreg:$0x2]  }
0x1f4: {  	s0 =	sadd.s32 @!p0 $0x100000, s0  }
0x1f5: {  	[sflag:s0] =	ssyncadd.tile.s32 @!p0 $0x1;
	_ =	shalt  }
.Lfunc_end2:
_tile_overlayer_lowered:
.L_overlay_start_2:
0x1f6: {  	(tag) =	ssettag $0x2  }
0x1f7: {  	s0 =	rddreg [dreg:$0x0];
	s2 =	stileid.u32  }
0x1f8: {  	s1 =	rddreg [dreg:$0x1];
	p0 =	sne.s32 s2, $0x0  }
0x1f9: {  	s3 =	rddreg [dreg:$0x2];
	[bflag:$0x3] =	sbarrier.arrive $0xFFFF;
	s2 =	simm.s32 @!p0 $0x1C03  }
0x1fa: {  	[timem:s3], [sflag:s2] =	dma.local @!p0 [hbm:s0], s1  }
0x1fb: {  	s0 =	simm.s32 @!p0 $0x3  }
0x1fc: {  	_ =	swait.ge @!p0 [sflag:s0], s1  }
0x1fd: {  	s1 =	ssub.s32 @!p0 $0x0, s1;
	[sflag:s0] =	ssyncset.done @!p0 $0x0  }
0x1fe: {  	[sflag:s0] =	ssyncadd.s32 @!p0 s1  }
0x1ff: {  	[bflag:$0x3] =	sbarrier.arrive $0xFFFF  }
0x200: {  	_ =	shalt  }

</sc_bundles>
